<compile_context>
chip_gen: v7x
topology: tpu7x:2x2x1
jax: 0.10.2.dev20260603
libtpu: 0.0.44.dev20260713+nightly
codegen_flags: <defaults>
</compile_context>

<pallas_src>
import functools
import math

import jax
import jax.numpy as jnp
from jax import lax
from jax.experimental import pallas as pl
from jax.experimental.pallas import tpu as pltpu
from jax.experimental.pallas import tpu_sc as plsc

_NC = 2
_NS = 16
_NW = _NC * _NS
_LANES = 16
_NH = 4


def _build_sc_lookup(seq, batch, d):
    ppw = seq // _NW
    hp = ppw // _NH
    scale = float(math.sqrt(d))
    mesh = plsc.VectorSubcoreMesh(core_axis_name="c", subcore_axis_name="s")

    @functools.partial(
        pl.kernel,
        mesh=mesh,
        out_type=jax.ShapeDtypeStruct((seq, batch, d), jnp.float32),
        scratch_types=(
            [pltpu.VMEM((batch, ppw), jnp.int32)]
            + [pltpu.VMEM((batch, ppw, d), jnp.float32)]
            + [pltpu.VMEM((hp, batch, d), jnp.float32) for _ in range(2)]
            + [pltpu.VMEM((ppw, d), jnp.float32)]
            + [pltpu.SemaphoreType.DMA for _ in range(4)]
        ),
    )
    def sc_lookup(table_hbm, xt_hbm, pos_hbm, out_hbm, idxb_v, *bufs):
        gbuf = bufs[0]
        obuf = bufs[1:3]
        pos_v = bufs[3]
        gsem, psem, os0, os1 = bufs[4:]
        osem = (os0, os1)

        wid = lax.axis_index("s") * _NC + lax.axis_index("c")
        base = wid * ppw

        pltpu.sync_copy(xt_hbm.at[:, pl.ds(base, ppw)], idxb_v)
        gcopies = [
            pltpu.async_copy(table_hbm.at[idxb_v.at[b]], gbuf.at[b], gsem)
            for b in range(batch)
        ]
        pos_cp = pltpu.async_copy(pos_hbm.at[pl.ds(base, ppw)], pos_v, psem)
        for cp in gcopies:
            cp.wait()
        pos_cp.wait()

        out_flight = {}
        for h in range(_NH):
            u = h % 2
            if h >= 2:
                out_flight.pop(h - 2).wait()

            @plsc.parallel_loop(0, hp, unroll=4)
            def step(p, u=u, h=h):
                pos_regs = [
                    pos_v[h * hp + p, pl.ds(k * _LANES, _LANES)]
                    for k in range(d // _LANES)
                ]
                for b in range(batch):
                    for k in range(d // _LANES):
                        sl = pl.ds(k * _LANES, _LANES)
                        obuf[u][p, b, sl] = (
                            gbuf[b, h * hp + p, sl] * scale + pos_regs[k]
                        )

            out_flight[h] = pltpu.async_copy(
                obuf[u], out_hbm.at[pl.ds(base + h * hp, hp)], osem[u]
            )
        for h in sorted(out_flight):
            out_flight.pop(h).wait()

    return sc_lookup


def kernel(x, table, pos_emb):
    seq, batch = x.shape
    d = table.shape[1]
    xt = x.T
    pos2 = pos_emb[:seq].reshape(seq, d)
    return _build_sc_lookup(seq, batch, d)(table, xt, pos2)

# --- scband reference (transcript-rebuilt; emitter-appended) ---
"""Pipeline reference for scband-embeddings-learned-positional-encoding-24163486007945 (READ-ONLY COPY).

The authoritative reference and input builder live on the scoring server;
editing this copy changes nothing except your own understanding.
"""

import math
import jax, jax.numpy as jnp
import numpy as np

D_MODEL = 128
N_VOCAB = 100000
MAX_LEN = 4096
SEQ_LEN = 4096
BATCH = 4


def setup_inputs(seed: int = 0) -> dict:
    key = jax.random.key(seed)
    k_x, k_tab, k_pos = jax.random.split(key, 3)
    x = jax.random.randint(k_x, (SEQ_LEN, BATCH), 0, N_VOCAB, dtype=jnp.int64 if jax.config.jax_enable_x64 else jnp.int32).astype(jnp.int32)
    table = jax.random.normal(k_tab, (N_VOCAB, D_MODEL), dtype=jnp.float32)
    pos_emb = jax.random.normal(k_pos, (MAX_LEN, 1, D_MODEL), dtype=jnp.float32) * 0.02
    return {"x": x, "table": table, "pos_emb": pos_emb}


def reference(x, table, pos_emb):
    # nn.Embedding lookup: table[x] -> [seq_len, batch, d_model]
    emb = jnp.take(table, x, axis=0)
    pe = pos_emb[: x.shape[0]]  # [seq_len, 1, d_model], broadcasts over batch
    return emb * math.sqrt(D_MODEL) + pe

if __name__ == "__main__":
    import jax
    _d = setup_inputs()
    print(jax.jit(kernel)(*tuple(_d.values())))

</pallas_src>

<mosaic_0001>
#map = affine_map<(d0, d1) -> (0, 0)>
#map1 = affine_map<(d0, d1) -> (0, 0, 0)>
module attributes {stable_mosaic.version = 14 : i64} {
  func.func @sc_lookup(%arg0: i32, %arg1: i32, %arg2: memref<100000x128xf32, #tpu.memory_space<hbm>>, %arg3: memref<4x4096xi32, #tpu.memory_space<hbm>>, %arg4: memref<4096x128xf32, #tpu.memory_space<hbm>>, %arg5: memref<4096x4x128xf32, #tpu.memory_space<hbm>>, %arg6: memref<4x128xi32, #tpu.memory_space<vmem>>, %arg7: memref<4x128x128xf32, #tpu.memory_space<vmem>>, %arg8: memref<32x4x128xf32, #tpu.memory_space<vmem>>, %arg9: memref<32x4x128xf32, #tpu.memory_space<vmem>>, %arg10: memref<128x128xf32, #tpu.memory_space<vmem>>, %arg11: memref<!tpu.dma_semaphore, #tpu.memory_space<semaphore_mem>>, %arg12: memref<!tpu.dma_semaphore, #tpu.memory_space<semaphore_mem>>, %arg13: memref<!tpu.dma_semaphore, #tpu.memory_space<semaphore_mem>>, %arg14: memref<!tpu.dma_semaphore, #tpu.memory_space<semaphore_mem>>) attributes {dimension_semantics = [#tpu.dimension_semantics<core_parallel>, #tpu.dimension_semantics<subcore_parallel>], iteration_bounds = array<i64: 2, 16>, scalar_prefetch = 0 : i64, scratch_operands = 9 : i64, tpu.core_type = #tpu.core_type<sc_vector_subcore>, window_params = [{transform_indices = #map}, {transform_indices = #map}, {transform_indices = #map}, {transform_indices = #map1}]} {
    %mul3A = arith.constant 2 : i32
    %mul3A_0 = arith.muli %arg1, %mul3A : i32
    %add3A = arith.addi %mul3A_0, %arg0 : i32
    %mul3A_1 = arith.constant 128 : i32
    %mul3A_2 = arith.muli %add3A, %mul3A_1 : i32
    "tpu.region"() ({
      %run_scoped3A = tpu.sem_alloc : memref<!tpu.dma_semaphore, #tpu.memory_space<semaphore_mem>>
      %dma_start3A_172 = arith.constant 0 : i32
      %dma_start3A_173 = tpu.memref_slice %arg3[%dma_start3A_172, %mul3A_2] : memref<4x4096xi32, #tpu.memory_space<hbm>> -> memref<4x128xi32, #tpu.memory_space<hbm>>
      %dma_start3A_174 = arith.constant 0 : i32
      %dma_start3A_175 = tpu.memref_slice %arg3[%dma_start3A_174, %mul3A_2] : memref<4x4096xi32, #tpu.memory_space<hbm>> -> memref<4x128xi32, #tpu.memory_space<hbm>>
      tpu.enqueue_dma source(%dma_start3A_175 : memref<4x128xi32, #tpu.memory_space<hbm>>) target(%arg6 : memref<4x128xi32, #tpu.memory_space<vmem>>) target_semaphore(%run_scoped3A : memref<!tpu.dma_semaphore, #tpu.memory_space<semaphore_mem>>)
      %dma_wait3A_176 = arith.constant 0 : i32
      %dma_wait3A_177 = tpu.memref_slice %arg3[%dma_wait3A_176, %mul3A_2] : memref<4x4096xi32, #tpu.memory_space<hbm>> -> memref<4x128xi32, #tpu.memory_space<hbm>>
      %dma_wait3A_178 = arith.constant 0 : i32
      %dma_wait3A_179 = tpu.memref_slice %arg3[%dma_wait3A_178, %mul3A_2] : memref<4x4096xi32, #tpu.memory_space<hbm>> -> memref<4x128xi32, #tpu.memory_space<hbm>>
      tpu.wait_dma2 semaphore(%run_scoped3A : memref<!tpu.dma_semaphore, #tpu.memory_space<semaphore_mem>>) src(%dma_wait3A_179 : memref<4x128xi32, #tpu.memory_space<hbm>>) dst(%arg6 : memref<4x128xi32, #tpu.memory_space<vmem>>)
      tpu.yield
    }) : () -> ()
    %dma_start3A = arith.constant 0 : i32
    %dma_start3A_3 = arith.constant 0 : i32
    %dma_start3A_4 = arith.constant 0 : i32
    %dma_start3A_5 = arith.constant 0 : i32
    %dma_start3A_6 = tpu.memref_slice %arg7[%dma_start3A_3, %dma_start3A_4, %dma_start3A_5] : memref<4x128x128xf32, #tpu.memory_space<vmem>> -> memref<1x128x128xf32, #tpu.memory_space<vmem>>
    %dma_start3A_7 = tpu.memref_squeeze %dma_start3A_6 : memref<1x128x128xf32, #tpu.memory_space<vmem>> -> memref<128x128xf32, #tpu.memory_space<vmem>>
    %dma_start3A_8 = arith.constant 0 : i32
    %dma_start3A_9 = tpu.memref_slice %arg6[%dma_start3A, %dma_start3A_8] : memref<4x128xi32, #tpu.memory_space<vmem>> -> memref<1x128xi32, #tpu.memory_space<vmem>>
    %dma_start3A_10 = tpu.memref_squeeze %dma_start3A_9 : memref<1x128xi32, #tpu.memory_space<vmem>> -> memref<128xi32, #tpu.memory_space<vmem>>
    %dma_start3A_11 = arith.constant 0 : i32
    %dma_start3A_12 = arith.constant 0 : i32
    %dma_start3A_13 = tpu.memref_slice %arg2[%dma_start3A_11, %dma_start3A_12] : memref<100000x128xf32, #tpu.memory_space<hbm>> -> memref<100000x128xf32, #tpu.memory_space<hbm>>
    tpu.enqueue_indirect_dma source(%dma_start3A_13 : memref<100000x128xf32, #tpu.memory_space<hbm>>) target(%dma_start3A_7 : memref<128x128xf32, #tpu.memory_space<vmem>>) offsets(%dma_start3A_10 : memref<128xi32, #tpu.memory_space<vmem>>) semaphore(%arg11 : memref<!tpu.dma_semaphore, #tpu.memory_space<semaphore_mem>>)
    %dma_start3A_14 = arith.constant 1 : i32
    %dma_start3A_15 = arith.constant 1 : i32
    %dma_start3A_16 = arith.constant 0 : i32
    %dma_start3A_17 = arith.constant 0 : i32
    %dma_start3A_18 = tpu.memref_slice %arg7[%dma_start3A_15, %dma_start3A_16, %dma_start3A_17] : memref<4x128x128xf32, #tpu.memory_space<vmem>> -> memref<1x128x128xf32, #tpu.memory_space<vmem>>
    %dma_start3A_19 = tpu.memref_squeeze %dma_start3A_18 : memref<1x128x128xf32, #tpu.memory_space<vmem>> -> memref<128x128xf32, #tpu.memory_space<vmem>>
    %dma_start3A_20 = arith.constant 0 : i32
    %dma_start3A_21 = tpu.memref_slice %arg6[%dma_start3A_14, %dma_start3A_20] : memref<4x128xi32, #tpu.memory_space<vmem>> -> memref<1x128xi32, #tpu.memory_space<vmem>>
    %dma_start3A_22 = tpu.memref_squeeze %dma_start3A_21 : memref<1x128xi32, #tpu.memory_space<vmem>> -> memref<128xi32, #tpu.memory_space<vmem>>
    %dma_start3A_23 = arith.constant 0 : i32
    %dma_start3A_24 = arith.constant 0 : i32
    %dma_start3A_25 = tpu.memref_slice %arg2[%dma_start3A_23, %dma_start3A_24] : memref<100000x128xf32, #tpu.memory_space<hbm>> -> memref<100000x128xf32, #tpu.memory_space<hbm>>
    tpu.enqueue_indirect_dma source(%dma_start3A_25 : memref<100000x128xf32, #tpu.memory_space<hbm>>) target(%dma_start3A_19 : memref<128x128xf32, #tpu.memory_space<vmem>>) offsets(%dma_start3A_22 : memref<128xi32, #tpu.memory_space<vmem>>) semaphore(%arg11 : memref<!tpu.dma_semaphore, #tpu.memory_space<semaphore_mem>>)
    %dma_start3A_26 = arith.constant 2 : i32
    %dma_start3A_27 = arith.constant 2 : i32
    %dma_start3A_28 = arith.constant 0 : i32
    %dma_start3A_29 = arith.constant 0 : i32
    %dma_start3A_30 = tpu.memref_slice %arg7[%dma_start3A_27, %dma_start3A_28, %dma_start3A_29] : memref<4x128x128xf32, #tpu.memory_space<vmem>> -> memref<1x128x128xf32, #tpu.memory_space<vmem>>
    %dma_start3A_31 = tpu.memref_squeeze %dma_start3A_30 : memref<1x128x128xf32, #tpu.memory_space<vmem>> -> memref<128x128xf32, #tpu.memory_space<vmem>>
    %dma_start3A_32 = arith.constant 0 : i32
    %dma_start3A_33 = tpu.memref_slice %arg6[%dma_start3A_26, %dma_start3A_32] : memref<4x128xi32, #tpu.memory_space<vmem>> -> memref<1x128xi32, #tpu.memory_space<vmem>>
    %dma_start3A_34 = tpu.memref_squeeze %dma_start3A_33 : memref<1x128xi32, #tpu.memory_space<vmem>> -> memref<128xi32, #tpu.memory_space<vmem>>
    %dma_start3A_35 = arith.constant 0 : i32
    %dma_start3A_36 = arith.constant 0 : i32
    %dma_start3A_37 = tpu.memref_slice %arg2[%dma_start3A_35, %dma_start3A_36] : memref<100000x128xf32, #tpu.memory_space<hbm>> -> memref<100000x128xf32, #tpu.memory_space<hbm>>
    tpu.enqueue_indirect_dma source(%dma_start3A_37 : memref<100000x128xf32, #tpu.memory_space<hbm>>) target(%dma_start3A_31 : memref<128x128xf32, #tpu.memory_space<vmem>>) offsets(%dma_start3A_34 : memref<128xi32, #tpu.memory_space<vmem>>) semaphore(%arg11 : memref<!tpu.dma_semaphore, #tpu.memory_space<semaphore_mem>>)
    %dma_start3A_38 = arith.constant 3 : i32
    %dma_start3A_39 = arith.constant 3 : i32
    %dma_start3A_40 = arith.constant 0 : i32
    %dma_start3A_41 = arith.constant 0 : i32
    %dma_start3A_42 = tpu.memref_slice %arg7[%dma_start3A_39, %dma_start3A_40, %dma_start3A_41] : memref<4x128x128xf32, #tpu.memory_space<vmem>> -> memref<1x128x128xf32, #tpu.memory_space<vmem>>
    %dma_start3A_43 = tpu.memref_squeeze %dma_start3A_42 : memref<1x128x128xf32, #tpu.memory_space<vmem>> -> memref<128x128xf32, #tpu.memory_space<vmem>>
    %dma_start3A_44 = arith.constant 0 : i32
    %dma_start3A_45 = tpu.memref_slice %arg6[%dma_start3A_38, %dma_start3A_44] : memref<4x128xi32, #tpu.memory_space<vmem>> -> memref<1x128xi32, #tpu.memory_space<vmem>>
    %dma_start3A_46 = tpu.memref_squeeze %dma_start3A_45 : memref<1x128xi32, #tpu.memory_space<vmem>> -> memref<128xi32, #tpu.memory_space<vmem>>
    %dma_start3A_47 = arith.constant 0 : i32
    %dma_start3A_48 = arith.constant 0 : i32
    %dma_start3A_49 = tpu.memref_slice %arg2[%dma_start3A_47, %dma_start3A_48] : memref<100000x128xf32, #tpu.memory_space<hbm>> -> memref<100000x128xf32, #tpu.memory_space<hbm>>
    tpu.enqueue_indirect_dma source(%dma_start3A_49 : memref<100000x128xf32, #tpu.memory_space<hbm>>) target(%dma_start3A_43 : memref<128x128xf32, #tpu.memory_space<vmem>>) offsets(%dma_start3A_46 : memref<128xi32, #tpu.memory_space<vmem>>) semaphore(%arg11 : memref<!tpu.dma_semaphore, #tpu.memory_space<semaphore_mem>>)
    %dma_start3A_50 = arith.constant 0 : i32
    %dma_start3A_51 = tpu.memref_slice %arg4[%mul3A_2, %dma_start3A_50] : memref<4096x128xf32, #tpu.memory_space<hbm>> -> memref<128x128xf32, #tpu.memory_space<hbm>>
    %dma_start3A_52 = arith.constant 0 : i32
    %dma_start3A_53 = tpu.memref_slice %arg4[%mul3A_2, %dma_start3A_52] : memref<4096x128xf32, #tpu.memory_space<hbm>> -> memref<128x128xf32, #tpu.memory_space<hbm>>
    tpu.enqueue_dma source(%dma_start3A_53 : memref<128x128xf32, #tpu.memory_space<hbm>>) target(%arg10 : memref<128x128xf32, #tpu.memory_space<vmem>>) target_semaphore(%arg12 : memref<!tpu.dma_semaphore, #tpu.memory_space<semaphore_mem>>)
    %dma_wait3A = arith.constant 0 : i32
    %dma_wait3A_54 = arith.constant 0 : i32
    %dma_wait3A_55 = arith.constant 0 : i32
    %dma_wait3A_56 = arith.constant 0 : i32
    %dma_wait3A_57 = tpu.memref_slice %arg7[%dma_wait3A_54, %dma_wait3A_55, %dma_wait3A_56] : memref<4x128x128xf32, #tpu.memory_space<vmem>> -> memref<1x128x128xf32, #tpu.memory_space<vmem>>
    %dma_wait3A_58 = tpu.memref_squeeze %dma_wait3A_57 : memref<1x128x128xf32, #tpu.memory_space<vmem>> -> memref<128x128xf32, #tpu.memory_space<vmem>>
    %dma_wait3A_59 = arith.constant 0 : i32
    %dma_wait3A_60 = tpu.memref_slice %arg6[%dma_wait3A, %dma_wait3A_59] : memref<4x128xi32, #tpu.memory_space<vmem>> -> memref<1x128xi32, #tpu.memory_space<vmem>>
    %dma_wait3A_61 = tpu.memref_squeeze %dma_wait3A_60 : memref<1x128xi32, #tpu.memory_space<vmem>> -> memref<128xi32, #tpu.memory_space<vmem>>
    %dma_wait3A_62 = arith.constant 0 : i32
    %dma_wait3A_63 = arith.constant 0 : i32
    %dma_wait3A_64 = tpu.memref_slice %arg2[%dma_wait3A_62, %dma_wait3A_63] : memref<100000x128xf32, #tpu.memory_space<hbm>> -> memref<100000x128xf32, #tpu.memory_space<hbm>>
    tpu.wait_indirect_dma semaphore(%arg11 : memref<!tpu.dma_semaphore, #tpu.memory_space<semaphore_mem>>) src(%dma_wait3A_64 : memref<100000x128xf32, #tpu.memory_space<hbm>>) dst(%dma_wait3A_58 : memref<128x128xf32, #tpu.memory_space<vmem>>)
    %dma_wait3A_65 = arith.constant 1 : i32
    %dma_wait3A_66 = arith.constant 1 : i32
    %dma_wait3A_67 = arith.constant 0 : i32
    %dma_wait3A_68 = arith.constant 0 : i32
    %dma_wait3A_69 = tpu.memref_slice %arg7[%dma_wait3A_66, %dma_wait3A_67, %dma_wait3A_68] : memref<4x128x128xf32, #tpu.memory_space<vmem>> -> memref<1x128x128xf32, #tpu.memory_space<vmem>>
    %dma_wait3A_70 = tpu.memref_squeeze %dma_wait3A_69 : memref<1x128x128xf32, #tpu.memory_space<vmem>> -> memref<128x128xf32, #tpu.memory_space<vmem>>
    %dma_wait3A_71 = arith.constant 0 : i32
    %dma_wait3A_72 = tpu.memref_slice %arg6[%dma_wait3A_65, %dma_wait3A_71] : memref<4x128xi32, #tpu.memory_space<vmem>> -> memref<1x128xi32, #tpu.memory_space<vmem>>
    %dma_wait3A_73 = tpu.memref_squeeze %dma_wait3A_72 : memref<1x128xi32, #tpu.memory_space<vmem>> -> memref<128xi32, #tpu.memory_space<vmem>>
    %dma_wait3A_74 = arith.constant 0 : i32
    %dma_wait3A_75 = arith.constant 0 : i32
    %dma_wait3A_76 = tpu.memref_slice %arg2[%dma_wait3A_74, %dma_wait3A_75] : memref<100000x128xf32, #tpu.memory_space<hbm>> -> memref<100000x128xf32, #tpu.memory_space<hbm>>
    tpu.wait_indirect_dma semaphore(%arg11 : memref<!tpu.dma_semaphore, #tpu.memory_space<semaphore_mem>>) src(%dma_wait3A_76 : memref<100000x128xf32, #tpu.memory_space<hbm>>) dst(%dma_wait3A_70 : memref<128x128xf32, #tpu.memory_space<vmem>>)
    %dma_wait3A_77 = arith.constant 2 : i32
    %dma_wait3A_78 = arith.constant 2 : i32
    %dma_wait3A_79 = arith.constant 0 : i32
    %dma_wait3A_80 = arith.constant 0 : i32
    %dma_wait3A_81 = tpu.memref_slice %arg7[%dma_wait3A_78, %dma_wait3A_79, %dma_wait3A_80] : memref<4x128x128xf32, #tpu.memory_space<vmem>> -> memref<1x128x128xf32, #tpu.memory_space<vmem>>
    %dma_wait3A_82 = tpu.memref_squeeze %dma_wait3A_81 : memref<1x128x128xf32, #tpu.memory_space<vmem>> -> memref<128x128xf32, #tpu.memory_space<vmem>>
    %dma_wait3A_83 = arith.constant 0 : i32
    %dma_wait3A_84 = tpu.memref_slice %arg6[%dma_wait3A_77, %dma_wait3A_83] : memref<4x128xi32, #tpu.memory_space<vmem>> -> memref<1x128xi32, #tpu.memory_space<vmem>>
    %dma_wait3A_85 = tpu.memref_squeeze %dma_wait3A_84 : memref<1x128xi32, #tpu.memory_space<vmem>> -> memref<128xi32, #tpu.memory_space<vmem>>
    %dma_wait3A_86 = arith.constant 0 : i32
    %dma_wait3A_87 = arith.constant 0 : i32
    %dma_wait3A_88 = tpu.memref_slice %arg2[%dma_wait3A_86, %dma_wait3A_87] : memref<100000x128xf32, #tpu.memory_space<hbm>> -> memref<100000x128xf32, #tpu.memory_space<hbm>>
    tpu.wait_indirect_dma semaphore(%arg11 : memref<!tpu.dma_semaphore, #tpu.memory_space<semaphore_mem>>) src(%dma_wait3A_88 : memref<100000x128xf32, #tpu.memory_space<hbm>>) dst(%dma_wait3A_82 : memref<128x128xf32, #tpu.memory_space<vmem>>)
    %dma_wait3A_89 = arith.constant 3 : i32
    %dma_wait3A_90 = arith.constant 3 : i32
    %dma_wait3A_91 = arith.constant 0 : i32
    %dma_wait3A_92 = arith.constant 0 : i32
    %dma_wait3A_93 = tpu.memref_slice %arg7[%dma_wait3A_90, %dma_wait3A_91, %dma_wait3A_92] : memref<4x128x128xf32, #tpu.memory_space<vmem>> -> memref<1x128x128xf32, #tpu.memory_space<vmem>>
    %dma_wait3A_94 = tpu.memref_squeeze %dma_wait3A_93 : memref<1x128x128xf32, #tpu.memory_space<vmem>> -> memref<128x128xf32, #tpu.memory_space<vmem>>
    %dma_wait3A_95 = arith.constant 0 : i32
    %dma_wait3A_96 = tpu.memref_slice %arg6[%dma_wait3A_89, %dma_wait3A_95] : memref<4x128xi32, #tpu.memory_space<vmem>> -> memref<1x128xi32, #tpu.memory_space<vmem>>
    %dma_wait3A_97 = tpu.memref_squeeze %dma_wait3A_96 : memref<1x128xi32, #tpu.memory_space<vmem>> -> memref<128xi32, #tpu.memory_space<vmem>>
    %dma_wait3A_98 = arith.constant 0 : i32
    %dma_wait3A_99 = arith.constant 0 : i32
    %dma_wait3A_100 = tpu.memref_slice %arg2[%dma_wait3A_98, %dma_wait3A_99] : memref<100000x128xf32, #tpu.memory_space<hbm>> -> memref<100000x128xf32, #tpu.memory_space<hbm>>
    tpu.wait_indirect_dma semaphore(%arg11 : memref<!tpu.dma_semaphore, #tpu.memory_space<semaphore_mem>>) src(%dma_wait3A_100 : memref<100000x128xf32, #tpu.memory_space<hbm>>) dst(%dma_wait3A_94 : memref<128x128xf32, #tpu.memory_space<vmem>>)
    %dma_wait3A_101 = arith.constant 0 : i32
    %dma_wait3A_102 = tpu.memref_slice %arg4[%mul3A_2, %dma_wait3A_101] : memref<4096x128xf32, #tpu.memory_space<hbm>> -> memref<128x128xf32, #tpu.memory_space<hbm>>
    %dma_wait3A_103 = arith.constant 0 : i32
    %dma_wait3A_104 = tpu.memref_slice %arg4[%mul3A_2, %dma_wait3A_103] : memref<4096x128xf32, #tpu.memory_space<hbm>> -> memref<128x128xf32, #tpu.memory_space<hbm>>
    tpu.wait_dma2 semaphore(%arg12 : memref<!tpu.dma_semaphore, #tpu.memory_space<semaphore_mem>>) src(%dma_wait3A_104 : memref<128x128xf32, #tpu.memory_space<hbm>>) dst(%arg10 : memref<128x128xf32, #tpu.memory_space<vmem>>)
    %parallel_loop3A = arith.constant 0 : i32
    %parallel_loop3A_105 = arith.constant 32 : i32
    %parallel_loop3A_106 = arith.constant 1 : i32
    scf.for %parallel_loop3A_172 = %parallel_loop3A to %parallel_loop3A_105 step %parallel_loop3A_106  : i32 {
      %parallel_loop3A_173 = arith.constant 0 : i32
      %parallel_loop3A_174 = arith.addi %parallel_loop3A_173, %parallel_loop3A_172 : i32
      %parallel_loop3A_175 = arith.index_cast %parallel_loop3A_174 : i32 to index
      %parallel_loop3A_176 = arith.constant 0 : index
      %parallel_loop3A_177 = tpu.vector_load %arg10[%parallel_loop3A_175, %parallel_loop3A_176] {strides = array<i32>} : memref<128x128xf32, #tpu.memory_space<vmem>>, vector<1x16xf32>,
      %parallel_loop3A_178 = vector.shape_cast %parallel_loop3A_177 : vector<1x16xf32> to vector<16xf32>
      %parallel_loop3A_179 = arith.constant 0 : i32
      %parallel_loop3A_180 = arith.addi %parallel_loop3A_179, %parallel_loop3A_172 : i32
      %parallel_loop3A_181 = arith.index_cast %parallel_loop3A_180 : i32 to index
      %parallel_loop3A_182 = arith.constant 16 : index
      %parallel_loop3A_183 = tpu.vector_load %arg10[%parallel_loop3A_181, %parallel_loop3A_182] {strides = array<i32>} : memref<128x128xf32, #tpu.memory_space<vmem>>, vector<1x16xf32>,
      %parallel_loop3A_184 = vector.shape_cast %parallel_loop3A_183 : vector<1x16xf32> to vector<16xf32>
      %parallel_loop3A_185 = arith.constant 0 : i32
      %parallel_loop3A_186 = arith.addi %parallel_loop3A_185, %parallel_loop3A_172 : i32
      %parallel_loop3A_187 = arith.index_cast %parallel_loop3A_186 : i32 to index
      %parallel_loop3A_188 = arith.constant 32 : index
      %parallel_loop3A_189 = tpu.vector_load %arg10[%parallel_loop3A_187, %parallel_loop3A_188] {strides = array<i32>} : memref<128x128xf32, #tpu.memory_space<vmem>>, vector<1x16xf32>,
      %parallel_loop3A_190 = vector.shape_cast %parallel_loop3A_189 : vector<1x16xf32> to vector<16xf32>
      %parallel_loop3A_191 = arith.constant 0 : i32
      %parallel_loop3A_192 = arith.addi %parallel_loop3A_191, %parallel_loop3A_172 : i32
      %parallel_loop3A_193 = arith.index_cast %parallel_loop3A_192 : i32 to index
      %parallel_loop3A_194 = arith.constant 48 : index
      %parallel_loop3A_195 = tpu.vector_load %arg10[%parallel_loop3A_193, %parallel_loop3A_194] {strides = array<i32>} : memref<128x128xf32, #tpu.memory_space<vmem>>, vector<1x16xf32>,
      %parallel_loop3A_196 = vector.shape_cast %parallel_loop3A_195 : vector<1x16xf32> to vector<16xf32>
      %parallel_loop3A_197 = arith.constant 0 : i32
      %parallel_loop3A_198 = arith.addi %parallel_loop3A_197, %parallel_loop3A_172 : i32
      %parallel_loop3A_199 = arith.index_cast %parallel_loop3A_198 : i32 to index
      %parallel_loop3A_200 = arith.constant 64 : index
      %parallel_loop3A_201 = tpu.vector_load %arg10[%parallel_loop3A_199, %parallel_loop3A_200] {strides = array<i32>} : memref<128x128xf32, #tpu.memory_space<vmem>>, vector<1x16xf32>,
      %parallel_loop3A_202 = vector.shape_cast %parallel_loop3A_201 : vector<1x16xf32> to vector<16xf32>
      %parallel_loop3A_203 = arith.constant 0 : i32
      %parallel_loop3A_204 = arith.addi %parallel_loop3A_203, %parallel_loop3A_172 : i32
      %parallel_loop3A_205 = arith.index_cast %parallel_loop3A_204 : i32 to index
      %parallel_loop3A_206 = arith.constant 80 : index
      %parallel_loop3A_207 = tpu.vector_load %arg10[%parallel_loop3A_205, %parallel_loop3A_206] {strides = array<i32>} : memref<128x128xf32, #tpu.memory_space<vmem>>, vector<1x16xf32>,
      %parallel_loop3A_208 = vector.shape_cast %parallel_loop3A_207 : vector<1x16xf32> to vector<16xf32>
      %parallel_loop3A_209 = arith.constant 0 : i32
      %parallel_loop3A_210 = arith.addi %parallel_loop3A_209, %parallel_loop3A_172 : i32
      %parallel_loop3A_211 = arith.index_cast %parallel_loop3A_210 : i32 to index
      %parallel_loop3A_212 = arith.constant 96 : index
      %parallel_loop3A_213 = tpu.vector_load %arg10[%parallel_loop3A_211, %parallel_loop3A_212] {strides = array<i32>} : memref<128x128xf32, #tpu.memory_space<vmem>>, vector<1x16xf32>,
      %parallel_loop3A_214 = vector.shape_cast %parallel_loop3A_213 : vector<1x16xf32> to vector<16xf32>
      %parallel_loop3A_215 = arith.constant 0 : i32
      %parallel_loop3A_216 = arith.addi %parallel_loop3A_215, %parallel_loop3A_172 : i32
      %parallel_loop3A_217 = arith.index_cast %parallel_loop3A_216 : i32 to index
      %parallel_loop3A_218 = arith.constant 112 : index
      %parallel_loop3A_219 = tpu.vector_load %arg10[%parallel_loop3A_217, %parallel_loop3A_218] {strides = array<i32>} : memref<128x128xf32, #tpu.memory_space<vmem>>, vector<1x16xf32>,
      %parallel_loop3A_220 = vector.shape_cast %parallel_loop3A_219 : vector<1x16xf32> to vector<16xf32>
      %parallel_loop3A_221 = arith.constant 0 : i32
      %parallel_loop3A_222 = arith.addi %parallel_loop3A_221, %parallel_loop3A_172 : i32
      %parallel_loop3A_223 = arith.constant 0 : i32
      %parallel_loop3A_224 = arith.index_cast %parallel_loop3A_223 : i32 to index
      %parallel_loop3A_225 = arith.index_cast %parallel_loop3A_222 : i32 to index
      %parallel_loop3A_226 = arith.constant 0 : index
      %parallel_loop3A_227 = tpu.vector_load %arg7[%parallel_loop3A_224, %parallel_loop3A_225, %parallel_loop3A_226] {strides = array<i32>} : memref<4x128x128xf32, #tpu.memory_space<vmem>>, vector<1x1x16xf32>,
      %parallel_loop3A_228 = vector.shape_cast %parallel_loop3A_227 : vector<1x1x16xf32> to vector<16xf32>
      %parallel_loop3A_229 = arith.constant 11.3137083 : f32
      %parallel_loop3A_230 = vector.broadcast %parallel_loop3A_229 : f32 to vector<16xf32>
      %parallel_loop3A_231 = arith.mulf %parallel_loop3A_228, %parallel_loop3A_230 : vector<16xf32>
      %parallel_loop3A_232 = arith.addf %parallel_loop3A_231, %parallel_loop3A_178 : vector<16xf32>
      %parallel_loop3A_233 = arith.constant 0 : i32
      %parallel_loop3A_234 = arith.index_cast %parallel_loop3A_172 : i32 to index
      %parallel_loop3A_235 = arith.index_cast %parallel_loop3A_233 : i32 to index
      %parallel_loop3A_236 = arith.constant 0 : index
      %parallel_loop3A_237 = tpu.vector_load %arg8[%parallel_loop3A_234, %parallel_loop3A_235, %parallel_loop3A_236] {strides = array<i32>} : memref<32x4x128xf32, #tpu.memory_space<vmem>>, vector<1x1x16xf32>,
      %parallel_loop3A_238 = vector.shape_cast %parallel_loop3A_237 : vector<1x1x16xf32> to vector<16xf32>
      %parallel_loop3A_239 = vector.shape_cast %parallel_loop3A_232 : vector<16xf32> to vector<1x1x16xf32>
      tpu.vector_store %arg8[%parallel_loop3A_234, %parallel_loop3A_235, %parallel_loop3A_236], %parallel_loop3A_239 {strides = array<i32>} : memref<32x4x128xf32, #tpu.memory_space<vmem>>, vector<1x1x16xf32>,
      %parallel_loop3A_240 = arith.constant 0 : i32
      %parallel_loop3A_241 = arith.addi %parallel_loop3A_240, %parallel_loop3A_172 : i32
      %parallel_loop3A_242 = arith.constant 0 : i32
      %parallel_loop3A_243 = arith.index_cast %parallel_loop3A_242 : i32 to index
      %parallel_loop3A_244 = arith.index_cast %parallel_loop3A_241 : i32 to index
      %parallel_loop3A_245 = arith.constant 16 : index
      %parallel_loop3A_246 = tpu.vector_load %arg7[%parallel_loop3A_243, %parallel_loop3A_244, %parallel_loop3A_245] {strides = array<i32>} : memref<4x128x128xf32, #tpu.memory_space<vmem>>, vector<1x1x16xf32>,
      %parallel_loop3A_247 = vector.shape_cast %parallel_loop3A_246 : vector<1x1x16xf32> to vector<16xf32>
      %parallel_loop3A_248 = arith.constant 11.3137083 : f32
      %parallel_loop3A_249 = vector.broadcast %parallel_loop3A_248 : f32 to vector<16xf32>
      %parallel_loop3A_250 = arith.mulf %parallel_loop3A_247, %parallel_loop3A_249 : vector<16xf32>
      %parallel_loop3A_251 = arith.addf %parallel_loop3A_250, %parallel_loop3A_184 : vector<16xf32>
      %parallel_loop3A_252 = arith.constant 0 : i32
      %parallel_loop3A_253 = arith.index_cast %parallel_loop3A_172 : i32 to index
      %parallel_loop3A_254 = arith.index_cast %parallel_loop3A_252 : i32 to index
      %parallel_loop3A_255 = arith.constant 16 : index
      %parallel_loop3A_256 = tpu.vector_load %arg8[%parallel_loop3A_253, %parallel_loop3A_254, %parallel_loop3A_255] {strides = array<i32>} : memref<32x4x128xf32, #tpu.memory_space<vmem>>, vector<1x1x16xf32>,
      %parallel_loop3A_257 = vector.shape_cast %parallel_loop3A_256 : vector<1x1x16xf32> to vector<16xf32>
      %parallel_loop3A_258 = vector.shape_cast %parallel_loop3A_251 : vector<16xf32> to vector<1x1x16xf32>
      tpu.vector_store %arg8[%parallel_loop3A_253, %parallel_loop3A_254, %parallel_loop3A_255], %parallel_loop3A_258 {strides = array<i32>} : memref<32x4x128xf32, #tpu.memory_space<vmem>>, vector<1x1x16xf32>,
      %parallel_loop3A_259 = arith.constant 0 : i32
      %parallel_loop3A_260 = arith.addi %parallel_loop3A_259, %parallel_loop3A_172 : i32
      %parallel_loop3A_261 = arith.constant 0 : i32
      %parallel_loop3A_262 = arith.index_cast %parallel_loop3A_261 : i32 to index
      %parallel_loop3A_263 = arith.index_cast %parallel_loop3A_260 : i32 to index
      %parallel_loop3A_264 = arith.constant 32 : index
      %parallel_loop3A_265 = tpu.vector_load %arg7[%parallel_loop3A_262, %parallel_loop3A_263, %parallel_loop3A_264] {strides = array<i32>} : memref<4x128x128xf32, #tpu.memory_space<vmem>>, vector<1x1x16xf32>,
      %parallel_loop3A_266 = vector.shape_cast %parallel_loop3A_265 : vector<1x1x16xf32> to vector<16xf32>
      %parallel_loop3A_267 = arith.constant 11.3137083 : f32
      %parallel_loop3A_268 = vector.broadcast %parallel_loop3A_267 : f32 to vector<16xf32>
      %parallel_loop3A_269 = arith.mulf %parallel_loop3A_266, %parallel_loop3A_268 : vector<16xf32>
      %parallel_loop3A_270 = arith.addf %parallel_loop3A_269, %parallel_loop3A_190 : vector<16xf32>
      %parallel_loop3A_271 = arith.constant 0 : i32
      %parallel_loop3A_272 = arith.index_cast %parallel_loop3A_172 : i32 to index
      %parallel_loop3A_273 = arith.index_cast %parallel_loop3A_271 : i32 to index
      %parallel_loop3A_274 = arith.constant 32 : index
      %parallel_loop3A_275 = tpu.vector_load %arg8[%parallel_loop3A_272, %parallel_loop3A_273, %parallel_loop3A_274] {strides = array<i32>} : memref<32x4x128xf32, #tpu.memory_space<vmem>>, vector<1x1x16xf32>,
      %parallel_loop3A_276 = vector.shape_cast %parallel_loop3A_275 : vector<1x1x16xf32> to vector<16xf32>
      %parallel_loop3A_277 = vector.shape_cast %parallel_loop3A_270 : vector<16xf32> to vector<1x1x16xf32>
      tpu.vector_store %arg8[%parallel_loop3A_272, %parallel_loop3A_273, %parallel_loop3A_274], %parallel_loop3A_277 {strides = array<i32>} : memref<32x4x128xf32, #tpu.memory_space<vmem>>, vector<1x1x16xf32>,
      %parallel_loop3A_278 = arith.constant 0 : i32
      %parallel_loop3A_279 = arith.addi %parallel_loop3A_278, %parallel_loop3A_172 : i32
      %parallel_loop3A_280 = arith.constant 0 : i32
      %parallel_loop3A_281 = arith.index_cast %parallel_loop3A_280 : i32 to index
      %parallel_loop3A_282 = arith.index_cast %parallel_loop3A_279 : i32 to index
      %parallel_loop3A_283 = arith.constant 48 : index
      %parallel_loop3A_284 = tpu.vector_load %arg7[%parallel_loop3A_281, %parallel_loop3A_282, %parallel_loop3A_283] {strides = array<i32>} : memref<4x128x128xf32, #tpu.memory_space<vmem>>, vector<1x1x16xf32>,
      %parallel_loop3A_285 = vector.shape_cast %parallel_loop3A_284 : vector<1x1x16xf32> to vector<16xf32>
      %parallel_loop3A_286 = arith.constant 11.3137083 : f32
      %parallel_loop3A_287 = vector.broadcast %parallel_loop3A_286 : f32 to vector<16xf32>
      %parallel_loop3A_288 = arith.mulf %parallel_loop3A_285, %parallel_loop3A_287 : vector<16xf32>
      %parallel_loop3A_289 = arith.addf %parallel_loop3A_288, %parallel_loop3A_196 : vector<16xf32>
      %parallel_loop3A_290 = arith.constant 0 : i32
      %parallel_loop3A_291 = arith.index_cast %parallel_loop3A_172 : i32 to index
      %parallel_loop3A_292 = arith.index_cast %parallel_loop3A_290 : i32 to index
      %parallel_loop3A_293 = arith.constant 48 : index
      %parallel_loop3A_294 = tpu.vector_load %arg8[%parallel_loop3A_291, %parallel_loop3A_292, %parallel_loop3A_293] {strides = array<i32>} : memref<32x4x128xf32, #tpu.memory_space<vmem>>, vector<1x1x16xf32>,
      %parallel_loop3A_295 = vector.shape_cast %parallel_loop3A_294 : vector<1x1x16xf32> to vector<16xf32>
      %parallel_loop3A_296 = vector.shape_cast %parallel_loop3A_289 : vector<16xf32> to vector<1x1x16xf32>
      tpu.vector_store %arg8[%parallel_loop3A_291, %parallel_loop3A_292, %parallel_loop3A_293], %parallel_loop3A_296 {strides = array<i32>} : memref<32x4x128xf32, #tpu.memory_space<vmem>>, vector<1x1x16xf32>,
      %parallel_loop3A_297 = arith.constant 0 : i32
      %parallel_loop3A_298 = arith.addi %parallel_loop3A_297, %parallel_loop3A_172 : i32
      %parallel_loop3A_299 = arith.constant 0 : i32
      %parallel_loop3A_300 = arith.index_cast %parallel_loop3A_299 : i32 to index
      %parallel_loop3A_301 = arith.index_cast %parallel_loop3A_298 : i32 to index
      %parallel_loop3A_302 = arith.constant 64 : index
      %parallel_loop3A_303 = tpu.vector_load %arg7[%parallel_loop3A_300, %parallel_loop3A_301, %parallel_loop3A_302] {strides = array<i32>} : memref<4x128x128xf32, #tpu.memory_space<vmem>>, vector<1x1x16xf32>,
      %parallel_loop3A_304 = vector.shape_cast %parallel_loop3A_303 : vector<1x1x16xf32> to vector<16xf32>
      %parallel_loop3A_305 = arith.constant 11.3137083 : f32
      %parallel_loop3A_306 = vector.broadcast %parallel_loop3A_305 : f32 to vector<16xf32>
      %parallel_loop3A_307 = arith.mulf %parallel_loop3A_304, %parallel_loop3A_306 : vector<16xf32>
      %parallel_loop3A_308 = arith.addf %parallel_loop3A_307, %parallel_loop3A_202 : vector<16xf32>
      %parallel_loop3A_309 = arith.constant 0 : i32
      %parallel_loop3A_310 = arith.index_cast %parallel_loop3A_172 : i32 to index
      %parallel_loop3A_311 = arith.index_cast %parallel_loop3A_309 : i32 to index
      %parallel_loop3A_312 = arith.constant 64 : index
      %parallel_loop3A_313 = tpu.vector_load %arg8[%parallel_loop3A_310, %parallel_loop3A_311, %parallel_loop3A_312] {strides = array<i32>} : memref<32x4x128xf32, #tpu.memory_space<vmem>>, vector<1x1x16xf32>,
      %parallel_loop3A_314 = vector.shape_cast %parallel_loop3A_313 : vector<1x1x16xf32> to vector<16xf32>
      %parallel_loop3A_315 = vector.shape_cast %parallel_loop3A_308 : vector<16xf32> to vector<1x1x16xf32>
      tpu.vector_store %arg8[%parallel_loop3A_310, %parallel_loop3A_311, %parallel_loop3A_312], %parallel_loop3A_315 {strides = array<i32>} : memref<32x4x128xf32, #tpu.memory_space<vmem>>, vector<1x1x16xf32>,
      %parallel_loop3A_316 = arith.constant 0 : i32
      %parallel_loop3A_317 = arith.addi %parallel_loop3A_316, %parallel_loop3A_172 : i32
      %parallel_loop3A_318 = arith.constant 0 : i32
      %parallel_loop3A_319 = arith.index_cast %parallel_loop3A_318 : i32 to index
      %parallel_loop3A_320 = arith.index_cast %parallel_loop3A_317 : i32 to index
      %parallel_loop3A_321 = arith.constant 80 : index
      %parallel_loop3A_322 = tpu.vector_load %arg7[%parallel_loop3A_319, %parallel_loop3A_320, %parallel_loop3A_321] {strides = array<i32>} : memref<4x128x128xf32, #tpu.memory_space<vmem>>, vector<1x1x16xf32>,
      %parallel_loop3A_323 = vector.shape_cast %parallel_loop3A_322 : vector<1x1x16xf32> to vector<16xf32>
      %parallel_loop3A_324 = arith.constant 11.3137083 : f32
      %parallel_loop3A_325 = vector.broadcast %parallel_loop3A_324 : f32 to vector<16xf32>
      %parallel_loop3A_326 = arith.mulf %parallel_loop3A_323, %parallel_loop3A_325 : vector<16xf32>
      %parallel_loop3A_327 = arith.addf %parallel_loop3A_326, %parallel_loop3A_208 : vector<16xf32>
      %parallel_loop3A_328 = arith.constant 0 : i32
      %parallel_loop3A_329 = arith.index_cast %parallel_loop3A_172 : i32 to index
      %parallel_loop3A_330 = arith.index_cast %parallel_loop3A_328 : i32 to index
      %parallel_loop3A_331 = arith.constant 80 : index
      %parallel_loop3A_332 = tpu.vector_load %arg8[%parallel_loop3A_329, %parallel_loop3A_330, %parallel_loop3A_331] {strides = array<i32>} : memref<32x4x128xf32, #tpu.memory_space<vmem>>, vector<1x1x16xf32>,
      %parallel_loop3A_333 = vector.shape_cast %parallel_loop3A_332 : vector<1x1x16xf32> to vector<16xf32>
      %parallel_loop3A_334 = vector.shape_cast %parallel_loop3A_327 : vector<16xf32> to vector<1x1x16xf32>
      tpu.vector_store %arg8[%parallel_loop3A_329, %parallel_loop3A_330, %parallel_loop3A_331], %parallel_loop3A_334 {strides = array<i32>} : memref<32x4x128xf32, #tpu.memory_space<vmem>>, vector<1x1x16xf32>,
      %parallel_loop3A_335 = arith.constant 0 : i32
      %parallel_loop3A_336 = arith.addi %parallel_loop3A_335, %parallel_loop3A_172 : i32
      %parallel_loop3A_337 = arith.constant 0 : i32
      %parallel_loop3A_338 = arith.index_cast %parallel_loop3A_337 : i32 to index
      %parallel_loop3A_339 = arith.index_cast %parallel_loop3A_336 : i32 to index
      %parallel_loop3A_340 = arith.constant 96 : index
      %parallel_loop3A_341 = tpu.vector_load %arg7[%parallel_loop3A_338, %parallel_loop3A_339, %parallel_loop3A_340] {strides = array<i32>} : memref<4x128x128xf32, #tpu.memory_space<vmem>>, vector<1x1x16xf32>,
      %parallel_loop3A_342 = vector.shape_cast %parallel_loop3A_341 : vector<1x1x16xf32> to vector<16xf32>
      %parallel_loop3A_343 = arith.constant 11.3137083 : f32
      %parallel_loop3A_344 = vector.broadcast %parallel_loop3A_343 : f32 to vector<16xf32>
      %parallel_loop3A_345 = arith.mulf %parallel_loop3A_342, %parallel_loop3A_344 : vector<16xf32>
      %parallel_loop3A_346 = arith.addf %parallel_loop3A_345, %parallel_loop3A_214 : vector<16xf32>
      %parallel_loop3A_347 = arith.constant 0 : i32
      %parallel_loop3A_348 = arith.index_cast %parallel_loop3A_172 : i32 to index
      %parallel_loop3A_349 = arith.index_cast %parallel_loop3A_347 : i32 to index
      %parallel_loop3A_350 = arith.constant 96 : index
      %parallel_loop3A_351 = tpu.vector_load %arg8[%parallel_loop3A_348, %parallel_loop3A_349, %parallel_loop3A_350] {strides = array<i32>} : memref<32x4x128xf32, #tpu.memory_space<vmem>>, vector<1x1x16xf32>,
      %parallel_loop3A_352 = vector.shape_cast %parallel_loop3A_351 : vector<1x1x16xf32> to vector<16xf32>
      %parallel_loop3A_353 = vector.shape_cast %parallel_loop3A_346 : vector<16xf32> to vector<1x1x16xf32>
      tpu.vector_store %arg8[%parallel_loop3A_348, %parallel_loop3A_349, %parallel_loop3A_350], %parallel_loop3A_353 {strides = array<i32>} : memref<32x4x128xf32, #tpu.memory_space<vmem>>, vector<1x1x16xf32>,
      %parallel_loop3A_354 = arith.constant 0 : i32
      %parallel_loop3A_355 = arith.addi %parallel_loop3A_354, %parallel_loop3A_172 : i32
      %parallel_loop3A_356 = arith.constant 0 : i32
      %parallel_loop3A_357 = arith.index_cast %parallel_loop3A_356 : i32 to index
      %parallel_loop3A_358 = arith.index_cast %parallel_loop3A_355 : i32 to index
      %parallel_loop3A_359 = arith.constant 112 : index
      %parallel_loop3A_360 = tpu.vector_load %arg7[%parallel_loop3A_357, %parallel_loop3A_358, %parallel_loop3A_359] {strides = array<i32>} : memref<4x128x128xf32, #tpu.memory_space<vmem>>, vector<1x1x16xf32>,
      %parallel_loop3A_361 = vector.shape_cast %parallel_loop3A_360 : vector<1x1x16xf32> to vector<16xf32>
      %parallel_loop3A_362 = arith.constant 11.3137083 : f32
      %parallel_loop3A_363 = vector.broadcast %parallel_loop3A_362 : f32 to vector<16xf32>
      %parallel_loop3A_364 = arith.mulf %parallel_loop3A_361, %parallel_loop3A_363 : vector<16xf32>
      %parallel_loop3A_365 = arith.addf %parallel_loop3A_364, %parallel_loop3A_220 : vector<16xf32>
      %parallel_loop3A_366 = arith.constant 0 : i32
      %parallel_loop3A_367 = arith.index_cast %parallel_loop3A_172 : i32 to index
      %parallel_loop3A_368 = arith.index_cast %parallel_loop3A_366 : i32 to index
      %parallel_loop3A_369 = arith.constant 112 : index
      %parallel_loop3A_370 = tpu.vector_load %arg8[%parallel_loop3A_367, %parallel_loop3A_368, %parallel_loop3A_369] {strides = array<i32>} : memref<32x4x128xf32, #tpu.memory_space<vmem>>, vector<1x1x16xf32>,
      %parallel_loop3A_371 = vector.shape_cast %parallel_loop3A_370 : vector<1x1x16xf32> to vector<16xf32>
      %parallel_loop3A_372 = vector.shape_cast %parallel_loop3A_365 : vector<16xf32> to vector<1x1x16xf32>
      tpu.vector_store %arg8[%parallel_loop3A_367, %parallel_loop3A_368, %parallel_loop3A_369], %parallel_loop3A_372 {strides = array<i32>} : memref<32x4x128xf32, #tpu.memory_space<vmem>>, vector<1x1x16xf32>,
      %parallel_loop3A_373 = arith.constant 0 : i32
      %parallel_loop3A_374 = arith.addi %parallel_loop3A_373, %parallel_loop3A_172 : i32
      %parallel_loop3A_375 = arith.constant 1 : i32
      %parallel_loop3A_376 = arith.index_cast %parallel_loop3A_375 : i32 to index
      %parallel_loop3A_377 = arith.index_cast %parallel_loop3A_374 : i32 to index
      %parallel_loop3A_378 = arith.constant 0 : index
      %parallel_loop3A_379 = tpu.vector_load %arg7[%parallel_loop3A_376, %parallel_loop3A_377, %parallel_loop3A_378] {strides = array<i32>} : memref<4x128x128xf32, #tpu.memory_space<vmem>>, vector<1x1x16xf32>,
      %parallel_loop3A_380 = vector.shape_cast %parallel_loop3A_379 : vector<1x1x16xf32> to vector<16xf32>
      %parallel_loop3A_381 = arith.constant 11.3137083 : f32
      %parallel_loop3A_382 = vector.broadcast %parallel_loop3A_381 : f32 to vector<16xf32>
      %parallel_loop3A_383 = arith.mulf %parallel_loop3A_380, %parallel_loop3A_382 : vector<16xf32>
      %parallel_loop3A_384 = arith.addf %parallel_loop3A_383, %parallel_loop3A_178 : vector<16xf32>
      %parallel_loop3A_385 = arith.constant 1 : i32
      %parallel_loop3A_386 = arith.index_cast %parallel_loop3A_172 : i32 to index
      %parallel_loop3A_387 = arith.index_cast %parallel_loop3A_385 : i32 to index
      %parallel_loop3A_388 = arith.constant 0 : index
      %parallel_loop3A_389 = tpu.vector_load %arg8[%parallel_loop3A_386, %parallel_loop3A_387, %parallel_loop3A_388] {strides = array<i32>} : memref<32x4x128xf32, #tpu.memory_space<vmem>>, vector<1x1x16xf32>,
      %parallel_loop3A_390 = vector.shape_cast %parallel_loop3A_389 : vector<1x1x16xf32> to vector<16xf32>
      %parallel_loop3A_391 = vector.shape_cast %parallel_loop3A_384 : vector<16xf32> to vector<1x1x16xf32>
      tpu.vector_store %arg8[%parallel_loop3A_386, %parallel_loop3A_387, %parallel_loop3A_388], %parallel_loop3A_391 {strides = array<i32>} : memref<32x4x128xf32, #tpu.memory_space<vmem>>, vector<1x1x16xf32>,
      %parallel_loop3A_392 = arith.constant 0 : i32
      %parallel_loop3A_393 = arith.addi %parallel_loop3A_392, %parallel_loop3A_172 : i32
      %parallel_loop3A_394 = arith.constant 1 : i32
      %parallel_loop3A_395 = arith.index_cast %parallel_loop3A_394 : i32 to index
      %parallel_loop3A_396 = arith.index_cast %parallel_loop3A_393 : i32 to index
      %parallel_loop3A_397 = arith.constant 16 : index
      %parallel_loop3A_398 = tpu.vector_load %arg7[%parallel_loop3A_395, %parallel_loop3A_396, %parallel_loop3A_397] {strides = array<i32>} : memref<4x128x128xf32, #tpu.memory_space<vmem>>, vector<1x1x16xf32>,
      %parallel_loop3A_399 = vector.shape_cast %parallel_loop3A_398 : vector<1x1x16xf32> to vector<16xf32>
      %parallel_loop3A_400 = arith.constant 11.3137083 : f32
      %parallel_loop3A_401 = vector.broadcast %parallel_loop3A_400 : f32 to vector<16xf32>
      %parallel_loop3A_402 = arith.mulf %parallel_loop3A_399, %parallel_loop3A_401 : vector<16xf32>
      %parallel_loop3A_403 = arith.addf %parallel_loop3A_402, %parallel_loop3A_184 : vector<16xf32>
      %parallel_loop3A_404 = arith.constant 1 : i32
      %parallel_loop3A_405 = arith.index_cast %parallel_loop3A_172 : i32 to index
      %parallel_loop3A_406 = arith.index_cast %parallel_loop3A_404 : i32 to index
      %parallel_loop3A_407 = arith.constant 16 : index
      %parallel_loop3A_408 = tpu.vector_load %arg8[%parallel_loop3A_405, %parallel_loop3A_406, %parallel_loop3A_407] {strides = array<i32>} : memref<32x4x128xf32, #tpu.memory_space<vmem>>, vector<1x1x16xf32>,
      %parallel_loop3A_409 = vector.shape_cast %parallel_loop3A_408 : vector<1x1x16xf32> to vector<16xf32>
      %parallel_loop3A_410 = vector.shape_cast %parallel_loop3A_403 : vector<16xf32> to vector<1x1x16xf32>
      tpu.vector_store %arg8[%parallel_loop3A_405, %parallel_loop3A_406, %parallel_loop3A_407], %parallel_loop3A_410 {strides = array<i32>} : memref<32x4x128xf32, #tpu.memory_space<vmem>>, vector<1x1x16xf32>,
      %parallel_loop3A_411 = arith.constant 0 : i32
      %parallel_loop3A_412 = arith.addi %parallel_loop3A_411, %parallel_loop3A_172 : i32
      %parallel_loop3A_413 = arith.constant 1 : i32
      %parallel_loop3A_414 = arith.index_cast %parallel_loop3A_413 : i32 to index
      %parallel_loop3A_415 = arith.index_cast %parallel_loop3A_412 : i32 to index
      %parallel_loop3A_416 = arith.constant 32 : index
      %parallel_loop3A_417 = tpu.vector_load %arg7[%parallel_loop3A_414, %parallel_loop3A_415, %parallel_loop3A_416] {strides = array<i32>} : memref<4x128x128xf32, #tpu.memory_space<vmem>>, vector<1x1x16xf32>,
      %parallel_loop3A_418 = vector.shape_cast %parallel_loop3A_417 : vector<1x1x16xf32> to vector<16xf32>
      %parallel_loop3A_419 = arith.constant 11.3137083 : f32
      %parallel_loop3A_420 = vector.broadcast %parallel_loop3A_419 : f32 to vector<16xf32>
      %parallel_loop3A_421 = arith.mulf %parallel_loop3A_418, %parallel_loop3A_420 : vector<16xf32>
      %parallel_loop3A_422 = arith.addf %parallel_loop3A_421, %parallel_loop3A_190 : vector<16xf32>
      %parallel_loop3A_423 = arith.constant 1 : i32
      %parallel_loop3A_424 = arith.index_cast %parallel_loop3A_172 : i32 to index
      %parallel_loop3A_425 = arith.index_cast %parallel_loop3A_423 : i32 to index
      %parallel_loop3A_426 = arith.constant 32 : index
      %parallel_loop3A_427 = tpu.vector_load %arg8[%parallel_loop3A_424, %parallel_loop3A_425, %parallel_loop3A_426] {strides = array<i32>} : memref<32x4x128xf32, #tpu.memory_space<vmem>>, vector<1x1x16xf32>,
      %parallel_loop3A_428 = vector.shape_cast %parallel_loop3A_427 : vector<1x1x16xf32> to vector<16xf32>
      %parallel_loop3A_429 = vector.shape_cast %parallel_loop3A_422 : vector<16xf32> to vector<1x1x16xf32>
      tpu.vector_store %arg8[%parallel_loop3A_424, %parallel_loop3A_425, %parallel_loop3A_426], %parallel_loop3A_429 {strides = array<i32>} : memref<32x4x128xf32, #tpu.memory_space<vmem>>, vector<1x1x16xf32>,
      %parallel_loop3A_430 = arith.constant 0 : i32
      %parallel_loop3A_431 = arith.addi %parallel_loop3A_430, %parallel_loop3A_172 : i32
      %parallel_loop3A_432 = arith.constant 1 : i32
      %parallel_loop3A_433 = arith.index_cast %parallel_loop3A_432 : i32 to index
      %parallel_loop3A_434 = arith.index_cast %parallel_loop3A_431 : i32 to index
      %parallel_loop3A_435 = arith.constant 48 : index
      %parallel_loop3A_436 = tpu.vector_load %arg7[%parallel_loop3A_433, %parallel_loop3A_434, %parallel_loop3A_435] {strides = array<i32>} : memref<4x128x128xf32, #tpu.memory_space<vmem>>, vector<1x1x16xf32>,
      %parallel_loop3A_437 = vector.shape_cast %parallel_loop3A_436 : vector<1x1x16xf32> to vector<16xf32>
      %parallel_loop3A_438 = arith.constant 11.3137083 : f32
      %parallel_loop3A_439 = vector.broadcast %parallel_loop3A_438 : f32 to vector<16xf32>
      %parallel_loop3A_440 = arith.mulf %parallel_loop3A_437, %parallel_loop3A_439 : vector<16xf32>
      %parallel_loop3A_441 = arith.addf %parallel_loop3A_440, %parallel_loop3A_196 : vector<16xf32>
      %parallel_loop3A_442 = arith.constant 1 : i32
      %parallel_loop3A_443 = arith.index_cast %parallel_loop3A_172 : i32 to index
      %parallel_loop3A_444 = arith.index_cast %parallel_loop3A_442 : i32 to index
      %parallel_loop3A_445 = arith.constant 48 : index
      %parallel_loop3A_446 = tpu.vector_load %arg8[%parallel_loop3A_443, %parallel_loop3A_444, %parallel_loop3A_445] {strides = array<i32>} : memref<32x4x128xf32, #tpu.memory_space<vmem>>, vector<1x1x16xf32>,
      %parallel_loop3A_447 = vector.shape_cast %parallel_loop3A_446 : vector<1x1x16xf32> to vector<16xf32>
      %parallel_loop3A_448 = vector.shape_cast %parallel_loop3A_441 : vector<16xf32> to vector<1x1x16xf32>
      tpu.vector_store %arg8[%parallel_loop3A_443, %parallel_loop3A_444, %parallel_loop3A_445], %parallel_loop3A_448 {strides = array<i32>} : memref<32x4x128xf32, #tpu.memory_space<vmem>>, vector<1x1x16xf32>,
      %parallel_loop3A_449 = arith.constant 0 : i32
      %parallel_loop3A_450 = arith.addi %parallel_loop3A_449, %parallel_loop3A_172 : i32
      %parallel_loop3A_451 = arith.constant 1 : i32
      %parallel_loop3A_452 = arith.index_cast %parallel_loop3A_451 : i32 to index
      %parallel_loop3A_453 = arith.index_cast %parallel_loop3A_450 : i32 to index
      %parallel_loop3A_454 = arith.constant 64 : index
      %parallel_loop3A_455 = tpu.vector_load %arg7[%parallel_loop3A_452, %parallel_loop3A_453, %parallel_loop3A_454] {strides = array<i32>} : memref<4x128x128xf32, #tpu.memory_space<vmem>>, vector<1x1x16xf32>,
      %parallel_loop3A_456 = vector.shape_cast %parallel_loop3A_455 : vector<1x1x16xf32> to vector<16xf32>
      %parallel_loop3A_457 = arith.constant 11.3137083 : f32
      %parallel_loop3A_458 = vector.broadcast %parallel_loop3A_457 : f32 to vector<16xf32>
      %parallel_loop3A_459 = arith.mulf %parallel_loop3A_456, %parallel_loop3A_458 : vector<16xf32>
      %parallel_loop3A_460 = arith.addf %parallel_loop3A_459, %parallel_loop3A_202 : vector<16xf32>
      %parallel_loop3A_461 = arith.constant 1 : i32
      %parallel_loop3A_462 = arith.index_cast %parallel_loop3A_172 : i32 to index
      %parallel_loop3A_463 = arith.index_cast %parallel_loop3A_461 : i32 to index
      %parallel_loop3A_464 = arith.constant 64 : index
      %parallel_loop3A_465 = tpu.vector_load %arg8[%parallel_loop3A_462, %parallel_loop3A_463, %parallel_loop3A_464] {strides = array<i32>} : memref<32x4x128xf32, #tpu.memory_space<vmem>>, vector<1x1x16xf32>,
      %parallel_loop3A_466 = vector.shape_cast %parallel_loop3A_465 : vector<1x1x16xf32> to vector<16xf32>
      %parallel_loop3A_467 = vector.shape_cast %parallel_loop3A_460 : vector<16xf32> to vector<1x1x16xf32>
      tpu.vector_store %arg8[%parallel_loop3A_462, %parallel_loop3A_463, %parallel_loop3A_464], %parallel_loop3A_467 {strides = array<i32>} : memref<32x4x128xf32, #tpu.memory_space<vmem>>, vector<1x1x16xf32>,
      %parallel_loop3A_468 = arith.constant 0 : i32
      %parallel_loop3A_469 = arith.addi %parallel_loop3A_468, %parallel_loop3A_172 : i32
      %parallel_loop3A_470 = arith.constant 1 : i32
      %parallel_loop3A_471 = arith.index_cast %parallel_loop3A_470 : i32 to index
      %parallel_loop3A_472 = arith.index_cast %parallel_loop3A_469 : i32 to index
      %parallel_loop3A_473 = arith.constant 80 : index
      %parallel_loop3A_474 = tpu.vector_load %arg7[%parallel_loop3A_471, %parallel_loop3A_472, %parallel_loop3A_473] {strides = array<i32>} : memref<4x128x128xf32, #tpu.memory_space<vmem>>, vector<1x1x16xf32>,
      %parallel_loop3A_475 = vector.shape_cast %parallel_loop3A_474 : vector<1x1x16xf32> to vector<16xf32>
      %parallel_loop3A_476 = arith.constant 11.3137083 : f32
      %parallel_loop3A_477 = vector.broadcast %parallel_loop3A_476 : f32 to vector<16xf32>
      %parallel_loop3A_478 = arith.mulf %parallel_loop3A_475, %parallel_loop3A_477 : vector<16xf32>
      %parallel_loop3A_479 = arith.addf %parallel_loop3A_478, %parallel_loop3A_208 : vector<16xf32>
      %parallel_loop3A_480 = arith.constant 1 : i32
      %parallel_loop3A_481 = arith.index_cast %parallel_loop3A_172 : i32 to index
      %parallel_loop3A_482 = arith.index_cast %parallel_loop3A_480 : i32 to index
      %parallel_loop3A_483 = arith.constant 80 : index
      %parallel_loop3A_484 = tpu.vector_load %arg8[%parallel_loop3A_481, %parallel_loop3A_482, %parallel_loop3A_483] {strides = array<i32>} : memref<32x4x128xf32, #tpu.memory_space<vmem>>, vector<1x1x16xf32>,
      %parallel_loop3A_485 = vector.shape_cast %parallel_loop3A_484 : vector<1x1x16xf32> to vector<16xf32>
      %parallel_loop3A_486 = vector.shape_cast %parallel_loop3A_479 : vector<16xf32> to vector<1x1x16xf32>
      tpu.vector_store %arg8[%parallel_loop3A_481, %parallel_loop3A_482, %parallel_loop3A_483], %parallel_loop3A_486 {strides = array<i32>} : memref<32x4x128xf32, #tpu.memory_space<vmem>>, vector<1x1x16xf32>,
      %parallel_loop3A_487 = arith.constant 0 : i32
      %parallel_loop3A_488 = arith.addi %parallel_loop3A_487, %parallel_loop3A_172 : i32
      %parallel_loop3A_489 = arith.constant 1 : i32
      %parallel_loop3A_490 = arith.index_cast %parallel_loop3A_489 : i32 to index
      %parallel_loop3A_491 = arith.index_cast %parallel_loop3A_488 : i32 to index
      %parallel_loop3A_492 = arith.constant 96 : index
      %parallel_loop3A_493 = tpu.vector_load %arg7[%parallel_loop3A_490, %parallel_loop3A_491, %parallel_loop3A_492] {strides = array<i32>} : memref<4x128x128xf32, #tpu.memory_space<vmem>>, vector<1x1x16xf32>,
      %parallel_loop3A_494 = vector.shape_cast %parallel_loop3A_493 : vector<1x1x16xf32> to vector<16xf32>
      %parallel_loop3A_495 = arith.constant 11.3137083 : f32
      %parallel_loop3A_496 = vector.broadcast %parallel_loop3A_495 : f32 to vector<16xf32>
      %parallel_loop3A_497 = arith.mulf %parallel_loop3A_494, %parallel_loop3A_496 : vector<16xf32>
      %parallel_loop3A_498 = arith.addf %parallel_loop3A_497, %parallel_loop3A_214 : vector<16xf32>
      %parallel_loop3A_499 = arith.constant 1 : i32
      %parallel_loop3A_500 = arith.index_cast %parallel_loop3A_172 : i32 to index
      %parallel_loop3A_501 = arith.index_cast %parallel_loop3A_499 : i32 to index
      %parallel_loop3A_502 = arith.constant 96 : index
      %parallel_loop3A_503 = tpu.vector_load %arg8[%parallel_loop3A_500, %parallel_loop3A_501, %parallel_loop3A_502] {strides = array<i32>} : memref<32x4x128xf32, #tpu.memory_space<vmem>>, vector<1x1x16xf32>,
      %parallel_loop3A_504 = vector.shape_cast %parallel_loop3A_503 : vector<1x1x16xf32> to vector<16xf32>
      %parallel_loop3A_505 = vector.shape_cast %parallel_loop3A_498 : vector<16xf32> to vector<1x1x16xf32>
      tpu.vector_store %arg8[%parallel_loop3A_500, %parallel_loop3A_501, %parallel_loop3A_502], %parallel_loop3A_505 {strides = array<i32>} : memref<32x4x128xf32, #tpu.memory_space<vmem>>, vector<1x1x16xf32>,
      %parallel_loop3A_506 = arith.constant 0 : i32
      %parallel_loop3A_507 = arith.addi %parallel_loop3A_506, %parallel_loop3A_172 : i32
      %parallel_loop3A_508 = arith.constant 1 : i32
      %parallel_loop3A_509 = arith.index_cast %parallel_loop3A_508 : i32 to index
      %parallel_loop3A_510 = arith.index_cast %parallel_loop3A_507 : i32 to index
      %parallel_loop3A_511 = arith.constant 112 : index
      %parallel_loop3A_512 = tpu.vector_load %arg7[%parallel_loop3A_509, %parallel_loop3A_510, %parallel_loop3A_511] {strides = array<i32>} : memref<4x128x128xf32, #tpu.memory_space<vmem>>, vector<1x1x16xf32>,
      %parallel_loop3A_513 = vector.shape_cast %parallel_loop3A_512 : vector<1x1x16xf32> to vector<16xf32>
      %parallel_loop3A_514 = arith.constant 11.3137083 : f32
      %parallel_loop3A_515 = vector.broadcast %parallel_loop3A_514 : f32 to vector<16xf32>
      %parallel_loop3A_516 = arith.mulf %parallel_loop3A_513, %parallel_loop3A_515 : vector<16xf32>
      %parallel_loop3A_517 = arith.addf %parallel_loop3A_516, %parallel_loop3A_220 : vector<16xf32>
      %parallel_loop3A_518 = arith.constant 1 : i32
      %parallel_loop3A_519 = arith.index_cast %parallel_loop3A_172 : i32 to index
      %parallel_loop3A_520 = arith.index_cast %parallel_loop3A_518 : i32 to index
      %parallel_loop3A_521 = arith.constant 112 : index
      %parallel_loop3A_522 = tpu.vector_load %arg8[%parallel_loop3A_519, %parallel_loop3A_520, %parallel_loop3A_521] {strides = array<i32>} : memref<32x4x128xf32, #tpu.memory_space<vmem>>, vector<1x1x16xf32>,
      %parallel_loop3A_523 = vector.shape_cast %parallel_loop3A_522 : vector<1x1x16xf32> to vector<16xf32>
      %parallel_loop3A_524 = vector.shape_cast %parallel_loop3A_517 : vector<16xf32> to vector<1x1x16xf32>
      tpu.vector_store %arg8[%parallel_loop3A_519, %parallel_loop3A_520, %parallel_loop3A_521], %parallel_loop3A_524 {strides = array<i32>} : memref<32x4x128xf32, #tpu.memory_space<vmem>>, vector<1x1x16xf32>,
      %parallel_loop3A_525 = arith.constant 0 : i32
      %parallel_loop3A_526 = arith.addi %parallel_loop3A_525, %parallel_loop3A_172 : i32
      %parallel_loop3A_527 = arith.constant 2 : i32
      %parallel_loop3A_528 = arith.index_cast %parallel_loop3A_527 : i32 to index
      %parallel_loop3A_529 = arith.index_cast %parallel_loop3A_526 : i32 to index
      %parallel_loop3A_530 = arith.constant 0 : index
      %parallel_loop3A_531 = tpu.vector_load %arg7[%parallel_loop3A_528, %parallel_loop3A_529, %parallel_loop3A_530] {strides = array<i32>} : memref<4x128x128xf32, #tpu.memory_space<vmem>>, vector<1x1x16xf32>,
      %parallel_loop3A_532 = vector.shape_cast %parallel_loop3A_531 : vector<1x1x16xf32> to vector<16xf32>
      %parallel_loop3A_533 = arith.constant 11.3137083 : f32
      %parallel_loop3A_534 = vector.broadcast %parallel_loop3A_533 : f32 to vector<16xf32>
      %parallel_loop3A_535 = arith.mulf %parallel_loop3A_532, %parallel_loop3A_534 : vector<16xf32>
      %parallel_loop3A_536 = arith.addf %parallel_loop3A_535, %parallel_loop3A_178 : vector<16xf32>
      %parallel_loop3A_537 = arith.constant 2 : i32
      %parallel_loop3A_538 = arith.index_cast %parallel_loop3A_172 : i32 to index
      %parallel_loop3A_539 = arith.index_cast %parallel_loop3A_537 : i32 to index
      %parallel_loop3A_540 = arith.constant 0 : index
      %parallel_loop3A_541 = tpu.vector_load %arg8[%parallel_loop3A_538, %parallel_loop3A_539, %parallel_loop3A_540] {strides = array<i32>} : memref<32x4x128xf32, #tpu.memory_space<vmem>>, vector<1x1x16xf32>,
      %parallel_loop3A_542 = vector.shape_cast %parallel_loop3A_541 : vector<1x1x16xf32> to vector<16xf32>
      %parallel_loop3A_543 = vector.shape_cast %parallel_loop3A_536 : vector<16xf32> to vector<1x1x16xf32>
      tpu.vector_store %arg8[%parallel_loop3A_538, %parallel_loop3A_539, %parallel_loop3A_540], %parallel_loop3A_543 {strides = array<i32>} : memref<32x4x128xf32, #tpu.memory_space<vmem>>, vector<1x1x16xf32>,
      %parallel_loop3A_544 = arith.constant 0 : i32
      %parallel_loop3A_545 = arith.addi %parallel_loop3A_544, %parallel_loop3A_172 : i32
      %parallel_loop3A_546 = arith.constant 2 : i32
      %parallel_loop3A_547 = arith.index_cast %parallel_loop3A_546 : i32 to index
      %parallel_loop3A_548 = arith.index_cast %parallel_loop3A_545 : i32 to index
      %parallel_loop3A_549 = arith.constant 16 : index
      %parallel_loop3A_550 = tpu.vector_load %arg7[%parallel_loop3A_547, %parallel_loop3A_548, %parallel_loop3A_549] {strides = array<i32>} : memref<4x128x128xf32, #tpu.memory_space<vmem>>, vector<1x1x16xf32>,
      %parallel_loop3A_551 = vector.shape_cast %parallel_loop3A_550 : vector<1x1x16xf32> to vector<16xf32>
      %parallel_loop3A_552 = arith.constant 11.3137083 : f32
      %parallel_loop3A_553 = vector.broadcast %parallel_loop3A_552 : f32 to vector<16xf32>
      %parallel_loop3A_554 = arith.mulf %parallel_loop3A_551, %parallel_loop3A_553 : vector<16xf32>
      %parallel_loop3A_555 = arith.addf %parallel_loop3A_554, %parallel_loop3A_184 : vector<16xf32>
      %parallel_loop3A_556 = arith.constant 2 : i32
      %parallel_loop3A_557 = arith.index_cast %parallel_loop3A_172 : i32 to index
      %parallel_loop3A_558 = arith.index_cast %parallel_loop3A_556 : i32 to index
      %parallel_loop3A_559 = arith.constant 16 : index
      %parallel_loop3A_560 = tpu.vector_load %arg8[%parallel_loop3A_557, %parallel_loop3A_558, %parallel_loop3A_559] {strides = array<i32>} : memref<32x4x128xf32, #tpu.memory_space<vmem>>, vector<1x1x16xf32>,
      %parallel_loop3A_561 = vector.shape_cast %parallel_loop3A_560 : vector<1x1x16xf32> to vector<16xf32>
      %parallel_loop3A_562 = vector.shape_cast %parallel_loop3A_555 : vector<16xf32> to vector<1x1x16xf32>
      tpu.vector_store %arg8[%parallel_loop3A_557, %parallel_loop3A_558, %parallel_loop3A_559], %parallel_loop3A_562 {strides = array<i32>} : memref<32x4x128xf32, #tpu.memory_space<vmem>>, vector<1x1x16xf32>,
      %parallel_loop3A_563 = arith.constant 0 : i32
      %parallel_loop3A_564 = arith.addi %parallel_loop3A_563, %parallel_loop3A_172 : i32
      %parallel_loop3A_565 = arith.constant 2 : i32
      %parallel_loop3A_566 = arith.index_cast %parallel_loop3A_565 : i32 to index
      %parallel_loop3A_567 = arith.index_cast %parallel_loop3A_564 : i32 to index
      %parallel_loop3A_568 = arith.constant 32 : index
      %parallel_loop3A_569 = tpu.vector_load %arg7[%parallel_loop3A_566, %parallel_loop3A_567, %parallel_loop3A_568] {strides = array<i32>} : memref<4x128x128xf32, #tpu.memory_space<vmem>>, vector<1x1x16xf32>,
      %parallel_loop3A_570 = vector.shape_cast %parallel_loop3A_569 : vector<1x1x16xf32> to vector<16xf32>
      %parallel_loop3A_571 = arith.constant 11.3137083 : f32
      %parallel_loop3A_572 = vector.broadcast %parallel_loop3A_571 : f32 to vector<16xf32>
      %parallel_loop3A_573 = arith.mulf %parallel_loop3A_570, %parallel_loop3A_572 : vector<16xf32>
      %parallel_loop3A_574 = arith.addf %parallel_loop3A_573, %parallel_loop3A_190 : vector<16xf32>
      %parallel_loop3A_575 = arith.constant 2 : i32
      %parallel_loop3A_576 = arith.index_cast %parallel_loop3A_172 : i32 to index
      %parallel_loop3A_577 = arith.index_cast %parallel_loop3A_575 : i32 to index
      %parallel_loop3A_578 = arith.constant 32 : index
      %parallel_loop3A_579 = tpu.vector_load %arg8[%parallel_loop3A_576, %parallel_loop3A_577, %parallel_loop3A_578] {strides = array<i32>} : memref<32x4x128xf32, #tpu.memory_space<vmem>>, vector<1x1x16xf32>,
      %parallel_loop3A_580 = vector.shape_cast %parallel_loop3A_579 : vector<1x1x16xf32> to vector<16xf32>
      %parallel_loop3A_581 = vector.shape_cast %parallel_loop3A_574 : vector<16xf32> to vector<1x1x16xf32>
      tpu.vector_store %arg8[%parallel_loop3A_576, %parallel_loop3A_577, %parallel_loop3A_578], %parallel_loop3A_581 {strides = array<i32>} : memref<32x4x128xf32, #tpu.memory_space<vmem>>, vector<1x1x16xf32>,
      %parallel_loop3A_582 = arith.constant 0 : i32
      %parallel_loop3A_583 = arith.addi %parallel_loop3A_582, %parallel_loop3A_172 : i32
      %parallel_loop3A_584 = arith.constant 2 : i32
      %parallel_loop3A_585 = arith.index_cast %parallel_loop3A_584 : i32 to index
      %parallel_loop3A_586 = arith.index_cast %parallel_loop3A_583 : i32 to index
      %parallel_loop3A_587 = arith.constant 48 : index
      %parallel_loop3A_588 = tpu.vector_load %arg7[%parallel_loop3A_585, %parallel_loop3A_586, %parallel_loop3A_587] {strides = array<i32>} : memref<4x128x128xf32, #tpu.memory_space<vmem>>, vector<1x1x16xf32>,
      %parallel_loop3A_589 = vector.shape_cast %parallel_loop3A_588 : vector<1x1x16xf32> to vector<16xf32>
      %parallel_loop3A_590 = arith.constant 11.3137083 : f32
      %parallel_loop3A_591 = vector.broadcast %parallel_loop3A_590 : f32 to vector<16xf32>
      %parallel_loop3A_592 = arith.mulf %parallel_loop3A_589, %parallel_loop3A_591 : vector<16xf32>
      %parallel_loop3A_593 = arith.addf %parallel_loop3A_592, %parallel_loop3A_196 : vector<16xf32>
      %parallel_loop3A_594 = arith.constant 2 : i32
      %parallel_loop3A_595 = arith.index_cast %parallel_loop3A_172 : i32 to index
      %parallel_loop3A_596 = arith.index_cast %parallel_loop3A_594 : i32 to index
      %parallel_loop3A_597 = arith.constant 48 : index
      %parallel_loop3A_598 = tpu.vector_load %arg8[%parallel_loop3A_595, %parallel_loop3A_596, %parallel_loop3A_597] {strides = array<i32>} : memref<32x4x128xf32, #tpu.memory_space<vmem>>, vector<1x1x16xf32>,
      %parallel_loop3A_599 = vector.shape_cast %parallel_loop3A_598 : vector<1x1x16xf32> to vector<16xf32>
      %parallel_loop3A_600 = vector.shape_cast %parallel_loop3A_593 : vector<16xf32> to vector<1x1x16xf32>
      tpu.vector_store %arg8[%parallel_loop3A_595, %parallel_loop3A_596, %parallel_loop3A_597], %parallel_loop3A_600 {strides = array<i32>} : memref<32x4x128xf32, #tpu.memory_space<vmem>>, vector<1x1x16xf32>,
      %parallel_loop3A_601 = arith.constant 0 : i32
      %parallel_loop3A_602 = arith.addi %parallel_loop3A_601, %parallel_loop3A_172 : i32
      %parallel_loop3A_603 = arith.constant 2 : i32
      %parallel_loop3A_604 = arith.index_cast %parallel_loop3A_603 : i32 to index
      %parallel_loop3A_605 = arith.index_cast %parallel_loop3A_602 : i32 to index
      %parallel_loop3A_606 = arith.constant 64 : index
      %parallel_loop3A_607 = tpu.vector_load %arg7[%parallel_loop3A_604, %parallel_loop3A_605, %parallel_loop3A_606] {strides = array<i32>} : memref<4x128x128xf32, #tpu.memory_space<vmem>>, vector<1x1x16xf32>,
      %parallel_loop3A_608 = vector.shape_cast %parallel_loop3A_607 : vector<1x1x16xf32> to vector<16xf32>
      %parallel_loop3A_609 = arith.constant 11.3137083 : f32
      %parallel_loop3A_610 = vector.broadcast %parallel_loop3A_609 : f32 to vector<16xf32>
      %parallel_loop3A_611 = arith.mulf %parallel_loop3A_608, %parallel_loop3A_610 : vector<16xf32>
      %parallel_loop3A_612 = arith.addf %parallel_loop3A_611, %parallel_loop3A_202 : vector<16xf32>
      %parallel_loop3A_613 = arith.constant 2 : i32
      %parallel_loop3A_614 = arith.index_cast %parallel_loop3A_172 : i32 to index
      %parallel_loop3A_615 = arith.index_cast %parallel_loop3A_613 : i32 to index
      %parallel_loop3A_616 = arith.constant 64 : index
      %parallel_loop3A_617 = tpu.vector_load %arg8[%parallel_loop3A_614, %parallel_loop3A_615, %parallel_loop3A_616] {strides = array<i32>} : memref<32x4x128xf32, #tpu.memory_space<vmem>>, vector<1x1x16xf32>,
      %parallel_loop3A_618 = vector.shape_cast %parallel_loop3A_617 : vector<1x1x16xf32> to vector<16xf32>
      %parallel_loop3A_619 = vector.shape_cast %parallel_loop3A_612 : vector<16xf32> to vector<1x1x16xf32>
      tpu.vector_store %arg8[%parallel_loop3A_614, %parallel_loop3A_615, %parallel_loop3A_616], %parallel_loop3A_619 {strides = array<i32>} : memref<32x4x128xf32, #tpu.memory_space<vmem>>, vector<1x1x16xf32>,
      %parallel_loop3A_620 = arith.constant 0 : i32
      %parallel_loop3A_621 = arith.addi %parallel_loop3A_620, %parallel_loop3A_172 : i32
      %parallel_loop3A_622 = arith.constant 2 : i32
      %parallel_loop3A_623 = arith.index_cast %parallel_loop3A_622 : i32 to index
      %parallel_loop3A_624 = arith.index_cast %parallel_loop3A_621 : i32 to index
      %parallel_loop3A_625 = arith.constant 80 : index
      %parallel_loop3A_626 = tpu.vector_load %arg7[%parallel_loop3A_623, %parallel_loop3A_624, %parallel_loop3A_625] {strides = array<i32>} : memref<4x128x128xf32, #tpu.memory_space<vmem>>, vector<1x1x16xf32>,
      %parallel_loop3A_627 = vector.shape_cast %parallel_loop3A_626 : vector<1x1x16xf32> to vector<16xf32>
      %parallel_loop3A_628 = arith.constant 11.3137083 : f32
      %parallel_loop3A_629 = vector.broadcast %parallel_loop3A_628 : f32 to vector<16xf32>
      %parallel_loop3A_630 = arith.mulf %parallel_loop3A_627, %parallel_loop3A_629 : vector<16xf32>
      %parallel_loop3A_631 = arith.addf %parallel_loop3A_630, %parallel_loop3A_208 : vector<16xf32>
      %parallel_loop3A_632 = arith.constant 2 : i32
      %parallel_loop3A_633 = arith.index_cast %parallel_loop3A_172 : i32 to index
      %parallel_loop3A_634 = arith.index_cast %parallel_loop3A_632 : i32 to index
      %parallel_loop3A_635 = arith.constant 80 : index
      %parallel_loop3A_636 = tpu.vector_load %arg8[%parallel_loop3A_633, %parallel_loop3A_634, %parallel_loop3A_635] {strides = array<i32>} : memref<32x4x128xf32, #tpu.memory_space<vmem>>, vector<1x1x16xf32>,
      %parallel_loop3A_637 = vector.shape_cast %parallel_loop3A_636 : vector<1x1x16xf32> to vector<16xf32>
      %parallel_loop3A_638 = vector.shape_cast %parallel_loop3A_631 : vector<16xf32> to vector<1x1x16xf32>
      tpu.vector_store %arg8[%parallel_loop3A_633, %parallel_loop3A_634, %parallel_loop3A_635], %parallel_loop3A_638 {strides = array<i32>} : memref<32x4x128xf32, #tpu.memory_space<vmem>>, vector<1x1x16xf32>,
      %parallel_loop3A_639 = arith.constant 0 : i32
      %parallel_loop3A_640 = arith.addi %parallel_loop3A_639, %parallel_loop3A_172 : i32
      %parallel_loop3A_641 = arith.constant 2 : i32
      %parallel_loop3A_642 = arith.index_cast %parallel_loop3A_641 : i32 to index
      %parallel_loop3A_643 = arith.index_cast %parallel_loop3A_640 : i32 to index
      %parallel_loop3A_644 = arith.constant 96 : index
      %parallel_loop3A_645 = tpu.vector_load %arg7[%parallel_loop3A_642, %parallel_loop3A_643, %parallel_loop3A_644] {strides = array<i32>} : memref<4x128x128xf32, #tpu.memory_space<vmem>>, vector<1x1x16xf32>,
      %parallel_loop3A_646 = vector.shape_cast %parallel_loop3A_645 : vector<1x1x16xf32> to vector<16xf32>
      %parallel_loop3A_647 = arith.constant 11.3137083 : f32
      %parallel_loop3A_648 = vector.broadcast %parallel_loop3A_647 : f32 to vector<16xf32>
      %parallel_loop3A_649 = arith.mulf %parallel_loop3A_646, %parallel_loop3A_648 : vector<16xf32>
      %parallel_loop3A_650 = arith.addf %parallel_loop3A_649, %parallel_loop3A_214 : vector<16xf32>
      %parallel_loop3A_651 = arith.constant 2 : i32
      %parallel_loop3A_652 = arith.index_cast %parallel_loop3A_172 : i32 to index
      %parallel_loop3A_653 = arith.index_cast %parallel_loop3A_651 : i32 to index
      %parallel_loop3A_654 = arith.constant 96 : index
      %parallel_loop3A_655 = tpu.vector_load %arg8[%parallel_loop3A_652, %parallel_loop3A_653, %parallel_loop3A_654] {strides = array<i32>} : memref<32x4x128xf32, #tpu.memory_space<vmem>>, vector<1x1x16xf32>,
      %parallel_loop3A_656 = vector.shape_cast %parallel_loop3A_655 : vector<1x1x16xf32> to vector<16xf32>
      %parallel_loop3A_657 = vector.shape_cast %parallel_loop3A_650 : vector<16xf32> to vector<1x1x16xf32>
      tpu.vector_store %arg8[%parallel_loop3A_652, %parallel_loop3A_653, %parallel_loop3A_654], %parallel_loop3A_657 {strides = array<i32>} : memref<32x4x128xf32, #tpu.memory_space<vmem>>, vector<1x1x16xf32>,
      %parallel_loop3A_658 = arith.constant 0 : i32
      %parallel_loop3A_659 = arith.addi %parallel_loop3A_658, %parallel_loop3A_172 : i32
      %parallel_loop3A_660 = arith.constant 2 : i32
      %parallel_loop3A_661 = arith.index_cast %parallel_loop3A_660 : i32 to index
      %parallel_loop3A_662 = arith.index_cast %parallel_loop3A_659 : i32 to index
      %parallel_loop3A_663 = arith.constant 112 : index
      %parallel_loop3A_664 = tpu.vector_load %arg7[%parallel_loop3A_661, %parallel_loop3A_662, %parallel_loop3A_663] {strides = array<i32>} : memref<4x128x128xf32, #tpu.memory_space<vmem>>, vector<1x1x16xf32>,
      %parallel_loop3A_665 = vector.shape_cast %parallel_loop3A_664 : vector<1x1x16xf32> to vector<16xf32>
      %parallel_loop3A_666 = arith.constant 11.3137083 : f32
      %parallel_loop3A_667 = vector.broadcast %parallel_loop3A_666 : f32 to vector<16xf32>
      %parallel_loop3A_668 = arith.mulf %parallel_loop3A_665, %parallel_loop3A_667 : vector<16xf32>
      %parallel_loop3A_669 = arith.addf %parallel_loop3A_668, %parallel_loop3A_220 : vector<16xf32>
      %parallel_loop3A_670 = arith.constant 2 : i32
      %parallel_loop3A_671 = arith.index_cast %parallel_loop3A_172 : i32 to index
      %parallel_loop3A_672 = arith.index_cast %parallel_loop3A_670 : i32 to index
      %parallel_loop3A_673 = arith.constant 112 : index
      %parallel_loop3A_674 = tpu.vector_load %arg8[%parallel_loop3A_671, %parallel_loop3A_672, %parallel_loop3A_673] {strides = array<i32>} : memref<32x4x128xf32, #tpu.memory_space<vmem>>, vector<1x1x16xf32>,
      %parallel_loop3A_675 = vector.shape_cast %parallel_loop3A_674 : vector<1x1x16xf32> to vector<16xf32>
      %parallel_loop3A_676 = vector.shape_cast %parallel_loop3A_669 : vector<16xf32> to vector<1x1x16xf32>
      tpu.vector_store %arg8[%parallel_loop3A_671, %parallel_loop3A_672, %parallel_loop3A_673], %parallel_loop3A_676 {strides = array<i32>} : memref<32x4x128xf32, #tpu.memory_space<vmem>>, vector<1x1x16xf32>,
      %parallel_loop3A_677 = arith.constant 0 : i32
      %parallel_loop3A_678 = arith.addi %parallel_loop3A_677, %parallel_loop3A_172 : i32
      %parallel_loop3A_679 = arith.constant 3 : i32
      %parallel_loop3A_680 = arith.index_cast %parallel_loop3A_679 : i32 to index
      %parallel_loop3A_681 = arith.index_cast %parallel_loop3A_678 : i32 to index
      %parallel_loop3A_682 = arith.constant 0 : index
      %parallel_loop3A_683 = tpu.vector_load %arg7[%parallel_loop3A_680, %parallel_loop3A_681, %parallel_loop3A_682] {strides = array<i32>} : memref<4x128x128xf32, #tpu.memory_space<vmem>>, vector<1x1x16xf32>,
      %parallel_loop3A_684 = vector.shape_cast %parallel_loop3A_683 : vector<1x1x16xf32> to vector<16xf32>
      %parallel_loop3A_685 = arith.constant 11.3137083 : f32
      %parallel_loop3A_686 = vector.broadcast %parallel_loop3A_685 : f32 to vector<16xf32>
      %parallel_loop3A_687 = arith.mulf %parallel_loop3A_684, %parallel_loop3A_686 : vector<16xf32>
      %parallel_loop3A_688 = arith.addf %parallel_loop3A_687, %parallel_loop3A_178 : vector<16xf32>
      %parallel_loop3A_689 = arith.constant 3 : i32
      %parallel_loop3A_690 = arith.index_cast %parallel_loop3A_172 : i32 to index
      %parallel_loop3A_691 = arith.index_cast %parallel_loop3A_689 : i32 to index
      %parallel_loop3A_692 = arith.constant 0 : index
      %parallel_loop3A_693 = tpu.vector_load %arg8[%parallel_loop3A_690, %parallel_loop3A_691, %parallel_loop3A_692] {strides = array<i32>} : memref<32x4x128xf32, #tpu.memory_space<vmem>>, vector<1x1x16xf32>,
      %parallel_loop3A_694 = vector.shape_cast %parallel_loop3A_693 : vector<1x1x16xf32> to vector<16xf32>
      %parallel_loop3A_695 = vector.shape_cast %parallel_loop3A_688 : vector<16xf32> to vector<1x1x16xf32>
      tpu.vector_store %arg8[%parallel_loop3A_690, %parallel_loop3A_691, %parallel_loop3A_692], %parallel_loop3A_695 {strides = array<i32>} : memref<32x4x128xf32, #tpu.memory_space<vmem>>, vector<1x1x16xf32>,
      %parallel_loop3A_696 = arith.constant 0 : i32
      %parallel_loop3A_697 = arith.addi %parallel_loop3A_696, %parallel_loop3A_172 : i32
      %parallel_loop3A_698 = arith.constant 3 : i32
      %parallel_loop3A_699 = arith.index_cast %parallel_loop3A_698 : i32 to index
      %parallel_loop3A_700 = arith.index_cast %parallel_loop3A_697 : i32 to index
      %parallel_loop3A_701 = arith.constant 16 : index
      %parallel_loop3A_702 = tpu.vector_load %arg7[%parallel_loop3A_699, %parallel_loop3A_700, %parallel_loop3A_701] {strides = array<i32>} : memref<4x128x128xf32, #tpu.memory_space<vmem>>, vector<1x1x16xf32>,
      %parallel_loop3A_703 = vector.shape_cast %parallel_loop3A_702 : vector<1x1x16xf32> to vector<16xf32>
      %parallel_loop3A_704 = arith.constant 11.3137083 : f32
      %parallel_loop3A_705 = vector.broadcast %parallel_loop3A_704 : f32 to vector<16xf32>
      %parallel_loop3A_706 = arith.mulf %parallel_loop3A_703, %parallel_loop3A_705 : vector<16xf32>
      %parallel_loop3A_707 = arith.addf %parallel_loop3A_706, %parallel_loop3A_184 : vector<16xf32>
      %parallel_loop3A_708 = arith.constant 3 : i32
      %parallel_loop3A_709 = arith.index_cast %parallel_loop3A_172 : i32 to index
      %parallel_loop3A_710 = arith.index_cast %parallel_loop3A_708 : i32 to index
      %parallel_loop3A_711 = arith.constant 16 : index
      %parallel_loop3A_712 = tpu.vector_load %arg8[%parallel_loop3A_709, %parallel_loop3A_710, %parallel_loop3A_711] {strides = array<i32>} : memref<32x4x128xf32, #tpu.memory_space<vmem>>, vector<1x1x16xf32>,
      %parallel_loop3A_713 = vector.shape_cast %parallel_loop3A_712 : vector<1x1x16xf32> to vector<16xf32>
      %parallel_loop3A_714 = vector.shape_cast %parallel_loop3A_707 : vector<16xf32> to vector<1x1x16xf32>
      tpu.vector_store %arg8[%parallel_loop3A_709, %parallel_loop3A_710, %parallel_loop3A_711], %parallel_loop3A_714 {strides = array<i32>} : memref<32x4x128xf32, #tpu.memory_space<vmem>>, vector<1x1x16xf32>,
      %parallel_loop3A_715 = arith.constant 0 : i32
      %parallel_loop3A_716 = arith.addi %parallel_loop3A_715, %parallel_loop3A_172 : i32
      %parallel_loop3A_717 = arith.constant 3 : i32
      %parallel_loop3A_718 = arith.index_cast %parallel_loop3A_717 : i32 to index
      %parallel_loop3A_719 = arith.index_cast %parallel_loop3A_716 : i32 to index
      %parallel_loop3A_720 = arith.constant 32 : index
      %parallel_loop3A_721 = tpu.vector_load %arg7[%parallel_loop3A_718, %parallel_loop3A_719, %parallel_loop3A_720] {strides = array<i32>} : memref<4x128x128xf32, #tpu.memory_space<vmem>>, vector<1x1x16xf32>,
      %parallel_loop3A_722 = vector.shape_cast %parallel_loop3A_721 : vector<1x1x16xf32> to vector<16xf32>
      %parallel_loop3A_723 = arith.constant 11.3137083 : f32
      %parallel_loop3A_724 = vector.broadcast %parallel_loop3A_723 : f32 to vector<16xf32>
      %parallel_loop3A_725 = arith.mulf %parallel_loop3A_722, %parallel_loop3A_724 : vector<16xf32>
      %parallel_loop3A_726 = arith.addf %parallel_loop3A_725, %parallel_loop3A_190 : vector<16xf32>
      %parallel_loop3A_727 = arith.constant 3 : i32
      %parallel_loop3A_728 = arith.index_cast %parallel_loop3A_172 : i32 to index
      %parallel_loop3A_729 = arith.index_cast %parallel_loop3A_727 : i32 to index
      %parallel_loop3A_730 = arith.constant 32 : index
      %parallel_loop3A_731 = tpu.vector_load %arg8[%parallel_loop3A_728, %parallel_loop3A_729, %parallel_loop3A_730] {strides = array<i32>} : memref<32x4x128xf32, #tpu.memory_space<vmem>>, vector<1x1x16xf32>,
      %parallel_loop3A_732 = vector.shape_cast %parallel_loop3A_731 : vector<1x1x16xf32> to vector<16xf32>
      %parallel_loop3A_733 = vector.shape_cast %parallel_loop3A_726 : vector<16xf32> to vector<1x1x16xf32>
      tpu.vector_store %arg8[%parallel_loop3A_728, %parallel_loop3A_729, %parallel_loop3A_730], %parallel_loop3A_733 {strides = array<i32>} : memref<32x4x128xf32, #tpu.memory_space<vmem>>, vector<1x1x16xf32>,
      %parallel_loop3A_734 = arith.constant 0 : i32
      %parallel_loop3A_735 = arith.addi %parallel_loop3A_734, %parallel_loop3A_172 : i32
      %parallel_loop3A_736 = arith.constant 3 : i32
      %parallel_loop3A_737 = arith.index_cast %parallel_loop3A_736 : i32 to index
      %parallel_loop3A_738 = arith.index_cast %parallel_loop3A_735 : i32 to index
      %parallel_loop3A_739 = arith.constant 48 : index
      %parallel_loop3A_740 = tpu.vector_load %arg7[%parallel_loop3A_737, %parallel_loop3A_738, %parallel_loop3A_739] {strides = array<i32>} : memref<4x128x128xf32, #tpu.memory_space<vmem>>, vector<1x1x16xf32>,
      %parallel_loop3A_741 = vector.shape_cast %parallel_loop3A_740 : vector<1x1x16xf32> to vector<16xf32>
      %parallel_loop3A_742 = arith.constant 11.3137083 : f32
      %parallel_loop3A_743 = vector.broadcast %parallel_loop3A_742 : f32 to vector<16xf32>
      %parallel_loop3A_744 = arith.mulf %parallel_loop3A_741, %parallel_loop3A_743 : vector<16xf32>
      %parallel_loop3A_745 = arith.addf %parallel_loop3A_744, %parallel_loop3A_196 : vector<16xf32>
      %parallel_loop3A_746 = arith.constant 3 : i32
      %parallel_loop3A_747 = arith.index_cast %parallel_loop3A_172 : i32 to index
      %parallel_loop3A_748 = arith.index_cast %parallel_loop3A_746 : i32 to index
      %parallel_loop3A_749 = arith.constant 48 : index
      %parallel_loop3A_750 = tpu.vector_load %arg8[%parallel_loop3A_747, %parallel_loop3A_748, %parallel_loop3A_749] {strides = array<i32>} : memref<32x4x128xf32, #tpu.memory_space<vmem>>, vector<1x1x16xf32>,
      %parallel_loop3A_751 = vector.shape_cast %parallel_loop3A_750 : vector<1x1x16xf32> to vector<16xf32>
      %parallel_loop3A_752 = vector.shape_cast %parallel_loop3A_745 : vector<16xf32> to vector<1x1x16xf32>
      tpu.vector_store %arg8[%parallel_loop3A_747, %parallel_loop3A_748, %parallel_loop3A_749], %parallel_loop3A_752 {strides = array<i32>} : memref<32x4x128xf32, #tpu.memory_space<vmem>>, vector<1x1x16xf32>,
      %parallel_loop3A_753 = arith.constant 0 : i32
      %parallel_loop3A_754 = arith.addi %parallel_loop3A_753, %parallel_loop3A_172 : i32
      %parallel_loop3A_755 = arith.constant 3 : i32
      %parallel_loop3A_756 = arith.index_cast %parallel_loop3A_755 : i32 to index
      %parallel_loop3A_757 = arith.index_cast %parallel_loop3A_754 : i32 to index
      %parallel_loop3A_758 = arith.constant 64 : index
      %parallel_loop3A_759 = tpu.vector_load %arg7[%parallel_loop3A_756, %parallel_loop3A_757, %parallel_loop3A_758] {strides = array<i32>} : memref<4x128x128xf32, #tpu.memory_space<vmem>>, vector<1x1x16xf32>,
      %parallel_loop3A_760 = vector.shape_cast %parallel_loop3A_759 : vector<1x1x16xf32> to vector<16xf32>
      %parallel_loop3A_761 = arith.constant 11.3137083 : f32
      %parallel_loop3A_762 = vector.broadcast %parallel_loop3A_761 : f32 to vector<16xf32>
      %parallel_loop3A_763 = arith.mulf %parallel_loop3A_760, %parallel_loop3A_762 : vector<16xf32>
      %parallel_loop3A_764 = arith.addf %parallel_loop3A_763, %parallel_loop3A_202 : vector<16xf32>
      %parallel_loop3A_765 = arith.constant 3 : i32
      %parallel_loop3A_766 = arith.index_cast %parallel_loop3A_172 : i32 to index
      %parallel_loop3A_767 = arith.index_cast %parallel_loop3A_765 : i32 to index
      %parallel_loop3A_768 = arith.constant 64 : index
      %parallel_loop3A_769 = tpu.vector_load %arg8[%parallel_loop3A_766, %parallel_loop3A_767, %parallel_loop3A_768] {strides = array<i32>} : memref<32x4x128xf32, #tpu.memory_space<vmem>>, vector<1x1x16xf32>,
      %parallel_loop3A_770 = vector.shape_cast %parallel_loop3A_769 : vector<1x1x16xf32> to vector<16xf32>
      %parallel_loop3A_771 = vector.shape_cast %parallel_loop3A_764 : vector<16xf32> to vector<1x1x16xf32>
      tpu.vector_store %arg8[%parallel_loop3A_766, %parallel_loop3A_767, %parallel_loop3A_768], %parallel_loop3A_771 {strides = array<i32>} : memref<32x4x128xf32, #tpu.memory_space<vmem>>, vector<1x1x16xf32>,
      %parallel_loop3A_772 = arith.constant 0 : i32
      %parallel_loop3A_773 = arith.addi %parallel_loop3A_772, %parallel_loop3A_172 : i32
      %parallel_loop3A_774 = arith.constant 3 : i32
      %parallel_loop3A_775 = arith.index_cast %parallel_loop3A_774 : i32 to index
      %parallel_loop3A_776 = arith.index_cast %parallel_loop3A_773 : i32 to index
      %parallel_loop3A_777 = arith.constant 80 : index
      %parallel_loop3A_778 = tpu.vector_load %arg7[%parallel_loop3A_775, %parallel_loop3A_776, %parallel_loop3A_777] {strides = array<i32>} : memref<4x128x128xf32, #tpu.memory_space<vmem>>, vector<1x1x16xf32>,
      %parallel_loop3A_779 = vector.shape_cast %parallel_loop3A_778 : vector<1x1x16xf32> to vector<16xf32>
      %parallel_loop3A_780 = arith.constant 11.3137083 : f32
      %parallel_loop3A_781 = vector.broadcast %parallel_loop3A_780 : f32 to vector<16xf32>
      %parallel_loop3A_782 = arith.mulf %parallel_loop3A_779, %parallel_loop3A_781 : vector<16xf32>
      %parallel_loop3A_783 = arith.addf %parallel_loop3A_782, %parallel_loop3A_208 : vector<16xf32>
      %parallel_loop3A_784 = arith.constant 3 : i32
      %parallel_loop3A_785 = arith.index_cast %parallel_loop3A_172 : i32 to index
      %parallel_loop3A_786 = arith.index_cast %parallel_loop3A_784 : i32 to index
      %parallel_loop3A_787 = arith.constant 80 : index
      %parallel_loop3A_788 = tpu.vector_load %arg8[%parallel_loop3A_785, %parallel_loop3A_786, %parallel_loop3A_787] {strides = array<i32>} : memref<32x4x128xf32, #tpu.memory_space<vmem>>, vector<1x1x16xf32>,
      %parallel_loop3A_789 = vector.shape_cast %parallel_loop3A_788 : vector<1x1x16xf32> to vector<16xf32>
      %parallel_loop3A_790 = vector.shape_cast %parallel_loop3A_783 : vector<16xf32> to vector<1x1x16xf32>
      tpu.vector_store %arg8[%parallel_loop3A_785, %parallel_loop3A_786, %parallel_loop3A_787], %parallel_loop3A_790 {strides = array<i32>} : memref<32x4x128xf32, #tpu.memory_space<vmem>>, vector<1x1x16xf32>,
      %parallel_loop3A_791 = arith.constant 0 : i32
      %parallel_loop3A_792 = arith.addi %parallel_loop3A_791, %parallel_loop3A_172 : i32
      %parallel_loop3A_793 = arith.constant 3 : i32
      %parallel_loop3A_794 = arith.index_cast %parallel_loop3A_793 : i32 to index
      %parallel_loop3A_795 = arith.index_cast %parallel_loop3A_792 : i32 to index
      %parallel_loop3A_796 = arith.constant 96 : index
      %parallel_loop3A_797 = tpu.vector_load %arg7[%parallel_loop3A_794, %parallel_loop3A_795, %parallel_loop3A_796] {strides = array<i32>} : memref<4x128x128xf32, #tpu.memory_space<vmem>>, vector<1x1x16xf32>,
      %parallel_loop3A_798 = vector.shape_cast %parallel_loop3A_797 : vector<1x1x16xf32> to vector<16xf32>
      %parallel_loop3A_799 = arith.constant 11.3137083 : f32
      %parallel_loop3A_800 = vector.broadcast %parallel_loop3A_799 : f32 to vector<16xf32>
      %parallel_loop3A_801 = arith.mulf %parallel_loop3A_798, %parallel_loop3A_800 : vector<16xf32>
      %parallel_loop3A_802 = arith.addf %parallel_loop3A_801, %parallel_loop3A_214 : vector<16xf32>
      %parallel_loop3A_803 = arith.constant 3 : i32
      %parallel_loop3A_804 = arith.index_cast %parallel_loop3A_172 : i32 to index
      %parallel_loop3A_805 = arith.index_cast %parallel_loop3A_803 : i32 to index
      %parallel_loop3A_806 = arith.constant 96 : index
      %parallel_loop3A_807 = tpu.vector_load %arg8[%parallel_loop3A_804, %parallel_loop3A_805, %parallel_loop3A_806] {strides = array<i32>} : memref<32x4x128xf32, #tpu.memory_space<vmem>>, vector<1x1x16xf32>,
      %parallel_loop3A_808 = vector.shape_cast %parallel_loop3A_807 : vector<1x1x16xf32> to vector<16xf32>
      %parallel_loop3A_809 = vector.shape_cast %parallel_loop3A_802 : vector<16xf32> to vector<1x1x16xf32>
      tpu.vector_store %arg8[%parallel_loop3A_804, %parallel_loop3A_805, %parallel_loop3A_806], %parallel_loop3A_809 {strides = array<i32>} : memref<32x4x128xf32, #tpu.memory_space<vmem>>, vector<1x1x16xf32>,
      %parallel_loop3A_810 = arith.constant 0 : i32
      %parallel_loop3A_811 = arith.addi %parallel_loop3A_810, %parallel_loop3A_172 : i32
      %parallel_loop3A_812 = arith.constant 3 : i32
      %parallel_loop3A_813 = arith.index_cast %parallel_loop3A_812 : i32 to index
      %parallel_loop3A_814 = arith.index_cast %parallel_loop3A_811 : i32 to index
      %parallel_loop3A_815 = arith.constant 112 : index
      %parallel_loop3A_816 = tpu.vector_load %arg7[%parallel_loop3A_813, %parallel_loop3A_814, %parallel_loop3A_815] {strides = array<i32>} : memref<4x128x128xf32, #tpu.memory_space<vmem>>, vector<1x1x16xf32>,
      %parallel_loop3A_817 = vector.shape_cast %parallel_loop3A_816 : vector<1x1x16xf32> to vector<16xf32>
      %parallel_loop3A_818 = arith.constant 11.3137083 : f32
      %parallel_loop3A_819 = vector.broadcast %parallel_loop3A_818 : f32 to vector<16xf32>
      %parallel_loop3A_820 = arith.mulf %parallel_loop3A_817, %parallel_loop3A_819 : vector<16xf32>
      %parallel_loop3A_821 = arith.addf %parallel_loop3A_820, %parallel_loop3A_220 : vector<16xf32>
      %parallel_loop3A_822 = arith.constant 3 : i32
      %parallel_loop3A_823 = arith.index_cast %parallel_loop3A_172 : i32 to index
      %parallel_loop3A_824 = arith.index_cast %parallel_loop3A_822 : i32 to index
      %parallel_loop3A_825 = arith.constant 112 : index
      %parallel_loop3A_826 = tpu.vector_load %arg8[%parallel_loop3A_823, %parallel_loop3A_824, %parallel_loop3A_825] {strides = array<i32>} : memref<32x4x128xf32, #tpu.memory_space<vmem>>, vector<1x1x16xf32>,
      %parallel_loop3A_827 = vector.shape_cast %parallel_loop3A_826 : vector<1x1x16xf32> to vector<16xf32>
      %parallel_loop3A_828 = vector.shape_cast %parallel_loop3A_821 : vector<16xf32> to vector<1x1x16xf32>
      tpu.vector_store %arg8[%parallel_loop3A_823, %parallel_loop3A_824, %parallel_loop3A_825], %parallel_loop3A_828 {strides = array<i32>} : memref<32x4x128xf32, #tpu.memory_space<vmem>>, vector<1x1x16xf32>,
    } {sc.loop_unroll_factor = 4 : i64, sc.parallel_access}
    %add3A_107 = arith.constant 0 : i32
    %add3A_108 = arith.addi %mul3A_2, %add3A_107 : i32
    %dma_start3A_109 = arith.constant 0 : i32
    %dma_start3A_110 = arith.constant 0 : i32
    %dma_start3A_111 = tpu.memref_slice %arg5[%add3A_108, %dma_start3A_109, %dma_start3A_110] : memref<4096x4x128xf32, #tpu.memory_space<hbm>> -> memref<32x4x128xf32, #tpu.memory_space<hbm>>
    %dma_start3A_112 = arith.constant 0 : i32
    %dma_start3A_113 = arith.constant 0 : i32
    %dma_start3A_114 = tpu.memref_slice %arg5[%add3A_108, %dma_start3A_112, %dma_start3A_113] : memref<4096x4x128xf32, #tpu.memory_space<hbm>> -> memref<32x4x128xf32, #tpu.memory_space<hbm>>
    tpu.enqueue_dma source(%arg8 : memref<32x4x128xf32, #tpu.memory_space<vmem>>) target(%dma_start3A_114 : memref<32x4x128xf32, #tpu.memory_space<hbm>>) target_semaphore(%arg13 : memref<!tpu.dma_semaphore, #tpu.memory_space<semaphore_mem>>)
    %parallel_loop3A_115 = arith.constant 0 : i32
    %parallel_loop3A_116 = arith.constant 32 : i32
    %parallel_loop3A_117 = arith.constant 1 : i32
    scf.for %parallel_loop3A_172 = %parallel_loop3A_115 to %parallel_loop3A_116 step %parallel_loop3A_117  : i32 {
      %parallel_loop3A_173 = arith.constant 32 : i32
      %parallel_loop3A_174 = arith.addi %parallel_loop3A_173, %parallel_loop3A_172 : i32
      %parallel_loop3A_175 = arith.index_cast %parallel_loop3A_174 : i32 to index
      %parallel_loop3A_176 = arith.constant 0 : index
      %parallel_loop3A_177 = tpu.vector_load %arg10[%parallel_loop3A_175, %parallel_loop3A_176] {strides = array<i32>} : memref<128x128xf32, #tpu.memory_space<vmem>>, vector<1x16xf32>,
      %parallel_loop3A_178 = vector.shape_cast %parallel_loop3A_177 : vector<1x16xf32> to vector<16xf32>
      %parallel_loop3A_179 = arith.constant 32 : i32
      %parallel_loop3A_180 = arith.addi %parallel_loop3A_179, %parallel_loop3A_172 : i32
      %parallel_loop3A_181 = arith.index_cast %parallel_loop3A_180 : i32 to index
      %parallel_loop3A_182 = arith.constant 16 : index
      %parallel_loop3A_183 = tpu.vector_load %arg10[%parallel_loop3A_181, %parallel_loop3A_182] {strides = array<i32>} : memref<128x128xf32, #tpu.memory_space<vmem>>, vector<1x16xf32>,
      %parallel_loop3A_184 = vector.shape_cast %parallel_loop3A_183 : vector<1x16xf32> to vector<16xf32>
      %parallel_loop3A_185 = arith.constant 32 : i32
      %parallel_loop3A_186 = arith.addi %parallel_loop3A_185, %parallel_loop3A_172 : i32
      %parallel_loop3A_187 = arith.index_cast %parallel_loop3A_186 : i32 to index
      %parallel_loop3A_188 = arith.constant 32 : index
      %parallel_loop3A_189 = tpu.vector_load %arg10[%parallel_loop3A_187, %parallel_loop3A_188] {strides = array<i32>} : memref<128x128xf32, #tpu.memory_space<vmem>>, vector<1x16xf32>,
      %parallel_loop3A_190 = vector.shape_cast %parallel_loop3A_189 : vector<1x16xf32> to vector<16xf32>
      %parallel_loop3A_191 = arith.constant 32 : i32
      %parallel_loop3A_192 = arith.addi %parallel_loop3A_191, %parallel_loop3A_172 : i32
      %parallel_loop3A_193 = arith.index_cast %parallel_loop3A_192 : i32 to index
      %parallel_loop3A_194 = arith.constant 48 : index
      %parallel_loop3A_195 = tpu.vector_load %arg10[%parallel_loop3A_193, %parallel_loop3A_194] {strides = array<i32>} : memref<128x128xf32, #tpu.memory_space<vmem>>, vector<1x16xf32>,
      %parallel_loop3A_196 = vector.shape_cast %parallel_loop3A_195 : vector<1x16xf32> to vector<16xf32>
      %parallel_loop3A_197 = arith.constant 32 : i32
      %parallel_loop3A_198 = arith.addi %parallel_loop3A_197, %parallel_loop3A_172 : i32
      %parallel_loop3A_199 = arith.index_cast %parallel_loop3A_198 : i32 to index
      %parallel_loop3A_200 = arith.constant 64 : index
      %parallel_loop3A_201 = tpu.vector_load %arg10[%parallel_loop3A_199, %parallel_loop3A_200] {strides = array<i32>} : memref<128x128xf32, #tpu.memory_space<vmem>>, vector<1x16xf32>,
      %parallel_loop3A_202 = vector.shape_cast %parallel_loop3A_201 : vector<1x16xf32> to vector<16xf32>
      %parallel_loop3A_203 = arith.constant 32 : i32
      %parallel_loop3A_204 = arith.addi %parallel_loop3A_203, %parallel_loop3A_172 : i32
      %parallel_loop3A_205 = arith.index_cast %parallel_loop3A_204 : i32 to index
      %parallel_loop3A_206 = arith.constant 80 : index
      %parallel_loop3A_207 = tpu.vector_load %arg10[%parallel_loop3A_205, %parallel_loop3A_206] {strides = array<i32>} : memref<128x128xf32, #tpu.memory_space<vmem>>, vector<1x16xf32>,
      %parallel_loop3A_208 = vector.shape_cast %parallel_loop3A_207 : vector<1x16xf32> to vector<16xf32>
      %parallel_loop3A_209 = arith.constant 32 : i32
      %parallel_loop3A_210 = arith.addi %parallel_loop3A_209, %parallel_loop3A_172 : i32
      %parallel_loop3A_211 = arith.index_cast %parallel_loop3A_210 : i32 to index
      %parallel_loop3A_212 = arith.constant 96 : index
      %parallel_loop3A_213 = tpu.vector_load %arg10[%parallel_loop3A_211, %parallel_loop3A_212] {strides = array<i32>} : memref<128x128xf32, #tpu.memory_space<vmem>>, vector<1x16xf32>,
      %parallel_loop3A_214 = vector.shape_cast %parallel_loop3A_213 : vector<1x16xf32> to vector<16xf32>
      %parallel_loop3A_215 = arith.constant 32 : i32
      %parallel_loop3A_216 = arith.addi %parallel_loop3A_215, %parallel_loop3A_172 : i32
      %parallel_loop3A_217 = arith.index_cast %parallel_loop3A_216 : i32 to index
      %parallel_loop3A_218 = arith.constant 112 : index
      %parallel_loop3A_219 = tpu.vector_load %arg10[%parallel_loop3A_217, %parallel_loop3A_218] {strides = array<i32>} : memref<128x128xf32, #tpu.memory_space<vmem>>, vector<1x16xf32>,
      %parallel_loop3A_220 = vector.shape_cast %parallel_loop3A_219 : vector<1x16xf32> to vector<16xf32>
      %parallel_loop3A_221 = arith.constant 32 : i32
      %parallel_loop3A_222 = arith.addi %parallel_loop3A_221, %parallel_loop3A_172 : i32
      %parallel_loop3A_223 = arith.constant 0 : i32
      %parallel_loop3A_224 = arith.index_cast %parallel_loop3A_223 : i32 to index
      %parallel_loop3A_225 = arith.index_cast %parallel_loop3A_222 : i32 to index
      %parallel_loop3A_226 = arith.constant 0 : index
      %parallel_loop3A_227 = tpu.vector_load %arg7[%parallel_loop3A_224, %parallel_loop3A_225, %parallel_loop3A_226] {strides = array<i32>} : memref<4x128x128xf32, #tpu.memory_space<vmem>>, vector<1x1x16xf32>,
      %parallel_loop3A_228 = vector.shape_cast %parallel_loop3A_227 : vector<1x1x16xf32> to vector<16xf32>
      %parallel_loop3A_229 = arith.constant 11.3137083 : f32
      %parallel_loop3A_230 = vector.broadcast %parallel_loop3A_229 : f32 to vector<16xf32>
      %parallel_loop3A_231 = arith.mulf %parallel_loop3A_228, %parallel_loop3A_230 : vector<16xf32>
      %parallel_loop3A_232 = arith.addf %parallel_loop3A_231, %parallel_loop3A_178 : vector<16xf32>
      %parallel_loop3A_233 = arith.constant 0 : i32
      %parallel_loop3A_234 = arith.index_cast %parallel_loop3A_172 : i32 to index
      %parallel_loop3A_235 = arith.index_cast %parallel_loop3A_233 : i32 to index
      %parallel_loop3A_236 = arith.constant 0 : index
      %parallel_loop3A_237 = tpu.vector_load %arg9[%parallel_loop3A_234, %parallel_loop3A_235, %parallel_loop3A_236] {strides = array<i32>} : memref<32x4x128xf32, #tpu.memory_space<vmem>>, vector<1x1x16xf32>,
      %parallel_loop3A_238 = vector.shape_cast %parallel_loop3A_237 : vector<1x1x16xf32> to vector<16xf32>
      %parallel_loop3A_239 = vector.shape_cast %parallel_loop3A_232 : vector<16xf32> to vector<1x1x16xf32>
      tpu.vector_store %arg9[%parallel_loop3A_234, %parallel_loop3A_235, %parallel_loop3A_236], %parallel_loop3A_239 {strides = array<i32>} : memref<32x4x128xf32, #tpu.memory_space<vmem>>, vector<1x1x16xf32>,
      %parallel_loop3A_240 = arith.constant 32 : i32
      %parallel_loop3A_241 = arith.addi %parallel_loop3A_240, %parallel_loop3A_172 : i32
      %parallel_loop3A_242 = arith.constant 0 : i32
      %parallel_loop3A_243 = arith.index_cast %parallel_loop3A_242 : i32 to index
      %parallel_loop3A_244 = arith.index_cast %parallel_loop3A_241 : i32 to index
      %parallel_loop3A_245 = arith.constant 16 : index
      %parallel_loop3A_246 = tpu.vector_load %arg7[%parallel_loop3A_243, %parallel_loop3A_244, %parallel_loop3A_245] {strides = array<i32>} : memref<4x128x128xf32, #tpu.memory_space<vmem>>, vector<1x1x16xf32>,
      %parallel_loop3A_247 = vector.shape_cast %parallel_loop3A_246 : vector<1x1x16xf32> to vector<16xf32>
      %parallel_loop3A_248 = arith.constant 11.3137083 : f32
      %parallel_loop3A_249 = vector.broadcast %parallel_loop3A_248 : f32 to vector<16xf32>
      %parallel_loop3A_250 = arith.mulf %parallel_loop3A_247, %parallel_loop3A_249 : vector<16xf32>
      %parallel_loop3A_251 = arith.addf %parallel_loop3A_250, %parallel_loop3A_184 : vector<16xf32>
      %parallel_loop3A_252 = arith.constant 0 : i32
      %parallel_loop3A_253 = arith.index_cast %parallel_loop3A_172 : i32 to index
      %parallel_loop3A_254 = arith.index_cast %parallel_loop3A_252 : i32 to index
      %parallel_loop3A_255 = arith.constant 16 : index
      %parallel_loop3A_256 = tpu.vector_load %arg9[%parallel_loop3A_253, %parallel_loop3A_254, %parallel_loop3A_255] {strides = array<i32>} : memref<32x4x128xf32, #tpu.memory_space<vmem>>, vector<1x1x16xf32>,
      %parallel_loop3A_257 = vector.shape_cast %parallel_loop3A_256 : vector<1x1x16xf32> to vector<16xf32>
      %parallel_loop3A_258 = vector.shape_cast %parallel_loop3A_251 : vector<16xf32> to vector<1x1x16xf32>
      tpu.vector_store %arg9[%parallel_loop3A_253, %parallel_loop3A_254, %parallel_loop3A_255], %parallel_loop3A_258 {strides = array<i32>} : memref<32x4x128xf32, #tpu.memory_space<vmem>>, vector<1x1x16xf32>,
      %parallel_loop3A_259 = arith.constant 32 : i32
      %parallel_loop3A_260 = arith.addi %parallel_loop3A_259, %parallel_loop3A_172 : i32
      %parallel_loop3A_261 = arith.constant 0 : i32
      %parallel_loop3A_262 = arith.index_cast %parallel_loop3A_261 : i32 to index
      %parallel_loop3A_263 = arith.index_cast %parallel_loop3A_260 : i32 to index
      %parallel_loop3A_264 = arith.constant 32 : index
      %parallel_loop3A_265 = tpu.vector_load %arg7[%parallel_loop3A_262, %parallel_loop3A_263, %parallel_loop3A_264] {strides = array<i32>} : memref<4x128x128xf32, #tpu.memory_space<vmem>>, vector<1x1x16xf32>,
      %parallel_loop3A_266 = vector.shape_cast %parallel_loop3A_265 : vector<1x1x16xf32> to vector<16xf32>
      %parallel_loop3A_267 = arith.constant 11.3137083 : f32
      %parallel_loop3A_268 = vector.broadcast %parallel_loop3A_267 : f32 to vector<16xf32>
      %parallel_loop3A_269 = arith.mulf %parallel_loop3A_266, %parallel_loop3A_268 : vector<16xf32>
      %parallel_loop3A_270 = arith.addf %parallel_loop3A_269, %parallel_loop3A_190 : vector<16xf32>
      %parallel_loop3A_271 = arith.constant 0 : i32
      %parallel_loop3A_272 = arith.index_cast %parallel_loop3A_172 : i32 to index
      %parallel_loop3A_273 = arith.index_cast %parallel_loop3A_271 : i32 to index
      %parallel_loop3A_274 = arith.constant 32 : index
      %parallel_loop3A_275 = tpu.vector_load %arg9[%parallel_loop3A_272, %parallel_loop3A_273, %parallel_loop3A_274] {strides = array<i32>} : memref<32x4x128xf32, #tpu.memory_space<vmem>>, vector<1x1x16xf32>,
      %parallel_loop3A_276 = vector.shape_cast %parallel_loop3A_275 : vector<1x1x16xf32> to vector<16xf32>
      %parallel_loop3A_277 = vector.shape_cast %parallel_loop3A_270 : vector<16xf32> to vector<1x1x16xf32>
      tpu.vector_store %arg9[%parallel_loop3A_272, %parallel_loop3A_273, %parallel_loop3A_274], %parallel_loop3A_277 {strides = array<i32>} : memref<32x4x128xf32, #tpu.memory_space<vmem>>, vector<1x1x16xf32>,
      %parallel_loop3A_278 = arith.constant 32 : i32
      %parallel_loop3A_279 = arith.addi %parallel_loop3A_278, %parallel_loop3A_172 : i32
      %parallel_loop3A_280 = arith.constant 0 : i32
      %parallel_loop3A_281 = arith.index_cast %parallel_loop3A_280 : i32 to index
      %parallel_loop3A_282 = arith.index_cast %parallel_loop3A_279 : i32 to index
      %parallel_loop3A_283 = arith.constant 48 : index
      %parallel_loop3A_284 = tpu.vector_load %arg7[%parallel_loop3A_281, %parallel_loop3A_282, %parallel_loop3A_283] {strides = array<i32>} : memref<4x128x128xf32, #tpu.memory_space<vmem>>, vector<1x1x16xf32>,
      %parallel_loop3A_285 = vector.shape_cast %parallel_loop3A_284 : vector<1x1x16xf32> to vector<16xf32>
      %parallel_loop3A_286 = arith.constant 11.3137083 : f32
      %parallel_loop3A_287 = vector.broadcast %parallel_loop3A_286 : f32 to vector<16xf32>
      %parallel_loop3A_288 = arith.mulf %parallel_loop3A_285, %parallel_loop3A_287 : vector<16xf32>
      %parallel_loop3A_289 = arith.addf %parallel_loop3A_288, %parallel_loop3A_196 : vector<16xf32>
      %parallel_loop3A_290 = arith.constant 0 : i32
      %parallel_loop3A_291 = arith.index_cast %parallel_loop3A_172 : i32 to index
      %parallel_loop3A_292 = arith.index_cast %parallel_loop3A_290 : i32 to index
      %parallel_loop3A_293 = arith.constant 48 : index
      %parallel_loop3A_294 = tpu.vector_load %arg9[%parallel_loop3A_291, %parallel_loop3A_292, %parallel_loop3A_293] {strides = array<i32>} : memref<32x4x128xf32, #tpu.memory_space<vmem>>, vector<1x1x16xf32>,
      %parallel_loop3A_295 = vector.shape_cast %parallel_loop3A_294 : vector<1x1x16xf32> to vector<16xf32>
      %parallel_loop3A_296 = vector.shape_cast %parallel_loop3A_289 : vector<16xf32> to vector<1x1x16xf32>
      tpu.vector_store %arg9[%parallel_loop3A_291, %parallel_loop3A_292, %parallel_loop3A_293], %parallel_loop3A_296 {strides = array<i32>} : memref<32x4x128xf32, #tpu.memory_space<vmem>>, vector<1x1x16xf32>,
      %parallel_loop3A_297 = arith.constant 32 : i32
      %parallel_loop3A_298 = arith.addi %parallel_loop3A_297, %parallel_loop3A_172 : i32
      %parallel_loop3A_299 = arith.constant 0 : i32
      %parallel_loop3A_300 = arith.index_cast %parallel_loop3A_299 : i32 to index
      %parallel_loop3A_301 = arith.index_cast %parallel_loop3A_298 : i32 to index
      %parallel_loop3A_302 = arith.constant 64 : index
      %parallel_loop3A_303 = tpu.vector_load %arg7[%parallel_loop3A_300, %parallel_loop3A_301, %parallel_loop3A_302] {strides = array<i32>} : memref<4x128x128xf32, #tpu.memory_space<vmem>>, vector<1x1x16xf32>,
      %parallel_loop3A_304 = vector.shape_cast %parallel_loop3A_303 : vector<1x1x16xf32> to vector<16xf32>
      %parallel_loop3A_305 = arith.constant 11.3137083 : f32
      %parallel_loop3A_306 = vector.broadcast %parallel_loop3A_305 : f32 to vector<16xf32>
      %parallel_loop3A_307 = arith.mulf %parallel_loop3A_304, %parallel_loop3A_306 : vector<16xf32>
      %parallel_loop3A_308 = arith.addf %parallel_loop3A_307, %parallel_loop3A_202 : vector<16xf32>
      %parallel_loop3A_309 = arith.constant 0 : i32
      %parallel_loop3A_310 = arith.index_cast %parallel_loop3A_172 : i32 to index
      %parallel_loop3A_311 = arith.index_cast %parallel_loop3A_309 : i32 to index
      %parallel_loop3A_312 = arith.constant 64 : index
      %parallel_loop3A_313 = tpu.vector_load %arg9[%parallel_loop3A_310, %parallel_loop3A_311, %parallel_loop3A_312] {strides = array<i32>} : memref<32x4x128xf32, #tpu.memory_space<vmem>>, vector<1x1x16xf32>,
      %parallel_loop3A_314 = vector.shape_cast %parallel_loop3A_313 : vector<1x1x16xf32> to vector<16xf32>
      %parallel_loop3A_315 = vector.shape_cast %parallel_loop3A_308 : vector<16xf32> to vector<1x1x16xf32>
      tpu.vector_store %arg9[%parallel_loop3A_310, %parallel_loop3A_311, %parallel_loop3A_312], %parallel_loop3A_315 {strides = array<i32>} : memref<32x4x128xf32, #tpu.memory_space<vmem>>, vector<1x1x16xf32>,
      %parallel_loop3A_316 = arith.constant 32 : i32
      %parallel_loop3A_317 = arith.addi %parallel_loop3A_316, %parallel_loop3A_172 : i32
      %parallel_loop3A_318 = arith.constant 0 : i32
      %parallel_loop3A_319 = arith.index_cast %parallel_loop3A_318 : i32 to index
      %parallel_loop3A_320 = arith.index_cast %parallel_loop3A_317 : i32 to index
      %parallel_loop3A_321 = arith.constant 80 : index
      %parallel_loop3A_322 = tpu.vector_load %arg7[%parallel_loop3A_319, %parallel_loop3A_320, %parallel_loop3A_321] {strides = array<i32>} : memref<4x128x128xf32, #tpu.memory_space<vmem>>, vector<1x1x16xf32>,
      %parallel_loop3A_323 = vector.shape_cast %parallel_loop3A_322 : vector<1x1x16xf32> to vector<16xf32>
      %parallel_loop3A_324 = arith.constant 11.3137083 : f32
      %parallel_loop3A_325 = vector.broadcast %parallel_loop3A_324 : f32 to vector<16xf32>
      %parallel_loop3A_326 = arith.mulf %parallel_loop3A_323, %parallel_loop3A_325 : vector<16xf32>
      %parallel_loop3A_327 = arith.addf %parallel_loop3A_326, %parallel_loop3A_208 : vector<16xf32>
      %parallel_loop3A_328 = arith.constant 0 : i32
      %parallel_loop3A_329 = arith.index_cast %parallel_loop3A_172 : i32 to index
      %parallel_loop3A_330 = arith.index_cast %parallel_loop3A_328 : i32 to index
      %parallel_loop3A_331 = arith.constant 80 : index
      %parallel_loop3A_332 = tpu.vector_load %arg9[%parallel_loop3A_329, %parallel_loop3A_330, %parallel_loop3A_331] {strides = array<i32>} : memref<32x4x128xf32, #tpu.memory_space<vmem>>, vector<1x1x16xf32>,
      %parallel_loop3A_333 = vector.shape_cast %parallel_loop3A_332 : vector<1x1x16xf32> to vector<16xf32>
      %parallel_loop3A_334 = vector.shape_cast %parallel_loop3A_327 : vector<16xf32> to vector<1x1x16xf32>
      tpu.vector_store %arg9[%parallel_loop3A_329, %parallel_loop3A_330, %parallel_loop3A_331], %parallel_loop3A_334 {strides = array<i32>} : memref<32x4x128xf32, #tpu.memory_space<vmem>>, vector<1x1x16xf32>,
      %parallel_loop3A_335 = arith.constant 32 : i32
      %parallel_loop3A_336 = arith.addi %parallel_loop3A_335, %parallel_loop3A_172 : i32
      %parallel_loop3A_337 = arith.constant 0 : i32
      %parallel_loop3A_338 = arith.index_cast %parallel_loop3A_337 : i32 to index
      %parallel_loop3A_339 = arith.index_cast %parallel_loop3A_336 : i32 to index
      %parallel_loop3A_340 = arith.constant 96 : index
      %parallel_loop3A_341 = tpu.vector_load %arg7[%parallel_loop3A_338, %parallel_loop3A_339, %parallel_loop3A_340] {strides = array<i32>} : memref<4x128x128xf32, #tpu.memory_space<vmem>>, vector<1x1x16xf32>,
      %parallel_loop3A_342 = vector.shape_cast %parallel_loop3A_341 : vector<1x1x16xf32> to vector<16xf32>
      %parallel_loop3A_343 = arith.constant 11.3137083 : f32
      %parallel_loop3A_344 = vector.broadcast %parallel_loop3A_343 : f32 to vector<16xf32>
      %parallel_loop3A_345 = arith.mulf %parallel_loop3A_342, %parallel_loop3A_344 : vector<16xf32>
      %parallel_loop3A_346 = arith.addf %parallel_loop3A_345, %parallel_loop3A_214 : vector<16xf32>
      %parallel_loop3A_347 = arith.constant 0 : i32
      %parallel_loop3A_348 = arith.index_cast %parallel_loop3A_172 : i32 to index
      %parallel_loop3A_349 = arith.index_cast %parallel_loop3A_347 : i32 to index
      %parallel_loop3A_350 = arith.constant 96 : index
      %parallel_loop3A_351 = tpu.vector_load %arg9[%parallel_loop3A_348, %parallel_loop3A_349, %parallel_loop3A_350] {strides = array<i32>} : memref<32x4x128xf32, #tpu.memory_space<vmem>>, vector<1x1x16xf32>,
      %parallel_loop3A_352 = vector.shape_cast %parallel_loop3A_351 : vector<1x1x16xf32> to vector<16xf32>
      %parallel_loop3A_353 = vector.shape_cast %parallel_loop3A_346 : vector<16xf32> to vector<1x1x16xf32>
      tpu.vector_store %arg9[%parallel_loop3A_348, %parallel_loop3A_349, %parallel_loop3A_350], %parallel_loop3A_353 {strides = array<i32>} : memref<32x4x128xf32, #tpu.memory_space<vmem>>, vector<1x1x16xf32>,
      %parallel_loop3A_354 = arith.constant 32 : i32
      %parallel_loop3A_355 = arith.addi %parallel_loop3A_354, %parallel_loop3A_172 : i32
      %parallel_loop3A_356 = arith.constant 0 : i32
      %parallel_loop3A_357 = arith.index_cast %parallel_loop3A_356 : i32 to index
      %parallel_loop3A_358 = arith.index_cast %parallel_loop3A_355 : i32 to index
      %parallel_loop3A_359 = arith.constant 112 : index
      %parallel_loop3A_360 = tpu.vector_load %arg7[%parallel_loop3A_357, %parallel_loop3A_358, %parallel_loop3A_359] {strides = array<i32>} : memref<4x128x128xf32, #tpu.memory_space<vmem>>, vector<1x1x16xf32>,
      %parallel_loop3A_361 = vector.shape_cast %parallel_loop3A_360 : vector<1x1x16xf32> to vector<16xf32>
      %parallel_loop3A_362 = arith.constant 11.3137083 : f32
      %parallel_loop3A_363 = vector.broadcast %parallel_loop3A_362 : f32 to vector<16xf32>
      %parallel_loop3A_364 = arith.mulf %parallel_loop3A_361, %parallel_loop3A_363 : vector<16xf32>
      %parallel_loop3A_365 = arith.addf %parallel_loop3A_364, %parallel_loop3A_220 : vector<16xf32>
      %parallel_loop3A_366 = arith.constant 0 : i32
      %parallel_loop3A_367 = arith.index_cast %parallel_loop3A_172 : i32 to index
      %parallel_loop3A_368 = arith.index_cast %parallel_loop3A_366 : i32 to index
      %parallel_loop3A_369 = arith.constant 112 : index
      %parallel_loop3A_370 = tpu.vector_load %arg9[%parallel_loop3A_367, %parallel_loop3A_368, %parallel_loop3A_369] {strides = array<i32>} : memref<32x4x128xf32, #tpu.memory_space<vmem>>, vector<1x1x16xf32>,
      %parallel_loop3A_371 = vector.shape_cast %parallel_loop3A_370 : vector<1x1x16xf32> to vector<16xf32>
      %parallel_loop3A_372 = vector.shape_cast %parallel_loop3A_365 : vector<16xf32> to vector<1x1x16xf32>
      tpu.vector_store %arg9[%parallel_loop3A_367, %parallel_loop3A_368, %parallel_loop3A_369], %parallel_loop3A_372 {strides = array<i32>} : memref<32x4x128xf32, #tpu.memory_space<vmem>>, vector<1x1x16xf32>,
      %parallel_loop3A_373 = arith.constant 32 : i32
      %parallel_loop3A_374 = arith.addi %parallel_loop3A_373, %parallel_loop3A_172 : i32
      %parallel_loop3A_375 = arith.constant 1 : i32
      %parallel_loop3A_376 = arith.index_cast %parallel_loop3A_375 : i32 to index
      %parallel_loop3A_377 = arith.index_cast %parallel_loop3A_374 : i32 to index
      %parallel_loop3A_378 = arith.constant 0 : index
      %parallel_loop3A_379 = tpu.vector_load %arg7[%parallel_loop3A_376, %parallel_loop3A_377, %parallel_loop3A_378] {strides = array<i32>} : memref<4x128x128xf32, #tpu.memory_space<vmem>>, vector<1x1x16xf32>,
      %parallel_loop3A_380 = vector.shape_cast %parallel_loop3A_379 : vector<1x1x16xf32> to vector<16xf32>
      %parallel_loop3A_381 = arith.constant 11.3137083 : f32
      %parallel_loop3A_382 = vector.broadcast %parallel_loop3A_381 : f32 to vector<16xf32>
      %parallel_loop3A_383 = arith.mulf %parallel_loop3A_380, %parallel_loop3A_382 : vector<16xf32>
      %parallel_loop3A_384 = arith.addf %parallel_loop3A_383, %parallel_loop3A_178 : vector<16xf32>
      %parallel_loop3A_385 = arith.constant 1 : i32
      %parallel_loop3A_386 = arith.index_cast %parallel_loop3A_172 : i32 to index
      %parallel_loop3A_387 = arith.index_cast %parallel_loop3A_385 : i32 to index
      %parallel_loop3A_388 = arith.constant 0 : index
      %parallel_loop3A_389 = tpu.vector_load %arg9[%parallel_loop3A_386, %parallel_loop3A_387, %parallel_loop3A_388] {strides = array<i32>} : memref<32x4x128xf32, #tpu.memory_space<vmem>>, vector<1x1x16xf32>,
      %parallel_loop3A_390 = vector.shape_cast %parallel_loop3A_389 : vector<1x1x16xf32> to vector<16xf32>
      %parallel_loop3A_391 = vector.shape_cast %parallel_loop3A_384 : vector<16xf32> to vector<1x1x16xf32>
      tpu.vector_store %arg9[%parallel_loop3A_386, %parallel_loop3A_387, %parallel_loop3A_388], %parallel_loop3A_391 {strides = array<i32>} : memref<32x4x128xf32, #tpu.memory_space<vmem>>, vector<1x1x16xf32>,
      %parallel_loop3A_392 = arith.constant 32 : i32
      %parallel_loop3A_393 = arith.addi %parallel_loop3A_392, %parallel_loop3A_172 : i32
      %parallel_loop3A_394 = arith.constant 1 : i32
      %parallel_loop3A_395 = arith.index_cast %parallel_loop3A_394 : i32 to index
      %parallel_loop3A_396 = arith.index_cast %parallel_loop3A_393 : i32 to index
      %parallel_loop3A_397 = arith.constant 16 : index
      %parallel_loop3A_398 = tpu.vector_load %arg7[%parallel_loop3A_395, %parallel_loop3A_396, %parallel_loop3A_397] {strides = array<i32>} : memref<4x128x128xf32, #tpu.memory_space<vmem>>, vector<1x1x16xf32>,
      %parallel_loop3A_399 = vector.shape_cast %parallel_loop3A_398 : vector<1x1x16xf32> to vector<16xf32>
      %parallel_loop3A_400 = arith.constant 11.3137083 : f32
      %parallel_loop3A_401 = vector.broadcast %parallel_loop3A_400 : f32 to vector<16xf32>
      %parallel_loop3A_402 = arith.mulf %parallel_loop3A_399, %parallel_loop3A_401 : vector<16xf32>
      %parallel_loop3A_403 = arith.addf %parallel_loop3A_402, %parallel_loop3A_184 : vector<16xf32>
      %parallel_loop3A_404 = arith.constant 1 : i32
      %parallel_loop3A_405 = arith.index_cast %parallel_loop3A_172 : i32 to index
      %parallel_loop3A_406 = arith.index_cast %parallel_loop3A_404 : i32 to index
      %parallel_loop3A_407 = arith.constant 16 : index
      %parallel_loop3A_408 = tpu.vector_load %arg9[%parallel_loop3A_405, %parallel_loop3A_406, %parallel_loop3A_407] {strides = array<i32>} : memref<32x4x128xf32, #tpu.memory_space<vmem>>, vector<1x1x16xf32>,
      %parallel_loop3A_409 = vector.shape_cast %parallel_loop3A_408 : vector<1x1x16xf32> to vector<16xf32>
      %parallel_loop3A_410 = vector.shape_cast %parallel_loop3A_403 : vector<16xf32> to vector<1x1x16xf32>
      tpu.vector_store %arg9[%parallel_loop3A_405, %parallel_loop3A_406, %parallel_loop3A_407], %parallel_loop3A_410 {strides = array<i32>} : memref<32x4x128xf32, #tpu.memory_space<vmem>>, vector<1x1x16xf32>,
      %parallel_loop3A_411 = arith.constant 32 : i32
      %parallel_loop3A_412 = arith.addi %parallel_loop3A_411, %parallel_loop3A_172 : i32
      %parallel_loop3A_413 = arith.constant 1 : i32
      %parallel_loop3A_414 = arith.index_cast %parallel_loop3A_413 : i32 to index
      %parallel_loop3A_415 = arith.index_cast %parallel_loop3A_412 : i32 to index
      %parallel_loop3A_416 = arith.constant 32 : index
      %parallel_loop3A_417 = tpu.vector_load %arg7[%parallel_loop3A_414, %parallel_loop3A_415, %parallel_loop3A_416] {strides = array<i32>} : memref<4x128x128xf32, #tpu.memory_space<vmem>>, vector<1x1x16xf32>,
      %parallel_loop3A_418 = vector.shape_cast %parallel_loop3A_417 : vector<1x1x16xf32> to vector<16xf32>
      %parallel_loop3A_419 = arith.constant 11.3137083 : f32
      %parallel_loop3A_420 = vector.broadcast %parallel_loop3A_419 : f32 to vector<16xf32>
      %parallel_loop3A_421 = arith.mulf %parallel_loop3A_418, %parallel_loop3A_420 : vector<16xf32>
      %parallel_loop3A_422 = arith.addf %parallel_loop3A_421, %parallel_loop3A_190 : vector<16xf32>
      %parallel_loop3A_423 = arith.constant 1 : i32
      %parallel_loop3A_424 = arith.index_cast %parallel_loop3A_172 : i32 to index
      %parallel_loop3A_425 = arith.index_cast %parallel_loop3A_423 : i32 to index
      %parallel_loop3A_426 = arith.constant 32 : index
      %parallel_loop3A_427 = tpu.vector_load %arg9[%parallel_loop3A_424, %parallel_loop3A_425, %parallel_loop3A_426] {strides = array<i32>} : memref<32x4x128xf32, #tpu.memory_space<vmem>>, vector<1x1x16xf32>,
      %parallel_loop3A_428 = vector.shape_cast %parallel_loop3A_427 : vector<1x1x16xf32> to vector<16xf32>
      %parallel_loop3A_429 = vector.shape_cast %parallel_loop3A_422 : vector<16xf32> to vector<1x1x16xf32>
      tpu.vector_store %arg9[%parallel_loop3A_424, %parallel_loop3A_425, %parallel_loop3A_426], %parallel_loop3A_429 {strides = array<i32>} : memref<32x4x128xf32, #tpu.memory_space<vmem>>, vector<1x1x16xf32>,
      %parallel_loop3A_430 = arith.constant 32 : i32
      %parallel_loop3A_431 = arith.addi %parallel_loop3A_430, %parallel_loop3A_172 : i32
      %parallel_loop3A_432 = arith.constant 1 : i32
      %parallel_loop3A_433 = arith.index_cast %parallel_loop3A_432 : i32 to index
      %parallel_loop3A_434 = arith.index_cast %parallel_loop3A_431 : i32 to index
      %parallel_loop3A_435 = arith.constant 48 : index
      %parallel_loop3A_436 = tpu.vector_load %arg7[%parallel_loop3A_433, %parallel_loop3A_434, %parallel_loop3A_435] {strides = array<i32>} : memref<4x128x128xf32, #tpu.memory_space<vmem>>, vector<1x1x16xf32>,
      %parallel_loop3A_437 = vector.shape_cast %parallel_loop3A_436 : vector<1x1x16xf32> to vector<16xf32>
      %parallel_loop3A_438 = arith.constant 11.3137083 : f32
      %parallel_loop3A_439 = vector.broadcast %parallel_loop3A_438 : f32 to vector<16xf32>
      %parallel_loop3A_440 = arith.mulf %parallel_loop3A_437, %parallel_loop3A_439 : vector<16xf32>
      %parallel_loop3A_441 = arith.addf %parallel_loop3A_440, %parallel_loop3A_196 : vector<16xf32>
      %parallel_loop3A_442 = arith.constant 1 : i32
      %parallel_loop3A_443 = arith.index_cast %parallel_loop3A_172 : i32 to index
      %parallel_loop3A_444 = arith.index_cast %parallel_loop3A_442 : i32 to index
      %parallel_loop3A_445 = arith.constant 48 : index
      %parallel_loop3A_446 = tpu.vector_load %arg9[%parallel_loop3A_443, %parallel_loop3A_444, %parallel_loop3A_445] {strides = array<i32>} : memref<32x4x128xf32, #tpu.memory_space<vmem>>, vector<1x1x16xf32>,
      %parallel_loop3A_447 = vector.shape_cast %parallel_loop3A_446 : vector<1x1x16xf32> to vector<16xf32>
      %parallel_loop3A_448 = vector.shape_cast %parallel_loop3A_441 : vector<16xf32> to vector<1x1x16xf32>
      tpu.vector_store %arg9[%parallel_loop3A_443, %parallel_loop3A_444, %parallel_loop3A_445], %parallel_loop3A_448 {strides = array<i32>} : memref<32x4x128xf32, #tpu.memory_space<vmem>>, vector<1x1x16xf32>,
      %parallel_loop3A_449 = arith.constant 32 : i32
      %parallel_loop3A_450 = arith.addi %parallel_loop3A_449, %parallel_loop3A_172 : i32
      %parallel_loop3A_451 = arith.constant 1 : i32
      %parallel_loop3A_452 = arith.index_cast %parallel_loop3A_451 : i32 to index
      %parallel_loop3A_453 = arith.index_cast %parallel_loop3A_450 : i32 to index
      %parallel_loop3A_454 = arith.constant 64 : index
      %parallel_loop3A_455 = tpu.vector_load %arg7[%parallel_loop3A_452, %parallel_loop3A_453, %parallel_loop3A_454] {strides = array<i32>} : memref<4x128x128xf32, #tpu.memory_space<vmem>>, vector<1x1x16xf32>,
      %parallel_loop3A_456 = vector.shape_cast %parallel_loop3A_455 : vector<1x1x16xf32> to vector<16xf32>
      %parallel_loop3A_457 = arith.constant 11.3137083 : f32
      %parallel_loop3A_458 = vector.broadcast %parallel_loop3A_457 : f32 to vector<16xf32>
      %parallel_loop3A_459 = arith.mulf %parallel_loop3A_456, %parallel_loop3A_458 : vector<16xf32>
      %parallel_loop3A_460 = arith.addf %parallel_loop3A_459, %parallel_loop3A_202 : vector<16xf32>
      %parallel_loop3A_461 = arith.constant 1 : i32
      %parallel_loop3A_462 = arith.index_cast %parallel_loop3A_172 : i32 to index
      %parallel_loop3A_463 = arith.index_cast %parallel_loop3A_461 : i32 to index
      %parallel_loop3A_464 = arith.constant 64 : index
      %parallel_loop3A_465 = tpu.vector_load %arg9[%parallel_loop3A_462, %parallel_loop3A_463, %parallel_loop3A_464] {strides = array<i32>} : memref<32x4x128xf32, #tpu.memory_space<vmem>>, vector<1x1x16xf32>,
      %parallel_loop3A_466 = vector.shape_cast %parallel_loop3A_465 : vector<1x1x16xf32> to vector<16xf32>
      %parallel_loop3A_467 = vector.shape_cast %parallel_loop3A_460 : vector<16xf32> to vector<1x1x16xf32>
      tpu.vector_store %arg9[%parallel_loop3A_462, %parallel_loop3A_463, %parallel_loop3A_464], %parallel_loop3A_467 {strides = array<i32>} : memref<32x4x128xf32, #tpu.memory_space<vmem>>, vector<1x1x16xf32>,
      %parallel_loop3A_468 = arith.constant 32 : i32
      %parallel_loop3A_469 = arith.addi %parallel_loop3A_468, %parallel_loop3A_172 : i32
      %parallel_loop3A_470 = arith.constant 1 : i32
      %parallel_loop3A_471 = arith.index_cast %parallel_loop3A_470 : i32 to index
      %parallel_loop3A_472 = arith.index_cast %parallel_loop3A_469 : i32 to index
      %parallel_loop3A_473 = arith.constant 80 : index
      %parallel_loop3A_474 = tpu.vector_load %arg7[%parallel_loop3A_471, %parallel_loop3A_472, %parallel_loop3A_473] {strides = array<i32>} : memref<4x128x128xf32, #tpu.memory_space<vmem>>, vector<1x1x16xf32>,
      %parallel_loop3A_475 = vector.shape_cast %parallel_loop3A_474 : vector<1x1x16xf32> to vector<16xf32>
      %parallel_loop3A_476 = arith.constant 11.3137083 : f32
      %parallel_loop3A_477 = vector.broadcast %parallel_loop3A_476 : f32 to vector<16xf32>
      %parallel_loop3A_478 = arith.mulf %parallel_loop3A_475, %parallel_loop3A_477 : vector<16xf32>
      %parallel_loop3A_479 = arith.addf %parallel_loop3A_478, %parallel_loop3A_208 : vector<16xf32>
      %parallel_loop3A_480 = arith.constant 1 : i32
      %parallel_loop3A_481 = arith.index_cast %parallel_loop3A_172 : i32 to index
      %parallel_loop3A_482 = arith.index_cast %parallel_loop3A_480 : i32 to index
      %parallel_loop3A_483 = arith.constant 80 : index
      %parallel_loop3A_484 = tpu.vector_load %arg9[%parallel_loop3A_481, %parallel_loop3A_482, %parallel_loop3A_483] {strides = array<i32>} : memref<32x4x128xf32, #tpu.memory_space<vmem>>, vector<1x1x16xf32>,
      %parallel_loop3A_485 = vector.shape_cast %parallel_loop3A_484 : vector<1x1x16xf32> to vector<16xf32>
      %parallel_loop3A_486 = vector.shape_cast %parallel_loop3A_479 : vector<16xf32> to vector<1x1x16xf32>
      tpu.vector_store %arg9[%parallel_loop3A_481, %parallel_loop3A_482, %parallel_loop3A_483], %parallel_loop3A_486 {strides = array<i32>} : memref<32x4x128xf32, #tpu.memory_space<vmem>>, vector<1x1x16xf32>,
      %parallel_loop3A_487 = arith.constant 32 : i32
      %parallel_loop3A_488 = arith.addi %parallel_loop3A_487, %parallel_loop3A_172 : i32
      %parallel_loop3A_489 = arith.constant 1 : i32
      %parallel_loop3A_490 = arith.index_cast %parallel_loop3A_489 : i32 to index
      %parallel_loop3A_491 = arith.index_cast %parallel_loop3A_488 : i32 to index
      %parallel_loop3A_492 = arith.constant 96 : index
      %parallel_loop3A_493 = tpu.vector_load %arg7[%parallel_loop3A_490, %parallel_loop3A_491, %parallel_loop3A_492] {strides = array<i32>} : memref<4x128x128xf32, #tpu.memory_space<vmem>>, vector<1x1x16xf32>,
      %parallel_loop3A_494 = vector.shape_cast %parallel_loop3A_493 : vector<1x1x16xf32> to vector<16xf32>
      %parallel_loop3A_495 = arith.constant 11.3137083 : f32
      %parallel_loop3A_496 = vector.broadcast %parallel_loop3A_495 : f32 to vector<16xf32>
      %parallel_loop3A_497 = arith.mulf %parallel_loop3A_494, %parallel_loop3A_496 : vector<16xf32>
      %parallel_loop3A_498 = arith.addf %parallel_loop3A_497, %parallel_loop3A_214 : vector<16xf32>
      %parallel_loop3A_499 = arith.constant 1 : i32
      %parallel_loop3A_500 = arith.index_cast %parallel_loop3A_172 : i32 to index
      %parallel_loop3A_501 = arith.index_cast %parallel_loop3A_499 : i32 to index
      %parallel_loop3A_502 = arith.constant 96 : index
      %parallel_loop3A_503 = tpu.vector_load %arg9[%parallel_loop3A_500, %parallel_loop3A_501, %parallel_loop3A_502] {strides = array<i32>} : memref<32x4x128xf32, #tpu.memory_space<vmem>>, vector<1x1x16xf32>,
      %parallel_loop3A_504 = vector.shape_cast %parallel_loop3A_503 : vector<1x1x16xf32> to vector<16xf32>
      %parallel_loop3A_505 = vector.shape_cast %parallel_loop3A_498 : vector<16xf32> to vector<1x1x16xf32>
      tpu.vector_store %arg9[%parallel_loop3A_500, %parallel_loop3A_501, %parallel_loop3A_502], %parallel_loop3A_505 {strides = array<i32>} : memref<32x4x128xf32, #tpu.memory_space<vmem>>, vector<1x1x16xf32>,
      %parallel_loop3A_506 = arith.constant 32 : i32
      %parallel_loop3A_507 = arith.addi %parallel_loop3A_506, %parallel_loop3A_172 : i32
      %parallel_loop3A_508 = arith.constant 1 : i32
      %parallel_loop3A_509 = arith.index_cast %parallel_loop3A_508 : i32 to index
      %parallel_loop3A_510 = arith.index_cast %parallel_loop3A_507 : i32 to index
      %parallel_loop3A_511 = arith.constant 112 : index
      %parallel_loop3A_512 = tpu.vector_load %arg7[%parallel_loop3A_509, %parallel_loop3A_510, %parallel_loop3A_511] {strides = array<i32>} : memref<4x128x128xf32, #tpu.memory_space<vmem>>, vector<1x1x16xf32>,
      %parallel_loop3A_513 = vector.shape_cast %parallel_loop3A_512 : vector<1x1x16xf32> to vector<16xf32>
      %parallel_loop3A_514 = arith.constant 11.3137083 : f32
      %parallel_loop3A_515 = vector.broadcast %parallel_loop3A_514 : f32 to vector<16xf32>
      %parallel_loop3A_516 = arith.mulf %parallel_loop3A_513, %parallel_loop3A_515 : vector<16xf32>
      %parallel_loop3A_517 = arith.addf %parallel_loop3A_516, %parallel_loop3A_220 : vector<16xf32>
      %parallel_loop3A_518 = arith.constant 1 : i32
      %parallel_loop3A_519 = arith.index_cast %parallel_loop3A_172 : i32 to index
      %parallel_loop3A_520 = arith.index_cast %parallel_loop3A_518 : i32 to index
      %parallel_loop3A_521 = arith.constant 112 : index
      %parallel_loop3A_522 = tpu.vector_load %arg9[%parallel_loop3A_519, %parallel_loop3A_520, %parallel_loop3A_521] {strides = array<i32>} : memref<32x4x128xf32, #tpu.memory_space<vmem>>, vector<1x1x16xf32>,
      %parallel_loop3A_523 = vector.shape_cast %parallel_loop3A_522 : vector<1x1x16xf32> to vector<16xf32>
      %parallel_loop3A_524 = vector.shape_cast %parallel_loop3A_517 : vector<16xf32> to vector<1x1x16xf32>
      tpu.vector_store %arg9[%parallel_loop3A_519, %parallel_loop3A_520, %parallel_loop3A_521], %parallel_loop3A_524 {strides = array<i32>} : memref<32x4x128xf32, #tpu.memory_space<vmem>>, vector<1x1x16xf32>,
      %parallel_loop3A_525 = arith.constant 32 : i32
      %parallel_loop3A_526 = arith.addi %parallel_loop3A_525, %parallel_loop3A_172 : i32
      %parallel_loop3A_527 = arith.constant 2 : i32
      %parallel_loop3A_528 = arith.index_cast %parallel_loop3A_527 : i32 to index
      %parallel_loop3A_529 = arith.index_cast %parallel_loop3A_526 : i32 to index
      %parallel_loop3A_530 = arith.constant 0 : index
      %parallel_loop3A_531 = tpu.vector_load %arg7[%parallel_loop3A_528, %parallel_loop3A_529, %parallel_loop3A_530] {strides = array<i32>} : memref<4x128x128xf32, #tpu.memory_space<vmem>>, vector<1x1x16xf32>,
      %parallel_loop3A_532 = vector.shape_cast %parallel_loop3A_531 : vector<1x1x16xf32> to vector<16xf32>
      %parallel_loop3A_533 = arith.constant 11.3137083 : f32
      %parallel_loop3A_534 = vector.broadcast %parallel_loop3A_533 : f32 to vector<16xf32>
      %parallel_loop3A_535 = arith.mulf %parallel_loop3A_532, %parallel_loop3A_534 : vector<16xf32>
      %parallel_loop3A_536 = arith.addf %parallel_loop3A_535, %parallel_loop3A_178 : vector<16xf32>
      %parallel_loop3A_537 = arith.constant 2 : i32
      %parallel_loop3A_538 = arith.index_cast %parallel_loop3A_172 : i32 to index
      %parallel_loop3A_539 = arith.index_cast %parallel_loop3A_537 : i32 to index
      %parallel_loop3A_540 = arith.constant 0 : index
      %parallel_loop3A_541 = tpu.vector_load %arg9[%parallel_loop3A_538, %parallel_loop3A_539, %parallel_loop3A_540] {strides = array<i32>} : memref<32x4x128xf32, #tpu.memory_space<vmem>>, vector<1x1x16xf32>,
      %parallel_loop3A_542 = vector.shape_cast %parallel_loop3A_541 : vector<1x1x16xf32> to vector<16xf32>
      %parallel_loop3A_543 = vector.shape_cast %parallel_loop3A_536 : vector<16xf32> to vector<1x1x16xf32>
      tpu.vector_store %arg9[%parallel_loop3A_538, %parallel_loop3A_539, %parallel_loop3A_540], %parallel_loop3A_543 {strides = array<i32>} : memref<32x4x128xf32, #tpu.memory_space<vmem>>, vector<1x1x16xf32>,
      %parallel_loop3A_544 = arith.constant 32 : i32
      %parallel_loop3A_545 = arith.addi %parallel_loop3A_544, %parallel_loop3A_172 : i32
      %parallel_loop3A_546 = arith.constant 2 : i32
      %parallel_loop3A_547 = arith.index_cast %parallel_loop3A_546 : i32 to index
      %parallel_loop3A_548 = arith.index_cast %parallel_loop3A_545 : i32 to index
      %parallel_loop3A_549 = arith.constant 16 : index
      %parallel_loop3A_550 = tpu.vector_load %arg7[%parallel_loop3A_547, %parallel_loop3A_548, %parallel_loop3A_549] {strides = array<i32>} : memref<4x128x128xf32, #tpu.memory_space<vmem>>, vector<1x1x16xf32>,
      %parallel_loop3A_551 = vector.shape_cast %parallel_loop3A_550 : vector<1x1x16xf32> to vector<16xf32>
      %parallel_loop3A_552 = arith.constant 11.3137083 : f32
      %parallel_loop3A_553 = vector.broadcast %parallel_loop3A_552 : f32 to vector<16xf32>
      %parallel_loop3A_554 = arith.mulf %parallel_loop3A_551, %parallel_loop3A_553 : vector<16xf32>
      %parallel_loop3A_555 = arith.addf %parallel_loop3A_554, %parallel_loop3A_184 : vector<16xf32>
      %parallel_loop3A_556 = arith.constant 2 : i32
      %parallel_loop3A_557 = arith.index_cast %parallel_loop3A_172 : i32 to index
      %parallel_loop3A_558 = arith.index_cast %parallel_loop3A_556 : i32 to index
      %parallel_loop3A_559 = arith.constant 16 : index
      %parallel_loop3A_560 = tpu.vector_load %arg9[%parallel_loop3A_557, %parallel_loop3A_558, %parallel_loop3A_559] {strides = array<i32>} : memref<32x4x128xf32, #tpu.memory_space<vmem>>, vector<1x1x16xf32>,
      %parallel_loop3A_561 = vector.shape_cast %parallel_loop3A_560 : vector<1x1x16xf32> to vector<16xf32>
      %parallel_loop3A_562 = vector.shape_cast %parallel_loop3A_555 : vector<16xf32> to vector<1x1x16xf32>
      tpu.vector_store %arg9[%parallel_loop3A_557, %parallel_loop3A_558, %parallel_loop3A_559], %parallel_loop3A_562 {strides = array<i32>} : memref<32x4x128xf32, #tpu.memory_space<vmem>>, vector<1x1x16xf32>,
      %parallel_loop3A_563 = arith.constant 32 : i32
      %parallel_loop3A_564 = arith.addi %parallel_loop3A_563, %parallel_loop3A_172 : i32
      %parallel_loop3A_565 = arith.constant 2 : i32
      %parallel_loop3A_566 = arith.index_cast %parallel_loop3A_565 : i32 to index
      %parallel_loop3A_567 = arith.index_cast %parallel_loop3A_564 : i32 to index
      %parallel_loop3A_568 = arith.constant 32 : index
      %parallel_loop3A_569 = tpu.vector_load %arg7[%parallel_loop3A_566, %parallel_loop3A_567, %parallel_loop3A_568] {strides = array<i32>} : memref<4x128x128xf32, #tpu.memory_space<vmem>>, vector<1x1x16xf32>,
      %parallel_loop3A_570 = vector.shape_cast %parallel_loop3A_569 : vector<1x1x16xf32> to vector<16xf32>
      %parallel_loop3A_571 = arith.constant 11.3137083 : f32
      %parallel_loop3A_572 = vector.broadcast %parallel_loop3A_571 : f32 to vector<16xf32>
      %parallel_loop3A_573 = arith.mulf %parallel_loop3A_570, %parallel_loop3A_572 : vector<16xf32>
      %parallel_loop3A_574 = arith.addf %parallel_loop3A_573, %parallel_loop3A_190 : vector<16xf32>
      %parallel_loop3A_575 = arith.constant 2 : i32
      %parallel_loop3A_576 = arith.index_cast %parallel_loop3A_172 : i32 to index
      %parallel_loop3A_577 = arith.index_cast %parallel_loop3A_575 : i32 to index
      %parallel_loop3A_578 = arith.constant 32 : index
      %parallel_loop3A_579 = tpu.vector_load %arg9[%parallel_loop3A_576, %parallel_loop3A_577, %parallel_loop3A_578] {strides = array<i32>} : memref<32x4x128xf32, #tpu.memory_space<vmem>>, vector<1x1x16xf32>,
      %parallel_loop3A_580 = vector.shape_cast %parallel_loop3A_579 : vector<1x1x16xf32> to vector<16xf32>
      %parallel_loop3A_581 = vector.shape_cast %parallel_loop3A_574 : vector<16xf32> to vector<1x1x16xf32>
      tpu.vector_store %arg9[%parallel_loop3A_576, %parallel_loop3A_577, %parallel_loop3A_578], %parallel_loop3A_581 {strides = array<i32>} : memref<32x4x128xf32, #tpu.memory_space<vmem>>, vector<1x1x16xf32>,
      %parallel_loop3A_582 = arith.constant 32 : i32
      %parallel_loop3A_583 = arith.addi %parallel_loop3A_582, %parallel_loop3A_172 : i32
      %parallel_loop3A_584 = arith.constant 2 : i32
      %parallel_loop3A_585 = arith.index_cast %parallel_loop3A_584 : i32 to index
      %parallel_loop3A_586 = arith.index_cast %parallel_loop3A_583 : i32 to index
      %parallel_loop3A_587 = arith.constant 48 : index
      %parallel_loop3A_588 = tpu.vector_load %arg7[%parallel_loop3A_585, %parallel_loop3A_586, %parallel_loop3A_587] {strides = array<i32>} : memref<4x128x128xf32, #tpu.memory_space<vmem>>, vector<1x1x16xf32>,
      %parallel_loop3A_589 = vector.shape_cast %parallel_loop3A_588 : vector<1x1x16xf32> to vector<16xf32>
      %parallel_loop3A_590 = arith.constant 11.3137083 : f32
      %parallel_loop3A_591 = vector.broadcast %parallel_loop3A_590 : f32 to vector<16xf32>
      %parallel_loop3A_592 = arith.mulf %parallel_loop3A_589, %parallel_loop3A_591 : vector<16xf32>
      %parallel_loop3A_593 = arith.addf %parallel_loop3A_592, %parallel_loop3A_196 : vector<16xf32>
      %parallel_loop3A_594 = arith.constant 2 : i32
      %parallel_loop3A_595 = arith.index_cast %parallel_loop3A_172 : i32 to index
      %parallel_loop3A_596 = arith.index_cast %parallel_loop3A_594 : i32 to index
      %parallel_loop3A_597 = arith.constant 48 : index
      %parallel_loop3A_598 = tpu.vector_load %arg9[%parallel_loop3A_595, %parallel_loop3A_596, %parallel_loop3A_597] {strides = array<i32>} : memref<32x4x128xf32, #tpu.memory_space<vmem>>, vector<1x1x16xf32>,
      %parallel_loop3A_599 = vector.shape_cast %parallel_loop3A_598 : vector<1x1x16xf32> to vector<16xf32>
      %parallel_loop3A_600 = vector.shape_cast %parallel_loop3A_593 : vector<16xf32> to vector<1x1x16xf32>
      tpu.vector_store %arg9[%parallel_loop3A_595, %parallel_loop3A_596, %parallel_loop3A_597], %parallel_loop3A_600 {strides = array<i32>} : memref<32x4x128xf32, #tpu.memory_space<vmem>>, vector<1x1x16xf32>,
      %parallel_loop3A_601 = arith.constant 32 : i32
      %parallel_loop3A_602 = arith.addi %parallel_loop3A_601, %parallel_loop3A_172 : i32
      %parallel_loop3A_603 = arith.constant 2 : i32
      %parallel_loop3A_604 = arith.index_cast %parallel_loop3A_603 : i32 to index
      %parallel_loop3A_605 = arith.index_cast %parallel_loop3A_602 : i32 to index
      %parallel_loop3A_606 = arith.constant 64 : index
      %parallel_loop3A_607 = tpu.vector_load %arg7[%parallel_loop3A_604, %parallel_loop3A_605, %parallel_loop3A_606] {strides = array<i32>} : memref<4x128x128xf32, #tpu.memory_space<vmem>>, vector<1x1x16xf32>,
      %parallel_loop3A_608 = vector.shape_cast %parallel_loop3A_607 : vector<1x1x16xf32> to vector<16xf32>
      %parallel_loop3A_609 = arith.constant 11.3137083 : f32
      %parallel_loop3A_610 = vector.broadcast %parallel_loop3A_609 : f32 to vector<16xf32>
      %parallel_loop3A_611 = arith.mulf %parallel_loop3A_608, %parallel_loop3A_610 : vector<16xf32>
      %parallel_loop3A_612 = arith.addf %parallel_loop3A_611, %parallel_loop3A_202 : vector<16xf32>
      %parallel_loop3A_613 = arith.constant 2 : i32
      %parallel_loop3A_614 = arith.index_cast %parallel_loop3A_172 : i32 to index
      %parallel_loop3A_615 = arith.index_cast %parallel_loop3A_613 : i32 to index
      %parallel_loop3A_616 = arith.constant 64 : index
      %parallel_loop3A_617 = tpu.vector_load %arg9[%parallel_loop3A_614, %parallel_loop3A_615, %parallel_loop3A_616] {strides = array<i32>} : memref<32x4x128xf32, #tpu.memory_space<vmem>>, vector<1x1x16xf32>,
      %parallel_loop3A_618 = vector.shape_cast %parallel_loop3A_617 : vector<1x1x16xf32> to vector<16xf32>
      %parallel_loop3A_619 = vector.shape_cast %parallel_loop3A_612 : vector<16xf32> to vector<1x1x16xf32>
      tpu.vector_store %arg9[%parallel_loop3A_614, %parallel_loop3A_615, %parallel_loop3A_616], %parallel_loop3A_619 {strides = array<i32>} : memref<32x4x128xf32, #tpu.memory_space<vmem>>, vector<1x1x16xf32>,
      %parallel_loop3A_620 = arith.constant 32 : i32
      %parallel_loop3A_621 = arith.addi %parallel_loop3A_620, %parallel_loop3A_172 : i32
      %parallel_loop3A_622 = arith.constant 2 : i32
      %parallel_loop3A_623 = arith.index_cast %parallel_loop3A_622 : i32 to index
      %parallel_loop3A_624 = arith.index_cast %parallel_loop3A_621 : i32 to index
      %parallel_loop3A_625 = arith.constant 80 : index
      %parallel_loop3A_626 = tpu.vector_load %arg7[%parallel_loop3A_623, %parallel_loop3A_624, %parallel_loop3A_625] {strides = array<i32>} : memref<4x128x128xf32, #tpu.memory_space<vmem>>, vector<1x1x16xf32>,
      %parallel_loop3A_627 = vector.shape_cast %parallel_loop3A_626 : vector<1x1x16xf32> to vector<16xf32>
      %parallel_loop3A_628 = arith.constant 11.3137083 : f32
      %parallel_loop3A_629 = vector.broadcast %parallel_loop3A_628 : f32 to vector<16xf32>
      %parallel_loop3A_630 = arith.mulf %parallel_loop3A_627, %parallel_loop3A_629 : vector<16xf32>
      %parallel_loop3A_631 = arith.addf %parallel_loop3A_630, %parallel_loop3A_208 : vector<16xf32>
      %parallel_loop3A_632 = arith.constant 2 : i32
      %parallel_loop3A_633 = arith.index_cast %parallel_loop3A_172 : i32 to index
      %parallel_loop3A_634 = arith.index_cast %parallel_loop3A_632 : i32 to index
      %parallel_loop3A_635 = arith.constant 80 : index
      %parallel_loop3A_636 = tpu.vector_load %arg9[%parallel_loop3A_633, %parallel_loop3A_634, %parallel_loop3A_635] {strides = array<i32>} : memref<32x4x128xf32, #tpu.memory_space<vmem>>, vector<1x1x16xf32>,
      %parallel_loop3A_637 = vector.shape_cast %parallel_loop3A_636 : vector<1x1x16xf32> to vector<16xf32>
      %parallel_loop3A_638 = vector.shape_cast %parallel_loop3A_631 : vector<16xf32> to vector<1x1x16xf32>
      tpu.vector_store %arg9[%parallel_loop3A_633, %parallel_loop3A_634, %parallel_loop3A_635], %parallel_loop3A_638 {strides = array<i32>} : memref<32x4x128xf32, #tpu.memory_space<vmem>>, vector<1x1x16xf32>,
      %parallel_loop3A_639 = arith.constant 32 : i32
      %parallel_loop3A_640 = arith.addi %parallel_loop3A_639, %parallel_loop3A_172 : i32
      %parallel_loop3A_641 = arith.constant 2 : i32
      %parallel_loop3A_642 = arith.index_cast %parallel_loop3A_641 : i32 to index
      %parallel_loop3A_643 = arith.index_cast %parallel_loop3A_640 : i32 to index
      %parallel_loop3A_644 = arith.constant 96 : index
      %parallel_loop3A_645 = tpu.vector_load %arg7[%parallel_loop3A_642, %parallel_loop3A_643, %parallel_loop3A_644] {strides = array<i32>} : memref<4x128x128xf32, #tpu.memory_space<vmem>>, vector<1x1x16xf32>,
      %parallel_loop3A_646 = vector.shape_cast %parallel_loop3A_645 : vector<1x1x16xf32> to vector<16xf32>
      %parallel_loop3A_647 = arith.constant 11.3137083 : f32
      %parallel_loop3A_648 = vector.broadcast %parallel_loop3A_647 : f32 to vector<16xf32>
      %parallel_loop3A_649 = arith.mulf %parallel_loop3A_646, %parallel_loop3A_648 : vector<16xf32>
      %parallel_loop3A_650 = arith.addf %parallel_loop3A_649, %parallel_loop3A_214 : vector<16xf32>
      %parallel_loop3A_651 = arith.constant 2 : i32
      %parallel_loop3A_652 = arith.index_cast %parallel_loop3A_172 : i32 to index
      %parallel_loop3A_653 = arith.index_cast %parallel_loop3A_651 : i32 to index
      %parallel_loop3A_654 = arith.constant 96 : index
      %parallel_loop3A_655 = tpu.vector_load %arg9[%parallel_loop3A_652, %parallel_loop3A_653, %parallel_loop3A_654] {strides = array<i32>} : memref<32x4x128xf32, #tpu.memory_space<vmem>>, vector<1x1x16xf32>,
      %parallel_loop3A_656 = vector.shape_cast %parallel_loop3A_655 : vector<1x1x16xf32> to vector<16xf32>
      %parallel_loop3A_657 = vector.shape_cast %parallel_loop3A_650 : vector<16xf32> to vector<1x1x16xf32>
      tpu.vector_store %arg9[%parallel_loop3A_652, %parallel_loop3A_653, %parallel_loop3A_654], %parallel_loop3A_657 {strides = array<i32>} : memref<32x4x128xf32, #tpu.memory_space<vmem>>, vector<1x1x16xf32>,
      %parallel_loop3A_658 = arith.constant 32 : i32
      %parallel_loop3A_659 = arith.addi %parallel_loop3A_658, %parallel_loop3A_172 : i32
      %parallel_loop3A_660 = arith.constant 2 : i32
      %parallel_loop3A_661 = arith.index_cast %parallel_loop3A_660 : i32 to index
      %parallel_loop3A_662 = arith.index_cast %parallel_loop3A_659 : i32 to index
      %parallel_loop3A_663 = arith.constant 112 : index
      %parallel_loop3A_664 = tpu.vector_load %arg7[%parallel_loop3A_661, %parallel_loop3A_662, %parallel_loop3A_663] {strides = array<i32>} : memref<4x128x128xf32, #tpu.memory_space<vmem>>, vector<1x1x16xf32>,
      %parallel_loop3A_665 = vector.shape_cast %parallel_loop3A_664 : vector<1x1x16xf32> to vector<16xf32>
      %parallel_loop3A_666 = arith.constant 11.3137083 : f32
      %parallel_loop3A_667 = vector.broadcast %parallel_loop3A_666 : f32 to vector<16xf32>
      %parallel_loop3A_668 = arith.mulf %parallel_loop3A_665, %parallel_loop3A_667 : vector<16xf32>
      %parallel_loop3A_669 = arith.addf %parallel_loop3A_668, %parallel_loop3A_220 : vector<16xf32>
      %parallel_loop3A_670 = arith.constant 2 : i32
      %parallel_loop3A_671 = arith.index_cast %parallel_loop3A_172 : i32 to index
      %parallel_loop3A_672 = arith.index_cast %parallel_loop3A_670 : i32 to index
      %parallel_loop3A_673 = arith.constant 112 : index
      %parallel_loop3A_674 = tpu.vector_load %arg9[%parallel_loop3A_671, %parallel_loop3A_672, %parallel_loop3A_673] {strides = array<i32>} : memref<32x4x128xf32, #tpu.memory_space<vmem>>, vector<1x1x16xf32>,
      %parallel_loop3A_675 = vector.shape_cast %parallel_loop3A_674 : vector<1x1x16xf32> to vector<16xf32>
      %parallel_loop3A_676 = vector.shape_cast %parallel_loop3A_669 : vector<16xf32> to vector<1x1x16xf32>
      tpu.vector_store %arg9[%parallel_loop3A_671, %parallel_loop3A_672, %parallel_loop3A_673], %parallel_loop3A_676 {strides = array<i32>} : memref<32x4x128xf32, #tpu.memory_space<vmem>>, vector<1x1x16xf32>,
      %parallel_loop3A_677 = arith.constant 32 : i32
      %parallel_loop3A_678 = arith.addi %parallel_loop3A_677, %parallel_loop3A_172 : i32
      %parallel_loop3A_679 = arith.constant 3 : i32
      %parallel_loop3A_680 = arith.index_cast %parallel_loop3A_679 : i32 to index
      %parallel_loop3A_681 = arith.index_cast %parallel_loop3A_678 : i32 to index
      %parallel_loop3A_682 = arith.constant 0 : index
      %parallel_loop3A_683 = tpu.vector_load %arg7[%parallel_loop3A_680, %parallel_loop3A_681, %parallel_loop3A_682] {strides = array<i32>} : memref<4x128x128xf32, #tpu.memory_space<vmem>>, vector<1x1x16xf32>,
      %parallel_loop3A_684 = vector.shape_cast %parallel_loop3A_683 : vector<1x1x16xf32> to vector<16xf32>
      %parallel_loop3A_685 = arith.constant 11.3137083 : f32
      %parallel_loop3A_686 = vector.broadcast %parallel_loop3A_685 : f32 to vector<16xf32>
      %parallel_loop3A_687 = arith.mulf %parallel_loop3A_684, %parallel_loop3A_686 : vector<16xf32>
      %parallel_loop3A_688 = arith.addf %parallel_loop3A_687, %parallel_loop3A_178 : vector<16xf32>
      %parallel_loop3A_689 = arith.constant 3 : i32
      %parallel_loop3A_690 = arith.index_cast %parallel_loop3A_172 : i32 to index
      %parallel_loop3A_691 = arith.index_cast %parallel_loop3A_689 : i32 to index
      %parallel_loop3A_692 = arith.constant 0 : index
      %parallel_loop3A_693 = tpu.vector_load %arg9[%parallel_loop3A_690, %parallel_loop3A_691, %parallel_loop3A_692] {strides = array<i32>} : memref<32x4x128xf32, #tpu.memory_space<vmem>>, vector<1x1x16xf32>,
      %parallel_loop3A_694 = vector.shape_cast %parallel_loop3A_693 : vector<1x1x16xf32> to vector<16xf32>
      %parallel_loop3A_695 = vector.shape_cast %parallel_loop3A_688 : vector<16xf32> to vector<1x1x16xf32>
      tpu.vector_store %arg9[%parallel_loop3A_690, %parallel_loop3A_691, %parallel_loop3A_692], %parallel_loop3A_695 {strides = array<i32>} : memref<32x4x128xf32, #tpu.memory_space<vmem>>, vector<1x1x16xf32>,
      %parallel_loop3A_696 = arith.constant 32 : i32
      %parallel_loop3A_697 = arith.addi %parallel_loop3A_696, %parallel_loop3A_172 : i32
      %parallel_loop3A_698 = arith.constant 3 : i32
      %parallel_loop3A_699 = arith.index_cast %parallel_loop3A_698 : i32 to index
      %parallel_loop3A_700 = arith.index_cast %parallel_loop3A_697 : i32 to index
      %parallel_loop3A_701 = arith.constant 16 : index
      %parallel_loop3A_702 = tpu.vector_load %arg7[%parallel_loop3A_699, %parallel_loop3A_700, %parallel_loop3A_701] {strides = array<i32>} : memref<4x128x128xf32, #tpu.memory_space<vmem>>, vector<1x1x16xf32>,
      %parallel_loop3A_703 = vector.shape_cast %parallel_loop3A_702 : vector<1x1x16xf32> to vector<16xf32>
      %parallel_loop3A_704 = arith.constant 11.3137083 : f32
      %parallel_loop3A_705 = vector.broadcast %parallel_loop3A_704 : f32 to vector<16xf32>
      %parallel_loop3A_706 = arith.mulf %parallel_loop3A_703, %parallel_loop3A_705 : vector<16xf32>
      %parallel_loop3A_707 = arith.addf %parallel_loop3A_706, %parallel_loop3A_184 : vector<16xf32>
      %parallel_loop3A_708 = arith.constant 3 : i32
      %parallel_loop3A_709 = arith.index_cast %parallel_loop3A_172 : i32 to index
      %parallel_loop3A_710 = arith.index_cast %parallel_loop3A_708 : i32 to index
      %parallel_loop3A_711 = arith.constant 16 : index
      %parallel_loop3A_712 = tpu.vector_load %arg9[%parallel_loop3A_709, %parallel_loop3A_710, %parallel_loop3A_711] {strides = array<i32>} : memref<32x4x128xf32, #tpu.memory_space<vmem>>, vector<1x1x16xf32>,
      %parallel_loop3A_713 = vector.shape_cast %parallel_loop3A_712 : vector<1x1x16xf32> to vector<16xf32>
      %parallel_loop3A_714 = vector.shape_cast %parallel_loop3A_707 : vector<16xf32> to vector<1x1x16xf32>
      tpu.vector_store %arg9[%parallel_loop3A_709, %parallel_loop3A_710, %parallel_loop3A_711], %parallel_loop3A_714 {strides = array<i32>} : memref<32x4x128xf32, #tpu.memory_space<vmem>>, vector<1x1x16xf32>,
      %parallel_loop3A_715 = arith.constant 32 : i32
      %parallel_loop3A_716 = arith.addi %parallel_loop3A_715, %parallel_loop3A_172 : i32
      %parallel_loop3A_717 = arith.constant 3 : i32
      %parallel_loop3A_718 = arith.index_cast %parallel_loop3A_717 : i32 to index
      %parallel_loop3A_719 = arith.index_cast %parallel_loop3A_716 : i32 to index
      %parallel_loop3A_720 = arith.constant 32 : index
      %parallel_loop3A_721 = tpu.vector_load %arg7[%parallel_loop3A_718, %parallel_loop3A_719, %parallel_loop3A_720] {strides = array<i32>} : memref<4x128x128xf32, #tpu.memory_space<vmem>>, vector<1x1x16xf32>,
      %parallel_loop3A_722 = vector.shape_cast %parallel_loop3A_721 : vector<1x1x16xf32> to vector<16xf32>
      %parallel_loop3A_723 = arith.constant 11.3137083 : f32
      %parallel_loop3A_724 = vector.broadcast %parallel_loop3A_723 : f32 to vector<16xf32>
      %parallel_loop3A_725 = arith.mulf %parallel_loop3A_722, %parallel_loop3A_724 : vector<16xf32>
      %parallel_loop3A_726 = arith.addf %parallel_loop3A_725, %parallel_loop3A_190 : vector<16xf32>
      %parallel_loop3A_727 = arith.constant 3 : i32
      %parallel_loop3A_728 = arith.index_cast %parallel_loop3A_172 : i32 to index
      %parallel_loop3A_729 = arith.index_cast %parallel_loop3A_727 : i32 to index
      %parallel_loop3A_730 = arith.constant 32 : index
      %parallel_loop3A_731 = tpu.vector_load %arg9[%parallel_loop3A_728, %parallel_loop3A_729, %parallel_loop3A_730] {strides = array<i32>} : memref<32x4x128xf32, #tpu.memory_space<vmem>>, vector<1x1x16xf32>,
      %parallel_loop3A_732 = vector.shape_cast %parallel_loop3A_731 : vector<1x1x16xf32> to vector<16xf32>
      %parallel_loop3A_733 = vector.shape_cast %parallel_loop3A_726 : vector<16xf32> to vector<1x1x16xf32>
      tpu.vector_store %arg9[%parallel_loop3A_728, %parallel_loop3A_729, %parallel_loop3A_730], %parallel_loop3A_733 {strides = array<i32>} : memref<32x4x128xf32, #tpu.memory_space<vmem>>, vector<1x1x16xf32>,
      %parallel_loop3A_734 = arith.constant 32 : i32
      %parallel_loop3A_735 = arith.addi %parallel_loop3A_734, %parallel_loop3A_172 : i32
      %parallel_loop3A_736 = arith.constant 3 : i32
      %parallel_loop3A_737 = arith.index_cast %parallel_loop3A_736 : i32 to index
      %parallel_loop3A_738 = arith.index_cast %parallel_loop3A_735 : i32 to index
      %parallel_loop3A_739 = arith.constant 48 : index
      %parallel_loop3A_740 = tpu.vector_load %arg7[%parallel_loop3A_737, %parallel_loop3A_738, %parallel_loop3A_739] {strides = array<i32>} : memref<4x128x128xf32, #tpu.memory_space<vmem>>, vector<1x1x16xf32>,
      %parallel_loop3A_741 = vector.shape_cast %parallel_loop3A_740 : vector<1x1x16xf32> to vector<16xf32>
      %parallel_loop3A_742 = arith.constant 11.3137083 : f32
      %parallel_loop3A_743 = vector.broadcast %parallel_loop3A_742 : f32 to vector<16xf32>
      %parallel_loop3A_744 = arith.mulf %parallel_loop3A_741, %parallel_loop3A_743 : vector<16xf32>
      %parallel_loop3A_745 = arith.addf %parallel_loop3A_744, %parallel_loop3A_196 : vector<16xf32>
      %parallel_loop3A_746 = arith.constant 3 : i32
      %parallel_loop3A_747 = arith.index_cast %parallel_loop3A_172 : i32 to index
      %parallel_loop3A_748 = arith.index_cast %parallel_loop3A_746 : i32 to index
      %parallel_loop3A_749 = arith.constant 48 : index
      %parallel_loop3A_750 = tpu.vector_load %arg9[%parallel_loop3A_747, %parallel_loop3A_748, %parallel_loop3A_749] {strides = array<i32>} : memref<32x4x128xf32, #tpu.memory_space<vmem>>, vector<1x1x16xf32>,
      %parallel_loop3A_751 = vector.shape_cast %parallel_loop3A_750 : vector<1x1x16xf32> to vector<16xf32>
      %parallel_loop3A_752 = vector.shape_cast %parallel_loop3A_745 : vector<16xf32> to vector<1x1x16xf32>
      tpu.vector_store %arg9[%parallel_loop3A_747, %parallel_loop3A_748, %parallel_loop3A_749], %parallel_loop3A_752 {strides = array<i32>} : memref<32x4x128xf32, #tpu.memory_space<vmem>>, vector<1x1x16xf32>,
      %parallel_loop3A_753 = arith.constant 32 : i32
      %parallel_loop3A_754 = arith.addi %parallel_loop3A_753, %parallel_loop3A_172 : i32
      %parallel_loop3A_755 = arith.constant 3 : i32
      %parallel_loop3A_756 = arith.index_cast %parallel_loop3A_755 : i32 to index
      %parallel_loop3A_757 = arith.index_cast %parallel_loop3A_754 : i32 to index
      %parallel_loop3A_758 = arith.constant 64 : index
      %parallel_loop3A_759 = tpu.vector_load %arg7[%parallel_loop3A_756, %parallel_loop3A_757, %parallel_loop3A_758] {strides = array<i32>} : memref<4x128x128xf32, #tpu.memory_space<vmem>>, vector<1x1x16xf32>,
      %parallel_loop3A_760 = vector.shape_cast %parallel_loop3A_759 : vector<1x1x16xf32> to vector<16xf32>
      %parallel_loop3A_761 = arith.constant 11.3137083 : f32
      %parallel_loop3A_762 = vector.broadcast %parallel_loop3A_761 : f32 to vector<16xf32>
      %parallel_loop3A_763 = arith.mulf %parallel_loop3A_760, %parallel_loop3A_762 : vector<16xf32>
      %parallel_loop3A_764 = arith.addf %parallel_loop3A_763, %parallel_loop3A_202 : vector<16xf32>
      %parallel_loop3A_765 = arith.constant 3 : i32
      %parallel_loop3A_766 = arith.index_cast %parallel_loop3A_172 : i32 to index
      %parallel_loop3A_767 = arith.index_cast %parallel_loop3A_765 : i32 to index
      %parallel_loop3A_768 = arith.constant 64 : index
      %parallel_loop3A_769 = tpu.vector_load %arg9[%parallel_loop3A_766, %parallel_loop3A_767, %parallel_loop3A_768] {strides = array<i32>} : memref<32x4x128xf32, #tpu.memory_space<vmem>>, vector<1x1x16xf32>,
      %parallel_loop3A_770 = vector.shape_cast %parallel_loop3A_769 : vector<1x1x16xf32> to vector<16xf32>
      %parallel_loop3A_771 = vector.shape_cast %parallel_loop3A_764 : vector<16xf32> to vector<1x1x16xf32>
      tpu.vector_store %arg9[%parallel_loop3A_766, %parallel_loop3A_767, %parallel_loop3A_768], %parallel_loop3A_771 {strides = array<i32>} : memref<32x4x128xf32, #tpu.memory_space<vmem>>, vector<1x1x16xf32>,
      %parallel_loop3A_772 = arith.constant 32 : i32
      %parallel_loop3A_773 = arith.addi %parallel_loop3A_772, %parallel_loop3A_172 : i32
      %parallel_loop3A_774 = arith.constant 3 : i32
      %parallel_loop3A_775 = arith.index_cast %parallel_loop3A_774 : i32 to index
      %parallel_loop3A_776 = arith.index_cast %parallel_loop3A_773 : i32 to index
      %parallel_loop3A_777 = arith.constant 80 : index
      %parallel_loop3A_778 = tpu.vector_load %arg7[%parallel_loop3A_775, %parallel_loop3A_776, %parallel_loop3A_777] {strides = array<i32>} : memref<4x128x128xf32, #tpu.memory_space<vmem>>, vector<1x1x16xf32>,
      %parallel_loop3A_779 = vector.shape_cast %parallel_loop3A_778 : vector<1x1x16xf32> to vector<16xf32>
      %parallel_loop3A_780 = arith.constant 11.3137083 : f32
      %parallel_loop3A_781 = vector.broadcast %parallel_loop3A_780 : f32 to vector<16xf32>
      %parallel_loop3A_782 = arith.mulf %parallel_loop3A_779, %parallel_loop3A_781 : vector<16xf32>
      %parallel_loop3A_783 = arith.addf %parallel_loop3A_782, %parallel_loop3A_208 : vector<16xf32>
      %parallel_loop3A_784 = arith.constant 3 : i32
      %parallel_loop3A_785 = arith.index_cast %parallel_loop3A_172 : i32 to index
      %parallel_loop3A_786 = arith.index_cast %parallel_loop3A_784 : i32 to index
      %parallel_loop3A_787 = arith.constant 80 : index
      %parallel_loop3A_788 = tpu.vector_load %arg9[%parallel_loop3A_785, %parallel_loop3A_786, %parallel_loop3A_787] {strides = array<i32>} : memref<32x4x128xf32, #tpu.memory_space<vmem>>, vector<1x1x16xf32>,
      %parallel_loop3A_789 = vector.shape_cast %parallel_loop3A_788 : vector<1x1x16xf32> to vector<16xf32>
      %parallel_loop3A_790 = vector.shape_cast %parallel_loop3A_783 : vector<16xf32> to vector<1x1x16xf32>
      tpu.vector_store %arg9[%parallel_loop3A_785, %parallel_loop3A_786, %parallel_loop3A_787], %parallel_loop3A_790 {strides = array<i32>} : memref<32x4x128xf32, #tpu.memory_space<vmem>>, vector<1x1x16xf32>,
      %parallel_loop3A_791 = arith.constant 32 : i32
      %parallel_loop3A_792 = arith.addi %parallel_loop3A_791, %parallel_loop3A_172 : i32
      %parallel_loop3A_793 = arith.constant 3 : i32
      %parallel_loop3A_794 = arith.index_cast %parallel_loop3A_793 : i32 to index
      %parallel_loop3A_795 = arith.index_cast %parallel_loop3A_792 : i32 to index
      %parallel_loop3A_796 = arith.constant 96 : index
      %parallel_loop3A_797 = tpu.vector_load %arg7[%parallel_loop3A_794, %parallel_loop3A_795, %parallel_loop3A_796] {strides = array<i32>} : memref<4x128x128xf32, #tpu.memory_space<vmem>>, vector<1x1x16xf32>,
      %parallel_loop3A_798 = vector.shape_cast %parallel_loop3A_797 : vector<1x1x16xf32> to vector<16xf32>
      %parallel_loop3A_799 = arith.constant 11.3137083 : f32
      %parallel_loop3A_800 = vector.broadcast %parallel_loop3A_799 : f32 to vector<16xf32>
      %parallel_loop3A_801 = arith.mulf %parallel_loop3A_798, %parallel_loop3A_800 : vector<16xf32>
      %parallel_loop3A_802 = arith.addf %parallel_loop3A_801, %parallel_loop3A_214 : vector<16xf32>
      %parallel_loop3A_803 = arith.constant 3 : i32
      %parallel_loop3A_804 = arith.index_cast %parallel_loop3A_172 : i32 to index
      %parallel_loop3A_805 = arith.index_cast %parallel_loop3A_803 : i32 to index
      %parallel_loop3A_806 = arith.constant 96 : index
      %parallel_loop3A_807 = tpu.vector_load %arg9[%parallel_loop3A_804, %parallel_loop3A_805, %parallel_loop3A_806] {strides = array<i32>} : memref<32x4x128xf32, #tpu.memory_space<vmem>>, vector<1x1x16xf32>,
      %parallel_loop3A_808 = vector.shape_cast %parallel_loop3A_807 : vector<1x1x16xf32> to vector<16xf32>
      %parallel_loop3A_809 = vector.shape_cast %parallel_loop3A_802 : vector<16xf32> to vector<1x1x16xf32>
      tpu.vector_store %arg9[%parallel_loop3A_804, %parallel_loop3A_805, %parallel_loop3A_806], %parallel_loop3A_809 {strides = array<i32>} : memref<32x4x128xf32, #tpu.memory_space<vmem>>, vector<1x1x16xf32>,
      %parallel_loop3A_810 = arith.constant 32 : i32
      %parallel_loop3A_811 = arith.addi %parallel_loop3A_810, %parallel_loop3A_172 : i32
      %parallel_loop3A_812 = arith.constant 3 : i32
      %parallel_loop3A_813 = arith.index_cast %parallel_loop3A_812 : i32 to index
      %parallel_loop3A_814 = arith.index_cast %parallel_loop3A_811 : i32 to index
      %parallel_loop3A_815 = arith.constant 112 : index
      %parallel_loop3A_816 = tpu.vector_load %arg7[%parallel_loop3A_813, %parallel_loop3A_814, %parallel_loop3A_815] {strides = array<i32>} : memref<4x128x128xf32, #tpu.memory_space<vmem>>, vector<1x1x16xf32>,
      %parallel_loop3A_817 = vector.shape_cast %parallel_loop3A_816 : vector<1x1x16xf32> to vector<16xf32>
      %parallel_loop3A_818 = arith.constant 11.3137083 : f32
      %parallel_loop3A_819 = vector.broadcast %parallel_loop3A_818 : f32 to vector<16xf32>
      %parallel_loop3A_820 = arith.mulf %parallel_loop3A_817, %parallel_loop3A_819 : vector<16xf32>
      %parallel_loop3A_821 = arith.addf %parallel_loop3A_820, %parallel_loop3A_220 : vector<16xf32>
      %parallel_loop3A_822 = arith.constant 3 : i32
      %parallel_loop3A_823 = arith.index_cast %parallel_loop3A_172 : i32 to index
      %parallel_loop3A_824 = arith.index_cast %parallel_loop3A_822 : i32 to index
      %parallel_loop3A_825 = arith.constant 112 : index
      %parallel_loop3A_826 = tpu.vector_load %arg9[%parallel_loop3A_823, %parallel_loop3A_824, %parallel_loop3A_825] {strides = array<i32>} : memref<32x4x128xf32, #tpu.memory_space<vmem>>, vector<1x1x16xf32>,
      %parallel_loop3A_827 = vector.shape_cast %parallel_loop3A_826 : vector<1x1x16xf32> to vector<16xf32>
      %parallel_loop3A_828 = vector.shape_cast %parallel_loop3A_821 : vector<16xf32> to vector<1x1x16xf32>
      tpu.vector_store %arg9[%parallel_loop3A_823, %parallel_loop3A_824, %parallel_loop3A_825], %parallel_loop3A_828 {strides = array<i32>} : memref<32x4x128xf32, #tpu.memory_space<vmem>>, vector<1x1x16xf32>,
    } {sc.loop_unroll_factor = 4 : i64, sc.parallel_access}
    %add3A_118 = arith.constant 32 : i32
    %add3A_119 = arith.addi %mul3A_2, %add3A_118 : i32
    %dma_start3A_120 = arith.constant 0 : i32
    %dma_start3A_121 = arith.constant 0 : i32
    %dma_start3A_122 = tpu.memref_slice %arg5[%add3A_119, %dma_start3A_120, %dma_start3A_121] : memref<4096x4x128xf32, #tpu.memory_space<hbm>> -> memref<32x4x128xf32, #tpu.memory_space<hbm>>
    %dma_start3A_123 = arith.constant 0 : i32
    %dma_start3A_124 = arith.constant 0 : i32
    %dma_start3A_125 = tpu.memref_slice %arg5[%add3A_119, %dma_start3A_123, %dma_start3A_124] : memref<4096x4x128xf32, #tpu.memory_space<hbm>> -> memref<32x4x128xf32, #tpu.memory_space<hbm>>
    tpu.enqueue_dma source(%arg9 : memref<32x4x128xf32, #tpu.memory_space<vmem>>) target(%dma_start3A_125 : memref<32x4x128xf32, #tpu.memory_space<hbm>>) target_semaphore(%arg14 : memref<!tpu.dma_semaphore, #tpu.memory_space<semaphore_mem>>)
    %dma_wait3A_126 = arith.constant 0 : i32
    %dma_wait3A_127 = arith.constant 0 : i32
    %dma_wait3A_128 = tpu.memref_slice %arg5[%add3A_108, %dma_wait3A_126, %dma_wait3A_127] : memref<4096x4x128xf32, #tpu.memory_space<hbm>> -> memref<32x4x128xf32, #tpu.memory_space<hbm>>
    %dma_wait3A_129 = arith.constant 0 : i32
    %dma_wait3A_130 = arith.constant 0 : i32
    %dma_wait3A_131 = tpu.memref_slice %arg5[%add3A_108, %dma_wait3A_129, %dma_wait3A_130] : memref<4096x4x128xf32, #tpu.memory_space<hbm>> -> memref<32x4x128xf32, #tpu.memory_space<hbm>>
    tpu.wait_dma2 semaphore(%arg13 : memref<!tpu.dma_semaphore, #tpu.memory_space<semaphore_mem>>) src(%arg8 : memref<32x4x128xf32, #tpu.memory_space<vmem>>) dst(%dma_wait3A_131 : memref<32x4x128xf32, #tpu.memory_space<hbm>>)
    %parallel_loop3A_132 = arith.constant 0 : i32
    %parallel_loop3A_133 = arith.constant 32 : i32
    %parallel_loop3A_134 = arith.constant 1 : i32
    scf.for %parallel_loop3A_172 = %parallel_loop3A_132 to %parallel_loop3A_133 step %parallel_loop3A_134  : i32 {
      %parallel_loop3A_173 = arith.constant 64 : i32
      %parallel_loop3A_174 = arith.addi %parallel_loop3A_173, %parallel_loop3A_172 : i32
      %parallel_loop3A_175 = arith.index_cast %parallel_loop3A_174 : i32 to index
      %parallel_loop3A_176 = arith.constant 0 : index
      %parallel_loop3A_177 = tpu.vector_load %arg10[%parallel_loop3A_175, %parallel_loop3A_176] {strides = array<i32>} : memref<128x128xf32, #tpu.memory_space<vmem>>, vector<1x16xf32>,
      %parallel_loop3A_178 = vector.shape_cast %parallel_loop3A_177 : vector<1x16xf32> to vector<16xf32>
      %parallel_loop3A_179 = arith.constant 64 : i32
      %parallel_loop3A_180 = arith.addi %parallel_loop3A_179, %parallel_loop3A_172 : i32
      %parallel_loop3A_181 = arith.index_cast %parallel_loop3A_180 : i32 to index
      %parallel_loop3A_182 = arith.constant 16 : index
      %parallel_loop3A_183 = tpu.vector_load %arg10[%parallel_loop3A_181, %parallel_loop3A_182] {strides = array<i32>} : memref<128x128xf32, #tpu.memory_space<vmem>>, vector<1x16xf32>,
      %parallel_loop3A_184 = vector.shape_cast %parallel_loop3A_183 : vector<1x16xf32> to vector<16xf32>
      %parallel_loop3A_185 = arith.constant 64 : i32
      %parallel_loop3A_186 = arith.addi %parallel_loop3A_185, %parallel_loop3A_172 : i32
      %parallel_loop3A_187 = arith.index_cast %parallel_loop3A_186 : i32 to index
      %parallel_loop3A_188 = arith.constant 32 : index
      %parallel_loop3A_189 = tpu.vector_load %arg10[%parallel_loop3A_187, %parallel_loop3A_188] {strides = array<i32>} : memref<128x128xf32, #tpu.memory_space<vmem>>, vector<1x16xf32>,
      %parallel_loop3A_190 = vector.shape_cast %parallel_loop3A_189 : vector<1x16xf32> to vector<16xf32>
      %parallel_loop3A_191 = arith.constant 64 : i32
      %parallel_loop3A_192 = arith.addi %parallel_loop3A_191, %parallel_loop3A_172 : i32
      %parallel_loop3A_193 = arith.index_cast %parallel_loop3A_192 : i32 to index
      %parallel_loop3A_194 = arith.constant 48 : index
      %parallel_loop3A_195 = tpu.vector_load %arg10[%parallel_loop3A_193, %parallel_loop3A_194] {strides = array<i32>} : memref<128x128xf32, #tpu.memory_space<vmem>>, vector<1x16xf32>,
      %parallel_loop3A_196 = vector.shape_cast %parallel_loop3A_195 : vector<1x16xf32> to vector<16xf32>
      %parallel_loop3A_197 = arith.constant 64 : i32
      %parallel_loop3A_198 = arith.addi %parallel_loop3A_197, %parallel_loop3A_172 : i32
      %parallel_loop3A_199 = arith.index_cast %parallel_loop3A_198 : i32 to index
      %parallel_loop3A_200 = arith.constant 64 : index
      %parallel_loop3A_201 = tpu.vector_load %arg10[%parallel_loop3A_199, %parallel_loop3A_200] {strides = array<i32>} : memref<128x128xf32, #tpu.memory_space<vmem>>, vector<1x16xf32>,
      %parallel_loop3A_202 = vector.shape_cast %parallel_loop3A_201 : vector<1x16xf32> to vector<16xf32>
      %parallel_loop3A_203 = arith.constant 64 : i32
      %parallel_loop3A_204 = arith.addi %parallel_loop3A_203, %parallel_loop3A_172 : i32
      %parallel_loop3A_205 = arith.index_cast %parallel_loop3A_204 : i32 to index
      %parallel_loop3A_206 = arith.constant 80 : index
      %parallel_loop3A_207 = tpu.vector_load %arg10[%parallel_loop3A_205, %parallel_loop3A_206] {strides = array<i32>} : memref<128x128xf32, #tpu.memory_space<vmem>>, vector<1x16xf32>,
      %parallel_loop3A_208 = vector.shape_cast %parallel_loop3A_207 : vector<1x16xf32> to vector<16xf32>
      %parallel_loop3A_209 = arith.constant 64 : i32
      %parallel_loop3A_210 = arith.addi %parallel_loop3A_209, %parallel_loop3A_172 : i32
      %parallel_loop3A_211 = arith.index_cast %parallel_loop3A_210 : i32 to index
      %parallel_loop3A_212 = arith.constant 96 : index
      %parallel_loop3A_213 = tpu.vector_load %arg10[%parallel_loop3A_211, %parallel_loop3A_212] {strides = array<i32>} : memref<128x128xf32, #tpu.memory_space<vmem>>, vector<1x16xf32>,
      %parallel_loop3A_214 = vector.shape_cast %parallel_loop3A_213 : vector<1x16xf32> to vector<16xf32>
      %parallel_loop3A_215 = arith.constant 64 : i32
      %parallel_loop3A_216 = arith.addi %parallel_loop3A_215, %parallel_loop3A_172 : i32
      %parallel_loop3A_217 = arith.index_cast %parallel_loop3A_216 : i32 to index
      %parallel_loop3A_218 = arith.constant 112 : index
      %parallel_loop3A_219 = tpu.vector_load %arg10[%parallel_loop3A_217, %parallel_loop3A_218] {strides = array<i32>} : memref<128x128xf32, #tpu.memory_space<vmem>>, vector<1x16xf32>,
      %parallel_loop3A_220 = vector.shape_cast %parallel_loop3A_219 : vector<1x16xf32> to vector<16xf32>
      %parallel_loop3A_221 = arith.constant 64 : i32
      %parallel_loop3A_222 = arith.addi %parallel_loop3A_221, %parallel_loop3A_172 : i32
      %parallel_loop3A_223 = arith.constant 0 : i32
      %parallel_loop3A_224 = arith.index_cast %parallel_loop3A_223 : i32 to index
      %parallel_loop3A_225 = arith.index_cast %parallel_loop3A_222 : i32 to index
      %parallel_loop3A_226 = arith.constant 0 : index
      %parallel_loop3A_227 = tpu.vector_load %arg7[%parallel_loop3A_224, %parallel_loop3A_225, %parallel_loop3A_226] {strides = array<i32>} : memref<4x128x128xf32, #tpu.memory_space<vmem>>, vector<1x1x16xf32>,
      %parallel_loop3A_228 = vector.shape_cast %parallel_loop3A_227 : vector<1x1x16xf32> to vector<16xf32>
      %parallel_loop3A_229 = arith.constant 11.3137083 : f32
      %parallel_loop3A_230 = vector.broadcast %parallel_loop3A_229 : f32 to vector<16xf32>
      %parallel_loop3A_231 = arith.mulf %parallel_loop3A_228, %parallel_loop3A_230 : vector<16xf32>
      %parallel_loop3A_232 = arith.addf %parallel_loop3A_231, %parallel_loop3A_178 : vector<16xf32>
      %parallel_loop3A_233 = arith.constant 0 : i32
      %parallel_loop3A_234 = arith.index_cast %parallel_loop3A_172 : i32 to index
      %parallel_loop3A_235 = arith.index_cast %parallel_loop3A_233 : i32 to index
      %parallel_loop3A_236 = arith.constant 0 : index
      %parallel_loop3A_237 = tpu.vector_load %arg8[%parallel_loop3A_234, %parallel_loop3A_235, %parallel_loop3A_236] {strides = array<i32>} : memref<32x4x128xf32, #tpu.memory_space<vmem>>, vector<1x1x16xf32>,
      %parallel_loop3A_238 = vector.shape_cast %parallel_loop3A_237 : vector<1x1x16xf32> to vector<16xf32>
      %parallel_loop3A_239 = vector.shape_cast %parallel_loop3A_232 : vector<16xf32> to vector<1x1x16xf32>
      tpu.vector_store %arg8[%parallel_loop3A_234, %parallel_loop3A_235, %parallel_loop3A_236], %parallel_loop3A_239 {strides = array<i32>} : memref<32x4x128xf32, #tpu.memory_space<vmem>>, vector<1x1x16xf32>,
      %parallel_loop3A_240 = arith.constant 64 : i32
      %parallel_loop3A_241 = arith.addi %parallel_loop3A_240, %parallel_loop3A_172 : i32
      %parallel_loop3A_242 = arith.constant 0 : i32
      %parallel_loop3A_243 = arith.index_cast %parallel_loop3A_242 : i32 to index
      %parallel_loop3A_244 = arith.index_cast %parallel_loop3A_241 : i32 to index
      %parallel_loop3A_245 = arith.constant 16 : index
      %parallel_loop3A_246 = tpu.vector_load %arg7[%parallel_loop3A_243, %parallel_loop3A_244, %parallel_loop3A_245] {strides = array<i32>} : memref<4x128x128xf32, #tpu.memory_space<vmem>>, vector<1x1x16xf32>,
      %parallel_loop3A_247 = vector.shape_cast %parallel_loop3A_246 : vector<1x1x16xf32> to vector<16xf32>
      %parallel_loop3A_248 = arith.constant 11.3137083 : f32
      %parallel_loop3A_249 = vector.broadcast %parallel_loop3A_248 : f32 to vector<16xf32>
      %parallel_loop3A_250 = arith.mulf %parallel_loop3A_247, %parallel_loop3A_249 : vector<16xf32>
      %parallel_loop3A_251 = arith.addf %parallel_loop3A_250, %parallel_loop3A_184 : vector<16xf32>
      %parallel_loop3A_252 = arith.constant 0 : i32
      %parallel_loop3A_253 = arith.index_cast %parallel_loop3A_172 : i32 to index
      %parallel_loop3A_254 = arith.index_cast %parallel_loop3A_252 : i32 to index
      %parallel_loop3A_255 = arith.constant 16 : index
      %parallel_loop3A_256 = tpu.vector_load %arg8[%parallel_loop3A_253, %parallel_loop3A_254, %parallel_loop3A_255] {strides = array<i32>} : memref<32x4x128xf32, #tpu.memory_space<vmem>>, vector<1x1x16xf32>,
      %parallel_loop3A_257 = vector.shape_cast %parallel_loop3A_256 : vector<1x1x16xf32> to vector<16xf32>
      %parallel_loop3A_258 = vector.shape_cast %parallel_loop3A_251 : vector<16xf32> to vector<1x1x16xf32>
      tpu.vector_store %arg8[%parallel_loop3A_253, %parallel_loop3A_254, %parallel_loop3A_255], %parallel_loop3A_258 {strides = array<i32>} : memref<32x4x128xf32, #tpu.memory_space<vmem>>, vector<1x1x16xf32>,
      %parallel_loop3A_259 = arith.constant 64 : i32
      %parallel_loop3A_260 = arith.addi %parallel_loop3A_259, %parallel_loop3A_172 : i32
      %parallel_loop3A_261 = arith.constant 0 : i32
      %parallel_loop3A_262 = arith.index_cast %parallel_loop3A_261 : i32 to index
      %parallel_loop3A_263 = arith.index_cast %parallel_loop3A_260 : i32 to index
      %parallel_loop3A_264 = arith.constant 32 : index
      %parallel_loop3A_265 = tpu.vector_load %arg7[%parallel_loop3A_262, %parallel_loop3A_263, %parallel_loop3A_264] {strides = array<i32>} : memref<4x128x128xf32, #tpu.memory_space<vmem>>, vector<1x1x16xf32>,
      %parallel_loop3A_266 = vector.shape_cast %parallel_loop3A_265 : vector<1x1x16xf32> to vector<16xf32>
      %parallel_loop3A_267 = arith.constant 11.3137083 : f32
      %parallel_loop3A_268 = vector.broadcast %parallel_loop3A_267 : f32 to vector<16xf32>
      %parallel_loop3A_269 = arith.mulf %parallel_loop3A_266, %parallel_loop3A_268 : vector<16xf32>
      %parallel_loop3A_270 = arith.addf %parallel_loop3A_269, %parallel_loop3A_190 : vector<16xf32>
      %parallel_loop3A_271 = arith.constant 0 : i32
      %parallel_loop3A_272 = arith.index_cast %parallel_loop3A_172 : i32 to index
      %parallel_loop3A_273 = arith.index_cast %parallel_loop3A_271 : i32 to index
      %parallel_loop3A_274 = arith.constant 32 : index
      %parallel_loop3A_275 = tpu.vector_load %arg8[%parallel_loop3A_272, %parallel_loop3A_273, %parallel_loop3A_274] {strides = array<i32>} : memref<32x4x128xf32, #tpu.memory_space<vmem>>, vector<1x1x16xf32>,
      %parallel_loop3A_276 = vector.shape_cast %parallel_loop3A_275 : vector<1x1x16xf32> to vector<16xf32>
      %parallel_loop3A_277 = vector.shape_cast %parallel_loop3A_270 : vector<16xf32> to vector<1x1x16xf32>
      tpu.vector_store %arg8[%parallel_loop3A_272, %parallel_loop3A_273, %parallel_loop3A_274], %parallel_loop3A_277 {strides = array<i32>} : memref<32x4x128xf32, #tpu.memory_space<vmem>>, vector<1x1x16xf32>,
      %parallel_loop3A_278 = arith.constant 64 : i32
      %parallel_loop3A_279 = arith.addi %parallel_loop3A_278, %parallel_loop3A_172 : i32
      %parallel_loop3A_280 = arith.constant 0 : i32
      %parallel_loop3A_281 = arith.index_cast %parallel_loop3A_280 : i32 to index
      %parallel_loop3A_282 = arith.index_cast %parallel_loop3A_279 : i32 to index
      %parallel_loop3A_283 = arith.constant 48 : index
      %parallel_loop3A_284 = tpu.vector_load %arg7[%parallel_loop3A_281, %parallel_loop3A_282, %parallel_loop3A_283] {strides = array<i32>} : memref<4x128x128xf32, #tpu.memory_space<vmem>>, vector<1x1x16xf32>,
      %parallel_loop3A_285 = vector.shape_cast %parallel_loop3A_284 : vector<1x1x16xf32> to vector<16xf32>
      %parallel_loop3A_286 = arith.constant 11.3137083 : f32
      %parallel_loop3A_287 = vector.broadcast %parallel_loop3A_286 : f32 to vector<16xf32>
      %parallel_loop3A_288 = arith.mulf %parallel_loop3A_285, %parallel_loop3A_287 : vector<16xf32>
      %parallel_loop3A_289 = arith.addf %parallel_loop3A_288, %parallel_loop3A_196 : vector<16xf32>
      %parallel_loop3A_290 = arith.constant 0 : i32
      %parallel_loop3A_291 = arith.index_cast %parallel_loop3A_172 : i32 to index
      %parallel_loop3A_292 = arith.index_cast %parallel_loop3A_290 : i32 to index
      %parallel_loop3A_293 = arith.constant 48 : index
      %parallel_loop3A_294 = tpu.vector_load %arg8[%parallel_loop3A_291, %parallel_loop3A_292, %parallel_loop3A_293] {strides = array<i32>} : memref<32x4x128xf32, #tpu.memory_space<vmem>>, vector<1x1x16xf32>,
      %parallel_loop3A_295 = vector.shape_cast %parallel_loop3A_294 : vector<1x1x16xf32> to vector<16xf32>
      %parallel_loop3A_296 = vector.shape_cast %parallel_loop3A_289 : vector<16xf32> to vector<1x1x16xf32>
      tpu.vector_store %arg8[%parallel_loop3A_291, %parallel_loop3A_292, %parallel_loop3A_293], %parallel_loop3A_296 {strides = array<i32>} : memref<32x4x128xf32, #tpu.memory_space<vmem>>, vector<1x1x16xf32>,
      %parallel_loop3A_297 = arith.constant 64 : i32
      %parallel_loop3A_298 = arith.addi %parallel_loop3A_297, %parallel_loop3A_172 : i32
      %parallel_loop3A_299 = arith.constant 0 : i32
      %parallel_loop3A_300 = arith.index_cast %parallel_loop3A_299 : i32 to index
      %parallel_loop3A_301 = arith.index_cast %parallel_loop3A_298 : i32 to index
      %parallel_loop3A_302 = arith.constant 64 : index
      %parallel_loop3A_303 = tpu.vector_load %arg7[%parallel_loop3A_300, %parallel_loop3A_301, %parallel_loop3A_302] {strides = array<i32>} : memref<4x128x128xf32, #tpu.memory_space<vmem>>, vector<1x1x16xf32>,
      %parallel_loop3A_304 = vector.shape_cast %parallel_loop3A_303 : vector<1x1x16xf32> to vector<16xf32>
      %parallel_loop3A_305 = arith.constant 11.3137083 : f32
      %parallel_loop3A_306 = vector.broadcast %parallel_loop3A_305 : f32 to vector<16xf32>
      %parallel_loop3A_307 = arith.mulf %parallel_loop3A_304, %parallel_loop3A_306 : vector<16xf32>
      %parallel_loop3A_308 = arith.addf %parallel_loop3A_307, %parallel_loop3A_202 : vector<16xf32>
      %parallel_loop3A_309 = arith.constant 0 : i32
      %parallel_loop3A_310 = arith.index_cast %parallel_loop3A_172 : i32 to index
      %parallel_loop3A_311 = arith.index_cast %parallel_loop3A_309 : i32 to index
      %parallel_loop3A_312 = arith.constant 64 : index
      %parallel_loop3A_313 = tpu.vector_load %arg8[%parallel_loop3A_310, %parallel_loop3A_311, %parallel_loop3A_312] {strides = array<i32>} : memref<32x4x128xf32, #tpu.memory_space<vmem>>, vector<1x1x16xf32>,
      %parallel_loop3A_314 = vector.shape_cast %parallel_loop3A_313 : vector<1x1x16xf32> to vector<16xf32>
      %parallel_loop3A_315 = vector.shape_cast %parallel_loop3A_308 : vector<16xf32> to vector<1x1x16xf32>
      tpu.vector_store %arg8[%parallel_loop3A_310, %parallel_loop3A_311, %parallel_loop3A_312], %parallel_loop3A_315 {strides = array<i32>} : memref<32x4x128xf32, #tpu.memory_space<vmem>>, vector<1x1x16xf32>,
      %parallel_loop3A_316 = arith.constant 64 : i32
      %parallel_loop3A_317 = arith.addi %parallel_loop3A_316, %parallel_loop3A_172 : i32
      %parallel_loop3A_318 = arith.constant 0 : i32
      %parallel_loop3A_319 = arith.index_cast %parallel_loop3A_318 : i32 to index
      %parallel_loop3A_320 = arith.index_cast %parallel_loop3A_317 : i32 to index
      %parallel_loop3A_321 = arith.constant 80 : index
      %parallel_loop3A_322 = tpu.vector_load %arg7[%parallel_loop3A_319, %parallel_loop3A_320, %parallel_loop3A_321] {strides = array<i32>} : memref<4x128x128xf32, #tpu.memory_space<vmem>>, vector<1x1x16xf32>,
      %parallel_loop3A_323 = vector.shape_cast %parallel_loop3A_322 : vector<1x1x16xf32> to vector<16xf32>
      %parallel_loop3A_324 = arith.constant 11.3137083 : f32
      %parallel_loop3A_325 = vector.broadcast %parallel_loop3A_324 : f32 to vector<16xf32>
      %parallel_loop3A_326 = arith.mulf %parallel_loop3A_323, %parallel_loop3A_325 : vector<16xf32>
      %parallel_loop3A_327 = arith.addf %parallel_loop3A_326, %parallel_loop3A_208 : vector<16xf32>
      %parallel_loop3A_328 = arith.constant 0 : i32
      %parallel_loop3A_329 = arith.index_cast %parallel_loop3A_172 : i32 to index
      %parallel_loop3A_330 = arith.index_cast %parallel_loop3A_328 : i32 to index
      %parallel_loop3A_331 = arith.constant 80 : index
      %parallel_loop3A_332 = tpu.vector_load %arg8[%parallel_loop3A_329, %parallel_loop3A_330, %parallel_loop3A_331] {strides = array<i32>} : memref<32x4x128xf32, #tpu.memory_space<vmem>>, vector<1x1x16xf32>,
      %parallel_loop3A_333 = vector.shape_cast %parallel_loop3A_332 : vector<1x1x16xf32> to vector<16xf32>
      %parallel_loop3A_334 = vector.shape_cast %parallel_loop3A_327 : vector<16xf32> to vector<1x1x16xf32>
      tpu.vector_store %arg8[%parallel_loop3A_329, %parallel_loop3A_330, %parallel_loop3A_331], %parallel_loop3A_334 {strides = array<i32>} : memref<32x4x128xf32, #tpu.memory_space<vmem>>, vector<1x1x16xf32>,
      %parallel_loop3A_335 = arith.constant 64 : i32
      %parallel_loop3A_336 = arith.addi %parallel_loop3A_335, %parallel_loop3A_172 : i32
      %parallel_loop3A_337 = arith.constant 0 : i32
      %parallel_loop3A_338 = arith.index_cast %parallel_loop3A_337 : i32 to index
      %parallel_loop3A_339 = arith.index_cast %parallel_loop3A_336 : i32 to index
      %parallel_loop3A_340 = arith.constant 96 : index
      %parallel_loop3A_341 = tpu.vector_load %arg7[%parallel_loop3A_338, %parallel_loop3A_339, %parallel_loop3A_340] {strides = array<i32>} : memref<4x128x128xf32, #tpu.memory_space<vmem>>, vector<1x1x16xf32>,
      %parallel_loop3A_342 = vector.shape_cast %parallel_loop3A_341 : vector<1x1x16xf32> to vector<16xf32>
      %parallel_loop3A_343 = arith.constant 11.3137083 : f32
      %parallel_loop3A_344 = vector.broadcast %parallel_loop3A_343 : f32 to vector<16xf32>
      %parallel_loop3A_345 = arith.mulf %parallel_loop3A_342, %parallel_loop3A_344 : vector<16xf32>
      %parallel_loop3A_346 = arith.addf %parallel_loop3A_345, %parallel_loop3A_214 : vector<16xf32>
      %parallel_loop3A_347 = arith.constant 0 : i32
      %parallel_loop3A_348 = arith.index_cast %parallel_loop3A_172 : i32 to index
      %parallel_loop3A_349 = arith.index_cast %parallel_loop3A_347 : i32 to index
      %parallel_loop3A_350 = arith.constant 96 : index
      %parallel_loop3A_351 = tpu.vector_load %arg8[%parallel_loop3A_348, %parallel_loop3A_349, %parallel_loop3A_350] {strides = array<i32>} : memref<32x4x128xf32, #tpu.memory_space<vmem>>, vector<1x1x16xf32>,
      %parallel_loop3A_352 = vector.shape_cast %parallel_loop3A_351 : vector<1x1x16xf32> to vector<16xf32>
      %parallel_loop3A_353 = vector.shape_cast %parallel_loop3A_346 : vector<16xf32> to vector<1x1x16xf32>
      tpu.vector_store %arg8[%parallel_loop3A_348, %parallel_loop3A_349, %parallel_loop3A_350], %parallel_loop3A_353 {strides = array<i32>} : memref<32x4x128xf32, #tpu.memory_space<vmem>>, vector<1x1x16xf32>,
      %parallel_loop3A_354 = arith.constant 64 : i32
      %parallel_loop3A_355 = arith.addi %parallel_loop3A_354, %parallel_loop3A_172 : i32
      %parallel_loop3A_356 = arith.constant 0 : i32
      %parallel_loop3A_357 = arith.index_cast %parallel_loop3A_356 : i32 to index
      %parallel_loop3A_358 = arith.index_cast %parallel_loop3A_355 : i32 to index
      %parallel_loop3A_359 = arith.constant 112 : index
      %parallel_loop3A_360 = tpu.vector_load %arg7[%parallel_loop3A_357, %parallel_loop3A_358, %parallel_loop3A_359] {strides = array<i32>} : memref<4x128x128xf32, #tpu.memory_space<vmem>>, vector<1x1x16xf32>,
      %parallel_loop3A_361 = vector.shape_cast %parallel_loop3A_360 : vector<1x1x16xf32> to vector<16xf32>
      %parallel_loop3A_362 = arith.constant 11.3137083 : f32
      %parallel_loop3A_363 = vector.broadcast %parallel_loop3A_362 : f32 to vector<16xf32>
      %parallel_loop3A_364 = arith.mulf %parallel_loop3A_361, %parallel_loop3A_363 : vector<16xf32>
      %parallel_loop3A_365 = arith.addf %parallel_loop3A_364, %parallel_loop3A_220 : vector<16xf32>
      %parallel_loop3A_366 = arith.constant 0 : i32
      %parallel_loop3A_367 = arith.index_cast %parallel_loop3A_172 : i32 to index
      %parallel_loop3A_368 = arith.index_cast %parallel_loop3A_366 : i32 to index
      %parallel_loop3A_369 = arith.constant 112 : index
      %parallel_loop3A_370 = tpu.vector_load %arg8[%parallel_loop3A_367, %parallel_loop3A_368, %parallel_loop3A_369] {strides = array<i32>} : memref<32x4x128xf32, #tpu.memory_space<vmem>>, vector<1x1x16xf32>,
      %parallel_loop3A_371 = vector.shape_cast %parallel_loop3A_370 : vector<1x1x16xf32> to vector<16xf32>
      %parallel_loop3A_372 = vector.shape_cast %parallel_loop3A_365 : vector<16xf32> to vector<1x1x16xf32>
      tpu.vector_store %arg8[%parallel_loop3A_367, %parallel_loop3A_368, %parallel_loop3A_369], %parallel_loop3A_372 {strides = array<i32>} : memref<32x4x128xf32, #tpu.memory_space<vmem>>, vector<1x1x16xf32>,
      %parallel_loop3A_373 = arith.constant 64 : i32
      %parallel_loop3A_374 = arith.addi %parallel_loop3A_373, %parallel_loop3A_172 : i32
      %parallel_loop3A_375 = arith.constant 1 : i32
      %parallel_loop3A_376 = arith.index_cast %parallel_loop3A_375 : i32 to index
      %parallel_loop3A_377 = arith.index_cast %parallel_loop3A_374 : i32 to index
      %parallel_loop3A_378 = arith.constant 0 : index
      %parallel_loop3A_379 = tpu.vector_load %arg7[%parallel_loop3A_376, %parallel_loop3A_377, %parallel_loop3A_378] {strides = array<i32>} : memref<4x128x128xf32, #tpu.memory_space<vmem>>, vector<1x1x16xf32>,
      %parallel_loop3A_380 = vector.shape_cast %parallel_loop3A_379 : vector<1x1x16xf32> to vector<16xf32>
      %parallel_loop3A_381 = arith.constant 11.3137083 : f32
      %parallel_loop3A_382 = vector.broadcast %parallel_loop3A_381 : f32 to vector<16xf32>
      %parallel_loop3A_383 = arith.mulf %parallel_loop3A_380, %parallel_loop3A_382 : vector<16xf32>
      %parallel_loop3A_384 = arith.addf %parallel_loop3A_383, %parallel_loop3A_178 : vector<16xf32>
      %parallel_loop3A_385 = arith.constant 1 : i32
      %parallel_loop3A_386 = arith.index_cast %parallel_loop3A_172 : i32 to index
      %parallel_loop3A_387 = arith.index_cast %parallel_loop3A_385 : i32 to index
      %parallel_loop3A_388 = arith.constant 0 : index
      %parallel_loop3A_389 = tpu.vector_load %arg8[%parallel_loop3A_386, %parallel_loop3A_387, %parallel_loop3A_388] {strides = array<i32>} : memref<32x4x128xf32, #tpu.memory_space<vmem>>, vector<1x1x16xf32>,
      %parallel_loop3A_390 = vector.shape_cast %parallel_loop3A_389 : vector<1x1x16xf32> to vector<16xf32>
      %parallel_loop3A_391 = vector.shape_cast %parallel_loop3A_384 : vector<16xf32> to vector<1x1x16xf32>
      tpu.vector_store %arg8[%parallel_loop3A_386, %parallel_loop3A_387, %parallel_loop3A_388], %parallel_loop3A_391 {strides = array<i32>} : memref<32x4x128xf32, #tpu.memory_space<vmem>>, vector<1x1x16xf32>,
      %parallel_loop3A_392 = arith.constant 64 : i32
      %parallel_loop3A_393 = arith.addi %parallel_loop3A_392, %parallel_loop3A_172 : i32
      %parallel_loop3A_394 = arith.constant 1 : i32
      %parallel_loop3A_395 = arith.index_cast %parallel_loop3A_394 : i32 to index
      %parallel_loop3A_396 = arith.index_cast %parallel_loop3A_393 : i32 to index
      %parallel_loop3A_397 = arith.constant 16 : index
      %parallel_loop3A_398 = tpu.vector_load %arg7[%parallel_loop3A_395, %parallel_loop3A_396, %parallel_loop3A_397] {strides = array<i32>} : memref<4x128x128xf32, #tpu.memory_space<vmem>>, vector<1x1x16xf32>,
      %parallel_loop3A_399 = vector.shape_cast %parallel_loop3A_398 : vector<1x1x16xf32> to vector<16xf32>
      %parallel_loop3A_400 = arith.constant 11.3137083 : f32
      %parallel_loop3A_401 = vector.broadcast %parallel_loop3A_400 : f32 to vector<16xf32>
      %parallel_loop3A_402 = arith.mulf %parallel_loop3A_399, %parallel_loop3A_401 : vector<16xf32>
      %parallel_loop3A_403 = arith.addf %parallel_loop3A_402, %parallel_loop3A_184 : vector<16xf32>
      %parallel_loop3A_404 = arith.constant 1 : i32
      %parallel_loop3A_405 = arith.index_cast %parallel_loop3A_172 : i32 to index
      %parallel_loop3A_406 = arith.index_cast %parallel_loop3A_404 : i32 to index
      %parallel_loop3A_407 = arith.constant 16 : index
      %parallel_loop3A_408 = tpu.vector_load %arg8[%parallel_loop3A_405, %parallel_loop3A_406, %parallel_loop3A_407] {strides = array<i32>} : memref<32x4x128xf32, #tpu.memory_space<vmem>>, vector<1x1x16xf32>,
      %parallel_loop3A_409 = vector.shape_cast %parallel_loop3A_408 : vector<1x1x16xf32> to vector<16xf32>
      %parallel_loop3A_410 = vector.shape_cast %parallel_loop3A_403 : vector<16xf32> to vector<1x1x16xf32>
      tpu.vector_store %arg8[%parallel_loop3A_405, %parallel_loop3A_406, %parallel_loop3A_407], %parallel_loop3A_410 {strides = array<i32>} : memref<32x4x128xf32, #tpu.memory_space<vmem>>, vector<1x1x16xf32>,
      %parallel_loop3A_411 = arith.constant 64 : i32
      %parallel_loop3A_412 = arith.addi %parallel_loop3A_411, %parallel_loop3A_172 : i32
      %parallel_loop3A_413 = arith.constant 1 : i32
      %parallel_loop3A_414 = arith.index_cast %parallel_loop3A_413 : i32 to index
      %parallel_loop3A_415 = arith.index_cast %parallel_loop3A_412 : i32 to index
      %parallel_loop3A_416 = arith.constant 32 : index
      %parallel_loop3A_417 = tpu.vector_load %arg7[%parallel_loop3A_414, %parallel_loop3A_415, %parallel_loop3A_416] {strides = array<i32>} : memref<4x128x128xf32, #tpu.memory_space<vmem>>, vector<1x1x16xf32>,
      %parallel_loop3A_418 = vector.shape_cast %parallel_loop3A_417 : vector<1x1x16xf32> to vector<16xf32>
      %parallel_loop3A_419 = arith.constant 11.3137083 : f32
      %parallel_loop3A_420 = vector.broadcast %parallel_loop3A_419 : f32 to vector<16xf32>
      %parallel_loop3A_421 = arith.mulf %parallel_loop3A_418, %parallel_loop3A_420 : vector<16xf32>
      %parallel_loop3A_422 = arith.addf %parallel_loop3A_421, %parallel_loop3A_190 : vector<16xf32>
      %parallel_loop3A_423 = arith.constant 1 : i32
      %parallel_loop3A_424 = arith.index_cast %parallel_loop3A_172 : i32 to index
      %parallel_loop3A_425 = arith.index_cast %parallel_loop3A_423 : i32 to index
      %parallel_loop3A_426 = arith.constant 32 : index
      %parallel_loop3A_427 = tpu.vector_load %arg8[%parallel_loop3A_424, %parallel_loop3A_425, %parallel_loop3A_426] {strides = array<i32>} : memref<32x4x128xf32, #tpu.memory_space<vmem>>, vector<1x1x16xf32>,
      %parallel_loop3A_428 = vector.shape_cast %parallel_loop3A_427 : vector<1x1x16xf32> to vector<16xf32>
      %parallel_loop3A_429 = vector.shape_cast %parallel_loop3A_422 : vector<16xf32> to vector<1x1x16xf32>
      tpu.vector_store %arg8[%parallel_loop3A_424, %parallel_loop3A_425, %parallel_loop3A_426], %parallel_loop3A_429 {strides = array<i32>} : memref<32x4x128xf32, #tpu.memory_space<vmem>>, vector<1x1x16xf32>,
      %parallel_loop3A_430 = arith.constant 64 : i32
      %parallel_loop3A_431 = arith.addi %parallel_loop3A_430, %parallel_loop3A_172 : i32
      %parallel_loop3A_432 = arith.constant 1 : i32
      %parallel_loop3A_433 = arith.index_cast %parallel_loop3A_432 : i32 to index
      %parallel_loop3A_434 = arith.index_cast %parallel_loop3A_431 : i32 to index
      %parallel_loop3A_435 = arith.constant 48 : index
      %parallel_loop3A_436 = tpu.vector_load %arg7[%parallel_loop3A_433, %parallel_loop3A_434, %parallel_loop3A_435] {strides = array<i32>} : memref<4x128x128xf32, #tpu.memory_space<vmem>>, vector<1x1x16xf32>,
      %parallel_loop3A_437 = vector.shape_cast %parallel_loop3A_436 : vector<1x1x16xf32> to vector<16xf32>
      %parallel_loop3A_438 = arith.constant 11.3137083 : f32
      %parallel_loop3A_439 = vector.broadcast %parallel_loop3A_438 : f32 to vector<16xf32>
      %parallel_loop3A_440 = arith.mulf %parallel_loop3A_437, %parallel_loop3A_439 : vector<16xf32>
      %parallel_loop3A_441 = arith.addf %parallel_loop3A_440, %parallel_loop3A_196 : vector<16xf32>
      %parallel_loop3A_442 = arith.constant 1 : i32
      %parallel_loop3A_443 = arith.index_cast %parallel_loop3A_172 : i32 to index
      %parallel_loop3A_444 = arith.index_cast %parallel_loop3A_442 : i32 to index
      %parallel_loop3A_445 = arith.constant 48 : index
      %parallel_loop3A_446 = tpu.vector_load %arg8[%parallel_loop3A_443, %parallel_loop3A_444, %parallel_loop3A_445] {strides = array<i32>} : memref<32x4x128xf32, #tpu.memory_space<vmem>>, vector<1x1x16xf32>,
      %parallel_loop3A_447 = vector.shape_cast %parallel_loop3A_446 : vector<1x1x16xf32> to vector<16xf32>
      %parallel_loop3A_448 = vector.shape_cast %parallel_loop3A_441 : vector<16xf32> to vector<1x1x16xf32>
      tpu.vector_store %arg8[%parallel_loop3A_443, %parallel_loop3A_444, %parallel_loop3A_445], %parallel_loop3A_448 {strides = array<i32>} : memref<32x4x128xf32, #tpu.memory_space<vmem>>, vector<1x1x16xf32>,
      %parallel_loop3A_449 = arith.constant 64 : i32
      %parallel_loop3A_450 = arith.addi %parallel_loop3A_449, %parallel_loop3A_172 : i32
      %parallel_loop3A_451 = arith.constant 1 : i32
      %parallel_loop3A_452 = arith.index_cast %parallel_loop3A_451 : i32 to index
      %parallel_loop3A_453 = arith.index_cast %parallel_loop3A_450 : i32 to index
      %parallel_loop3A_454 = arith.constant 64 : index
      %parallel_loop3A_455 = tpu.vector_load %arg7[%parallel_loop3A_452, %parallel_loop3A_453, %parallel_loop3A_454] {strides = array<i32>} : memref<4x128x128xf32, #tpu.memory_space<vmem>>, vector<1x1x16xf32>,
      %parallel_loop3A_456 = vector.shape_cast %parallel_loop3A_455 : vector<1x1x16xf32> to vector<16xf32>
      %parallel_loop3A_457 = arith.constant 11.3137083 : f32
      %parallel_loop3A_458 = vector.broadcast %parallel_loop3A_457 : f32 to vector<16xf32>
      %parallel_loop3A_459 = arith.mulf %parallel_loop3A_456, %parallel_loop3A_458 : vector<16xf32>
      %parallel_loop3A_460 = arith.addf %parallel_loop3A_459, %parallel_loop3A_202 : vector<16xf32>
      %parallel_loop3A_461 = arith.constant 1 : i32
      %parallel_loop3A_462 = arith.index_cast %parallel_loop3A_172 : i32 to index
      %parallel_loop3A_463 = arith.index_cast %parallel_loop3A_461 : i32 to index
      %parallel_loop3A_464 = arith.constant 64 : index
      %parallel_loop3A_465 = tpu.vector_load %arg8[%parallel_loop3A_462, %parallel_loop3A_463, %parallel_loop3A_464] {strides = array<i32>} : memref<32x4x128xf32, #tpu.memory_space<vmem>>, vector<1x1x16xf32>,
      %parallel_loop3A_466 = vector.shape_cast %parallel_loop3A_465 : vector<1x1x16xf32> to vector<16xf32>
      %parallel_loop3A_467 = vector.shape_cast %parallel_loop3A_460 : vector<16xf32> to vector<1x1x16xf32>
      tpu.vector_store %arg8[%parallel_loop3A_462, %parallel_loop3A_463, %parallel_loop3A_464], %parallel_loop3A_467 {strides = array<i32>} : memref<32x4x128xf32, #tpu.memory_space<vmem>>, vector<1x1x16xf32>,
      %parallel_loop3A_468 = arith.constant 64 : i32
      %parallel_loop3A_469 = arith.addi %parallel_loop3A_468, %parallel_loop3A_172 : i32
      %parallel_loop3A_470 = arith.constant 1 : i32
      %parallel_loop3A_471 = arith.index_cast %parallel_loop3A_470 : i32 to index
      %parallel_loop3A_472 = arith.index_cast %parallel_loop3A_469 : i32 to index
      %parallel_loop3A_473 = arith.constant 80 : index
      %parallel_loop3A_474 = tpu.vector_load %arg7[%parallel_loop3A_471, %parallel_loop3A_472, %parallel_loop3A_473] {strides = array<i32>} : memref<4x128x128xf32, #tpu.memory_space<vmem>>, vector<1x1x16xf32>,
      %parallel_loop3A_475 = vector.shape_cast %parallel_loop3A_474 : vector<1x1x16xf32> to vector<16xf32>
      %parallel_loop3A_476 = arith.constant 11.3137083 : f32
      %parallel_loop3A_477 = vector.broadcast %parallel_loop3A_476 : f32 to vector<16xf32>
      %parallel_loop3A_478 = arith.mulf %parallel_loop3A_475, %parallel_loop3A_477 : vector<16xf32>
      %parallel_loop3A_479 = arith.addf %parallel_loop3A_478, %parallel_loop3A_208 : vector<16xf32>
      %parallel_loop3A_480 = arith.constant 1 : i32
      %parallel_loop3A_481 = arith.index_cast %parallel_loop3A_172 : i32 to index
      %parallel_loop3A_482 = arith.index_cast %parallel_loop3A_480 : i32 to index
      %parallel_loop3A_483 = arith.constant 80 : index
      %parallel_loop3A_484 = tpu.vector_load %arg8[%parallel_loop3A_481, %parallel_loop3A_482, %parallel_loop3A_483] {strides = array<i32>} : memref<32x4x128xf32, #tpu.memory_space<vmem>>, vector<1x1x16xf32>,
      %parallel_loop3A_485 = vector.shape_cast %parallel_loop3A_484 : vector<1x1x16xf32> to vector<16xf32>
      %parallel_loop3A_486 = vector.shape_cast %parallel_loop3A_479 : vector<16xf32> to vector<1x1x16xf32>
      tpu.vector_store %arg8[%parallel_loop3A_481, %parallel_loop3A_482, %parallel_loop3A_483], %parallel_loop3A_486 {strides = array<i32>} : memref<32x4x128xf32, #tpu.memory_space<vmem>>, vector<1x1x16xf32>,
      %parallel_loop3A_487 = arith.constant 64 : i32
      %parallel_loop3A_488 = arith.addi %parallel_loop3A_487, %parallel_loop3A_172 : i32
      %parallel_loop3A_489 = arith.constant 1 : i32
      %parallel_loop3A_490 = arith.index_cast %parallel_loop3A_489 : i32 to index
      %parallel_loop3A_491 = arith.index_cast %parallel_loop3A_488 : i32 to index
      %parallel_loop3A_492 = arith.constant 96 : index
      %parallel_loop3A_493 = tpu.vector_load %arg7[%parallel_loop3A_490, %parallel_loop3A_491, %parallel_loop3A_492] {strides = array<i32>} : memref<4x128x128xf32, #tpu.memory_space<vmem>>, vector<1x1x16xf32>,
      %parallel_loop3A_494 = vector.shape_cast %parallel_loop3A_493 : vector<1x1x16xf32> to vector<16xf32>
      %parallel_loop3A_495 = arith.constant 11.3137083 : f32
      %parallel_loop3A_496 = vector.broadcast %parallel_loop3A_495 : f32 to vector<16xf32>
      %parallel_loop3A_497 = arith.mulf %parallel_loop3A_494, %parallel_loop3A_496 : vector<16xf32>
      %parallel_loop3A_498 = arith.addf %parallel_loop3A_497, %parallel_loop3A_214 : vector<16xf32>
      %parallel_loop3A_499 = arith.constant 1 : i32
      %parallel_loop3A_500 = arith.index_cast %parallel_loop3A_172 : i32 to index
      %parallel_loop3A_501 = arith.index_cast %parallel_loop3A_499 : i32 to index
      %parallel_loop3A_502 = arith.constant 96 : index
      %parallel_loop3A_503 = tpu.vector_load %arg8[%parallel_loop3A_500, %parallel_loop3A_501, %parallel_loop3A_502] {strides = array<i32>} : memref<32x4x128xf32, #tpu.memory_space<vmem>>, vector<1x1x16xf32>,
      %parallel_loop3A_504 = vector.shape_cast %parallel_loop3A_503 : vector<1x1x16xf32> to vector<16xf32>
      %parallel_loop3A_505 = vector.shape_cast %parallel_loop3A_498 : vector<16xf32> to vector<1x1x16xf32>
      tpu.vector_store %arg8[%parallel_loop3A_500, %parallel_loop3A_501, %parallel_loop3A_502], %parallel_loop3A_505 {strides = array<i32>} : memref<32x4x128xf32, #tpu.memory_space<vmem>>, vector<1x1x16xf32>,
      %parallel_loop3A_506 = arith.constant 64 : i32
      %parallel_loop3A_507 = arith.addi %parallel_loop3A_506, %parallel_loop3A_172 : i32
      %parallel_loop3A_508 = arith.constant 1 : i32
      %parallel_loop3A_509 = arith.index_cast %parallel_loop3A_508 : i32 to index
      %parallel_loop3A_510 = arith.index_cast %parallel_loop3A_507 : i32 to index
      %parallel_loop3A_511 = arith.constant 112 : index
      %parallel_loop3A_512 = tpu.vector_load %arg7[%parallel_loop3A_509, %parallel_loop3A_510, %parallel_loop3A_511] {strides = array<i32>} : memref<4x128x128xf32, #tpu.memory_space<vmem>>, vector<1x1x16xf32>,
      %parallel_loop3A_513 = vector.shape_cast %parallel_loop3A_512 : vector<1x1x16xf32> to vector<16xf32>
      %parallel_loop3A_514 = arith.constant 11.3137083 : f32
      %parallel_loop3A_515 = vector.broadcast %parallel_loop3A_514 : f32 to vector<16xf32>
      %parallel_loop3A_516 = arith.mulf %parallel_loop3A_513, %parallel_loop3A_515 : vector<16xf32>
      %parallel_loop3A_517 = arith.addf %parallel_loop3A_516, %parallel_loop3A_220 : vector<16xf32>
      %parallel_loop3A_518 = arith.constant 1 : i32
      %parallel_loop3A_519 = arith.index_cast %parallel_loop3A_172 : i32 to index
      %parallel_loop3A_520 = arith.index_cast %parallel_loop3A_518 : i32 to index
      %parallel_loop3A_521 = arith.constant 112 : index
      %parallel_loop3A_522 = tpu.vector_load %arg8[%parallel_loop3A_519, %parallel_loop3A_520, %parallel_loop3A_521] {strides = array<i32>} : memref<32x4x128xf32, #tpu.memory_space<vmem>>, vector<1x1x16xf32>,
      %parallel_loop3A_523 = vector.shape_cast %parallel_loop3A_522 : vector<1x1x16xf32> to vector<16xf32>
      %parallel_loop3A_524 = vector.shape_cast %parallel_loop3A_517 : vector<16xf32> to vector<1x1x16xf32>
      tpu.vector_store %arg8[%parallel_loop3A_519, %parallel_loop3A_520, %parallel_loop3A_521], %parallel_loop3A_524 {strides = array<i32>} : memref<32x4x128xf32, #tpu.memory_space<vmem>>, vector<1x1x16xf32>,
      %parallel_loop3A_525 = arith.constant 64 : i32
      %parallel_loop3A_526 = arith.addi %parallel_loop3A_525, %parallel_loop3A_172 : i32
      %parallel_loop3A_527 = arith.constant 2 : i32
      %parallel_loop3A_528 = arith.index_cast %parallel_loop3A_527 : i32 to index
      %parallel_loop3A_529 = arith.index_cast %parallel_loop3A_526 : i32 to index
      %parallel_loop3A_530 = arith.constant 0 : index
      %parallel_loop3A_531 = tpu.vector_load %arg7[%parallel_loop3A_528, %parallel_loop3A_529, %parallel_loop3A_530] {strides = array<i32>} : memref<4x128x128xf32, #tpu.memory_space<vmem>>, vector<1x1x16xf32>,
      %parallel_loop3A_532 = vector.shape_cast %parallel_loop3A_531 : vector<1x1x16xf32> to vector<16xf32>
      %parallel_loop3A_533 = arith.constant 11.3137083 : f32
      %parallel_loop3A_534 = vector.broadcast %parallel_loop3A_533 : f32 to vector<16xf32>
      %parallel_loop3A_535 = arith.mulf %parallel_loop3A_532, %parallel_loop3A_534 : vector<16xf32>
      %parallel_loop3A_536 = arith.addf %parallel_loop3A_535, %parallel_loop3A_178 : vector<16xf32>
      %parallel_loop3A_537 = arith.constant 2 : i32
      %parallel_loop3A_538 = arith.index_cast %parallel_loop3A_172 : i32 to index
      %parallel_loop3A_539 = arith.index_cast %parallel_loop3A_537 : i32 to index
      %parallel_loop3A_540 = arith.constant 0 : index
      %parallel_loop3A_541 = tpu.vector_load %arg8[%parallel_loop3A_538, %parallel_loop3A_539, %parallel_loop3A_540] {strides = array<i32>} : memref<32x4x128xf32, #tpu.memory_space<vmem>>, vector<1x1x16xf32>,
      %parallel_loop3A_542 = vector.shape_cast %parallel_loop3A_541 : vector<1x1x16xf32> to vector<16xf32>
      %parallel_loop3A_543 = vector.shape_cast %parallel_loop3A_536 : vector<16xf32> to vector<1x1x16xf32>
      tpu.vector_store %arg8[%parallel_loop3A_538, %parallel_loop3A_539, %parallel_loop3A_540], %parallel_loop3A_543 {strides = array<i32>} : memref<32x4x128xf32, #tpu.memory_space<vmem>>, vector<1x1x16xf32>,
      %parallel_loop3A_544 = arith.constant 64 : i32
      %parallel_loop3A_545 = arith.addi %parallel_loop3A_544, %parallel_loop3A_172 : i32
      %parallel_loop3A_546 = arith.constant 2 : i32
      %parallel_loop3A_547 = arith.index_cast %parallel_loop3A_546 : i32 to index
      %parallel_loop3A_548 = arith.index_cast %parallel_loop3A_545 : i32 to index
      %parallel_loop3A_549 = arith.constant 16 : index
      %parallel_loop3A_550 = tpu.vector_load %arg7[%parallel_loop3A_547, %parallel_loop3A_548, %parallel_loop3A_549] {strides = array<i32>} : memref<4x128x128xf32, #tpu.memory_space<vmem>>, vector<1x1x16xf32>,
      %parallel_loop3A_551 = vector.shape_cast %parallel_loop3A_550 : vector<1x1x16xf32> to vector<16xf32>
      %parallel_loop3A_552 = arith.constant 11.3137083 : f32
      %parallel_loop3A_553 = vector.broadcast %parallel_loop3A_552 : f32 to vector<16xf32>
      %parallel_loop3A_554 = arith.mulf %parallel_loop3A_551, %parallel_loop3A_553 : vector<16xf32>
      %parallel_loop3A_555 = arith.addf %parallel_loop3A_554, %parallel_loop3A_184 : vector<16xf32>
      %parallel_loop3A_556 = arith.constant 2 : i32
      %parallel_loop3A_557 = arith.index_cast %parallel_loop3A_172 : i32 to index
      %parallel_loop3A_558 = arith.index_cast %parallel_loop3A_556 : i32 to index
      %parallel_loop3A_559 = arith.constant 16 : index
      %parallel_loop3A_560 = tpu.vector_load %arg8[%parallel_loop3A_557, %parallel_loop3A_558, %parallel_loop3A_559] {strides = array<i32>} : memref<32x4x128xf32, #tpu.memory_space<vmem>>, vector<1x1x16xf32>,
      %parallel_loop3A_561 = vector.shape_cast %parallel_loop3A_560 : vector<1x1x16xf32> to vector<16xf32>
      %parallel_loop3A_562 = vector.shape_cast %parallel_loop3A_555 : vector<16xf32> to vector<1x1x16xf32>
      tpu.vector_store %arg8[%parallel_loop3A_557, %parallel_loop3A_558, %parallel_loop3A_559], %parallel_loop3A_562 {strides = array<i32>} : memref<32x4x128xf32, #tpu.memory_space<vmem>>, vector<1x1x16xf32>,
      %parallel_loop3A_563 = arith.constant 64 : i32
      %parallel_loop3A_564 = arith.addi %parallel_loop3A_563, %parallel_loop3A_172 : i32
      %parallel_loop3A_565 = arith.constant 2 : i32
      %parallel_loop3A_566 = arith.index_cast %parallel_loop3A_565 : i32 to index
      %parallel_loop3A_567 = arith.index_cast %parallel_loop3A_564 : i32 to index
      %parallel_loop3A_568 = arith.constant 32 : index
      %parallel_loop3A_569 = tpu.vector_load %arg7[%parallel_loop3A_566, %parallel_loop3A_567, %parallel_loop3A_568] {strides = array<i32>} : memref<4x128x128xf32, #tpu.memory_space<vmem>>, vector<1x1x16xf32>,
      %parallel_loop3A_570 = vector.shape_cast %parallel_loop3A_569 : vector<1x1x16xf32> to vector<16xf32>
      %parallel_loop3A_571 = arith.constant 11.3137083 : f32
      %parallel_loop3A_572 = vector.broadcast %parallel_loop3A_571 : f32 to vector<16xf32>
      %parallel_loop3A_573 = arith.mulf %parallel_loop3A_570, %parallel_loop3A_572 : vector<16xf32>
      %parallel_loop3A_574 = arith.addf %parallel_loop3A_573, %parallel_loop3A_190 : vector<16xf32>
      %parallel_loop3A_575 = arith.constant 2 : i32
      %parallel_loop3A_576 = arith.index_cast %parallel_loop3A_172 : i32 to index
      %parallel_loop3A_577 = arith.index_cast %parallel_loop3A_575 : i32 to index
      %parallel_loop3A_578 = arith.constant 32 : index
      %parallel_loop3A_579 = tpu.vector_load %arg8[%parallel_loop3A_576, %parallel_loop3A_577, %parallel_loop3A_578] {strides = array<i32>} : memref<32x4x128xf32, #tpu.memory_space<vmem>>, vector<1x1x16xf32>,
      %parallel_loop3A_580 = vector.shape_cast %parallel_loop3A_579 : vector<1x1x16xf32> to vector<16xf32>
      %parallel_loop3A_581 = vector.shape_cast %parallel_loop3A_574 : vector<16xf32> to vector<1x1x16xf32>
      tpu.vector_store %arg8[%parallel_loop3A_576, %parallel_loop3A_577, %parallel_loop3A_578], %parallel_loop3A_581 {strides = array<i32>} : memref<32x4x128xf32, #tpu.memory_space<vmem>>, vector<1x1x16xf32>,
      %parallel_loop3A_582 = arith.constant 64 : i32
      %parallel_loop3A_583 = arith.addi %parallel_loop3A_582, %parallel_loop3A_172 : i32
      %parallel_loop3A_584 = arith.constant 2 : i32
      %parallel_loop3A_585 = arith.index_cast %parallel_loop3A_584 : i32 to index
      %parallel_loop3A_586 = arith.index_cast %parallel_loop3A_583 : i32 to index
      %parallel_loop3A_587 = arith.constant 48 : index
      %parallel_loop3A_588 = tpu.vector_load %arg7[%parallel_loop3A_585, %parallel_loop3A_586, %parallel_loop3A_587] {strides = array<i32>} : memref<4x128x128xf32, #tpu.memory_space<vmem>>, vector<1x1x16xf32>,
      %parallel_loop3A_589 = vector.shape_cast %parallel_loop3A_588 : vector<1x1x16xf32> to vector<16xf32>
      %parallel_loop3A_590 = arith.constant 11.3137083 : f32
      %parallel_loop3A_591 = vector.broadcast %parallel_loop3A_590 : f32 to vector<16xf32>
      %parallel_loop3A_592 = arith.mulf %parallel_loop3A_589, %parallel_loop3A_591 : vector<16xf32>
      %parallel_loop3A_593 = arith.addf %parallel_loop3A_592, %parallel_loop3A_196 : vector<16xf32>
      %parallel_loop3A_594 = arith.constant 2 : i32
      %parallel_loop3A_595 = arith.index_cast %parallel_loop3A_172 : i32 to index
      %parallel_loop3A_596 = arith.index_cast %parallel_loop3A_594 : i32 to index
      %parallel_loop3A_597 = arith.constant 48 : index
      %parallel_loop3A_598 = tpu.vector_load %arg8[%parallel_loop3A_595, %parallel_loop3A_596, %parallel_loop3A_597] {strides = array<i32>} : memref<32x4x128xf32, #tpu.memory_space<vmem>>, vector<1x1x16xf32>,
      %parallel_loop3A_599 = vector.shape_cast %parallel_loop3A_598 : vector<1x1x16xf32> to vector<16xf32>
      %parallel_loop3A_600 = vector.shape_cast %parallel_loop3A_593 : vector<16xf32> to vector<1x1x16xf32>
      tpu.vector_store %arg8[%parallel_loop3A_595, %parallel_loop3A_596, %parallel_loop3A_597], %parallel_loop3A_600 {strides = array<i32>} : memref<32x4x128xf32, #tpu.memory_space<vmem>>, vector<1x1x16xf32>,
      %parallel_loop3A_601 = arith.constant 64 : i32
      %parallel_loop3A_602 = arith.addi %parallel_loop3A_601, %parallel_loop3A_172 : i32
      %parallel_loop3A_603 = arith.constant 2 : i32
      %parallel_loop3A_604 = arith.index_cast %parallel_loop3A_603 : i32 to index
      %parallel_loop3A_605 = arith.index_cast %parallel_loop3A_602 : i32 to index
      %parallel_loop3A_606 = arith.constant 64 : index
      %parallel_loop3A_607 = tpu.vector_load %arg7[%parallel_loop3A_604, %parallel_loop3A_605, %parallel_loop3A_606] {strides = array<i32>} : memref<4x128x128xf32, #tpu.memory_space<vmem>>, vector<1x1x16xf32>,
      %parallel_loop3A_608 = vector.shape_cast %parallel_loop3A_607 : vector<1x1x16xf32> to vector<16xf32>
      %parallel_loop3A_609 = arith.constant 11.3137083 : f32
      %parallel_loop3A_610 = vector.broadcast %parallel_loop3A_609 : f32 to vector<16xf32>
      %parallel_loop3A_611 = arith.mulf %parallel_loop3A_608, %parallel_loop3A_610 : vector<16xf32>
      %parallel_loop3A_612 = arith.addf %parallel_loop3A_611, %parallel_loop3A_202 : vector<16xf32>
      %parallel_loop3A_613 = arith.constant 2 : i32
      %parallel_loop3A_614 = arith.index_cast %parallel_loop3A_172 : i32 to index
      %parallel_loop3A_615 = arith.index_cast %parallel_loop3A_613 : i32 to index
      %parallel_loop3A_616 = arith.constant 64 : index
      %parallel_loop3A_617 = tpu.vector_load %arg8[%parallel_loop3A_614, %parallel_loop3A_615, %parallel_loop3A_616] {strides = array<i32>} : memref<32x4x128xf32, #tpu.memory_space<vmem>>, vector<1x1x16xf32>,
      %parallel_loop3A_618 = vector.shape_cast %parallel_loop3A_617 : vector<1x1x16xf32> to vector<16xf32>
      %parallel_loop3A_619 = vector.shape_cast %parallel_loop3A_612 : vector<16xf32> to vector<1x1x16xf32>
      tpu.vector_store %arg8[%parallel_loop3A_614, %parallel_loop3A_615, %parallel_loop3A_616], %parallel_loop3A_619 {strides = array<i32>} : memref<32x4x128xf32, #tpu.memory_space<vmem>>, vector<1x1x16xf32>,
      %parallel_loop3A_620 = arith.constant 64 : i32
      %parallel_loop3A_621 = arith.addi %parallel_loop3A_620, %parallel_loop3A_172 : i32
      %parallel_loop3A_622 = arith.constant 2 : i32
      %parallel_loop3A_623 = arith.index_cast %parallel_loop3A_622 : i32 to index
      %parallel_loop3A_624 = arith.index_cast %parallel_loop3A_621 : i32 to index
      %parallel_loop3A_625 = arith.constant 80 : index
      %parallel_loop3A_626 = tpu.vector_load %arg7[%parallel_loop3A_623, %parallel_loop3A_624, %parallel_loop3A_625] {strides = array<i32>} : memref<4x128x128xf32, #tpu.memory_space<vmem>>, vector<1x1x16xf32>,
      %parallel_loop3A_627 = vector.shape_cast %parallel_loop3A_626 : vector<1x1x16xf32> to vector<16xf32>
      %parallel_loop3A_628 = arith.constant 11.3137083 : f32
      %parallel_loop3A_629 = vector.broadcast %parallel_loop3A_628 : f32 to vector<16xf32>
      %parallel_loop3A_630 = arith.mulf %parallel_loop3A_627, %parallel_loop3A_629 : vector<16xf32>
      %parallel_loop3A_631 = arith.addf %parallel_loop3A_630, %parallel_loop3A_208 : vector<16xf32>
      %parallel_loop3A_632 = arith.constant 2 : i32
      %parallel_loop3A_633 = arith.index_cast %parallel_loop3A_172 : i32 to index
      %parallel_loop3A_634 = arith.index_cast %parallel_loop3A_632 : i32 to index
      %parallel_loop3A_635 = arith.constant 80 : index
      %parallel_loop3A_636 = tpu.vector_load %arg8[%parallel_loop3A_633, %parallel_loop3A_634, %parallel_loop3A_635] {strides = array<i32>} : memref<32x4x128xf32, #tpu.memory_space<vmem>>, vector<1x1x16xf32>,
      %parallel_loop3A_637 = vector.shape_cast %parallel_loop3A_636 : vector<1x1x16xf32> to vector<16xf32>
      %parallel_loop3A_638 = vector.shape_cast %parallel_loop3A_631 : vector<16xf32> to vector<1x1x16xf32>
      tpu.vector_store %arg8[%parallel_loop3A_633, %parallel_loop3A_634, %parallel_loop3A_635], %parallel_loop3A_638 {strides = array<i32>} : memref<32x4x128xf32, #tpu.memory_space<vmem>>, vector<1x1x16xf32>,
      %parallel_loop3A_639 = arith.constant 64 : i32
      %parallel_loop3A_640 = arith.addi %parallel_loop3A_639, %parallel_loop3A_172 : i32
      %parallel_loop3A_641 = arith.constant 2 : i32
      %parallel_loop3A_642 = arith.index_cast %parallel_loop3A_641 : i32 to index
      %parallel_loop3A_643 = arith.index_cast %parallel_loop3A_640 : i32 to index
      %parallel_loop3A_644 = arith.constant 96 : index
      %parallel_loop3A_645 = tpu.vector_load %arg7[%parallel_loop3A_642, %parallel_loop3A_643, %parallel_loop3A_644] {strides = array<i32>} : memref<4x128x128xf32, #tpu.memory_space<vmem>>, vector<1x1x16xf32>,
      %parallel_loop3A_646 = vector.shape_cast %parallel_loop3A_645 : vector<1x1x16xf32> to vector<16xf32>
      %parallel_loop3A_647 = arith.constant 11.3137083 : f32
      %parallel_loop3A_648 = vector.broadcast %parallel_loop3A_647 : f32 to vector<16xf32>
      %parallel_loop3A_649 = arith.mulf %parallel_loop3A_646, %parallel_loop3A_648 : vector<16xf32>
      %parallel_loop3A_650 = arith.addf %parallel_loop3A_649, %parallel_loop3A_214 : vector<16xf32>
      %parallel_loop3A_651 = arith.constant 2 : i32
      %parallel_loop3A_652 = arith.index_cast %parallel_loop3A_172 : i32 to index
      %parallel_loop3A_653 = arith.index_cast %parallel_loop3A_651 : i32 to index
      %parallel_loop3A_654 = arith.constant 96 : index
      %parallel_loop3A_655 = tpu.vector_load %arg8[%parallel_loop3A_652, %parallel_loop3A_653, %parallel_loop3A_654] {strides = array<i32>} : memref<32x4x128xf32, #tpu.memory_space<vmem>>, vector<1x1x16xf32>,
      %parallel_loop3A_656 = vector.shape_cast %parallel_loop3A_655 : vector<1x1x16xf32> to vector<16xf32>
      %parallel_loop3A_657 = vector.shape_cast %parallel_loop3A_650 : vector<16xf32> to vector<1x1x16xf32>
      tpu.vector_store %arg8[%parallel_loop3A_652, %parallel_loop3A_653, %parallel_loop3A_654], %parallel_loop3A_657 {strides = array<i32>} : memref<32x4x128xf32, #tpu.memory_space<vmem>>, vector<1x1x16xf32>,
      %parallel_loop3A_658 = arith.constant 64 : i32
      %parallel_loop3A_659 = arith.addi %parallel_loop3A_658, %parallel_loop3A_172 : i32
      %parallel_loop3A_660 = arith.constant 2 : i32
      %parallel_loop3A_661 = arith.index_cast %parallel_loop3A_660 : i32 to index
      %parallel_loop3A_662 = arith.index_cast %parallel_loop3A_659 : i32 to index
      %parallel_loop3A_663 = arith.constant 112 : index
      %parallel_loop3A_664 = tpu.vector_load %arg7[%parallel_loop3A_661, %parallel_loop3A_662, %parallel_loop3A_663] {strides = array<i32>} : memref<4x128x128xf32, #tpu.memory_space<vmem>>, vector<1x1x16xf32>,
      %parallel_loop3A_665 = vector.shape_cast %parallel_loop3A_664 : vector<1x1x16xf32> to vector<16xf32>
      %parallel_loop3A_666 = arith.constant 11.3137083 : f32
      %parallel_loop3A_667 = vector.broadcast %parallel_loop3A_666 : f32 to vector<16xf32>
      %parallel_loop3A_668 = arith.mulf %parallel_loop3A_665, %parallel_loop3A_667 : vector<16xf32>
      %parallel_loop3A_669 = arith.addf %parallel_loop3A_668, %parallel_loop3A_220 : vector<16xf32>
      %parallel_loop3A_670 = arith.constant 2 : i32
      %parallel_loop3A_671 = arith.index_cast %parallel_loop3A_172 : i32 to index
      %parallel_loop3A_672 = arith.index_cast %parallel_loop3A_670 : i32 to index
      %parallel_loop3A_673 = arith.constant 112 : index
      %parallel_loop3A_674 = tpu.vector_load %arg8[%parallel_loop3A_671, %parallel_loop3A_672, %parallel_loop3A_673] {strides = array<i32>} : memref<32x4x128xf32, #tpu.memory_space<vmem>>, vector<1x1x16xf32>,
      %parallel_loop3A_675 = vector.shape_cast %parallel_loop3A_674 : vector<1x1x16xf32> to vector<16xf32>
      %parallel_loop3A_676 = vector.shape_cast %parallel_loop3A_669 : vector<16xf32> to vector<1x1x16xf32>
      tpu.vector_store %arg8[%parallel_loop3A_671, %parallel_loop3A_672, %parallel_loop3A_673], %parallel_loop3A_676 {strides = array<i32>} : memref<32x4x128xf32, #tpu.memory_space<vmem>>, vector<1x1x16xf32>,
      %parallel_loop3A_677 = arith.constant 64 : i32
      %parallel_loop3A_678 = arith.addi %parallel_loop3A_677, %parallel_loop3A_172 : i32
      %parallel_loop3A_679 = arith.constant 3 : i32
      %parallel_loop3A_680 = arith.index_cast %parallel_loop3A_679 : i32 to index
      %parallel_loop3A_681 = arith.index_cast %parallel_loop3A_678 : i32 to index
      %parallel_loop3A_682 = arith.constant 0 : index
      %parallel_loop3A_683 = tpu.vector_load %arg7[%parallel_loop3A_680, %parallel_loop3A_681, %parallel_loop3A_682] {strides = array<i32>} : memref<4x128x128xf32, #tpu.memory_space<vmem>>, vector<1x1x16xf32>,
      %parallel_loop3A_684 = vector.shape_cast %parallel_loop3A_683 : vector<1x1x16xf32> to vector<16xf32>
      %parallel_loop3A_685 = arith.constant 11.3137083 : f32
      %parallel_loop3A_686 = vector.broadcast %parallel_loop3A_685 : f32 to vector<16xf32>
      %parallel_loop3A_687 = arith.mulf %parallel_loop3A_684, %parallel_loop3A_686 : vector<16xf32>
      %parallel_loop3A_688 = arith.addf %parallel_loop3A_687, %parallel_loop3A_178 : vector<16xf32>
      %parallel_loop3A_689 = arith.constant 3 : i32
      %parallel_loop3A_690 = arith.index_cast %parallel_loop3A_172 : i32 to index
      %parallel_loop3A_691 = arith.index_cast %parallel_loop3A_689 : i32 to index
      %parallel_loop3A_692 = arith.constant 0 : index
      %parallel_loop3A_693 = tpu.vector_load %arg8[%parallel_loop3A_690, %parallel_loop3A_691, %parallel_loop3A_692] {strides = array<i32>} : memref<32x4x128xf32, #tpu.memory_space<vmem>>, vector<1x1x16xf32>,
      %parallel_loop3A_694 = vector.shape_cast %parallel_loop3A_693 : vector<1x1x16xf32> to vector<16xf32>
      %parallel_loop3A_695 = vector.shape_cast %parallel_loop3A_688 : vector<16xf32> to vector<1x1x16xf32>
      tpu.vector_store %arg8[%parallel_loop3A_690, %parallel_loop3A_691, %parallel_loop3A_692], %parallel_loop3A_695 {strides = array<i32>} : memref<32x4x128xf32, #tpu.memory_space<vmem>>, vector<1x1x16xf32>,
      %parallel_loop3A_696 = arith.constant 64 : i32
      %parallel_loop3A_697 = arith.addi %parallel_loop3A_696, %parallel_loop3A_172 : i32
      %parallel_loop3A_698 = arith.constant 3 : i32
      %parallel_loop3A_699 = arith.index_cast %parallel_loop3A_698 : i32 to index
      %parallel_loop3A_700 = arith.index_cast %parallel_loop3A_697 : i32 to index
      %parallel_loop3A_701 = arith.constant 16 : index
      %parallel_loop3A_702 = tpu.vector_load %arg7[%parallel_loop3A_699, %parallel_loop3A_700, %parallel_loop3A_701] {strides = array<i32>} : memref<4x128x128xf32, #tpu.memory_space<vmem>>, vector<1x1x16xf32>,
      %parallel_loop3A_703 = vector.shape_cast %parallel_loop3A_702 : vector<1x1x16xf32> to vector<16xf32>
      %parallel_loop3A_704 = arith.constant 11.3137083 : f32
      %parallel_loop3A_705 = vector.broadcast %parallel_loop3A_704 : f32 to vector<16xf32>
      %parallel_loop3A_706 = arith.mulf %parallel_loop3A_703, %parallel_loop3A_705 : vector<16xf32>
      %parallel_loop3A_707 = arith.addf %parallel_loop3A_706, %parallel_loop3A_184 : vector<16xf32>
      %parallel_loop3A_708 = arith.constant 3 : i32
      %parallel_loop3A_709 = arith.index_cast %parallel_loop3A_172 : i32 to index
      %parallel_loop3A_710 = arith.index_cast %parallel_loop3A_708 : i32 to index
      %parallel_loop3A_711 = arith.constant 16 : index
      %parallel_loop3A_712 = tpu.vector_load %arg8[%parallel_loop3A_709, %parallel_loop3A_710, %parallel_loop3A_711] {strides = array<i32>} : memref<32x4x128xf32, #tpu.memory_space<vmem>>, vector<1x1x16xf32>,
      %parallel_loop3A_713 = vector.shape_cast %parallel_loop3A_712 : vector<1x1x16xf32> to vector<16xf32>
      %parallel_loop3A_714 = vector.shape_cast %parallel_loop3A_707 : vector<16xf32> to vector<1x1x16xf32>
      tpu.vector_store %arg8[%parallel_loop3A_709, %parallel_loop3A_710, %parallel_loop3A_711], %parallel_loop3A_714 {strides = array<i32>} : memref<32x4x128xf32, #tpu.memory_space<vmem>>, vector<1x1x16xf32>,
      %parallel_loop3A_715 = arith.constant 64 : i32
      %parallel_loop3A_716 = arith.addi %parallel_loop3A_715, %parallel_loop3A_172 : i32
      %parallel_loop3A_717 = arith.constant 3 : i32
      %parallel_loop3A_718 = arith.index_cast %parallel_loop3A_717 : i32 to index
      %parallel_loop3A_719 = arith.index_cast %parallel_loop3A_716 : i32 to index
      %parallel_loop3A_720 = arith.constant 32 : index
      %parallel_loop3A_721 = tpu.vector_load %arg7[%parallel_loop3A_718, %parallel_loop3A_719, %parallel_loop3A_720] {strides = array<i32>} : memref<4x128x128xf32, #tpu.memory_space<vmem>>, vector<1x1x16xf32>,
      %parallel_loop3A_722 = vector.shape_cast %parallel_loop3A_721 : vector<1x1x16xf32> to vector<16xf32>
      %parallel_loop3A_723 = arith.constant 11.3137083 : f32
      %parallel_loop3A_724 = vector.broadcast %parallel_loop3A_723 : f32 to vector<16xf32>
      %parallel_loop3A_725 = arith.mulf %parallel_loop3A_722, %parallel_loop3A_724 : vector<16xf32>
      %parallel_loop3A_726 = arith.addf %parallel_loop3A_725, %parallel_loop3A_190 : vector<16xf32>
      %parallel_loop3A_727 = arith.constant 3 : i32
      %parallel_loop3A_728 = arith.index_cast %parallel_loop3A_172 : i32 to index
      %parallel_loop3A_729 = arith.index_cast %parallel_loop3A_727 : i32 to index
      %parallel_loop3A_730 = arith.constant 32 : index
      %parallel_loop3A_731 = tpu.vector_load %arg8[%parallel_loop3A_728, %parallel_loop3A_729, %parallel_loop3A_730] {strides = array<i32>} : memref<32x4x128xf32, #tpu.memory_space<vmem>>, vector<1x1x16xf32>,
      %parallel_loop3A_732 = vector.shape_cast %parallel_loop3A_731 : vector<1x1x16xf32> to vector<16xf32>
      %parallel_loop3A_733 = vector.shape_cast %parallel_loop3A_726 : vector<16xf32> to vector<1x1x16xf32>
      tpu.vector_store %arg8[%parallel_loop3A_728, %parallel_loop3A_729, %parallel_loop3A_730], %parallel_loop3A_733 {strides = array<i32>} : memref<32x4x128xf32, #tpu.memory_space<vmem>>, vector<1x1x16xf32>,
      %parallel_loop3A_734 = arith.constant 64 : i32
      %parallel_loop3A_735 = arith.addi %parallel_loop3A_734, %parallel_loop3A_172 : i32
      %parallel_loop3A_736 = arith.constant 3 : i32
      %parallel_loop3A_737 = arith.index_cast %parallel_loop3A_736 : i32 to index
      %parallel_loop3A_738 = arith.index_cast %parallel_loop3A_735 : i32 to index
      %parallel_loop3A_739 = arith.constant 48 : index
      %parallel_loop3A_740 = tpu.vector_load %arg7[%parallel_loop3A_737, %parallel_loop3A_738, %parallel_loop3A_739] {strides = array<i32>} : memref<4x128x128xf32, #tpu.memory_space<vmem>>, vector<1x1x16xf32>,
      %parallel_loop3A_741 = vector.shape_cast %parallel_loop3A_740 : vector<1x1x16xf32> to vector<16xf32>
      %parallel_loop3A_742 = arith.constant 11.3137083 : f32
      %parallel_loop3A_743 = vector.broadcast %parallel_loop3A_742 : f32 to vector<16xf32>
      %parallel_loop3A_744 = arith.mulf %parallel_loop3A_741, %parallel_loop3A_743 : vector<16xf32>
      %parallel_loop3A_745 = arith.addf %parallel_loop3A_744, %parallel_loop3A_196 : vector<16xf32>
      %parallel_loop3A_746 = arith.constant 3 : i32
      %parallel_loop3A_747 = arith.index_cast %parallel_loop3A_172 : i32 to index
      %parallel_loop3A_748 = arith.index_cast %parallel_loop3A_746 : i32 to index
      %parallel_loop3A_749 = arith.constant 48 : index
      %parallel_loop3A_750 = tpu.vector_load %arg8[%parallel_loop3A_747, %parallel_loop3A_748, %parallel_loop3A_749] {strides = array<i32>} : memref<32x4x128xf32, #tpu.memory_space<vmem>>, vector<1x1x16xf32>,
      %parallel_loop3A_751 = vector.shape_cast %parallel_loop3A_750 : vector<1x1x16xf32> to vector<16xf32>
      %parallel_loop3A_752 = vector.shape_cast %parallel_loop3A_745 : vector<16xf32> to vector<1x1x16xf32>
      tpu.vector_store %arg8[%parallel_loop3A_747, %parallel_loop3A_748, %parallel_loop3A_749], %parallel_loop3A_752 {strides = array<i32>} : memref<32x4x128xf32, #tpu.memory_space<vmem>>, vector<1x1x16xf32>,
      %parallel_loop3A_753 = arith.constant 64 : i32
      %parallel_loop3A_754 = arith.addi %parallel_loop3A_753, %parallel_loop3A_172 : i32
      %parallel_loop3A_755 = arith.constant 3 : i32
      %parallel_loop3A_756 = arith.index_cast %parallel_loop3A_755 : i32 to index
      %parallel_loop3A_757 = arith.index_cast %parallel_loop3A_754 : i32 to index
      %parallel_loop3A_758 = arith.constant 64 : index
      %parallel_loop3A_759 = tpu.vector_load %arg7[%parallel_loop3A_756, %parallel_loop3A_757, %parallel_loop3A_758] {strides = array<i32>} : memref<4x128x128xf32, #tpu.memory_space<vmem>>, vector<1x1x16xf32>,
      %parallel_loop3A_760 = vector.shape_cast %parallel_loop3A_759 : vector<1x1x16xf32> to vector<16xf32>
      %parallel_loop3A_761 = arith.constant 11.3137083 : f32
      %parallel_loop3A_762 = vector.broadcast %parallel_loop3A_761 : f32 to vector<16xf32>
      %parallel_loop3A_763 = arith.mulf %parallel_loop3A_760, %parallel_loop3A_762 : vector<16xf32>
      %parallel_loop3A_764 = arith.addf %parallel_loop3A_763, %parallel_loop3A_202 : vector<16xf32>
      %parallel_loop3A_765 = arith.constant 3 : i32
      %parallel_loop3A_766 = arith.index_cast %parallel_loop3A_172 : i32 to index
      %parallel_loop3A_767 = arith.index_cast %parallel_loop3A_765 : i32 to index
      %parallel_loop3A_768 = arith.constant 64 : index
      %parallel_loop3A_769 = tpu.vector_load %arg8[%parallel_loop3A_766, %parallel_loop3A_767, %parallel_loop3A_768] {strides = array<i32>} : memref<32x4x128xf32, #tpu.memory_space<vmem>>, vector<1x1x16xf32>,
      %parallel_loop3A_770 = vector.shape_cast %parallel_loop3A_769 : vector<1x1x16xf32> to vector<16xf32>
      %parallel_loop3A_771 = vector.shape_cast %parallel_loop3A_764 : vector<16xf32> to vector<1x1x16xf32>
      tpu.vector_store %arg8[%parallel_loop3A_766, %parallel_loop3A_767, %parallel_loop3A_768], %parallel_loop3A_771 {strides = array<i32>} : memref<32x4x128xf32, #tpu.memory_space<vmem>>, vector<1x1x16xf32>,
      %parallel_loop3A_772 = arith.constant 64 : i32
      %parallel_loop3A_773 = arith.addi %parallel_loop3A_772, %parallel_loop3A_172 : i32
      %parallel_loop3A_774 = arith.constant 3 : i32
      %parallel_loop3A_775 = arith.index_cast %parallel_loop3A_774 : i32 to index
      %parallel_loop3A_776 = arith.index_cast %parallel_loop3A_773 : i32 to index
      %parallel_loop3A_777 = arith.constant 80 : index
      %parallel_loop3A_778 = tpu.vector_load %arg7[%parallel_loop3A_775, %parallel_loop3A_776, %parallel_loop3A_777] {strides = array<i32>} : memref<4x128x128xf32, #tpu.memory_space<vmem>>, vector<1x1x16xf32>,
      %parallel_loop3A_779 = vector.shape_cast %parallel_loop3A_778 : vector<1x1x16xf32> to vector<16xf32>
      %parallel_loop3A_780 = arith.constant 11.3137083 : f32
      %parallel_loop3A_781 = vector.broadcast %parallel_loop3A_780 : f32 to vector<16xf32>
      %parallel_loop3A_782 = arith.mulf %parallel_loop3A_779, %parallel_loop3A_781 : vector<16xf32>
      %parallel_loop3A_783 = arith.addf %parallel_loop3A_782, %parallel_loop3A_208 : vector<16xf32>
      %parallel_loop3A_784 = arith.constant 3 : i32
      %parallel_loop3A_785 = arith.index_cast %parallel_loop3A_172 : i32 to index
      %parallel_loop3A_786 = arith.index_cast %parallel_loop3A_784 : i32 to index
      %parallel_loop3A_787 = arith.constant 80 : index
      %parallel_loop3A_788 = tpu.vector_load %arg8[%parallel_loop3A_785, %parallel_loop3A_786, %parallel_loop3A_787] {strides = array<i32>} : memref<32x4x128xf32, #tpu.memory_space<vmem>>, vector<1x1x16xf32>,
      %parallel_loop3A_789 = vector.shape_cast %parallel_loop3A_788 : vector<1x1x16xf32> to vector<16xf32>
      %parallel_loop3A_790 = vector.shape_cast %parallel_loop3A_783 : vector<16xf32> to vector<1x1x16xf32>
      tpu.vector_store %arg8[%parallel_loop3A_785, %parallel_loop3A_786, %parallel_loop3A_787], %parallel_loop3A_790 {strides = array<i32>} : memref<32x4x128xf32, #tpu.memory_space<vmem>>, vector<1x1x16xf32>,
      %parallel_loop3A_791 = arith.constant 64 : i32
      %parallel_loop3A_792 = arith.addi %parallel_loop3A_791, %parallel_loop3A_172 : i32
      %parallel_loop3A_793 = arith.constant 3 : i32
      %parallel_loop3A_794 = arith.index_cast %parallel_loop3A_793 : i32 to index
      %parallel_loop3A_795 = arith.index_cast %parallel_loop3A_792 : i32 to index
      %parallel_loop3A_796 = arith.constant 96 : index
      %parallel_loop3A_797 = tpu.vector_load %arg7[%parallel_loop3A_794, %parallel_loop3A_795, %parallel_loop3A_796] {strides = array<i32>} : memref<4x128x128xf32, #tpu.memory_space<vmem>>, vector<1x1x16xf32>,
      %parallel_loop3A_798 = vector.shape_cast %parallel_loop3A_797 : vector<1x1x16xf32> to vector<16xf32>
      %parallel_loop3A_799 = arith.constant 11.3137083 : f32
      %parallel_loop3A_800 = vector.broadcast %parallel_loop3A_799 : f32 to vector<16xf32>
      %parallel_loop3A_801 = arith.mulf %parallel_loop3A_798, %parallel_loop3A_800 : vector<16xf32>
      %parallel_loop3A_802 = arith.addf %parallel_loop3A_801, %parallel_loop3A_214 : vector<16xf32>
      %parallel_loop3A_803 = arith.constant 3 : i32
      %parallel_loop3A_804 = arith.index_cast %parallel_loop3A_172 : i32 to index
      %parallel_loop3A_805 = arith.index_cast %parallel_loop3A_803 : i32 to index
      %parallel_loop3A_806 = arith.constant 96 : index
      %parallel_loop3A_807 = tpu.vector_load %arg8[%parallel_loop3A_804, %parallel_loop3A_805, %parallel_loop3A_806] {strides = array<i32>} : memref<32x4x128xf32, #tpu.memory_space<vmem>>, vector<1x1x16xf32>,
      %parallel_loop3A_808 = vector.shape_cast %parallel_loop3A_807 : vector<1x1x16xf32> to vector<16xf32>
      %parallel_loop3A_809 = vector.shape_cast %parallel_loop3A_802 : vector<16xf32> to vector<1x1x16xf32>
      tpu.vector_store %arg8[%parallel_loop3A_804, %parallel_loop3A_805, %parallel_loop3A_806], %parallel_loop3A_809 {strides = array<i32>} : memref<32x4x128xf32, #tpu.memory_space<vmem>>, vector<1x1x16xf32>,
      %parallel_loop3A_810 = arith.constant 64 : i32
      %parallel_loop3A_811 = arith.addi %parallel_loop3A_810, %parallel_loop3A_172 : i32
      %parallel_loop3A_812 = arith.constant 3 : i32
      %parallel_loop3A_813 = arith.index_cast %parallel_loop3A_812 : i32 to index
      %parallel_loop3A_814 = arith.index_cast %parallel_loop3A_811 : i32 to index
      %parallel_loop3A_815 = arith.constant 112 : index
      %parallel_loop3A_816 = tpu.vector_load %arg7[%parallel_loop3A_813, %parallel_loop3A_814, %parallel_loop3A_815] {strides = array<i32>} : memref<4x128x128xf32, #tpu.memory_space<vmem>>, vector<1x1x16xf32>,
      %parallel_loop3A_817 = vector.shape_cast %parallel_loop3A_816 : vector<1x1x16xf32> to vector<16xf32>
      %parallel_loop3A_818 = arith.constant 11.3137083 : f32
      %parallel_loop3A_819 = vector.broadcast %parallel_loop3A_818 : f32 to vector<16xf32>
      %parallel_loop3A_820 = arith.mulf %parallel_loop3A_817, %parallel_loop3A_819 : vector<16xf32>
      %parallel_loop3A_821 = arith.addf %parallel_loop3A_820, %parallel_loop3A_220 : vector<16xf32>
      %parallel_loop3A_822 = arith.constant 3 : i32
      %parallel_loop3A_823 = arith.index_cast %parallel_loop3A_172 : i32 to index
      %parallel_loop3A_824 = arith.index_cast %parallel_loop3A_822 : i32 to index
      %parallel_loop3A_825 = arith.constant 112 : index
      %parallel_loop3A_826 = tpu.vector_load %arg8[%parallel_loop3A_823, %parallel_loop3A_824, %parallel_loop3A_825] {strides = array<i32>} : memref<32x4x128xf32, #tpu.memory_space<vmem>>, vector<1x1x16xf32>,
      %parallel_loop3A_827 = vector.shape_cast %parallel_loop3A_826 : vector<1x1x16xf32> to vector<16xf32>
      %parallel_loop3A_828 = vector.shape_cast %parallel_loop3A_821 : vector<16xf32> to vector<1x1x16xf32>
      tpu.vector_store %arg8[%parallel_loop3A_823, %parallel_loop3A_824, %parallel_loop3A_825], %parallel_loop3A_828 {strides = array<i32>} : memref<32x4x128xf32, #tpu.memory_space<vmem>>, vector<1x1x16xf32>,
    } {sc.loop_unroll_factor = 4 : i64, sc.parallel_access}
    %add3A_135 = arith.constant 64 : i32
    %add3A_136 = arith.addi %mul3A_2, %add3A_135 : i32
    %dma_start3A_137 = arith.constant 0 : i32
    %dma_start3A_138 = arith.constant 0 : i32
    %dma_start3A_139 = tpu.memref_slice %arg5[%add3A_136, %dma_start3A_137, %dma_start3A_138] : memref<4096x4x128xf32, #tpu.memory_space<hbm>> -> memref<32x4x128xf32, #tpu.memory_space<hbm>>
    %dma_start3A_140 = arith.constant 0 : i32
    %dma_start3A_141 = arith.constant 0 : i32
    %dma_start3A_142 = tpu.memref_slice %arg5[%add3A_136, %dma_start3A_140, %dma_start3A_141] : memref<4096x4x128xf32, #tpu.memory_space<hbm>> -> memref<32x4x128xf32, #tpu.memory_space<hbm>>
    tpu.enqueue_dma source(%arg8 : memref<32x4x128xf32, #tpu.memory_space<vmem>>) target(%dma_start3A_142 : memref<32x4x128xf32, #tpu.memory_space<hbm>>) target_semaphore(%arg13 : memref<!tpu.dma_semaphore, #tpu.memory_space<semaphore_mem>>)
    %dma_wait3A_143 = arith.constant 0 : i32
    %dma_wait3A_144 = arith.constant 0 : i32
    %dma_wait3A_145 = tpu.memref_slice %arg5[%add3A_119, %dma_wait3A_143, %dma_wait3A_144] : memref<4096x4x128xf32, #tpu.memory_space<hbm>> -> memref<32x4x128xf32, #tpu.memory_space<hbm>>
    %dma_wait3A_146 = arith.constant 0 : i32
    %dma_wait3A_147 = arith.constant 0 : i32
    %dma_wait3A_148 = tpu.memref_slice %arg5[%add3A_119, %dma_wait3A_146, %dma_wait3A_147] : memref<4096x4x128xf32, #tpu.memory_space<hbm>> -> memref<32x4x128xf32, #tpu.memory_space<hbm>>
    tpu.wait_dma2 semaphore(%arg14 : memref<!tpu.dma_semaphore, #tpu.memory_space<semaphore_mem>>) src(%arg9 : memref<32x4x128xf32, #tpu.memory_space<vmem>>) dst(%dma_wait3A_148 : memref<32x4x128xf32, #tpu.memory_space<hbm>>)
    %parallel_loop3A_149 = arith.constant 0 : i32
    %parallel_loop3A_150 = arith.constant 32 : i32
    %parallel_loop3A_151 = arith.constant 1 : i32
    scf.for %parallel_loop3A_172 = %parallel_loop3A_149 to %parallel_loop3A_150 step %parallel_loop3A_151  : i32 {
      %parallel_loop3A_173 = arith.constant 96 : i32
      %parallel_loop3A_174 = arith.addi %parallel_loop3A_173, %parallel_loop3A_172 : i32
      %parallel_loop3A_175 = arith.index_cast %parallel_loop3A_174 : i32 to index
      %parallel_loop3A_176 = arith.constant 0 : index
      %parallel_loop3A_177 = tpu.vector_load %arg10[%parallel_loop3A_175, %parallel_loop3A_176] {strides = array<i32>} : memref<128x128xf32, #tpu.memory_space<vmem>>, vector<1x16xf32>,
      %parallel_loop3A_178 = vector.shape_cast %parallel_loop3A_177 : vector<1x16xf32> to vector<16xf32>
      %parallel_loop3A_179 = arith.constant 96 : i32
      %parallel_loop3A_180 = arith.addi %parallel_loop3A_179, %parallel_loop3A_172 : i32
      %parallel_loop3A_181 = arith.index_cast %parallel_loop3A_180 : i32 to index
      %parallel_loop3A_182 = arith.constant 16 : index
      %parallel_loop3A_183 = tpu.vector_load %arg10[%parallel_loop3A_181, %parallel_loop3A_182] {strides = array<i32>} : memref<128x128xf32, #tpu.memory_space<vmem>>, vector<1x16xf32>,
      %parallel_loop3A_184 = vector.shape_cast %parallel_loop3A_183 : vector<1x16xf32> to vector<16xf32>
      %parallel_loop3A_185 = arith.constant 96 : i32
      %parallel_loop3A_186 = arith.addi %parallel_loop3A_185, %parallel_loop3A_172 : i32
      %parallel_loop3A_187 = arith.index_cast %parallel_loop3A_186 : i32 to index
      %parallel_loop3A_188 = arith.constant 32 : index
      %parallel_loop3A_189 = tpu.vector_load %arg10[%parallel_loop3A_187, %parallel_loop3A_188] {strides = array<i32>} : memref<128x128xf32, #tpu.memory_space<vmem>>, vector<1x16xf32>,
      %parallel_loop3A_190 = vector.shape_cast %parallel_loop3A_189 : vector<1x16xf32> to vector<16xf32>
      %parallel_loop3A_191 = arith.constant 96 : i32
      %parallel_loop3A_192 = arith.addi %parallel_loop3A_191, %parallel_loop3A_172 : i32
      %parallel_loop3A_193 = arith.index_cast %parallel_loop3A_192 : i32 to index
      %parallel_loop3A_194 = arith.constant 48 : index
      %parallel_loop3A_195 = tpu.vector_load %arg10[%parallel_loop3A_193, %parallel_loop3A_194] {strides = array<i32>} : memref<128x128xf32, #tpu.memory_space<vmem>>, vector<1x16xf32>,
      %parallel_loop3A_196 = vector.shape_cast %parallel_loop3A_195 : vector<1x16xf32> to vector<16xf32>
      %parallel_loop3A_197 = arith.constant 96 : i32
      %parallel_loop3A_198 = arith.addi %parallel_loop3A_197, %parallel_loop3A_172 : i32
      %parallel_loop3A_199 = arith.index_cast %parallel_loop3A_198 : i32 to index
      %parallel_loop3A_200 = arith.constant 64 : index
      %parallel_loop3A_201 = tpu.vector_load %arg10[%parallel_loop3A_199, %parallel_loop3A_200] {strides = array<i32>} : memref<128x128xf32, #tpu.memory_space<vmem>>, vector<1x16xf32>,
      %parallel_loop3A_202 = vector.shape_cast %parallel_loop3A_201 : vector<1x16xf32> to vector<16xf32>
      %parallel_loop3A_203 = arith.constant 96 : i32
      %parallel_loop3A_204 = arith.addi %parallel_loop3A_203, %parallel_loop3A_172 : i32
      %parallel_loop3A_205 = arith.index_cast %parallel_loop3A_204 : i32 to index
      %parallel_loop3A_206 = arith.constant 80 : index
      %parallel_loop3A_207 = tpu.vector_load %arg10[%parallel_loop3A_205, %parallel_loop3A_206] {strides = array<i32>} : memref<128x128xf32, #tpu.memory_space<vmem>>, vector<1x16xf32>,
      %parallel_loop3A_208 = vector.shape_cast %parallel_loop3A_207 : vector<1x16xf32> to vector<16xf32>
      %parallel_loop3A_209 = arith.constant 96 : i32
      %parallel_loop3A_210 = arith.addi %parallel_loop3A_209, %parallel_loop3A_172 : i32
      %parallel_loop3A_211 = arith.index_cast %parallel_loop3A_210 : i32 to index
      %parallel_loop3A_212 = arith.constant 96 : index
      %parallel_loop3A_213 = tpu.vector_load %arg10[%parallel_loop3A_211, %parallel_loop3A_212] {strides = array<i32>} : memref<128x128xf32, #tpu.memory_space<vmem>>, vector<1x16xf32>,
      %parallel_loop3A_214 = vector.shape_cast %parallel_loop3A_213 : vector<1x16xf32> to vector<16xf32>
      %parallel_loop3A_215 = arith.constant 96 : i32
      %parallel_loop3A_216 = arith.addi %parallel_loop3A_215, %parallel_loop3A_172 : i32
      %parallel_loop3A_217 = arith.index_cast %parallel_loop3A_216 : i32 to index
      %parallel_loop3A_218 = arith.constant 112 : index
      %parallel_loop3A_219 = tpu.vector_load %arg10[%parallel_loop3A_217, %parallel_loop3A_218] {strides = array<i32>} : memref<128x128xf32, #tpu.memory_space<vmem>>, vector<1x16xf32>,
      %parallel_loop3A_220 = vector.shape_cast %parallel_loop3A_219 : vector<1x16xf32> to vector<16xf32>
      %parallel_loop3A_221 = arith.constant 96 : i32
      %parallel_loop3A_222 = arith.addi %parallel_loop3A_221, %parallel_loop3A_172 : i32
      %parallel_loop3A_223 = arith.constant 0 : i32
      %parallel_loop3A_224 = arith.index_cast %parallel_loop3A_223 : i32 to index
      %parallel_loop3A_225 = arith.index_cast %parallel_loop3A_222 : i32 to index
      %parallel_loop3A_226 = arith.constant 0 : index
      %parallel_loop3A_227 = tpu.vector_load %arg7[%parallel_loop3A_224, %parallel_loop3A_225, %parallel_loop3A_226] {strides = array<i32>} : memref<4x128x128xf32, #tpu.memory_space<vmem>>, vector<1x1x16xf32>,
      %parallel_loop3A_228 = vector.shape_cast %parallel_loop3A_227 : vector<1x1x16xf32> to vector<16xf32>
      %parallel_loop3A_229 = arith.constant 11.3137083 : f32
      %parallel_loop3A_230 = vector.broadcast %parallel_loop3A_229 : f32 to vector<16xf32>
      %parallel_loop3A_231 = arith.mulf %parallel_loop3A_228, %parallel_loop3A_230 : vector<16xf32>
      %parallel_loop3A_232 = arith.addf %parallel_loop3A_231, %parallel_loop3A_178 : vector<16xf32>
      %parallel_loop3A_233 = arith.constant 0 : i32
      %parallel_loop3A_234 = arith.index_cast %parallel_loop3A_172 : i32 to index
      %parallel_loop3A_235 = arith.index_cast %parallel_loop3A_233 : i32 to index
      %parallel_loop3A_236 = arith.constant 0 : index
      %parallel_loop3A_237 = tpu.vector_load %arg9[%parallel_loop3A_234, %parallel_loop3A_235, %parallel_loop3A_236] {strides = array<i32>} : memref<32x4x128xf32, #tpu.memory_space<vmem>>, vector<1x1x16xf32>,
      %parallel_loop3A_238 = vector.shape_cast %parallel_loop3A_237 : vector<1x1x16xf32> to vector<16xf32>
      %parallel_loop3A_239 = vector.shape_cast %parallel_loop3A_232 : vector<16xf32> to vector<1x1x16xf32>
      tpu.vector_store %arg9[%parallel_loop3A_234, %parallel_loop3A_235, %parallel_loop3A_236], %parallel_loop3A_239 {strides = array<i32>} : memref<32x4x128xf32, #tpu.memory_space<vmem>>, vector<1x1x16xf32>,
      %parallel_loop3A_240 = arith.constant 96 : i32
      %parallel_loop3A_241 = arith.addi %parallel_loop3A_240, %parallel_loop3A_172 : i32
      %parallel_loop3A_242 = arith.constant 0 : i32
      %parallel_loop3A_243 = arith.index_cast %parallel_loop3A_242 : i32 to index
      %parallel_loop3A_244 = arith.index_cast %parallel_loop3A_241 : i32 to index
      %parallel_loop3A_245 = arith.constant 16 : index
      %parallel_loop3A_246 = tpu.vector_load %arg7[%parallel_loop3A_243, %parallel_loop3A_244, %parallel_loop3A_245] {strides = array<i32>} : memref<4x128x128xf32, #tpu.memory_space<vmem>>, vector<1x1x16xf32>,
      %parallel_loop3A_247 = vector.shape_cast %parallel_loop3A_246 : vector<1x1x16xf32> to vector<16xf32>
      %parallel_loop3A_248 = arith.constant 11.3137083 : f32
      %parallel_loop3A_249 = vector.broadcast %parallel_loop3A_248 : f32 to vector<16xf32>
      %parallel_loop3A_250 = arith.mulf %parallel_loop3A_247, %parallel_loop3A_249 : vector<16xf32>
      %parallel_loop3A_251 = arith.addf %parallel_loop3A_250, %parallel_loop3A_184 : vector<16xf32>
      %parallel_loop3A_252 = arith.constant 0 : i32
      %parallel_loop3A_253 = arith.index_cast %parallel_loop3A_172 : i32 to index
      %parallel_loop3A_254 = arith.index_cast %parallel_loop3A_252 : i32 to index
      %parallel_loop3A_255 = arith.constant 16 : index
      %parallel_loop3A_256 = tpu.vector_load %arg9[%parallel_loop3A_253, %parallel_loop3A_254, %parallel_loop3A_255] {strides = array<i32>} : memref<32x4x128xf32, #tpu.memory_space<vmem>>, vector<1x1x16xf32>,
      %parallel_loop3A_257 = vector.shape_cast %parallel_loop3A_256 : vector<1x1x16xf32> to vector<16xf32>
      %parallel_loop3A_258 = vector.shape_cast %parallel_loop3A_251 : vector<16xf32> to vector<1x1x16xf32>
      tpu.vector_store %arg9[%parallel_loop3A_253, %parallel_loop3A_254, %parallel_loop3A_255], %parallel_loop3A_258 {strides = array<i32>} : memref<32x4x128xf32, #tpu.memory_space<vmem>>, vector<1x1x16xf32>,
      %parallel_loop3A_259 = arith.constant 96 : i32
      %parallel_loop3A_260 = arith.addi %parallel_loop3A_259, %parallel_loop3A_172 : i32
      %parallel_loop3A_261 = arith.constant 0 : i32
      %parallel_loop3A_262 = arith.index_cast %parallel_loop3A_261 : i32 to index
      %parallel_loop3A_263 = arith.index_cast %parallel_loop3A_260 : i32 to index
      %parallel_loop3A_264 = arith.constant 32 : index
      %parallel_loop3A_265 = tpu.vector_load %arg7[%parallel_loop3A_262, %parallel_loop3A_263, %parallel_loop3A_264] {strides = array<i32>} : memref<4x128x128xf32, #tpu.memory_space<vmem>>, vector<1x1x16xf32>,
      %parallel_loop3A_266 = vector.shape_cast %parallel_loop3A_265 : vector<1x1x16xf32> to vector<16xf32>
      %parallel_loop3A_267 = arith.constant 11.3137083 : f32
      %parallel_loop3A_268 = vector.broadcast %parallel_loop3A_267 : f32 to vector<16xf32>
      %parallel_loop3A_269 = arith.mulf %parallel_loop3A_266, %parallel_loop3A_268 : vector<16xf32>
      %parallel_loop3A_270 = arith.addf %parallel_loop3A_269, %parallel_loop3A_190 : vector<16xf32>
      %parallel_loop3A_271 = arith.constant 0 : i32
      %parallel_loop3A_272 = arith.index_cast %parallel_loop3A_172 : i32 to index
      %parallel_loop3A_273 = arith.index_cast %parallel_loop3A_271 : i32 to index
      %parallel_loop3A_274 = arith.constant 32 : index
      %parallel_loop3A_275 = tpu.vector_load %arg9[%parallel_loop3A_272, %parallel_loop3A_273, %parallel_loop3A_274] {strides = array<i32>} : memref<32x4x128xf32, #tpu.memory_space<vmem>>, vector<1x1x16xf32>,
      %parallel_loop3A_276 = vector.shape_cast %parallel_loop3A_275 : vector<1x1x16xf32> to vector<16xf32>
      %parallel_loop3A_277 = vector.shape_cast %parallel_loop3A_270 : vector<16xf32> to vector<1x1x16xf32>
      tpu.vector_store %arg9[%parallel_loop3A_272, %parallel_loop3A_273, %parallel_loop3A_274], %parallel_loop3A_277 {strides = array<i32>} : memref<32x4x128xf32, #tpu.memory_space<vmem>>, vector<1x1x16xf32>,
      %parallel_loop3A_278 = arith.constant 96 : i32
      %parallel_loop3A_279 = arith.addi %parallel_loop3A_278, %parallel_loop3A_172 : i32
      %parallel_loop3A_280 = arith.constant 0 : i32
      %parallel_loop3A_281 = arith.index_cast %parallel_loop3A_280 : i32 to index
      %parallel_loop3A_282 = arith.index_cast %parallel_loop3A_279 : i32 to index
      %parallel_loop3A_283 = arith.constant 48 : index
      %parallel_loop3A_284 = tpu.vector_load %arg7[%parallel_loop3A_281, %parallel_loop3A_282, %parallel_loop3A_283] {strides = array<i32>} : memref<4x128x128xf32, #tpu.memory_space<vmem>>, vector<1x1x16xf32>,
      %parallel_loop3A_285 = vector.shape_cast %parallel_loop3A_284 : vector<1x1x16xf32> to vector<16xf32>
      %parallel_loop3A_286 = arith.constant 11.3137083 : f32
      %parallel_loop3A_287 = vector.broadcast %parallel_loop3A_286 : f32 to vector<16xf32>
      %parallel_loop3A_288 = arith.mulf %parallel_loop3A_285, %parallel_loop3A_287 : vector<16xf32>
      %parallel_loop3A_289 = arith.addf %parallel_loop3A_288, %parallel_loop3A_196 : vector<16xf32>
      %parallel_loop3A_290 = arith.constant 0 : i32
      %parallel_loop3A_291 = arith.index_cast %parallel_loop3A_172 : i32 to index
      %parallel_loop3A_292 = arith.index_cast %parallel_loop3A_290 : i32 to index
      %parallel_loop3A_293 = arith.constant 48 : index
      %parallel_loop3A_294 = tpu.vector_load %arg9[%parallel_loop3A_291, %parallel_loop3A_292, %parallel_loop3A_293] {strides = array<i32>} : memref<32x4x128xf32, #tpu.memory_space<vmem>>, vector<1x1x16xf32>,
      %parallel_loop3A_295 = vector.shape_cast %parallel_loop3A_294 : vector<1x1x16xf32> to vector<16xf32>
      %parallel_loop3A_296 = vector.shape_cast %parallel_loop3A_289 : vector<16xf32> to vector<1x1x16xf32>
      tpu.vector_store %arg9[%parallel_loop3A_291, %parallel_loop3A_292, %parallel_loop3A_293], %parallel_loop3A_296 {strides = array<i32>} : memref<32x4x128xf32, #tpu.memory_space<vmem>>, vector<1x1x16xf32>,
      %parallel_loop3A_297 = arith.constant 96 : i32
      %parallel_loop3A_298 = arith.addi %parallel_loop3A_297, %parallel_loop3A_172 : i32
      %parallel_loop3A_299 = arith.constant 0 : i32
      %parallel_loop3A_300 = arith.index_cast %parallel_loop3A_299 : i32 to index
      %parallel_loop3A_301 = arith.index_cast %parallel_loop3A_298 : i32 to index
      %parallel_loop3A_302 = arith.constant 64 : index
      %parallel_loop3A_303 = tpu.vector_load %arg7[%parallel_loop3A_300, %parallel_loop3A_301, %parallel_loop3A_302] {strides = array<i32>} : memref<4x128x128xf32, #tpu.memory_space<vmem>>, vector<1x1x16xf32>,
      %parallel_loop3A_304 = vector.shape_cast %parallel_loop3A_303 : vector<1x1x16xf32> to vector<16xf32>
      %parallel_loop3A_305 = arith.constant 11.3137083 : f32
      %parallel_loop3A_306 = vector.broadcast %parallel_loop3A_305 : f32 to vector<16xf32>
      %parallel_loop3A_307 = arith.mulf %parallel_loop3A_304, %parallel_loop3A_306 : vector<16xf32>
      %parallel_loop3A_308 = arith.addf %parallel_loop3A_307, %parallel_loop3A_202 : vector<16xf32>
      %parallel_loop3A_309 = arith.constant 0 : i32
      %parallel_loop3A_310 = arith.index_cast %parallel_loop3A_172 : i32 to index
      %parallel_loop3A_311 = arith.index_cast %parallel_loop3A_309 : i32 to index
      %parallel_loop3A_312 = arith.constant 64 : index
      %parallel_loop3A_313 = tpu.vector_load %arg9[%parallel_loop3A_310, %parallel_loop3A_311, %parallel_loop3A_312] {strides = array<i32>} : memref<32x4x128xf32, #tpu.memory_space<vmem>>, vector<1x1x16xf32>,
      %parallel_loop3A_314 = vector.shape_cast %parallel_loop3A_313 : vector<1x1x16xf32> to vector<16xf32>
      %parallel_loop3A_315 = vector.shape_cast %parallel_loop3A_308 : vector<16xf32> to vector<1x1x16xf32>
      tpu.vector_store %arg9[%parallel_loop3A_310, %parallel_loop3A_311, %parallel_loop3A_312], %parallel_loop3A_315 {strides = array<i32>} : memref<32x4x128xf32, #tpu.memory_space<vmem>>, vector<1x1x16xf32>,
      %parallel_loop3A_316 = arith.constant 96 : i32
      %parallel_loop3A_317 = arith.addi %parallel_loop3A_316, %parallel_loop3A_172 : i32
      %parallel_loop3A_318 = arith.constant 0 : i32
      %parallel_loop3A_319 = arith.index_cast %parallel_loop3A_318 : i32 to index
      %parallel_loop3A_320 = arith.index_cast %parallel_loop3A_317 : i32 to index
      %parallel_loop3A_321 = arith.constant 80 : index
      %parallel_loop3A_322 = tpu.vector_load %arg7[%parallel_loop3A_319, %parallel_loop3A_320, %parallel_loop3A_321] {strides = array<i32>} : memref<4x128x128xf32, #tpu.memory_space<vmem>>, vector<1x1x16xf32>,
      %parallel_loop3A_323 = vector.shape_cast %parallel_loop3A_322 : vector<1x1x16xf32> to vector<16xf32>
      %parallel_loop3A_324 = arith.constant 11.3137083 : f32
      %parallel_loop3A_325 = vector.broadcast %parallel_loop3A_324 : f32 to vector<16xf32>
      %parallel_loop3A_326 = arith.mulf %parallel_loop3A_323, %parallel_loop3A_325 : vector<16xf32>
      %parallel_loop3A_327 = arith.addf %parallel_loop3A_326, %parallel_loop3A_208 : vector<16xf32>
      %parallel_loop3A_328 = arith.constant 0 : i32
      %parallel_loop3A_329 = arith.index_cast %parallel_loop3A_172 : i32 to index
      %parallel_loop3A_330 = arith.index_cast %parallel_loop3A_328 : i32 to index
      %parallel_loop3A_331 = arith.constant 80 : index
      %parallel_loop3A_332 = tpu.vector_load %arg9[%parallel_loop3A_329, %parallel_loop3A_330, %parallel_loop3A_331] {strides = array<i32>} : memref<32x4x128xf32, #tpu.memory_space<vmem>>, vector<1x1x16xf32>,
      %parallel_loop3A_333 = vector.shape_cast %parallel_loop3A_332 : vector<1x1x16xf32> to vector<16xf32>
      %parallel_loop3A_334 = vector.shape_cast %parallel_loop3A_327 : vector<16xf32> to vector<1x1x16xf32>
      tpu.vector_store %arg9[%parallel_loop3A_329, %parallel_loop3A_330, %parallel_loop3A_331], %parallel_loop3A_334 {strides = array<i32>} : memref<32x4x128xf32, #tpu.memory_space<vmem>>, vector<1x1x16xf32>,
      %parallel_loop3A_335 = arith.constant 96 : i32
      %parallel_loop3A_336 = arith.addi %parallel_loop3A_335, %parallel_loop3A_172 : i32
      %parallel_loop3A_337 = arith.constant 0 : i32
      %parallel_loop3A_338 = arith.index_cast %parallel_loop3A_337 : i32 to index
      %parallel_loop3A_339 = arith.index_cast %parallel_loop3A_336 : i32 to index
      %parallel_loop3A_340 = arith.constant 96 : index
      %parallel_loop3A_341 = tpu.vector_load %arg7[%parallel_loop3A_338, %parallel_loop3A_339, %parallel_loop3A_340] {strides = array<i32>} : memref<4x128x128xf32, #tpu.memory_space<vmem>>, vector<1x1x16xf32>,
      %parallel_loop3A_342 = vector.shape_cast %parallel_loop3A_341 : vector<1x1x16xf32> to vector<16xf32>
      %parallel_loop3A_343 = arith.constant 11.3137083 : f32
      %parallel_loop3A_344 = vector.broadcast %parallel_loop3A_343 : f32 to vector<16xf32>
      %parallel_loop3A_345 = arith.mulf %parallel_loop3A_342, %parallel_loop3A_344 : vector<16xf32>
      %parallel_loop3A_346 = arith.addf %parallel_loop3A_345, %parallel_loop3A_214 : vector<16xf32>
      %parallel_loop3A_347 = arith.constant 0 : i32
      %parallel_loop3A_348 = arith.index_cast %parallel_loop3A_172 : i32 to index
      %parallel_loop3A_349 = arith.index_cast %parallel_loop3A_347 : i32 to index
      %parallel_loop3A_350 = arith.constant 96 : index
      %parallel_loop3A_351 = tpu.vector_load %arg9[%parallel_loop3A_348, %parallel_loop3A_349, %parallel_loop3A_350] {strides = array<i32>} : memref<32x4x128xf32, #tpu.memory_space<vmem>>, vector<1x1x16xf32>,
      %parallel_loop3A_352 = vector.shape_cast %parallel_loop3A_351 : vector<1x1x16xf32> to vector<16xf32>
      %parallel_loop3A_353 = vector.shape_cast %parallel_loop3A_346 : vector<16xf32> to vector<1x1x16xf32>
      tpu.vector_store %arg9[%parallel_loop3A_348, %parallel_loop3A_349, %parallel_loop3A_350], %parallel_loop3A_353 {strides = array<i32>} : memref<32x4x128xf32, #tpu.memory_space<vmem>>, vector<1x1x16xf32>,
      %parallel_loop3A_354 = arith.constant 96 : i32
      %parallel_loop3A_355 = arith.addi %parallel_loop3A_354, %parallel_loop3A_172 : i32
      %parallel_loop3A_356 = arith.constant 0 : i32
      %parallel_loop3A_357 = arith.index_cast %parallel_loop3A_356 : i32 to index
      %parallel_loop3A_358 = arith.index_cast %parallel_loop3A_355 : i32 to index
      %parallel_loop3A_359 = arith.constant 112 : index
      %parallel_loop3A_360 = tpu.vector_load %arg7[%parallel_loop3A_357, %parallel_loop3A_358, %parallel_loop3A_359] {strides = array<i32>} : memref<4x128x128xf32, #tpu.memory_space<vmem>>, vector<1x1x16xf32>,
      %parallel_loop3A_361 = vector.shape_cast %parallel_loop3A_360 : vector<1x1x16xf32> to vector<16xf32>
      %parallel_loop3A_362 = arith.constant 11.3137083 : f32
      %parallel_loop3A_363 = vector.broadcast %parallel_loop3A_362 : f32 to vector<16xf32>
      %parallel_loop3A_364 = arith.mulf %parallel_loop3A_361, %parallel_loop3A_363 : vector<16xf32>
      %parallel_loop3A_365 = arith.addf %parallel_loop3A_364, %parallel_loop3A_220 : vector<16xf32>
      %parallel_loop3A_366 = arith.constant 0 : i32
      %parallel_loop3A_367 = arith.index_cast %parallel_loop3A_172 : i32 to index
      %parallel_loop3A_368 = arith.index_cast %parallel_loop3A_366 : i32 to index
      %parallel_loop3A_369 = arith.constant 112 : index
      %parallel_loop3A_370 = tpu.vector_load %arg9[%parallel_loop3A_367, %parallel_loop3A_368, %parallel_loop3A_369] {strides = array<i32>} : memref<32x4x128xf32, #tpu.memory_space<vmem>>, vector<1x1x16xf32>,
      %parallel_loop3A_371 = vector.shape_cast %parallel_loop3A_370 : vector<1x1x16xf32> to vector<16xf32>
      %parallel_loop3A_372 = vector.shape_cast %parallel_loop3A_365 : vector<16xf32> to vector<1x1x16xf32>
      tpu.vector_store %arg9[%parallel_loop3A_367, %parallel_loop3A_368, %parallel_loop3A_369], %parallel_loop3A_372 {strides = array<i32>} : memref<32x4x128xf32, #tpu.memory_space<vmem>>, vector<1x1x16xf32>,
      %parallel_loop3A_373 = arith.constant 96 : i32
      %parallel_loop3A_374 = arith.addi %parallel_loop3A_373, %parallel_loop3A_172 : i32
      %parallel_loop3A_375 = arith.constant 1 : i32
      %parallel_loop3A_376 = arith.index_cast %parallel_loop3A_375 : i32 to index
      %parallel_loop3A_377 = arith.index_cast %parallel_loop3A_374 : i32 to index
      %parallel_loop3A_378 = arith.constant 0 : index
      %parallel_loop3A_379 = tpu.vector_load %arg7[%parallel_loop3A_376, %parallel_loop3A_377, %parallel_loop3A_378] {strides = array<i32>} : memref<4x128x128xf32, #tpu.memory_space<vmem>>, vector<1x1x16xf32>,
      %parallel_loop3A_380 = vector.shape_cast %parallel_loop3A_379 : vector<1x1x16xf32> to vector<16xf32>
      %parallel_loop3A_381 = arith.constant 11.3137083 : f32
      %parallel_loop3A_382 = vector.broadcast %parallel_loop3A_381 : f32 to vector<16xf32>
      %parallel_loop3A_383 = arith.mulf %parallel_loop3A_380, %parallel_loop3A_382 : vector<16xf32>
      %parallel_loop3A_384 = arith.addf %parallel_loop3A_383, %parallel_loop3A_178 : vector<16xf32>
      %parallel_loop3A_385 = arith.constant 1 : i32
      %parallel_loop3A_386 = arith.index_cast %parallel_loop3A_172 : i32 to index
      %parallel_loop3A_387 = arith.index_cast %parallel_loop3A_385 : i32 to index
      %parallel_loop3A_388 = arith.constant 0 : index
      %parallel_loop3A_389 = tpu.vector_load %arg9[%parallel_loop3A_386, %parallel_loop3A_387, %parallel_loop3A_388] {strides = array<i32>} : memref<32x4x128xf32, #tpu.memory_space<vmem>>, vector<1x1x16xf32>,
      %parallel_loop3A_390 = vector.shape_cast %parallel_loop3A_389 : vector<1x1x16xf32> to vector<16xf32>
      %parallel_loop3A_391 = vector.shape_cast %parallel_loop3A_384 : vector<16xf32> to vector<1x1x16xf32>
      tpu.vector_store %arg9[%parallel_loop3A_386, %parallel_loop3A_387, %parallel_loop3A_388], %parallel_loop3A_391 {strides = array<i32>} : memref<32x4x128xf32, #tpu.memory_space<vmem>>, vector<1x1x16xf32>,
      %parallel_loop3A_392 = arith.constant 96 : i32
      %parallel_loop3A_393 = arith.addi %parallel_loop3A_392, %parallel_loop3A_172 : i32
      %parallel_loop3A_394 = arith.constant 1 : i32
      %parallel_loop3A_395 = arith.index_cast %parallel_loop3A_394 : i32 to index
      %parallel_loop3A_396 = arith.index_cast %parallel_loop3A_393 : i32 to index
      %parallel_loop3A_397 = arith.constant 16 : index
      %parallel_loop3A_398 = tpu.vector_load %arg7[%parallel_loop3A_395, %parallel_loop3A_396, %parallel_loop3A_397] {strides = array<i32>} : memref<4x128x128xf32, #tpu.memory_space<vmem>>, vector<1x1x16xf32>,
      %parallel_loop3A_399 = vector.shape_cast %parallel_loop3A_398 : vector<1x1x16xf32> to vector<16xf32>
      %parallel_loop3A_400 = arith.constant 11.3137083 : f32
      %parallel_loop3A_401 = vector.broadcast %parallel_loop3A_400 : f32 to vector<16xf32>
      %parallel_loop3A_402 = arith.mulf %parallel_loop3A_399, %parallel_loop3A_401 : vector<16xf32>
      %parallel_loop3A_403 = arith.addf %parallel_loop3A_402, %parallel_loop3A_184 : vector<16xf32>
      %parallel_loop3A_404 = arith.constant 1 : i32
      %parallel_loop3A_405 = arith.index_cast %parallel_loop3A_172 : i32 to index
      %parallel_loop3A_406 = arith.index_cast %parallel_loop3A_404 : i32 to index
      %parallel_loop3A_407 = arith.constant 16 : index
      %parallel_loop3A_408 = tpu.vector_load %arg9[%parallel_loop3A_405, %parallel_loop3A_406, %parallel_loop3A_407] {strides = array<i32>} : memref<32x4x128xf32, #tpu.memory_space<vmem>>, vector<1x1x16xf32>,
      %parallel_loop3A_409 = vector.shape_cast %parallel_loop3A_408 : vector<1x1x16xf32> to vector<16xf32>
      %parallel_loop3A_410 = vector.shape_cast %parallel_loop3A_403 : vector<16xf32> to vector<1x1x16xf32>
      tpu.vector_store %arg9[%parallel_loop3A_405, %parallel_loop3A_406, %parallel_loop3A_407], %parallel_loop3A_410 {strides = array<i32>} : memref<32x4x128xf32, #tpu.memory_space<vmem>>, vector<1x1x16xf32>,
      %parallel_loop3A_411 = arith.constant 96 : i32
      %parallel_loop3A_412 = arith.addi %parallel_loop3A_411, %parallel_loop3A_172 : i32
      %parallel_loop3A_413 = arith.constant 1 : i32
      %parallel_loop3A_414 = arith.index_cast %parallel_loop3A_413 : i32 to index
      %parallel_loop3A_415 = arith.index_cast %parallel_loop3A_412 : i32 to index
      %parallel_loop3A_416 = arith.constant 32 : index
      %parallel_loop3A_417 = tpu.vector_load %arg7[%parallel_loop3A_414, %parallel_loop3A_415, %parallel_loop3A_416] {strides = array<i32>} : memref<4x128x128xf32, #tpu.memory_space<vmem>>, vector<1x1x16xf32>,
      %parallel_loop3A_418 = vector.shape_cast %parallel_loop3A_417 : vector<1x1x16xf32> to vector<16xf32>
      %parallel_loop3A_419 = arith.constant 11.3137083 : f32
      %parallel_loop3A_420 = vector.broadcast %parallel_loop3A_419 : f32 to vector<16xf32>
      %parallel_loop3A_421 = arith.mulf %parallel_loop3A_418, %parallel_loop3A_420 : vector<16xf32>
      %parallel_loop3A_422 = arith.addf %parallel_loop3A_421, %parallel_loop3A_190 : vector<16xf32>
      %parallel_loop3A_423 = arith.constant 1 : i32
      %parallel_loop3A_424 = arith.index_cast %parallel_loop3A_172 : i32 to index
      %parallel_loop3A_425 = arith.index_cast %parallel_loop3A_423 : i32 to index
      %parallel_loop3A_426 = arith.constant 32 : index
      %parallel_loop3A_427 = tpu.vector_load %arg9[%parallel_loop3A_424, %parallel_loop3A_425, %parallel_loop3A_426] {strides = array<i32>} : memref<32x4x128xf32, #tpu.memory_space<vmem>>, vector<1x1x16xf32>,
      %parallel_loop3A_428 = vector.shape_cast %parallel_loop3A_427 : vector<1x1x16xf32> to vector<16xf32>
      %parallel_loop3A_429 = vector.shape_cast %parallel_loop3A_422 : vector<16xf32> to vector<1x1x16xf32>
      tpu.vector_store %arg9[%parallel_loop3A_424, %parallel_loop3A_425, %parallel_loop3A_426], %parallel_loop3A_429 {strides = array<i32>} : memref<32x4x128xf32, #tpu.memory_space<vmem>>, vector<1x1x16xf32>,
      %parallel_loop3A_430 = arith.constant 96 : i32
      %parallel_loop3A_431 = arith.addi %parallel_loop3A_430, %parallel_loop3A_172 : i32
      %parallel_loop3A_432 = arith.constant 1 : i32
      %parallel_loop3A_433 = arith.index_cast %parallel_loop3A_432 : i32 to index
      %parallel_loop3A_434 = arith.index_cast %parallel_loop3A_431 : i32 to index
      %parallel_loop3A_435 = arith.constant 48 : index
      %parallel_loop3A_436 = tpu.vector_load %arg7[%parallel_loop3A_433, %parallel_loop3A_434, %parallel_loop3A_435] {strides = array<i32>} : memref<4x128x128xf32, #tpu.memory_space<vmem>>, vector<1x1x16xf32>,
      %parallel_loop3A_437 = vector.shape_cast %parallel_loop3A_436 : vector<1x1x16xf32> to vector<16xf32>
      %parallel_loop3A_438 = arith.constant 11.3137083 : f32
      %parallel_loop3A_439 = vector.broadcast %parallel_loop3A_438 : f32 to vector<16xf32>
      %parallel_loop3A_440 = arith.mulf %parallel_loop3A_437, %parallel_loop3A_439 : vector<16xf32>
      %parallel_loop3A_441 = arith.addf %parallel_loop3A_440, %parallel_loop3A_196 : vector<16xf32>
      %parallel_loop3A_442 = arith.constant 1 : i32
      %parallel_loop3A_443 = arith.index_cast %parallel_loop3A_172 : i32 to index
      %parallel_loop3A_444 = arith.index_cast %parallel_loop3A_442 : i32 to index
      %parallel_loop3A_445 = arith.constant 48 : index
      %parallel_loop3A_446 = tpu.vector_load %arg9[%parallel_loop3A_443, %parallel_loop3A_444, %parallel_loop3A_445] {strides = array<i32>} : memref<32x4x128xf32, #tpu.memory_space<vmem>>, vector<1x1x16xf32>,
      %parallel_loop3A_447 = vector.shape_cast %parallel_loop3A_446 : vector<1x1x16xf32> to vector<16xf32>
      %parallel_loop3A_448 = vector.shape_cast %parallel_loop3A_441 : vector<16xf32> to vector<1x1x16xf32>
      tpu.vector_store %arg9[%parallel_loop3A_443, %parallel_loop3A_444, %parallel_loop3A_445], %parallel_loop3A_448 {strides = array<i32>} : memref<32x4x128xf32, #tpu.memory_space<vmem>>, vector<1x1x16xf32>,
      %parallel_loop3A_449 = arith.constant 96 : i32
      %parallel_loop3A_450 = arith.addi %parallel_loop3A_449, %parallel_loop3A_172 : i32
      %parallel_loop3A_451 = arith.constant 1 : i32
      %parallel_loop3A_452 = arith.index_cast %parallel_loop3A_451 : i32 to index
      %parallel_loop3A_453 = arith.index_cast %parallel_loop3A_450 : i32 to index
      %parallel_loop3A_454 = arith.constant 64 : index
      %parallel_loop3A_455 = tpu.vector_load %arg7[%parallel_loop3A_452, %parallel_loop3A_453, %parallel_loop3A_454] {strides = array<i32>} : memref<4x128x128xf32, #tpu.memory_space<vmem>>, vector<1x1x16xf32>,
      %parallel_loop3A_456 = vector.shape_cast %parallel_loop3A_455 : vector<1x1x16xf32> to vector<16xf32>
      %parallel_loop3A_457 = arith.constant 11.3137083 : f32
      %parallel_loop3A_458 = vector.broadcast %parallel_loop3A_457 : f32 to vector<16xf32>
      %parallel_loop3A_459 = arith.mulf %parallel_loop3A_456, %parallel_loop3A_458 : vector<16xf32>
      %parallel_loop3A_460 = arith.addf %parallel_loop3A_459, %parallel_loop3A_202 : vector<16xf32>
      %parallel_loop3A_461 = arith.constant 1 : i32
      %parallel_loop3A_462 = arith.index_cast %parallel_loop3A_172 : i32 to index
      %parallel_loop3A_463 = arith.index_cast %parallel_loop3A_461 : i32 to index
      %parallel_loop3A_464 = arith.constant 64 : index
      %parallel_loop3A_465 = tpu.vector_load %arg9[%parallel_loop3A_462, %parallel_loop3A_463, %parallel_loop3A_464] {strides = array<i32>} : memref<32x4x128xf32, #tpu.memory_space<vmem>>, vector<1x1x16xf32>,
      %parallel_loop3A_466 = vector.shape_cast %parallel_loop3A_465 : vector<1x1x16xf32> to vector<16xf32>
      %parallel_loop3A_467 = vector.shape_cast %parallel_loop3A_460 : vector<16xf32> to vector<1x1x16xf32>
      tpu.vector_store %arg9[%parallel_loop3A_462, %parallel_loop3A_463, %parallel_loop3A_464], %parallel_loop3A_467 {strides = array<i32>} : memref<32x4x128xf32, #tpu.memory_space<vmem>>, vector<1x1x16xf32>,
      %parallel_loop3A_468 = arith.constant 96 : i32
      %parallel_loop3A_469 = arith.addi %parallel_loop3A_468, %parallel_loop3A_172 : i32
      %parallel_loop3A_470 = arith.constant 1 : i32
      %parallel_loop3A_471 = arith.index_cast %parallel_loop3A_470 : i32 to index
      %parallel_loop3A_472 = arith.index_cast %parallel_loop3A_469 : i32 to index
      %parallel_loop3A_473 = arith.constant 80 : index
      %parallel_loop3A_474 = tpu.vector_load %arg7[%parallel_loop3A_471, %parallel_loop3A_472, %parallel_loop3A_473] {strides = array<i32>} : memref<4x128x128xf32, #tpu.memory_space<vmem>>, vector<1x1x16xf32>,
      %parallel_loop3A_475 = vector.shape_cast %parallel_loop3A_474 : vector<1x1x16xf32> to vector<16xf32>
      %parallel_loop3A_476 = arith.constant 11.3137083 : f32
      %parallel_loop3A_477 = vector.broadcast %parallel_loop3A_476 : f32 to vector<16xf32>
      %parallel_loop3A_478 = arith.mulf %parallel_loop3A_475, %parallel_loop3A_477 : vector<16xf32>
      %parallel_loop3A_479 = arith.addf %parallel_loop3A_478, %parallel_loop3A_208 : vector<16xf32>
      %parallel_loop3A_480 = arith.constant 1 : i32
      %parallel_loop3A_481 = arith.index_cast %parallel_loop3A_172 : i32 to index
      %parallel_loop3A_482 = arith.index_cast %parallel_loop3A_480 : i32 to index
      %parallel_loop3A_483 = arith.constant 80 : index
      %parallel_loop3A_484 = tpu.vector_load %arg9[%parallel_loop3A_481, %parallel_loop3A_482, %parallel_loop3A_483] {strides = array<i32>} : memref<32x4x128xf32, #tpu.memory_space<vmem>>, vector<1x1x16xf32>,
      %parallel_loop3A_485 = vector.shape_cast %parallel_loop3A_484 : vector<1x1x16xf32> to vector<16xf32>
      %parallel_loop3A_486 = vector.shape_cast %parallel_loop3A_479 : vector<16xf32> to vector<1x1x16xf32>
      tpu.vector_store %arg9[%parallel_loop3A_481, %parallel_loop3A_482, %parallel_loop3A_483], %parallel_loop3A_486 {strides = array<i32>} : memref<32x4x128xf32, #tpu.memory_space<vmem>>, vector<1x1x16xf32>,
      %parallel_loop3A_487 = arith.constant 96 : i32
      %parallel_loop3A_488 = arith.addi %parallel_loop3A_487, %parallel_loop3A_172 : i32
      %parallel_loop3A_489 = arith.constant 1 : i32
      %parallel_loop3A_490 = arith.index_cast %parallel_loop3A_489 : i32 to index
      %parallel_loop3A_491 = arith.index_cast %parallel_loop3A_488 : i32 to index
      %parallel_loop3A_492 = arith.constant 96 : index
      %parallel_loop3A_493 = tpu.vector_load %arg7[%parallel_loop3A_490, %parallel_loop3A_491, %parallel_loop3A_492] {strides = array<i32>} : memref<4x128x128xf32, #tpu.memory_space<vmem>>, vector<1x1x16xf32>,
      %parallel_loop3A_494 = vector.shape_cast %parallel_loop3A_493 : vector<1x1x16xf32> to vector<16xf32>
      %parallel_loop3A_495 = arith.constant 11.3137083 : f32
      %parallel_loop3A_496 = vector.broadcast %parallel_loop3A_495 : f32 to vector<16xf32>
      %parallel_loop3A_497 = arith.mulf %parallel_loop3A_494, %parallel_loop3A_496 : vector<16xf32>
      %parallel_loop3A_498 = arith.addf %parallel_loop3A_497, %parallel_loop3A_214 : vector<16xf32>
      %parallel_loop3A_499 = arith.constant 1 : i32
      %parallel_loop3A_500 = arith.index_cast %parallel_loop3A_172 : i32 to index
      %parallel_loop3A_501 = arith.index_cast %parallel_loop3A_499 : i32 to index
      %parallel_loop3A_502 = arith.constant 96 : index
      %parallel_loop3A_503 = tpu.vector_load %arg9[%parallel_loop3A_500, %parallel_loop3A_501, %parallel_loop3A_502] {strides = array<i32>} : memref<32x4x128xf32, #tpu.memory_space<vmem>>, vector<1x1x16xf32>,
      %parallel_loop3A_504 = vector.shape_cast %parallel_loop3A_503 : vector<1x1x16xf32> to vector<16xf32>
      %parallel_loop3A_505 = vector.shape_cast %parallel_loop3A_498 : vector<16xf32> to vector<1x1x16xf32>
      tpu.vector_store %arg9[%parallel_loop3A_500, %parallel_loop3A_501, %parallel_loop3A_502], %parallel_loop3A_505 {strides = array<i32>} : memref<32x4x128xf32, #tpu.memory_space<vmem>>, vector<1x1x16xf32>,
      %parallel_loop3A_506 = arith.constant 96 : i32
      %parallel_loop3A_507 = arith.addi %parallel_loop3A_506, %parallel_loop3A_172 : i32
      %parallel_loop3A_508 = arith.constant 1 : i32
      %parallel_loop3A_509 = arith.index_cast %parallel_loop3A_508 : i32 to index
      %parallel_loop3A_510 = arith.index_cast %parallel_loop3A_507 : i32 to index
      %parallel_loop3A_511 = arith.constant 112 : index
      %parallel_loop3A_512 = tpu.vector_load %arg7[%parallel_loop3A_509, %parallel_loop3A_510, %parallel_loop3A_511] {strides = array<i32>} : memref<4x128x128xf32, #tpu.memory_space<vmem>>, vector<1x1x16xf32>,
      %parallel_loop3A_513 = vector.shape_cast %parallel_loop3A_512 : vector<1x1x16xf32> to vector<16xf32>
      %parallel_loop3A_514 = arith.constant 11.3137083 : f32
      %parallel_loop3A_515 = vector.broadcast %parallel_loop3A_514 : f32 to vector<16xf32>
      %parallel_loop3A_516 = arith.mulf %parallel_loop3A_513, %parallel_loop3A_515 : vector<16xf32>
      %parallel_loop3A_517 = arith.addf %parallel_loop3A_516, %parallel_loop3A_220 : vector<16xf32>
      %parallel_loop3A_518 = arith.constant 1 : i32
      %parallel_loop3A_519 = arith.index_cast %parallel_loop3A_172 : i32 to index
      %parallel_loop3A_520 = arith.index_cast %parallel_loop3A_518 : i32 to index
      %parallel_loop3A_521 = arith.constant 112 : index
      %parallel_loop3A_522 = tpu.vector_load %arg9[%parallel_loop3A_519, %parallel_loop3A_520, %parallel_loop3A_521] {strides = array<i32>} : memref<32x4x128xf32, #tpu.memory_space<vmem>>, vector<1x1x16xf32>,
      %parallel_loop3A_523 = vector.shape_cast %parallel_loop3A_522 : vector<1x1x16xf32> to vector<16xf32>
      %parallel_loop3A_524 = vector.shape_cast %parallel_loop3A_517 : vector<16xf32> to vector<1x1x16xf32>
      tpu.vector_store %arg9[%parallel_loop3A_519, %parallel_loop3A_520, %parallel_loop3A_521], %parallel_loop3A_524 {strides = array<i32>} : memref<32x4x128xf32, #tpu.memory_space<vmem>>, vector<1x1x16xf32>,
      %parallel_loop3A_525 = arith.constant 96 : i32
      %parallel_loop3A_526 = arith.addi %parallel_loop3A_525, %parallel_loop3A_172 : i32
      %parallel_loop3A_527 = arith.constant 2 : i32
      %parallel_loop3A_528 = arith.index_cast %parallel_loop3A_527 : i32 to index
      %parallel_loop3A_529 = arith.index_cast %parallel_loop3A_526 : i32 to index
      %parallel_loop3A_530 = arith.constant 0 : index
      %parallel_loop3A_531 = tpu.vector_load %arg7[%parallel_loop3A_528, %parallel_loop3A_529, %parallel_loop3A_530] {strides = array<i32>} : memref<4x128x128xf32, #tpu.memory_space<vmem>>, vector<1x1x16xf32>,
      %parallel_loop3A_532 = vector.shape_cast %parallel_loop3A_531 : vector<1x1x16xf32> to vector<16xf32>
      %parallel_loop3A_533 = arith.constant 11.3137083 : f32
      %parallel_loop3A_534 = vector.broadcast %parallel_loop3A_533 : f32 to vector<16xf32>
      %parallel_loop3A_535 = arith.mulf %parallel_loop3A_532, %parallel_loop3A_534 : vector<16xf32>
      %parallel_loop3A_536 = arith.addf %parallel_loop3A_535, %parallel_loop3A_178 : vector<16xf32>
      %parallel_loop3A_537 = arith.constant 2 : i32
      %parallel_loop3A_538 = arith.index_cast %parallel_loop3A_172 : i32 to index
      %parallel_loop3A_539 = arith.index_cast %parallel_loop3A_537 : i32 to index
      %parallel_loop3A_540 = arith.constant 0 : index
      %parallel_loop3A_541 = tpu.vector_load %arg9[%parallel_loop3A_538, %parallel_loop3A_539, %parallel_loop3A_540] {strides = array<i32>} : memref<32x4x128xf32, #tpu.memory_space<vmem>>, vector<1x1x16xf32>,
      %parallel_loop3A_542 = vector.shape_cast %parallel_loop3A_541 : vector<1x1x16xf32> to vector<16xf32>
      %parallel_loop3A_543 = vector.shape_cast %parallel_loop3A_536 : vector<16xf32> to vector<1x1x16xf32>
      tpu.vector_store %arg9[%parallel_loop3A_538, %parallel_loop3A_539, %parallel_loop3A_540], %parallel_loop3A_543 {strides = array<i32>} : memref<32x4x128xf32, #tpu.memory_space<vmem>>, vector<1x1x16xf32>,
      %parallel_loop3A_544 = arith.constant 96 : i32
      %parallel_loop3A_545 = arith.addi %parallel_loop3A_544, %parallel_loop3A_172 : i32
      %parallel_loop3A_546 = arith.constant 2 : i32
      %parallel_loop3A_547 = arith.index_cast %parallel_loop3A_546 : i32 to index
      %parallel_loop3A_548 = arith.index_cast %parallel_loop3A_545 : i32 to index
      %parallel_loop3A_549 = arith.constant 16 : index
      %parallel_loop3A_550 = tpu.vector_load %arg7[%parallel_loop3A_547, %parallel_loop3A_548, %parallel_loop3A_549] {strides = array<i32>} : memref<4x128x128xf32, #tpu.memory_space<vmem>>, vector<1x1x16xf32>,
      %parallel_loop3A_551 = vector.shape_cast %parallel_loop3A_550 : vector<1x1x16xf32> to vector<16xf32>
      %parallel_loop3A_552 = arith.constant 11.3137083 : f32
      %parallel_loop3A_553 = vector.broadcast %parallel_loop3A_552 : f32 to vector<16xf32>
      %parallel_loop3A_554 = arith.mulf %parallel_loop3A_551, %parallel_loop3A_553 : vector<16xf32>
      %parallel_loop3A_555 = arith.addf %parallel_loop3A_554, %parallel_loop3A_184 : vector<16xf32>
      %parallel_loop3A_556 = arith.constant 2 : i32
      %parallel_loop3A_557 = arith.index_cast %parallel_loop3A_172 : i32 to index
      %parallel_loop3A_558 = arith.index_cast %parallel_loop3A_556 : i32 to index
      %parallel_loop3A_559 = arith.constant 16 : index
      %parallel_loop3A_560 = tpu.vector_load %arg9[%parallel_loop3A_557, %parallel_loop3A_558, %parallel_loop3A_559] {strides = array<i32>} : memref<32x4x128xf32, #tpu.memory_space<vmem>>, vector<1x1x16xf32>,
      %parallel_loop3A_561 = vector.shape_cast %parallel_loop3A_560 : vector<1x1x16xf32> to vector<16xf32>
      %parallel_loop3A_562 = vector.shape_cast %parallel_loop3A_555 : vector<16xf32> to vector<1x1x16xf32>
      tpu.vector_store %arg9[%parallel_loop3A_557, %parallel_loop3A_558, %parallel_loop3A_559], %parallel_loop3A_562 {strides = array<i32>} : memref<32x4x128xf32, #tpu.memory_space<vmem>>, vector<1x1x16xf32>,
      %parallel_loop3A_563 = arith.constant 96 : i32
      %parallel_loop3A_564 = arith.addi %parallel_loop3A_563, %parallel_loop3A_172 : i32
      %parallel_loop3A_565 = arith.constant 2 : i32
      %parallel_loop3A_566 = arith.index_cast %parallel_loop3A_565 : i32 to index
      %parallel_loop3A_567 = arith.index_cast %parallel_loop3A_564 : i32 to index
      %parallel_loop3A_568 = arith.constant 32 : index
      %parallel_loop3A_569 = tpu.vector_load %arg7[%parallel_loop3A_566, %parallel_loop3A_567, %parallel_loop3A_568] {strides = array<i32>} : memref<4x128x128xf32, #tpu.memory_space<vmem>>, vector<1x1x16xf32>,
      %parallel_loop3A_570 = vector.shape_cast %parallel_loop3A_569 : vector<1x1x16xf32> to vector<16xf32>
      %parallel_loop3A_571 = arith.constant 11.3137083 : f32
      %parallel_loop3A_572 = vector.broadcast %parallel_loop3A_571 : f32 to vector<16xf32>
      %parallel_loop3A_573 = arith.mulf %parallel_loop3A_570, %parallel_loop3A_572 : vector<16xf32>
      %parallel_loop3A_574 = arith.addf %parallel_loop3A_573, %parallel_loop3A_190 : vector<16xf32>
      %parallel_loop3A_575 = arith.constant 2 : i32
      %parallel_loop3A_576 = arith.index_cast %parallel_loop3A_172 : i32 to index
      %parallel_loop3A_577 = arith.index_cast %parallel_loop3A_575 : i32 to index
      %parallel_loop3A_578 = arith.constant 32 : index
      %parallel_loop3A_579 = tpu.vector_load %arg9[%parallel_loop3A_576, %parallel_loop3A_577, %parallel_loop3A_578] {strides = array<i32>} : memref<32x4x128xf32, #tpu.memory_space<vmem>>, vector<1x1x16xf32>,
      %parallel_loop3A_580 = vector.shape_cast %parallel_loop3A_579 : vector<1x1x16xf32> to vector<16xf32>
      %parallel_loop3A_581 = vector.shape_cast %parallel_loop3A_574 : vector<16xf32> to vector<1x1x16xf32>
      tpu.vector_store %arg9[%parallel_loop3A_576, %parallel_loop3A_577, %parallel_loop3A_578], %parallel_loop3A_581 {strides = array<i32>} : memref<32x4x128xf32, #tpu.memory_space<vmem>>, vector<1x1x16xf32>,
      %parallel_loop3A_582 = arith.constant 96 : i32
      %parallel_loop3A_583 = arith.addi %parallel_loop3A_582, %parallel_loop3A_172 : i32
      %parallel_loop3A_584 = arith.constant 2 : i32
      %parallel_loop3A_585 = arith.index_cast %parallel_loop3A_584 : i32 to index
      %parallel_loop3A_586 = arith.index_cast %parallel_loop3A_583 : i32 to index
      %parallel_loop3A_587 = arith.constant 48 : index
      %parallel_loop3A_588 = tpu.vector_load %arg7[%parallel_loop3A_585, %parallel_loop3A_586, %parallel_loop3A_587] {strides = array<i32>} : memref<4x128x128xf32, #tpu.memory_space<vmem>>, vector<1x1x16xf32>,
      %parallel_loop3A_589 = vector.shape_cast %parallel_loop3A_588 : vector<1x1x16xf32> to vector<16xf32>
      %parallel_loop3A_590 = arith.constant 11.3137083 : f32
      %parallel_loop3A_591 = vector.broadcast %parallel_loop3A_590 : f32 to vector<16xf32>
      %parallel_loop3A_592 = arith.mulf %parallel_loop3A_589, %parallel_loop3A_591 : vector<16xf32>
      %parallel_loop3A_593 = arith.addf %parallel_loop3A_592, %parallel_loop3A_196 : vector<16xf32>
      %parallel_loop3A_594 = arith.constant 2 : i32
      %parallel_loop3A_595 = arith.index_cast %parallel_loop3A_172 : i32 to index
      %parallel_loop3A_596 = arith.index_cast %parallel_loop3A_594 : i32 to index
      %parallel_loop3A_597 = arith.constant 48 : index
      %parallel_loop3A_598 = tpu.vector_load %arg9[%parallel_loop3A_595, %parallel_loop3A_596, %parallel_loop3A_597] {strides = array<i32>} : memref<32x4x128xf32, #tpu.memory_space<vmem>>, vector<1x1x16xf32>,
      %parallel_loop3A_599 = vector.shape_cast %parallel_loop3A_598 : vector<1x1x16xf32> to vector<16xf32>
      %parallel_loop3A_600 = vector.shape_cast %parallel_loop3A_593 : vector<16xf32> to vector<1x1x16xf32>
      tpu.vector_store %arg9[%parallel_loop3A_595, %parallel_loop3A_596, %parallel_loop3A_597], %parallel_loop3A_600 {strides = array<i32>} : memref<32x4x128xf32, #tpu.memory_space<vmem>>, vector<1x1x16xf32>,
      %parallel_loop3A_601 = arith.constant 96 : i32
      %parallel_loop3A_602 = arith.addi %parallel_loop3A_601, %parallel_loop3A_172 : i32
      %parallel_loop3A_603 = arith.constant 2 : i32
      %parallel_loop3A_604 = arith.index_cast %parallel_loop3A_603 : i32 to index
      %parallel_loop3A_605 = arith.index_cast %parallel_loop3A_602 : i32 to index
      %parallel_loop3A_606 = arith.constant 64 : index
      %parallel_loop3A_607 = tpu.vector_load %arg7[%parallel_loop3A_604, %parallel_loop3A_605, %parallel_loop3A_606] {strides = array<i32>} : memref<4x128x128xf32, #tpu.memory_space<vmem>>, vector<1x1x16xf32>,
      %parallel_loop3A_608 = vector.shape_cast %parallel_loop3A_607 : vector<1x1x16xf32> to vector<16xf32>
      %parallel_loop3A_609 = arith.constant 11.3137083 : f32
      %parallel_loop3A_610 = vector.broadcast %parallel_loop3A_609 : f32 to vector<16xf32>
      %parallel_loop3A_611 = arith.mulf %parallel_loop3A_608, %parallel_loop3A_610 : vector<16xf32>
      %parallel_loop3A_612 = arith.addf %parallel_loop3A_611, %parallel_loop3A_202 : vector<16xf32>
      %parallel_loop3A_613 = arith.constant 2 : i32
      %parallel_loop3A_614 = arith.index_cast %parallel_loop3A_172 : i32 to index
      %parallel_loop3A_615 = arith.index_cast %parallel_loop3A_613 : i32 to index
      %parallel_loop3A_616 = arith.constant 64 : index
      %parallel_loop3A_617 = tpu.vector_load %arg9[%parallel_loop3A_614, %parallel_loop3A_615, %parallel_loop3A_616] {strides = array<i32>} : memref<32x4x128xf32, #tpu.memory_space<vmem>>, vector<1x1x16xf32>,
      %parallel_loop3A_618 = vector.shape_cast %parallel_loop3A_617 : vector<1x1x16xf32> to vector<16xf32>
      %parallel_loop3A_619 = vector.shape_cast %parallel_loop3A_612 : vector<16xf32> to vector<1x1x16xf32>
      tpu.vector_store %arg9[%parallel_loop3A_614, %parallel_loop3A_615, %parallel_loop3A_616], %parallel_loop3A_619 {strides = array<i32>} : memref<32x4x128xf32, #tpu.memory_space<vmem>>, vector<1x1x16xf32>,
      %parallel_loop3A_620 = arith.constant 96 : i32
      %parallel_loop3A_621 = arith.addi %parallel_loop3A_620, %parallel_loop3A_172 : i32
      %parallel_loop3A_622 = arith.constant 2 : i32
      %parallel_loop3A_623 = arith.index_cast %parallel_loop3A_622 : i32 to index
      %parallel_loop3A_624 = arith.index_cast %parallel_loop3A_621 : i32 to index
      %parallel_loop3A_625 = arith.constant 80 : index
      %parallel_loop3A_626 = tpu.vector_load %arg7[%parallel_loop3A_623, %parallel_loop3A_624, %parallel_loop3A_625] {strides = array<i32>} : memref<4x128x128xf32, #tpu.memory_space<vmem>>, vector<1x1x16xf32>,
      %parallel_loop3A_627 = vector.shape_cast %parallel_loop3A_626 : vector<1x1x16xf32> to vector<16xf32>
      %parallel_loop3A_628 = arith.constant 11.3137083 : f32
      %parallel_loop3A_629 = vector.broadcast %parallel_loop3A_628 : f32 to vector<16xf32>
      %parallel_loop3A_630 = arith.mulf %parallel_loop3A_627, %parallel_loop3A_629 : vector<16xf32>
      %parallel_loop3A_631 = arith.addf %parallel_loop3A_630, %parallel_loop3A_208 : vector<16xf32>
      %parallel_loop3A_632 = arith.constant 2 : i32
      %parallel_loop3A_633 = arith.index_cast %parallel_loop3A_172 : i32 to index
      %parallel_loop3A_634 = arith.index_cast %parallel_loop3A_632 : i32 to index
      %parallel_loop3A_635 = arith.constant 80 : index
      %parallel_loop3A_636 = tpu.vector_load %arg9[%parallel_loop3A_633, %parallel_loop3A_634, %parallel_loop3A_635] {strides = array<i32>} : memref<32x4x128xf32, #tpu.memory_space<vmem>>, vector<1x1x16xf32>,
      %parallel_loop3A_637 = vector.shape_cast %parallel_loop3A_636 : vector<1x1x16xf32> to vector<16xf32>
      %parallel_loop3A_638 = vector.shape_cast %parallel_loop3A_631 : vector<16xf32> to vector<1x1x16xf32>
      tpu.vector_store %arg9[%parallel_loop3A_633, %parallel_loop3A_634, %parallel_loop3A_635], %parallel_loop3A_638 {strides = array<i32>} : memref<32x4x128xf32, #tpu.memory_space<vmem>>, vector<1x1x16xf32>,
      %parallel_loop3A_639 = arith.constant 96 : i32
      %parallel_loop3A_640 = arith.addi %parallel_loop3A_639, %parallel_loop3A_172 : i32
      %parallel_loop3A_641 = arith.constant 2 : i32
      %parallel_loop3A_642 = arith.index_cast %parallel_loop3A_641 : i32 to index
      %parallel_loop3A_643 = arith.index_cast %parallel_loop3A_640 : i32 to index
      %parallel_loop3A_644 = arith.constant 96 : index
      %parallel_loop3A_645 = tpu.vector_load %arg7[%parallel_loop3A_642, %parallel_loop3A_643, %parallel_loop3A_644] {strides = array<i32>} : memref<4x128x128xf32, #tpu.memory_space<vmem>>, vector<1x1x16xf32>,
      %parallel_loop3A_646 = vector.shape_cast %parallel_loop3A_645 : vector<1x1x16xf32> to vector<16xf32>
      %parallel_loop3A_647 = arith.constant 11.3137083 : f32
      %parallel_loop3A_648 = vector.broadcast %parallel_loop3A_647 : f32 to vector<16xf32>
      %parallel_loop3A_649 = arith.mulf %parallel_loop3A_646, %parallel_loop3A_648 : vector<16xf32>
      %parallel_loop3A_650 = arith.addf %parallel_loop3A_649, %parallel_loop3A_214 : vector<16xf32>
      %parallel_loop3A_651 = arith.constant 2 : i32
      %parallel_loop3A_652 = arith.index_cast %parallel_loop3A_172 : i32 to index
      %parallel_loop3A_653 = arith.index_cast %parallel_loop3A_651 : i32 to index
      %parallel_loop3A_654 = arith.constant 96 : index
      %parallel_loop3A_655 = tpu.vector_load %arg9[%parallel_loop3A_652, %parallel_loop3A_653, %parallel_loop3A_654] {strides = array<i32>} : memref<32x4x128xf32, #tpu.memory_space<vmem>>, vector<1x1x16xf32>,
      %parallel_loop3A_656 = vector.shape_cast %parallel_loop3A_655 : vector<1x1x16xf32> to vector<16xf32>
      %parallel_loop3A_657 = vector.shape_cast %parallel_loop3A_650 : vector<16xf32> to vector<1x1x16xf32>
      tpu.vector_store %arg9[%parallel_loop3A_652, %parallel_loop3A_653, %parallel_loop3A_654], %parallel_loop3A_657 {strides = array<i32>} : memref<32x4x128xf32, #tpu.memory_space<vmem>>, vector<1x1x16xf32>,
      %parallel_loop3A_658 = arith.constant 96 : i32
      %parallel_loop3A_659 = arith.addi %parallel_loop3A_658, %parallel_loop3A_172 : i32
      %parallel_loop3A_660 = arith.constant 2 : i32
      %parallel_loop3A_661 = arith.index_cast %parallel_loop3A_660 : i32 to index
      %parallel_loop3A_662 = arith.index_cast %parallel_loop3A_659 : i32 to index
      %parallel_loop3A_663 = arith.constant 112 : index
      %parallel_loop3A_664 = tpu.vector_load %arg7[%parallel_loop3A_661, %parallel_loop3A_662, %parallel_loop3A_663] {strides = array<i32>} : memref<4x128x128xf32, #tpu.memory_space<vmem>>, vector<1x1x16xf32>,
      %parallel_loop3A_665 = vector.shape_cast %parallel_loop3A_664 : vector<1x1x16xf32> to vector<16xf32>
      %parallel_loop3A_666 = arith.constant 11.3137083 : f32
      %parallel_loop3A_667 = vector.broadcast %parallel_loop3A_666 : f32 to vector<16xf32>
      %parallel_loop3A_668 = arith.mulf %parallel_loop3A_665, %parallel_loop3A_667 : vector<16xf32>
      %parallel_loop3A_669 = arith.addf %parallel_loop3A_668, %parallel_loop3A_220 : vector<16xf32>
      %parallel_loop3A_670 = arith.constant 2 : i32
      %parallel_loop3A_671 = arith.index_cast %parallel_loop3A_172 : i32 to index
      %parallel_loop3A_672 = arith.index_cast %parallel_loop3A_670 : i32 to index
      %parallel_loop3A_673 = arith.constant 112 : index
      %parallel_loop3A_674 = tpu.vector_load %arg9[%parallel_loop3A_671, %parallel_loop3A_672, %parallel_loop3A_673] {strides = array<i32>} : memref<32x4x128xf32, #tpu.memory_space<vmem>>, vector<1x1x16xf32>,
      %parallel_loop3A_675 = vector.shape_cast %parallel_loop3A_674 : vector<1x1x16xf32> to vector<16xf32>
      %parallel_loop3A_676 = vector.shape_cast %parallel_loop3A_669 : vector<16xf32> to vector<1x1x16xf32>
      tpu.vector_store %arg9[%parallel_loop3A_671, %parallel_loop3A_672, %parallel_loop3A_673], %parallel_loop3A_676 {strides = array<i32>} : memref<32x4x128xf32, #tpu.memory_space<vmem>>, vector<1x1x16xf32>,
      %parallel_loop3A_677 = arith.constant 96 : i32
      %parallel_loop3A_678 = arith.addi %parallel_loop3A_677, %parallel_loop3A_172 : i32
      %parallel_loop3A_679 = arith.constant 3 : i32
      %parallel_loop3A_680 = arith.index_cast %parallel_loop3A_679 : i32 to index
      %parallel_loop3A_681 = arith.index_cast %parallel_loop3A_678 : i32 to index
      %parallel_loop3A_682 = arith.constant 0 : index
      %parallel_loop3A_683 = tpu.vector_load %arg7[%parallel_loop3A_680, %parallel_loop3A_681, %parallel_loop3A_682] {strides = array<i32>} : memref<4x128x128xf32, #tpu.memory_space<vmem>>, vector<1x1x16xf32>,
      %parallel_loop3A_684 = vector.shape_cast %parallel_loop3A_683 : vector<1x1x16xf32> to vector<16xf32>
      %parallel_loop3A_685 = arith.constant 11.3137083 : f32
      %parallel_loop3A_686 = vector.broadcast %parallel_loop3A_685 : f32 to vector<16xf32>
      %parallel_loop3A_687 = arith.mulf %parallel_loop3A_684, %parallel_loop3A_686 : vector<16xf32>
      %parallel_loop3A_688 = arith.addf %parallel_loop3A_687, %parallel_loop3A_178 : vector<16xf32>
      %parallel_loop3A_689 = arith.constant 3 : i32
      %parallel_loop3A_690 = arith.index_cast %parallel_loop3A_172 : i32 to index
      %parallel_loop3A_691 = arith.index_cast %parallel_loop3A_689 : i32 to index
      %parallel_loop3A_692 = arith.constant 0 : index
      %parallel_loop3A_693 = tpu.vector_load %arg9[%parallel_loop3A_690, %parallel_loop3A_691, %parallel_loop3A_692] {strides = array<i32>} : memref<32x4x128xf32, #tpu.memory_space<vmem>>, vector<1x1x16xf32>,
      %parallel_loop3A_694 = vector.shape_cast %parallel_loop3A_693 : vector<1x1x16xf32> to vector<16xf32>
      %parallel_loop3A_695 = vector.shape_cast %parallel_loop3A_688 : vector<16xf32> to vector<1x1x16xf32>
      tpu.vector_store %arg9[%parallel_loop3A_690, %parallel_loop3A_691, %parallel_loop3A_692], %parallel_loop3A_695 {strides = array<i32>} : memref<32x4x128xf32, #tpu.memory_space<vmem>>, vector<1x1x16xf32>,
      %parallel_loop3A_696 = arith.constant 96 : i32
      %parallel_loop3A_697 = arith.addi %parallel_loop3A_696, %parallel_loop3A_172 : i32
      %parallel_loop3A_698 = arith.constant 3 : i32
      %parallel_loop3A_699 = arith.index_cast %parallel_loop3A_698 : i32 to index
      %parallel_loop3A_700 = arith.index_cast %parallel_loop3A_697 : i32 to index
      %parallel_loop3A_701 = arith.constant 16 : index
      %parallel_loop3A_702 = tpu.vector_load %arg7[%parallel_loop3A_699, %parallel_loop3A_700, %parallel_loop3A_701] {strides = array<i32>} : memref<4x128x128xf32, #tpu.memory_space<vmem>>, vector<1x1x16xf32>,
      %parallel_loop3A_703 = vector.shape_cast %parallel_loop3A_702 : vector<1x1x16xf32> to vector<16xf32>
      %parallel_loop3A_704 = arith.constant 11.3137083 : f32
      %parallel_loop3A_705 = vector.broadcast %parallel_loop3A_704 : f32 to vector<16xf32>
      %parallel_loop3A_706 = arith.mulf %parallel_loop3A_703, %parallel_loop3A_705 : vector<16xf32>
      %parallel_loop3A_707 = arith.addf %parallel_loop3A_706, %parallel_loop3A_184 : vector<16xf32>
      %parallel_loop3A_708 = arith.constant 3 : i32
      %parallel_loop3A_709 = arith.index_cast %parallel_loop3A_172 : i32 to index
      %parallel_loop3A_710 = arith.index_cast %parallel_loop3A_708 : i32 to index
      %parallel_loop3A_711 = arith.constant 16 : index
      %parallel_loop3A_712 = tpu.vector_load %arg9[%parallel_loop3A_709, %parallel_loop3A_710, %parallel_loop3A_711] {strides = array<i32>} : memref<32x4x128xf32, #tpu.memory_space<vmem>>, vector<1x1x16xf32>,
      %parallel_loop3A_713 = vector.shape_cast %parallel_loop3A_712 : vector<1x1x16xf32> to vector<16xf32>
      %parallel_loop3A_714 = vector.shape_cast %parallel_loop3A_707 : vector<16xf32> to vector<1x1x16xf32>
      tpu.vector_store %arg9[%parallel_loop3A_709, %parallel_loop3A_710, %parallel_loop3A_711], %parallel_loop3A_714 {strides = array<i32>} : memref<32x4x128xf32, #tpu.memory_space<vmem>>, vector<1x1x16xf32>,
      %parallel_loop3A_715 = arith.constant 96 : i32
      %parallel_loop3A_716 = arith.addi %parallel_loop3A_715, %parallel_loop3A_172 : i32
      %parallel_loop3A_717 = arith.constant 3 : i32
      %parallel_loop3A_718 = arith.index_cast %parallel_loop3A_717 : i32 to index
      %parallel_loop3A_719 = arith.index_cast %parallel_loop3A_716 : i32 to index
      %parallel_loop3A_720 = arith.constant 32 : index
      %parallel_loop3A_721 = tpu.vector_load %arg7[%parallel_loop3A_718, %parallel_loop3A_719, %parallel_loop3A_720] {strides = array<i32>} : memref<4x128x128xf32, #tpu.memory_space<vmem>>, vector<1x1x16xf32>,
      %parallel_loop3A_722 = vector.shape_cast %parallel_loop3A_721 : vector<1x1x16xf32> to vector<16xf32>
      %parallel_loop3A_723 = arith.constant 11.3137083 : f32
      %parallel_loop3A_724 = vector.broadcast %parallel_loop3A_723 : f32 to vector<16xf32>
      %parallel_loop3A_725 = arith.mulf %parallel_loop3A_722, %parallel_loop3A_724 : vector<16xf32>
      %parallel_loop3A_726 = arith.addf %parallel_loop3A_725, %parallel_loop3A_190 : vector<16xf32>
      %parallel_loop3A_727 = arith.constant 3 : i32
      %parallel_loop3A_728 = arith.index_cast %parallel_loop3A_172 : i32 to index
      %parallel_loop3A_729 = arith.index_cast %parallel_loop3A_727 : i32 to index
      %parallel_loop3A_730 = arith.constant 32 : index
      %parallel_loop3A_731 = tpu.vector_load %arg9[%parallel_loop3A_728, %parallel_loop3A_729, %parallel_loop3A_730] {strides = array<i32>} : memref<32x4x128xf32, #tpu.memory_space<vmem>>, vector<1x1x16xf32>,
      %parallel_loop3A_732 = vector.shape_cast %parallel_loop3A_731 : vector<1x1x16xf32> to vector<16xf32>
      %parallel_loop3A_733 = vector.shape_cast %parallel_loop3A_726 : vector<16xf32> to vector<1x1x16xf32>
      tpu.vector_store %arg9[%parallel_loop3A_728, %parallel_loop3A_729, %parallel_loop3A_730], %parallel_loop3A_733 {strides = array<i32>} : memref<32x4x128xf32, #tpu.memory_space<vmem>>, vector<1x1x16xf32>,
      %parallel_loop3A_734 = arith.constant 96 : i32
      %parallel_loop3A_735 = arith.addi %parallel_loop3A_734, %parallel_loop3A_172 : i32
      %parallel_loop3A_736 = arith.constant 3 : i32
      %parallel_loop3A_737 = arith.index_cast %parallel_loop3A_736 : i32 to index
      %parallel_loop3A_738 = arith.index_cast %parallel_loop3A_735 : i32 to index
      %parallel_loop3A_739 = arith.constant 48 : index
      %parallel_loop3A_740 = tpu.vector_load %arg7[%parallel_loop3A_737, %parallel_loop3A_738, %parallel_loop3A_739] {strides = array<i32>} : memref<4x128x128xf32, #tpu.memory_space<vmem>>, vector<1x1x16xf32>,
      %parallel_loop3A_741 = vector.shape_cast %parallel_loop3A_740 : vector<1x1x16xf32> to vector<16xf32>
      %parallel_loop3A_742 = arith.constant 11.3137083 : f32
      %parallel_loop3A_743 = vector.broadcast %parallel_loop3A_742 : f32 to vector<16xf32>
      %parallel_loop3A_744 = arith.mulf %parallel_loop3A_741, %parallel_loop3A_743 : vector<16xf32>
      %parallel_loop3A_745 = arith.addf %parallel_loop3A_744, %parallel_loop3A_196 : vector<16xf32>
      %parallel_loop3A_746 = arith.constant 3 : i32
      %parallel_loop3A_747 = arith.index_cast %parallel_loop3A_172 : i32 to index
      %parallel_loop3A_748 = arith.index_cast %parallel_loop3A_746 : i32 to index
      %parallel_loop3A_749 = arith.constant 48 : index
      %parallel_loop3A_750 = tpu.vector_load %arg9[%parallel_loop3A_747, %parallel_loop3A_748, %parallel_loop3A_749] {strides = array<i32>} : memref<32x4x128xf32, #tpu.memory_space<vmem>>, vector<1x1x16xf32>,
      %parallel_loop3A_751 = vector.shape_cast %parallel_loop3A_750 : vector<1x1x16xf32> to vector<16xf32>
      %parallel_loop3A_752 = vector.shape_cast %parallel_loop3A_745 : vector<16xf32> to vector<1x1x16xf32>
      tpu.vector_store %arg9[%parallel_loop3A_747, %parallel_loop3A_748, %parallel_loop3A_749], %parallel_loop3A_752 {strides = array<i32>} : memref<32x4x128xf32, #tpu.memory_space<vmem>>, vector<1x1x16xf32>,
      %parallel_loop3A_753 = arith.constant 96 : i32
      %parallel_loop3A_754 = arith.addi %parallel_loop3A_753, %parallel_loop3A_172 : i32
      %parallel_loop3A_755 = arith.constant 3 : i32
      %parallel_loop3A_756 = arith.index_cast %parallel_loop3A_755 : i32 to index
      %parallel_loop3A_757 = arith.index_cast %parallel_loop3A_754 : i32 to index
      %parallel_loop3A_758 = arith.constant 64 : index
      %parallel_loop3A_759 = tpu.vector_load %arg7[%parallel_loop3A_756, %parallel_loop3A_757, %parallel_loop3A_758] {strides = array<i32>} : memref<4x128x128xf32, #tpu.memory_space<vmem>>, vector<1x1x16xf32>,
      %parallel_loop3A_760 = vector.shape_cast %parallel_loop3A_759 : vector<1x1x16xf32> to vector<16xf32>
      %parallel_loop3A_761 = arith.constant 11.3137083 : f32
      %parallel_loop3A_762 = vector.broadcast %parallel_loop3A_761 : f32 to vector<16xf32>
      %parallel_loop3A_763 = arith.mulf %parallel_loop3A_760, %parallel_loop3A_762 : vector<16xf32>
      %parallel_loop3A_764 = arith.addf %parallel_loop3A_763, %parallel_loop3A_202 : vector<16xf32>
      %parallel_loop3A_765 = arith.constant 3 : i32
      %parallel_loop3A_766 = arith.index_cast %parallel_loop3A_172 : i32 to index
      %parallel_loop3A_767 = arith.index_cast %parallel_loop3A_765 : i32 to index
      %parallel_loop3A_768 = arith.constant 64 : index
      %parallel_loop3A_769 = tpu.vector_load %arg9[%parallel_loop3A_766, %parallel_loop3A_767, %parallel_loop3A_768] {strides = array<i32>} : memref<32x4x128xf32, #tpu.memory_space<vmem>>, vector<1x1x16xf32>,
      %parallel_loop3A_770 = vector.shape_cast %parallel_loop3A_769 : vector<1x1x16xf32> to vector<16xf32>
      %parallel_loop3A_771 = vector.shape_cast %parallel_loop3A_764 : vector<16xf32> to vector<1x1x16xf32>
      tpu.vector_store %arg9[%parallel_loop3A_766, %parallel_loop3A_767, %parallel_loop3A_768], %parallel_loop3A_771 {strides = array<i32>} : memref<32x4x128xf32, #tpu.memory_space<vmem>>, vector<1x1x16xf32>,
      %parallel_loop3A_772 = arith.constant 96 : i32
      %parallel_loop3A_773 = arith.addi %parallel_loop3A_772, %parallel_loop3A_172 : i32
      %parallel_loop3A_774 = arith.constant 3 : i32
      %parallel_loop3A_775 = arith.index_cast %parallel_loop3A_774 : i32 to index
      %parallel_loop3A_776 = arith.index_cast %parallel_loop3A_773 : i32 to index
      %parallel_loop3A_777 = arith.constant 80 : index
      %parallel_loop3A_778 = tpu.vector_load %arg7[%parallel_loop3A_775, %parallel_loop3A_776, %parallel_loop3A_777] {strides = array<i32>} : memref<4x128x128xf32, #tpu.memory_space<vmem>>, vector<1x1x16xf32>,
      %parallel_loop3A_779 = vector.shape_cast %parallel_loop3A_778 : vector<1x1x16xf32> to vector<16xf32>
      %parallel_loop3A_780 = arith.constant 11.3137083 : f32
      %parallel_loop3A_781 = vector.broadcast %parallel_loop3A_780 : f32 to vector<16xf32>
      %parallel_loop3A_782 = arith.mulf %parallel_loop3A_779, %parallel_loop3A_781 : vector<16xf32>
      %parallel_loop3A_783 = arith.addf %parallel_loop3A_782, %parallel_loop3A_208 : vector<16xf32>
      %parallel_loop3A_784 = arith.constant 3 : i32
      %parallel_loop3A_785 = arith.index_cast %parallel_loop3A_172 : i32 to index
      %parallel_loop3A_786 = arith.index_cast %parallel_loop3A_784 : i32 to index
      %parallel_loop3A_787 = arith.constant 80 : index
      %parallel_loop3A_788 = tpu.vector_load %arg9[%parallel_loop3A_785, %parallel_loop3A_786, %parallel_loop3A_787] {strides = array<i32>} : memref<32x4x128xf32, #tpu.memory_space<vmem>>, vector<1x1x16xf32>,
      %parallel_loop3A_789 = vector.shape_cast %parallel_loop3A_788 : vector<1x1x16xf32> to vector<16xf32>
      %parallel_loop3A_790 = vector.shape_cast %parallel_loop3A_783 : vector<16xf32> to vector<1x1x16xf32>
      tpu.vector_store %arg9[%parallel_loop3A_785, %parallel_loop3A_786, %parallel_loop3A_787], %parallel_loop3A_790 {strides = array<i32>} : memref<32x4x128xf32, #tpu.memory_space<vmem>>, vector<1x1x16xf32>,
      %parallel_loop3A_791 = arith.constant 96 : i32
      %parallel_loop3A_792 = arith.addi %parallel_loop3A_791, %parallel_loop3A_172 : i32
      %parallel_loop3A_793 = arith.constant 3 : i32
      %parallel_loop3A_794 = arith.index_cast %parallel_loop3A_793 : i32 to index
      %parallel_loop3A_795 = arith.index_cast %parallel_loop3A_792 : i32 to index
      %parallel_loop3A_796 = arith.constant 96 : index
      %parallel_loop3A_797 = tpu.vector_load %arg7[%parallel_loop3A_794, %parallel_loop3A_795, %parallel_loop3A_796] {strides = array<i32>} : memref<4x128x128xf32, #tpu.memory_space<vmem>>, vector<1x1x16xf32>,
      %parallel_loop3A_798 = vector.shape_cast %parallel_loop3A_797 : vector<1x1x16xf32> to vector<16xf32>
      %parallel_loop3A_799 = arith.constant 11.3137083 : f32
      %parallel_loop3A_800 = vector.broadcast %parallel_loop3A_799 : f32 to vector<16xf32>
      %parallel_loop3A_801 = arith.mulf %parallel_loop3A_798, %parallel_loop3A_800 : vector<16xf32>
      %parallel_loop3A_802 = arith.addf %parallel_loop3A_801, %parallel_loop3A_214 : vector<16xf32>
      %parallel_loop3A_803 = arith.constant 3 : i32
      %parallel_loop3A_804 = arith.index_cast %parallel_loop3A_172 : i32 to index
      %parallel_loop3A_805 = arith.index_cast %parallel_loop3A_803 : i32 to index
      %parallel_loop3A_806 = arith.constant 96 : index
      %parallel_loop3A_807 = tpu.vector_load %arg9[%parallel_loop3A_804, %parallel_loop3A_805, %parallel_loop3A_806] {strides = array<i32>} : memref<32x4x128xf32, #tpu.memory_space<vmem>>, vector<1x1x16xf32>,
      %parallel_loop3A_808 = vector.shape_cast %parallel_loop3A_807 : vector<1x1x16xf32> to vector<16xf32>
      %parallel_loop3A_809 = vector.shape_cast %parallel_loop3A_802 : vector<16xf32> to vector<1x1x16xf32>
      tpu.vector_store %arg9[%parallel_loop3A_804, %parallel_loop3A_805, %parallel_loop3A_806], %parallel_loop3A_809 {strides = array<i32>} : memref<32x4x128xf32, #tpu.memory_space<vmem>>, vector<1x1x16xf32>,
      %parallel_loop3A_810 = arith.constant 96 : i32
      %parallel_loop3A_811 = arith.addi %parallel_loop3A_810, %parallel_loop3A_172 : i32
      %parallel_loop3A_812 = arith.constant 3 : i32
      %parallel_loop3A_813 = arith.index_cast %parallel_loop3A_812 : i32 to index
      %parallel_loop3A_814 = arith.index_cast %parallel_loop3A_811 : i32 to index
      %parallel_loop3A_815 = arith.constant 112 : index
      %parallel_loop3A_816 = tpu.vector_load %arg7[%parallel_loop3A_813, %parallel_loop3A_814, %parallel_loop3A_815] {strides = array<i32>} : memref<4x128x128xf32, #tpu.memory_space<vmem>>, vector<1x1x16xf32>,
      %parallel_loop3A_817 = vector.shape_cast %parallel_loop3A_816 : vector<1x1x16xf32> to vector<16xf32>
      %parallel_loop3A_818 = arith.constant 11.3137083 : f32
      %parallel_loop3A_819 = vector.broadcast %parallel_loop3A_818 : f32 to vector<16xf32>
      %parallel_loop3A_820 = arith.mulf %parallel_loop3A_817, %parallel_loop3A_819 : vector<16xf32>
      %parallel_loop3A_821 = arith.addf %parallel_loop3A_820, %parallel_loop3A_220 : vector<16xf32>
      %parallel_loop3A_822 = arith.constant 3 : i32
      %parallel_loop3A_823 = arith.index_cast %parallel_loop3A_172 : i32 to index
      %parallel_loop3A_824 = arith.index_cast %parallel_loop3A_822 : i32 to index
      %parallel_loop3A_825 = arith.constant 112 : index
      %parallel_loop3A_826 = tpu.vector_load %arg9[%parallel_loop3A_823, %parallel_loop3A_824, %parallel_loop3A_825] {strides = array<i32>} : memref<32x4x128xf32, #tpu.memory_space<vmem>>, vector<1x1x16xf32>,
      %parallel_loop3A_827 = vector.shape_cast %parallel_loop3A_826 : vector<1x1x16xf32> to vector<16xf32>
      %parallel_loop3A_828 = vector.shape_cast %parallel_loop3A_821 : vector<16xf32> to vector<1x1x16xf32>
      tpu.vector_store %arg9[%parallel_loop3A_823, %parallel_loop3A_824, %parallel_loop3A_825], %parallel_loop3A_828 {strides = array<i32>} : memref<32x4x128xf32, #tpu.memory_space<vmem>>, vector<1x1x16xf32>,
    } {sc.loop_unroll_factor = 4 : i64, sc.parallel_access}
    %add3A_152 = arith.constant 96 : i32
    %add3A_153 = arith.addi %mul3A_2, %add3A_152 : i32
    %dma_start3A_154 = arith.constant 0 : i32
    %dma_start3A_155 = arith.constant 0 : i32
    %dma_start3A_156 = tpu.memref_slice %arg5[%add3A_153, %dma_start3A_154, %dma_start3A_155] : memref<4096x4x128xf32, #tpu.memory_space<hbm>> -> memref<32x4x128xf32, #tpu.memory_space<hbm>>
    %dma_start3A_157 = arith.constant 0 : i32
    %dma_start3A_158 = arith.constant 0 : i32
    %dma_start3A_159 = tpu.memref_slice %arg5[%add3A_153, %dma_start3A_157, %dma_start3A_158] : memref<4096x4x128xf32, #tpu.memory_space<hbm>> -> memref<32x4x128xf32, #tpu.memory_space<hbm>>
    tpu.enqueue_dma source(%arg9 : memref<32x4x128xf32, #tpu.memory_space<vmem>>) target(%dma_start3A_159 : memref<32x4x128xf32, #tpu.memory_space<hbm>>) target_semaphore(%arg14 : memref<!tpu.dma_semaphore, #tpu.memory_space<semaphore_mem>>)
    %dma_wait3A_160 = arith.constant 0 : i32
    %dma_wait3A_161 = arith.constant 0 : i32
    %dma_wait3A_162 = tpu.memref_slice %arg5[%add3A_136, %dma_wait3A_160, %dma_wait3A_161] : memref<4096x4x128xf32, #tpu.memory_space<hbm>> -> memref<32x4x128xf32, #tpu.memory_space<hbm>>
    %dma_wait3A_163 = arith.constant 0 : i32
    %dma_wait3A_164 = arith.constant 0 : i32
    %dma_wait3A_165 = tpu.memref_slice %arg5[%add3A_136, %dma_wait3A_163, %dma_wait3A_164] : memref<4096x4x128xf32, #tpu.memory_space<hbm>> -> memref<32x4x128xf32, #tpu.memory_space<hbm>>
    tpu.wait_dma2 semaphore(%arg13 : memref<!tpu.dma_semaphore, #tpu.memory_space<semaphore_mem>>) src(%arg8 : memref<32x4x128xf32, #tpu.memory_space<vmem>>) dst(%dma_wait3A_165 : memref<32x4x128xf32, #tpu.memory_space<hbm>>)
    %dma_wait3A_166 = arith.constant 0 : i32
    %dma_wait3A_167 = arith.constant 0 : i32
    %dma_wait3A_168 = tpu.memref_slice %arg5[%add3A_153, %dma_wait3A_166, %dma_wait3A_167] : memref<4096x4x128xf32, #tpu.memory_space<hbm>> -> memref<32x4x128xf32, #tpu.memory_space<hbm>>
    %dma_wait3A_169 = arith.constant 0 : i32
    %dma_wait3A_170 = arith.constant 0 : i32
    %dma_wait3A_171 = tpu.memref_slice %arg5[%add3A_153, %dma_wait3A_169, %dma_wait3A_170] : memref<4096x4x128xf32, #tpu.memory_space<hbm>> -> memref<32x4x128xf32, #tpu.memory_space<hbm>>
    tpu.wait_dma2 semaphore(%arg14 : memref<!tpu.dma_semaphore, #tpu.memory_space<semaphore_mem>>) src(%arg9 : memref<32x4x128xf32, #tpu.memory_space<vmem>>) dst(%dma_wait3A_171 : memref<32x4x128xf32, #tpu.memory_space<hbm>>)
    return
  }
}

</mosaic_0001>

<sc_bundles>
// kernel: kernel.3.cloned.1.call-start
scs
__scs_entry_jumppad:
0x0: {  	(pc) =	sbr.rel $0x88, $3  }
0x1: {  	(tag) =	ssettag $0x0;
	lr =	simm.s32 $0x1  }
0x2: {  	[smem:$0x3F9E] =	sst lr;
	_ =	strace $0xD0000000  }
0x3: {  	_ = 	snop  }
0x4: {  	_ = 	snop  }
0x5: {  	_ = 	snop  }
0x6: {  	_ = 	snop  }
0x7: {  	_ = 	snop  }
__scs_overlays_trampoline_lowered:
0x8: {  	[smem:$0x3FAD] =	sst s0  }
0x9: {  	[smem:$0x3FAE] =	sst s1  }
0xa: {  	[smem:$0x3FAF] =	sst s2  }
0xb: {  	[smem:$0x3FB0] =	sst s3  }
0xc: {  	[smem:$0x3FB1] =	sst s4  }
0xd: {  	[smem:$0x3FB2] =	sst s5  }
0xe: {  	[smem:$0x3FB3] =	sst s6  }
0xf: {  	[smem:$0x3FB4] =	sst s7  }
0x10: {  	[smem:$0x3FB5] =	sst s8  }
0x11: {  	[smem:$0x3FB6] =	sst s9;
	s0 =	simm.s32 @!p0 $0x0  }
0x12: {  	s1 =	sld [smem:$0x3F9C];
	s0 =	simm.s32 @p0 $0x1  }
0x13: {  	[smem:$0x3FB7] =	sst s0;
	s0 =	simm.s32 @!p1 $0x0  }
0x14: {  	s2 =	sld [smem:$0x3F9B];
	s0 =	simm.s32 @p1 $0x1  }
0x15: {  	[smem:$0x3FB8] =	sst s0;
	s0 =	simm.s32 @!p2 $0x0  }
0x16: {  	s3 =	sld [smem:$0x3FDB];
	s0 =	simm.s32 @p2 $0x1  }
0x17: {  	s4 =	simm.s32 $0x1BF5;
	[smem:$0x3FBA] =	sst s0  }
0x18: {  	s0 =	sld [smem:$0x3F9D];
	_ =	swait.ge [sflag:s4], $0x0  }
0x19: {  	s7 =	sld [smem:$0x3F9E]  }
0x1a: {  	s8 =	sadd.s32 $0xFFFFE003, lr  }
0x1b: {  	s9 =	sadd.s32 $0xFFFFFEF7, lr;
	s5 =	simm.s32 $0xFFFFFFFF;
	p2 =	slt.u32 s8, $0xFFFFF086  }
0x1c: {  	p1 =	slt.u32 s9, $0xF7A;
	s5 =	simm.s32 @!p2 $0x0  }
0x1d: {  	s5 =	simm.s32 @p1 $0x1;
	p0 =	seq.s32 s7, s2  }
0x1e: {  	s7 =	smul.u32 @!p0 $0xF7A, s2;
	p2 =	seq.s32 @!p0 s5, $0x0  }
0x1f: {  	s9 =	smul.u32 $0xF7A, s1;
	s8 =	simm.s32 @!p0 $0x1BF5;
	p2 =	por !p2, p0  }
0x20: {  	[sflag:s8] =	ssyncset.s32 @!p0 $0xFFFFF086;
	s6 =	sadd.s32 @!p0 s3, s7;
	s7 =	simm.s32 @!p0 $0x108  }
0x21: {  	s3 =	sadd.s32 s3, s9;
	s6 =	sadd.s32 @!p0 $0x88, s6;
	s7 =	simm.s32 @p2 $0x1082  }
0x22: {  	[simem:s7], [sflag:s8] =	dma.local @!p0 [hbm:s6], $0xF7A  }
0x23: {  	s9 =	sor.u32 $0xD0000000, s2;
	s6 =	simm.s32 $0x108;
	_ =	swait.ge @!p0 [sflag:s8], $0x0  }
0x24: {  	s3 =	sadd.s32 $0x88, s3;
	s6 =	simm.s32 @!p1 $0x1082;
	[sflag:s4] =	ssyncset.s32 $0xFFFFF086  }
0x25: {  	[simem:s6], [sflag:s4] =	dma.local [hbm:s3], $0xF7A  }
0x26: {  	[smem:$0x3F9E] =	sst s1;
	(tag) =	ssettag s2;
	_ =	strace s9  }
0x27: {  	s1 =	sld [smem:$0x3FAE]  }
0x28: {  	s2 =	sld [smem:$0x3FAF]  }
0x29: {  	s4 =	sld [smem:$0x3FB1]  }
0x2a: {  	p0 =	seq.s32 s5, $0x0;
	s5 =	sld [smem:$0x3FB2]  }
0x2b: {  	s6 =	sld [smem:$0x3FB3]  }
0x2c: {  	s7 =	sld [smem:$0x3FB4]  }
0x2d: {  	s3 =	simm.s32 $0x108;
	s8 =	sld [smem:$0x3FB5]  }
0x2e: {  	s3 =	simm.s32 @!p0 $0x1082;
	s9 =	sld [smem:$0x3FB6]  }
0x2f: {  	lr =	sadd.s32 s0, s3;
	s0 =	sld [smem:$0x3FAD]  }
0x30: {  	s3 =	sld [smem:$0x3FB0]  }
0x31: {  	[smem:$0x3FB9] =	sst s10  }
0x32: {  	s10 =	sld [smem:$0x3FB7];
	_ =	sdelay $0x3  }
0x33: {  	p0 =	seq.s32 s10, $0x1;
	s10 =	sld [smem:$0x3FB9];
	_ =	sdelay $0x3  }
0x34: {  	[smem:$0x3FB9] =	sst s10  }
0x35: {  	s10 =	sld [smem:$0x3FB8];
	_ =	sdelay $0x3  }
0x36: {  	p1 =	seq.s32 s10, $0x1;
	s10 =	sld [smem:$0x3FB9];
	_ =	sdelay $0x3  }
0x37: {  	[smem:$0x3FB9] =	sst s10  }
0x38: {  	s10 =	sld [smem:$0x3FBA]  }
0x39: {  	_ = 	snop;
	(pc) =	sbr.ind lr, $3  }
0x3a: {  	_ = 	snop  }
0x3b: {  	_ = 	snop  }
0x3c: {  	p2 =	seq.s32 s10, $0x1;
	s10 =	sld [smem:$0x3FB9]  }
0x3d: {  	_ =	shalt  }
0x3e: {  	_ =	shalt  }
0x3f: {  	_ =	shalt  }
0x40: {  	_ =	shalt  }
0x41: {  	_ =	shalt  }
0x42: {  	_ =	shalt  }
0x43: {  	_ =	shalt  }
0x44: {  	_ =	shalt  }
0x45: {  	_ =	shalt  }
0x46: {  	_ =	shalt  }
0x47: {  	_ =	shalt  }
0x48: {  	_ =	shalt  }
0x49: {  	_ =	shalt  }
0x4a: {  	_ =	shalt  }
0x4b: {  	_ =	shalt  }
0x4c: {  	_ =	shalt  }
0x4d: {  	_ =	shalt  }
0x4e: {  	_ =	shalt  }
0x4f: {  	_ =	shalt  }
0x50: {  	_ =	shalt  }
0x51: {  	_ =	shalt  }
0x52: {  	_ =	shalt  }
0x53: {  	_ =	shalt  }
0x54: {  	_ =	shalt  }
0x55: {  	_ =	shalt  }
0x56: {  	_ =	shalt  }
0x57: {  	_ =	shalt  }
0x58: {  	_ =	shalt  }
0x59: {  	_ =	shalt  }
0x5a: {  	_ =	shalt  }
0x5b: {  	_ =	shalt  }
0x5c: {  	_ =	shalt  }
0x5d: {  	_ =	shalt  }
0x5e: {  	_ =	shalt  }
0x5f: {  	_ =	shalt  }
0x60: {  	_ =	shalt  }
0x61: {  	_ =	shalt  }
0x62: {  	_ =	shalt  }
0x63: {  	_ =	shalt  }
0x64: {  	_ =	shalt  }
0x65: {  	_ =	shalt  }
0x66: {  	_ =	shalt  }
0x67: {  	_ =	shalt  }
0x68: {  	_ =	shalt  }
0x69: {  	_ =	shalt  }
0x6a: {  	_ =	shalt  }
0x6b: {  	_ =	shalt  }
0x6c: {  	_ =	shalt  }
0x6d: {  	_ =	shalt  }
0x6e: {  	_ =	shalt  }
0x6f: {  	_ =	shalt  }
0x70: {  	_ =	shalt  }
0x71: {  	_ =	shalt  }
0x72: {  	_ =	shalt  }
0x73: {  	_ =	shalt  }
0x74: {  	_ =	shalt  }
0x75: {  	_ =	shalt  }
0x76: {  	_ =	shalt  }
0x77: {  	_ =	shalt  }
0x78: {  	_ =	shalt  }
0x79: {  	_ =	shalt  }
0x7a: {  	_ =	shalt  }
0x7b: {  	_ =	shalt  }
0x7c: {  	_ =	shalt  }
0x7d: {  	_ =	shalt  }
0x7e: {  	_ =	shalt  }
0x7f: {  	_ =	shalt  }
0x80: {  	_ =	shalt  }
0x81: {  	_ =	shalt  }
0x82: {  	_ =	shalt  }
0x83: {  	_ =	shalt  }
0x84: {  	_ =	shalt  }
0x85: {  	_ =	shalt  }
0x86: {  	_ =	shalt  }
0x87: {  	_ =	shalt  }
.Lfunc_end0:
.L_simem_size_0:
called_computation_lowered:
.L_overlay_start_0:
0x88: {  	s2 =	sld [smem:$0x3FD9]  }
0x89: {  	s3 =	sld [smem:$0x3FFE];
	_ =	sdelay $0x1  }
0x8a: {  	s1 =	srdreg.scid  }
0x8b: {  	s0 =	sand.u32 $0x1, s1  }
0x8c: {  	s18 =	sshll.u32 s0, $0xA;
	s2 =	sadd.s32 s3, s2  }
0x8d: {  	s2 =	sadd.s32 s2, s18  }
0x8e: {  	[smem:$0x3FC5] =	sst s2  }
0x8f: {  	_ = 	snop  }
0x90: {  	s2 =	sld [smem:$0x3FC9]  }
0x91: {  	s19 =	sld [smem:$0x3FC8]  }
0x92: {  	s4 =	sld [smem:$0x3FC7]  }
0x93: {  	s5 =	sld [smem:$0x3FD0];
	(tm) =	ssettm $0x1  }
0x94: {  	s6 =	sld [smem:$0x3FFB];
	_ =	sdelay $0x3  }
0x95: {  	_ =	strace s6  }
0x96: {  	s6 =	sld [smem:$0x3FFC];
	_ =	sdelay $0x3  }
0x97: {  	_ =	strace s6  }
0x98: {  	s6 =	sld [smem:$0x3FFD];
	_ =	sdelay $0x3  }
0x99: {  	_ =	strace s6  }
0x9a: {  	_ =	strace $0x8FFFFFFF  }
0x9b: {  	s20 =	sld [smem:$0x3FDB];
	_ =	sdelay $0x1  }
0x9c: {  	s7 =	simm.s32 $_scs_section_size  }
0x9d: {  	s8 =	simm.s32 $_size__tile_overlayer_lowered;
	s9 =	simm.s32 $_tile_overlayer_lowered  }
0x9e: {  	s23 =	simm.s32 $0x1BFF;
	s22 =	sshll.u32 s9, $0x1;
	s6 =	sadd.s32 s7, s20  }
0x9f: {  	s10 =	simm.s32 $0x0;
	s21 =	sshll.u32 s8, $0x1;
	s8 =	sadd.s32 s22, s6  }
0xa0: {  	[timem:s10], [sflag:s23] =	dma.local [hbm:s8], s21  }
0xa1: {  	_ =	swait.ge [sflag:s23], s21  }
0xa2: {  	s7 =	ssub.s32 $0x0, s21;
	[sflag:s23] =	ssyncset.done $0x0  }
0xa3: {  	[sflag:s23] =	ssyncadd.s32 s7;
	_ =	sdelay $0x1  }
0xa4: {  	s24 =	simm.s32 $0x1B8B  }
0xa5: {  	_ =	swait.ge [sflag:s24], $0x1  }
0xa6: {  	[sflag:s24] =	ssyncset.done $0x0  }
0xa7: {  	s25 =	simm.s32 $0x1B8E;
	[sflag:s24] =	ssyncadd.s32 $0xFFFFFFFF  }
0xa8: {  	s26 =	simm.s32 $execute0_lowered;
	[smem:$0x3FD2] =	sst s25  }
0xa9: {  	s7 =	sshll.u32 s26, $0x1;
	_ =	strace $0x80000046;
	[dreg:$0x1] =	wrdreg $0xFFFFFFFF  }
0xaa: {  	s28 =	simm.s32 $_size_execute0_lowered;
	s6 =	sadd.s32 s6, s7;
	[dreg:$0x0] =	wrdreg $0x0  }
0xab: {  	s7 =	sshll.u32 s28, $0x1;
	[dreg:$0x2] =	wrdreg s6  }
0xac: {  	[dreg:$0x3] =	wrdreg s7  }
0xad: {  	[dreg:$0x4] =	wrdreg $0xC0  }
0xae: {  	_ =	task [dreg:s10], $0x5FFFF  }
0xaf: {  	[dreg:$0x1] =	wrdreg $0xFFFFFFFF  }
0xb0: {  	[dreg:$0x0] =	wrdreg $0x60  }
0xb1: {  	[dreg:$0x2] =	wrdreg s19  }
0xb2: {  	[dreg:$0x3] =	wrdreg s2  }
0xb3: {  	[dreg:$0x4] =	wrdreg s4  }
0xb4: {  	[dreg:$0x5] =	wrdreg s5  }
0xb5: {  	[dreg:$0x6] =	wrdreg $0x9  }
0xb6: {  	_ =	task.clear_ibuf [dreg:s10], $0x7FFFF;
	_ =	strace $0x90000046  }
0xb7: {  	s29 =	simm.s32 $0x9;
	_ =	strace $0x80000048  }
0xb8: {  	_ =	swait.ge [sflag:s29], $0x1  }
0xb9: {  	[sflag:s29] =	ssyncadd.s32 $0xFFFFFFFF  }
0xba: {  	_ =	strace $0x90000048  }
0xbb: {  	_ =	sfence  }
0xbc: {  	s30 =	sld [smem:$0x0];
	_ =	sdelay $0x2  }
0xbd: {  	s31 =	sshll.u32 s1, $0xD;
	s1 =	sshrl.u32 s1, $0x2  }
0xbe: {  	s3 =	sand.u32 $0x4000, s31;
	s1 =	sadd.s32 s1, s30  }
0xbf: {  	s0 =	sor.u32 s3, s0;
	s1 =	sshll.u32 s1, $0x11  }
0xc0: {  	s0 =	sor.u32 s1, s0  }
0xc1: {  	s0 =	sadd.s32 $0x8F2B, s0  }
0xc2: {  	[sflag:s0] =	ssyncadd.remote.s32 $0x1  }
0xc3: {  	_ =	sfence.sel $0xFFFF  }
0xc4: {  	[dreg:$0x0] =	wrdreg $0xFFFFFFFF;
	(pc) =	sbr.abs _section_cstart, $3  }
0xc5: {  	[dreg:$0x1] =	wrdreg $0xFFFFFFFF  }
0xc6: {  	_ =	task.clear_ibuf [dreg:s10], $0x2FFFF;
	_ =	strace $0x9FFFFFFF  }
0xc7: {  	(tm) =	ssettm $0x7FFFFFFF  }
tec
execute0_lowered:
.L_overlay_start_1:
0x0: {  	(tag) =	ssettag $0x1  }
0x1: {  	s1 =	rddreg [dreg:$0x0]  }
0x2: {  	s0 =	rddreg [dreg:$0x1]  }
0x3: {  	s2 =	rddreg [dreg:$0x2]  }
0x4: {  	s5 =	rddreg [dreg:$0x3];
	s3 =	simm.s32 $0x0;
	s4 =	srdreg.scid  }
0x5: {  	s7 =	stileid.u32;
	s11 =	simm.s32 $0x5;
	s12 =	simm.s32 $0x80  }
0x6: {  	s16 =	simm.s32 $0x8200;
	s17 =	simm.s32 $0x180;
	s18 =	simm.s32 $0xC200  }
0x7: {  	s19 =	simm.s32 $0x18200;
	s20 =	simm.s32 $0x1;
	s21 =	simm.s32 $0x2  }
0x8: {  	s22 =	simm.s32 $0x10200;
	s23 =	simm.s32 $0x14200;
	s24 =	simm.s32 $0x3  }
0x9: {  	s25 =	simm.s32 $0x4;
	s26 =	simm.s32 $0x0;
	s4 =	sand.u32 $0x1, s4  }
0xa: {  	s7 =	sshll.u32 s7, $0x8;
	s6 =	ssub.s32 $0x2, s4;
	s4 =	sshll.u32 s4, $0x7  }
0xb: {  	[smem:$0x7FF] =	sst s3;
	s8 =	sshrl.u32 s6, $0x1;
	s7 =	sor.u32 s4, s7  }
0xc: {  	_ =	strace $0x80000047;
	s10 =	ssub.s32 s6, s8;
	s4 =	sshrl.u32 s7, $0x1  }
0xd: {  	s30 =	sshll.u32 s7, $0x6;
	s31 =	sshll.u32 s7, $0x4;
	s4 =	sadd.s32 s0, s4  }
0xe: {  	s5 =	sadd.s32 s5, s30;
	s6 =	sadd.s32 s2, s31;
	s10 =	smax.u32 s10, $0x1  }
0xf: {  	s7 =	sadd.s32 $0x800, s5;
	s8 =	sadd.s32 $0x1000, s5;
	s9 =	sadd.s32 $0x1800, s5  }
.LBB2_1:
0x10: {  	[tilespmem:s3], [sflag:$0x5] =	stream.linear.gather [hbm4b:s4+s3], $0x200, $0x38;
	[tilespmem:$0x1C200] =	vst v63  }
0x11: {  	_ =	swait.ge [sflag:s11], $0x200  }
0x12: {  	[sflag:s11] =	ssyncset.done $0x0  }
0x13: {  	s0 =	simm.s32 $0x200;
	[sflag:s11] =	ssyncadd.s32 $0xFFFFFE00  }
0x14: {  	[tilespmem:s0], [sflag:$0x1] =	stream.indirect.gather [hbm4b:s1+s12], $0x80, s3, s12, $0xb8;
	[tilespmem:$0x1C200] =	vst v63  }
0x15: {  	s30 =	simm.s32 $0x4200  }
0x16: {  	[tilespmem:s30], [sflag:$0x1] =	stream.indirect.gather [hbm4b:s1+s12], $0x80, s12, s12, $0xb8;
	[tilespmem:$0x1C200] =	vst v63  }
0x17: {  	s31 =	simm.s32 $0x100  }
0x18: {  	[tilespmem:s16], [sflag:$0x1] =	stream.indirect.gather [hbm4b:s1+s12], $0x80, s31, s12, $0xb8;
	[tilespmem:$0x1C200] =	vst v63  }
0x19: {  	_ = 	snop  }
0x1a: {  	[tilespmem:s18], [sflag:$0x1] =	stream.indirect.gather [hbm4b:s1+s12], $0x80, s17, s12, $0xb8;
	[tilespmem:$0x1C200] =	vst v63  }
0x1b: {  	_ = 	snop  }
0x1c: {  	[tilespmem:s19], [sflag:$0x2] =	stream.linear.gather [hbm4b:s6+s3], $0x4000, $0x38;
	[tilespmem:$0x1C200] =	vst v63  }
0x1d: {  	_ =	swait.ge [sflag:s20], $0x4000  }
0x1e: {  	[sflag:s20] =	ssyncset.done $0x0  }
0x1f: {  	[sflag:s20] =	ssyncadd.s32 $0xFFFFC000  }
0x20: {  	_ =	swait.ge [sflag:s20], $0x4000  }
0x21: {  	[sflag:s20] =	ssyncset.done $0x0  }
0x22: {  	[sflag:s20] =	ssyncadd.s32 $0xFFFFC000  }
0x23: {  	_ =	swait.ge [sflag:s20], $0x4000  }
0x24: {  	[sflag:s20] =	ssyncset.done $0x0  }
0x25: {  	[sflag:s20] =	ssyncadd.s32 $0xFFFFC000  }
0x26: {  	_ =	swait.ge [sflag:s20], $0x4000  }
0x27: {  	[sflag:s20] =	ssyncset.done $0x0  }
0x28: {  	[sflag:s20] =	ssyncadd.s32 $0xFFFFC000  }
0x29: {  	_ =	swait.ge [sflag:s21], $0x4000  }
0x2a: {  	[sflag:s21] =	ssyncset.done $0x0  }
0x2b: {  	s28 =	simm.s32 $0x0;
	[sflag:s21] =	ssyncadd.s32 $0xFFFFC000  }
.LBB2_2:
0x2c: {  	s29 =	sshll.u32 s28, $0x7  }
0x2d: {  	v25 =	vld [tilespmem:s29+$0x18200]  }
0x2e: {  	v21 =	vld [tilespmem:s29+$0x18210]  }
0x2f: {  	v17 =	vld [tilespmem:s29+$0x18220]  }
0x30: {  	v13 =	vld [tilespmem:s29+$0x18230]  }
0x31: {  	v8 =	vld [tilespmem:s29+$0x18240]  }
0x32: {  	v4 =	vld [tilespmem:s29+$0x18250]  }
0x33: {  	v1 =	vld [tilespmem:s29+$0x18260]  }
0x34: {  	s0 =	sor.u32 $0x1, s28;
	v0 =	vld [tilespmem:s29+$0x18270]  }
0x35: {  	v2 =	vld [tilespmem:s29+$0x200];
	s30 =	sshll.u32 s0, $0x7  }
0x36: {  	v3 =	vld [tilespmem:s30+$0x200]  }
0x37: {  	v27 =	vld [tilespmem:s30+$0x18200]  }
0x38: {  	v23 =	vld [tilespmem:s30+$0x18210]  }
0x39: {  	v19 =	vld [tilespmem:s30+$0x18220]  }
0x3a: {  	v14 =	vld [tilespmem:s30+$0x18230]  }
0x3b: {  	v10 =	vld [tilespmem:s30+$0x18240]  }
0x3c: {  	s2 =	sshll.u32 s28, $0x9;
	s14 =	sor.u32 $0x2, s28;
	v6 =	vld [tilespmem:s30+$0x18250]  }
0x3d: {  	s31 =	sand.u32 $0x3FFFFE00, s2;
	s2 =	sshll.u32 s14, $0x7;
	v5 =	vld [tilespmem:s30+$0x18260]  }
0x3e: {  	v30 =	vld [tilespmem:s2+$0x18200]  }
0x3f: {  	v28 =	vld [tilespmem:s2+$0x18210]  }
0x40: {  	v24 =	vld [tilespmem:s2+$0x18220]  }
0x41: {  	v20 =	vld [tilespmem:s2+$0x18230]  }
0x42: {  	v16 =	vld [tilespmem:s2+$0x18240]  }
0x43: {  	v12 =	vld [tilespmem:s2+$0x18250]  }
0x44: {  	s15 =	sor.u32 $0x3, s28;
	v7 =	vld [tilespmem:s2+$0x18260]  }
0x45: {  	s13 =	sshll.u32 s15, $0x7;
	v9 =	vld [tilespmem:s2+$0x200]  }
0x46: {  	v11 =	vld [tilespmem:s13+$0x200]  }
0x47: {  	v31 =	vld [tilespmem:s13+$0x18200]  }
0x48: {  	v29 =	vld [tilespmem:s13+$0x18210]  }
0x49: {  	v26 =	vld [tilespmem:s13+$0x18220]  }
0x4a: {  	v22 =	vld [tilespmem:s13+$0x18230];
	v2 =	vmul.f32 $1.131370830e+01, v2  }
0x4b: {  	v18 =	vld [tilespmem:s13+$0x18240]  }
0x4c: {  	v15 =	vld [tilespmem:s13+$0x18250];
	v3 =	vmul.f32 $1.131370830e+01, v3;
	v2 =	vadd.f32 v2, v25  }
0x4d: {  	v9 =	vmul.f32 $1.131370830e+01, v9;
	v34 =	vmul.f32 $1.131370830e+01, v11;
	v11 =	vld [tilespmem:s13+$0x18260]  }
0x4e: {  	s0 =	sshll.u32 s0, $0x9;
	v3 =	vadd.f32 v3, v27;
	[tilespmem:s31+$0x10200] =	vst v2;
	v2 =	vld [tilespmem:s30+$0x18270]  }
0x4f: {  	s14 =	sshll.u32 s14, $0x9;
	s0 =	sand.u32 $0x3FFFFE00, s0;
	v9 =	vadd.f32 v9, v30;
	v32 =	vld [tilespmem:s29+$0x210]  }
0x50: {  	s14 =	sand.u32 $0x3FFFFE00, s14;
	[tilespmem:s0+$0x10200] =	vst v3;
	v3 =	vld [tilespmem:s2+$0x18270]  }
0x51: {  	s15 =	sshll.u32 s15, $0x9;
	v34 =	vadd.f32 v34, v31;
	[tilespmem:s14+$0x10200] =	vst v9;
	v9 =	vld [tilespmem:s13+$0x18270]  }
0x52: {  	s15 =	sand.u32 $0x3FFFFE00, s15;
	v33 =	vld [tilespmem:s30+$0x210]  }
0x53: {  	[tilespmem:s15+$0x10200] =	vst v34;
	v35 =	vld [tilespmem:s2+$0x210]  }
0x54: {  	v34 =	vld [tilespmem:s13+$0x210];
	_ =	sdelay $0x1  }
0x55: {  	v32 =	vmul.f32 $1.131370830e+01, v32  }
0x56: {  	v33 =	vmul.f32 $1.131370830e+01, v33  }
0x57: {  	v35 =	vmul.f32 $1.131370830e+01, v35;
	v32 =	vadd.f32 v32, v21  }
0x58: {  	v34 =	vmul.f32 $1.131370830e+01, v34;
	v33 =	vadd.f32 v33, v23  }
0x59: {  	v56 =	vadd.f32 v35, v28;
	[tilespmem:s31+$0x10210] =	vst v32  }
0x5a: {  	v58 =	vadd.f32 v34, v29;
	v57 =	vld [tilespmem:s29+$0x220];
	[tilespmem:s0+$0x10210] =	vst v33  }
0x5b: {  	[tilespmem:s14+$0x10210] =	vst v56;
	v59 =	vld [tilespmem:s30+$0x220]  }
0x5c: {  	[tilespmem:s15+$0x10210] =	vst v58;
	v32 =	vld [tilespmem:s2+$0x220]  }
0x5d: {  	v33 =	vld [tilespmem:s13+$0x220];
	_ =	sdelay $0x1  }
0x5e: {  	v35 =	vmul.f32 $1.131370830e+01, v57  }
0x5f: {  	v34 =	vmul.f32 $1.131370830e+01, v59  }
0x60: {  	v32 =	vmul.f32 $1.131370830e+01, v32;
	v35 =	vadd.f32 v35, v17  }
0x61: {  	v33 =	vmul.f32 $1.131370830e+01, v33;
	v34 =	vadd.f32 v34, v19  }
0x62: {  	v32 =	vadd.f32 v32, v24;
	[tilespmem:s31+$0x10220] =	vst v35  }
0x63: {  	v33 =	vadd.f32 v33, v26;
	v35 =	vld [tilespmem:s29+$0x230];
	[tilespmem:s0+$0x10220] =	vst v34  }
0x64: {  	[tilespmem:s14+$0x10220] =	vst v32;
	v34 =	vld [tilespmem:s30+$0x230]  }
0x65: {  	[tilespmem:s15+$0x10220] =	vst v33;
	v32 =	vld [tilespmem:s2+$0x230]  }
0x66: {  	v33 =	vld [tilespmem:s13+$0x230];
	_ =	sdelay $0x1  }
0x67: {  	v35 =	vmul.f32 $1.131370830e+01, v35  }
0x68: {  	v34 =	vmul.f32 $1.131370830e+01, v34  }
0x69: {  	v32 =	vmul.f32 $1.131370830e+01, v32;
	v35 =	vadd.f32 v35, v13  }
0x6a: {  	v33 =	vmul.f32 $1.131370830e+01, v33;
	v34 =	vadd.f32 v34, v14  }
0x6b: {  	v32 =	vadd.f32 v32, v20;
	[tilespmem:s31+$0x10230] =	vst v35  }
0x6c: {  	v33 =	vadd.f32 v33, v22;
	v35 =	vld [tilespmem:s29+$0x240];
	[tilespmem:s0+$0x10230] =	vst v34  }
0x6d: {  	[tilespmem:s14+$0x10230] =	vst v32;
	v34 =	vld [tilespmem:s30+$0x240]  }
0x6e: {  	[tilespmem:s15+$0x10230] =	vst v33;
	v32 =	vld [tilespmem:s2+$0x240]  }
0x6f: {  	v33 =	vld [tilespmem:s13+$0x240];
	_ =	sdelay $0x1  }
0x70: {  	v35 =	vmul.f32 $1.131370830e+01, v35  }
0x71: {  	v34 =	vmul.f32 $1.131370830e+01, v34  }
0x72: {  	v32 =	vmul.f32 $1.131370830e+01, v32;
	v35 =	vadd.f32 v35, v8  }
0x73: {  	v33 =	vmul.f32 $1.131370830e+01, v33;
	v34 =	vadd.f32 v34, v10  }
0x74: {  	v32 =	vadd.f32 v32, v16;
	[tilespmem:s31+$0x10240] =	vst v35  }
0x75: {  	v33 =	vadd.f32 v33, v18;
	v35 =	vld [tilespmem:s29+$0x250];
	[tilespmem:s0+$0x10240] =	vst v34  }
0x76: {  	[tilespmem:s14+$0x10240] =	vst v32;
	v34 =	vld [tilespmem:s30+$0x250]  }
0x77: {  	[tilespmem:s15+$0x10240] =	vst v33;
	v32 =	vld [tilespmem:s2+$0x250]  }
0x78: {  	v33 =	vld [tilespmem:s13+$0x250];
	_ =	sdelay $0x1  }
0x79: {  	v35 =	vmul.f32 $1.131370830e+01, v35  }
0x7a: {  	v34 =	vmul.f32 $1.131370830e+01, v34  }
0x7b: {  	v32 =	vmul.f32 $1.131370830e+01, v32;
	v35 =	vadd.f32 v35, v4  }
0x7c: {  	v33 =	vmul.f32 $1.131370830e+01, v33;
	v34 =	vadd.f32 v34, v6  }
0x7d: {  	v32 =	vadd.f32 v32, v12;
	[tilespmem:s31+$0x10250] =	vst v35  }
0x7e: {  	v33 =	vadd.f32 v33, v15;
	v35 =	vld [tilespmem:s29+$0x260];
	[tilespmem:s0+$0x10250] =	vst v34  }
0x7f: {  	[tilespmem:s14+$0x10250] =	vst v32;
	v34 =	vld [tilespmem:s30+$0x260]  }
0x80: {  	[tilespmem:s15+$0x10250] =	vst v33;
	v32 =	vld [tilespmem:s2+$0x260]  }
0x81: {  	v33 =	vld [tilespmem:s13+$0x260];
	_ =	sdelay $0x1  }
0x82: {  	v35 =	vmul.f32 $1.131370830e+01, v35  }
0x83: {  	v34 =	vmul.f32 $1.131370830e+01, v34  }
0x84: {  	v32 =	vmul.f32 $1.131370830e+01, v32;
	v35 =	vadd.f32 v35, v1  }
0x85: {  	v33 =	vmul.f32 $1.131370830e+01, v33;
	v34 =	vadd.f32 v34, v5  }
0x86: {  	v32 =	vadd.f32 v32, v7;
	[tilespmem:s31+$0x10260] =	vst v35  }
0x87: {  	v33 =	vadd.f32 v33, v11;
	v35 =	vld [tilespmem:s29+$0x270];
	[tilespmem:s0+$0x10260] =	vst v34  }
0x88: {  	[tilespmem:s14+$0x10260] =	vst v32;
	v34 =	vld [tilespmem:s30+$0x270]  }
0x89: {  	[tilespmem:s15+$0x10260] =	vst v33;
	v32 =	vld [tilespmem:s2+$0x270]  }
0x8a: {  	v33 =	vld [tilespmem:s13+$0x270];
	_ =	sdelay $0x1  }
0x8b: {  	v35 =	vmul.f32 $1.131370830e+01, v35  }
0x8c: {  	v34 =	vmul.f32 $1.131370830e+01, v34  }
0x8d: {  	v32 =	vmul.f32 $1.131370830e+01, v32;
	v35 =	vadd.f32 v35, v0  }
0x8e: {  	v33 =	vmul.f32 $1.131370830e+01, v33;
	v34 =	vadd.f32 v34, v2  }
0x8f: {  	v32 =	vadd.f32 v32, v3;
	[tilespmem:s31+$0x10270] =	vst v35  }
0x90: {  	v33 =	vadd.f32 v33, v9;
	v35 =	vld [tilespmem:s29+$0x4200];
	[tilespmem:s0+$0x10270] =	vst v34  }
0x91: {  	[tilespmem:s14+$0x10270] =	vst v32;
	v34 =	vld [tilespmem:s30+$0x4200]  }
0x92: {  	[tilespmem:s15+$0x10270] =	vst v33;
	v32 =	vld [tilespmem:s2+$0x4200]  }
0x93: {  	v33 =	vld [tilespmem:s13+$0x4200];
	_ =	sdelay $0x1  }
0x94: {  	v35 =	vmul.f32 $1.131370830e+01, v35  }
0x95: {  	v34 =	vmul.f32 $1.131370830e+01, v34  }
0x96: {  	v32 =	vmul.f32 $1.131370830e+01, v32;
	v35 =	vadd.f32 v35, v25  }
0x97: {  	v33 =	vmul.f32 $1.131370830e+01, v33;
	v34 =	vadd.f32 v34, v27  }
0x98: {  	v32 =	vadd.f32 v32, v30;
	[tilespmem:s31+$0x10280] =	vst v35  }
0x99: {  	v33 =	vadd.f32 v33, v31;
	v35 =	vld [tilespmem:s29+$0x4210];
	[tilespmem:s0+$0x10280] =	vst v34  }
0x9a: {  	[tilespmem:s14+$0x10280] =	vst v32;
	v34 =	vld [tilespmem:s30+$0x4210]  }
0x9b: {  	[tilespmem:s15+$0x10280] =	vst v33;
	v32 =	vld [tilespmem:s2+$0x4210]  }
0x9c: {  	v33 =	vld [tilespmem:s13+$0x4210];
	_ =	sdelay $0x1  }
0x9d: {  	v35 =	vmul.f32 $1.131370830e+01, v35  }
0x9e: {  	v34 =	vmul.f32 $1.131370830e+01, v34  }
0x9f: {  	v32 =	vmul.f32 $1.131370830e+01, v32;
	v35 =	vadd.f32 v35, v21  }
0xa0: {  	v33 =	vmul.f32 $1.131370830e+01, v33;
	v34 =	vadd.f32 v34, v23  }
0xa1: {  	v32 =	vadd.f32 v32, v28;
	[tilespmem:s31+$0x10290] =	vst v35  }
0xa2: {  	v33 =	vadd.f32 v33, v29;
	v35 =	vld [tilespmem:s29+$0x4220];
	[tilespmem:s0+$0x10290] =	vst v34  }
0xa3: {  	[tilespmem:s14+$0x10290] =	vst v32;
	v34 =	vld [tilespmem:s30+$0x4220]  }
0xa4: {  	[tilespmem:s15+$0x10290] =	vst v33;
	v32 =	vld [tilespmem:s2+$0x4220]  }
0xa5: {  	v33 =	vld [tilespmem:s13+$0x4220];
	_ =	sdelay $0x1  }
0xa6: {  	v35 =	vmul.f32 $1.131370830e+01, v35  }
0xa7: {  	v34 =	vmul.f32 $1.131370830e+01, v34  }
0xa8: {  	v32 =	vmul.f32 $1.131370830e+01, v32;
	v35 =	vadd.f32 v35, v17  }
0xa9: {  	v33 =	vmul.f32 $1.131370830e+01, v33;
	v34 =	vadd.f32 v34, v19  }
0xaa: {  	v32 =	vadd.f32 v32, v24;
	[tilespmem:s31+$0x102A0] =	vst v35  }
0xab: {  	v33 =	vadd.f32 v33, v26;
	v35 =	vld [tilespmem:s29+$0x4230];
	[tilespmem:s0+$0x102A0] =	vst v34  }
0xac: {  	[tilespmem:s14+$0x102A0] =	vst v32;
	v34 =	vld [tilespmem:s30+$0x4230]  }
0xad: {  	[tilespmem:s15+$0x102A0] =	vst v33;
	v32 =	vld [tilespmem:s2+$0x4230]  }
0xae: {  	v33 =	vld [tilespmem:s13+$0x4230];
	_ =	sdelay $0x1  }
0xaf: {  	v35 =	vmul.f32 $1.131370830e+01, v35  }
0xb0: {  	v34 =	vmul.f32 $1.131370830e+01, v34  }
0xb1: {  	v32 =	vmul.f32 $1.131370830e+01, v32;
	v35 =	vadd.f32 v35, v13  }
0xb2: {  	v33 =	vmul.f32 $1.131370830e+01, v33;
	v34 =	vadd.f32 v34, v14  }
0xb3: {  	v32 =	vadd.f32 v32, v20;
	[tilespmem:s31+$0x102B0] =	vst v35  }
0xb4: {  	v33 =	vadd.f32 v33, v22;
	v35 =	vld [tilespmem:s29+$0x4240];
	[tilespmem:s0+$0x102B0] =	vst v34  }
0xb5: {  	[tilespmem:s14+$0x102B0] =	vst v32;
	v34 =	vld [tilespmem:s30+$0x4240]  }
0xb6: {  	[tilespmem:s15+$0x102B0] =	vst v33;
	v32 =	vld [tilespmem:s2+$0x4240]  }
0xb7: {  	v33 =	vld [tilespmem:s13+$0x4240];
	_ =	sdelay $0x1  }
0xb8: {  	v35 =	vmul.f32 $1.131370830e+01, v35  }
0xb9: {  	v34 =	vmul.f32 $1.131370830e+01, v34  }
0xba: {  	v32 =	vmul.f32 $1.131370830e+01, v32;
	v35 =	vadd.f32 v35, v8  }
0xbb: {  	v33 =	vmul.f32 $1.131370830e+01, v33;
	v34 =	vadd.f32 v34, v10  }
0xbc: {  	v32 =	vadd.f32 v32, v16;
	[tilespmem:s31+$0x102C0] =	vst v35  }
0xbd: {  	v33 =	vadd.f32 v33, v18;
	v35 =	vld [tilespmem:s29+$0x4250];
	[tilespmem:s0+$0x102C0] =	vst v34  }
0xbe: {  	[tilespmem:s14+$0x102C0] =	vst v32;
	v34 =	vld [tilespmem:s30+$0x4250]  }
0xbf: {  	[tilespmem:s15+$0x102C0] =	vst v33;
	v32 =	vld [tilespmem:s2+$0x4250]  }
0xc0: {  	v33 =	vld [tilespmem:s13+$0x4250];
	_ =	sdelay $0x1  }
0xc1: {  	v35 =	vmul.f32 $1.131370830e+01, v35  }
0xc2: {  	v34 =	vmul.f32 $1.131370830e+01, v34  }
0xc3: {  	v32 =	vmul.f32 $1.131370830e+01, v32;
	v35 =	vadd.f32 v35, v4  }
0xc4: {  	v33 =	vmul.f32 $1.131370830e+01, v33;
	v34 =	vadd.f32 v34, v6  }
0xc5: {  	v32 =	vadd.f32 v32, v12;
	[tilespmem:s31+$0x102D0] =	vst v35  }
0xc6: {  	v33 =	vadd.f32 v33, v15;
	v35 =	vld [tilespmem:s29+$0x4260];
	[tilespmem:s0+$0x102D0] =	vst v34  }
0xc7: {  	[tilespmem:s14+$0x102D0] =	vst v32;
	v34 =	vld [tilespmem:s30+$0x4260]  }
0xc8: {  	[tilespmem:s15+$0x102D0] =	vst v33;
	v32 =	vld [tilespmem:s2+$0x4260]  }
0xc9: {  	v33 =	vld [tilespmem:s13+$0x4260];
	_ =	sdelay $0x1  }
0xca: {  	v35 =	vmul.f32 $1.131370830e+01, v35  }
0xcb: {  	v34 =	vmul.f32 $1.131370830e+01, v34  }
0xcc: {  	v32 =	vmul.f32 $1.131370830e+01, v32;
	v35 =	vadd.f32 v35, v1  }
0xcd: {  	v33 =	vmul.f32 $1.131370830e+01, v33;
	v34 =	vadd.f32 v34, v5  }
0xce: {  	v32 =	vadd.f32 v32, v7;
	[tilespmem:s31+$0x102E0] =	vst v35  }
0xcf: {  	v33 =	vadd.f32 v33, v11;
	v35 =	vld [tilespmem:s29+$0x4270];
	[tilespmem:s0+$0x102E0] =	vst v34  }
0xd0: {  	[tilespmem:s14+$0x102E0] =	vst v32;
	v34 =	vld [tilespmem:s30+$0x4270]  }
0xd1: {  	[tilespmem:s15+$0x102E0] =	vst v33;
	v32 =	vld [tilespmem:s2+$0x4270]  }
0xd2: {  	v33 =	vld [tilespmem:s13+$0x4270];
	_ =	sdelay $0x1  }
0xd3: {  	v35 =	vmul.f32 $1.131370830e+01, v35  }
0xd4: {  	v34 =	vmul.f32 $1.131370830e+01, v34  }
0xd5: {  	v32 =	vmul.f32 $1.131370830e+01, v32;
	v35 =	vadd.f32 v35, v0  }
0xd6: {  	v33 =	vmul.f32 $1.131370830e+01, v33;
	v34 =	vadd.f32 v34, v2  }
0xd7: {  	v32 =	vadd.f32 v32, v3;
	[tilespmem:s31+$0x102F0] =	vst v35  }
0xd8: {  	v33 =	vadd.f32 v33, v9;
	v35 =	vld [tilespmem:s29+$0x8200];
	[tilespmem:s0+$0x102F0] =	vst v34  }
0xd9: {  	[tilespmem:s14+$0x102F0] =	vst v32;
	v34 =	vld [tilespmem:s30+$0x8200]  }
0xda: {  	[tilespmem:s15+$0x102F0] =	vst v33;
	v32 =	vld [tilespmem:s2+$0x8200]  }
0xdb: {  	v33 =	vld [tilespmem:s13+$0x8200];
	_ =	sdelay $0x1  }
0xdc: {  	v35 =	vmul.f32 $1.131370830e+01, v35  }
0xdd: {  	v34 =	vmul.f32 $1.131370830e+01, v34  }
0xde: {  	v32 =	vmul.f32 $1.131370830e+01, v32;
	v35 =	vadd.f32 v35, v25  }
0xdf: {  	v33 =	vmul.f32 $1.131370830e+01, v33;
	v34 =	vadd.f32 v34, v27  }
0xe0: {  	v32 =	vadd.f32 v32, v30;
	[tilespmem:s31+$0x10300] =	vst v35  }
0xe1: {  	v33 =	vadd.f32 v33, v31;
	v35 =	vld [tilespmem:s29+$0x8210];
	[tilespmem:s0+$0x10300] =	vst v34  }
0xe2: {  	[tilespmem:s14+$0x10300] =	vst v32;
	v34 =	vld [tilespmem:s30+$0x8210]  }
0xe3: {  	[tilespmem:s15+$0x10300] =	vst v33;
	v32 =	vld [tilespmem:s2+$0x8210]  }
0xe4: {  	v33 =	vld [tilespmem:s13+$0x8210];
	_ =	sdelay $0x1  }
0xe5: {  	v35 =	vmul.f32 $1.131370830e+01, v35  }
0xe6: {  	v34 =	vmul.f32 $1.131370830e+01, v34  }
0xe7: {  	v32 =	vmul.f32 $1.131370830e+01, v32;
	v35 =	vadd.f32 v35, v21  }
0xe8: {  	v33 =	vmul.f32 $1.131370830e+01, v33;
	v34 =	vadd.f32 v34, v23  }
0xe9: {  	v32 =	vadd.f32 v32, v28;
	[tilespmem:s31+$0x10310] =	vst v35  }
0xea: {  	v33 =	vadd.f32 v33, v29;
	v35 =	vld [tilespmem:s29+$0x8220];
	[tilespmem:s0+$0x10310] =	vst v34  }
0xeb: {  	[tilespmem:s14+$0x10310] =	vst v32;
	v34 =	vld [tilespmem:s30+$0x8220]  }
0xec: {  	[tilespmem:s15+$0x10310] =	vst v33;
	v32 =	vld [tilespmem:s2+$0x8220]  }
0xed: {  	v33 =	vld [tilespmem:s13+$0x8220];
	_ =	sdelay $0x1  }
0xee: {  	v35 =	vmul.f32 $1.131370830e+01, v35  }
0xef: {  	v34 =	vmul.f32 $1.131370830e+01, v34  }
0xf0: {  	v32 =	vmul.f32 $1.131370830e+01, v32;
	v35 =	vadd.f32 v35, v17  }
0xf1: {  	v33 =	vmul.f32 $1.131370830e+01, v33;
	v34 =	vadd.f32 v34, v19  }
0xf2: {  	v32 =	vadd.f32 v32, v24;
	[tilespmem:s31+$0x10320] =	vst v35  }
0xf3: {  	v33 =	vadd.f32 v33, v26;
	v35 =	vld [tilespmem:s29+$0x8230];
	[tilespmem:s0+$0x10320] =	vst v34  }
0xf4: {  	[tilespmem:s14+$0x10320] =	vst v32;
	v34 =	vld [tilespmem:s30+$0x8230]  }
0xf5: {  	[tilespmem:s15+$0x10320] =	vst v33;
	v32 =	vld [tilespmem:s2+$0x8230]  }
0xf6: {  	v33 =	vld [tilespmem:s13+$0x8230];
	_ =	sdelay $0x1  }
0xf7: {  	v35 =	vmul.f32 $1.131370830e+01, v35  }
0xf8: {  	v34 =	vmul.f32 $1.131370830e+01, v34  }
0xf9: {  	v32 =	vmul.f32 $1.131370830e+01, v32;
	v35 =	vadd.f32 v35, v13  }
0xfa: {  	v33 =	vmul.f32 $1.131370830e+01, v33;
	v34 =	vadd.f32 v34, v14  }
0xfb: {  	v32 =	vadd.f32 v32, v20;
	[tilespmem:s31+$0x10330] =	vst v35  }
0xfc: {  	v33 =	vadd.f32 v33, v22;
	v35 =	vld [tilespmem:s29+$0x8240];
	[tilespmem:s0+$0x10330] =	vst v34  }
0xfd: {  	[tilespmem:s14+$0x10330] =	vst v32;
	v34 =	vld [tilespmem:s30+$0x8240]  }
0xfe: {  	[tilespmem:s15+$0x10330] =	vst v33;
	v32 =	vld [tilespmem:s2+$0x8240]  }
0xff: {  	v33 =	vld [tilespmem:s13+$0x8240];
	_ =	sdelay $0x1  }
0x100: {  	v35 =	vmul.f32 $1.131370830e+01, v35  }
0x101: {  	v34 =	vmul.f32 $1.131370830e+01, v34  }
0x102: {  	v32 =	vmul.f32 $1.131370830e+01, v32;
	v35 =	vadd.f32 v35, v8  }
0x103: {  	v33 =	vmul.f32 $1.131370830e+01, v33;
	v34 =	vadd.f32 v34, v10  }
0x104: {  	v32 =	vadd.f32 v32, v16;
	[tilespmem:s31+$0x10340] =	vst v35  }
0x105: {  	v33 =	vadd.f32 v33, v18;
	v35 =	vld [tilespmem:s29+$0x8250];
	[tilespmem:s0+$0x10340] =	vst v34  }
0x106: {  	[tilespmem:s14+$0x10340] =	vst v32;
	v34 =	vld [tilespmem:s30+$0x8250]  }
0x107: {  	[tilespmem:s15+$0x10340] =	vst v33;
	v32 =	vld [tilespmem:s2+$0x8250]  }
0x108: {  	v33 =	vld [tilespmem:s13+$0x8250];
	_ =	sdelay $0x1  }
0x109: {  	v35 =	vmul.f32 $1.131370830e+01, v35  }
0x10a: {  	v34 =	vmul.f32 $1.131370830e+01, v34  }
0x10b: {  	v32 =	vmul.f32 $1.131370830e+01, v32;
	v35 =	vadd.f32 v35, v4  }
0x10c: {  	v33 =	vmul.f32 $1.131370830e+01, v33;
	v34 =	vadd.f32 v34, v6  }
0x10d: {  	v32 =	vadd.f32 v32, v12;
	[tilespmem:s31+$0x10350] =	vst v35  }
0x10e: {  	v33 =	vadd.f32 v33, v15;
	v35 =	vld [tilespmem:s29+$0x8260];
	[tilespmem:s0+$0x10350] =	vst v34  }
0x10f: {  	[tilespmem:s14+$0x10350] =	vst v32;
	v34 =	vld [tilespmem:s30+$0x8260]  }
0x110: {  	[tilespmem:s15+$0x10350] =	vst v33;
	v32 =	vld [tilespmem:s2+$0x8260]  }
0x111: {  	v33 =	vld [tilespmem:s13+$0x8260];
	_ =	sdelay $0x1  }
0x112: {  	v35 =	vmul.f32 $1.131370830e+01, v35  }
0x113: {  	v34 =	vmul.f32 $1.131370830e+01, v34  }
0x114: {  	v32 =	vmul.f32 $1.131370830e+01, v32;
	v35 =	vadd.f32 v35, v1  }
0x115: {  	v33 =	vmul.f32 $1.131370830e+01, v33;
	v34 =	vadd.f32 v34, v5  }
0x116: {  	v32 =	vadd.f32 v32, v7;
	[tilespmem:s31+$0x10360] =	vst v35  }
0x117: {  	v33 =	vadd.f32 v33, v11;
	v35 =	vld [tilespmem:s29+$0x8270];
	[tilespmem:s0+$0x10360] =	vst v34  }
0x118: {  	[tilespmem:s14+$0x10360] =	vst v32;
	v34 =	vld [tilespmem:s30+$0x8270]  }
0x119: {  	[tilespmem:s15+$0x10360] =	vst v33;
	v32 =	vld [tilespmem:s2+$0x8270]  }
0x11a: {  	v33 =	vld [tilespmem:s13+$0x8270];
	_ =	sdelay $0x1  }
0x11b: {  	v35 =	vmul.f32 $1.131370830e+01, v35  }
0x11c: {  	v34 =	vmul.f32 $1.131370830e+01, v34  }
0x11d: {  	v32 =	vmul.f32 $1.131370830e+01, v32;
	v35 =	vadd.f32 v35, v0  }
0x11e: {  	v33 =	vmul.f32 $1.131370830e+01, v33;
	v34 =	vadd.f32 v34, v2  }
0x11f: {  	v32 =	vadd.f32 v32, v3;
	[tilespmem:s31+$0x10370] =	vst v35  }
0x120: {  	v33 =	vadd.f32 v33, v9;
	v35 =	vld [tilespmem:s29+$0xC200];
	[tilespmem:s0+$0x10370] =	vst v34  }
0x121: {  	[tilespmem:s14+$0x10370] =	vst v32;
	v34 =	vld [tilespmem:s30+$0xC200]  }
0x122: {  	[tilespmem:s15+$0x10370] =	vst v33;
	v32 =	vld [tilespmem:s2+$0xC200]  }
0x123: {  	v33 =	vld [tilespmem:s13+$0xC200];
	_ =	sdelay $0x1  }
0x124: {  	v35 =	vmul.f32 $1.131370830e+01, v35  }
0x125: {  	v34 =	vmul.f32 $1.131370830e+01, v34  }
0x126: {  	v32 =	vmul.f32 $1.131370830e+01, v32;
	v25 =	vadd.f32 v35, v25  }
0x127: {  	v33 =	vmul.f32 $1.131370830e+01, v33;
	v27 =	vadd.f32 v34, v27  }
0x128: {  	v60 =	vadd.f32 v32, v30;
	[tilespmem:s31+$0x10380] =	vst v25  }
0x129: {  	v62 =	vadd.f32 v33, v31;
	[tilespmem:s0+$0x10380] =	vst v27;
	v61 =	vld [tilespmem:s29+$0xC210]  }
0x12a: {  	[tilespmem:s14+$0x10380] =	vst v60;
	v63 =	vld [tilespmem:s30+$0xC210]  }
0x12b: {  	[tilespmem:s15+$0x10380] =	vst v62;
	v25 =	vld [tilespmem:s2+$0xC210]  }
0x12c: {  	v30 =	vld [tilespmem:s13+$0xC210];
	_ =	sdelay $0x1  }
0x12d: {  	v27 =	vmul.f32 $1.131370830e+01, v61  }
0x12e: {  	v31 =	vmul.f32 $1.131370830e+01, v63  }
0x12f: {  	v25 =	vmul.f32 $1.131370830e+01, v25;
	v21 =	vadd.f32 v27, v21  }
0x130: {  	v23 =	vadd.f32 v31, v23;
	v31 =	vmul.f32 $1.131370830e+01, v30  }
0x131: {  	v32 =	vadd.f32 v25, v28;
	[tilespmem:s31+$0x10390] =	vst v21  }
0x132: {  	[tilespmem:s0+$0x10390] =	vst v23;
	v33 =	vld [tilespmem:s29+$0xC220];
	v34 =	vadd.f32 v31, v29  }
0x133: {  	[tilespmem:s14+$0x10390] =	vst v32;
	v35 =	vld [tilespmem:s30+$0xC220]  }
0x134: {  	v21 =	vld [tilespmem:s2+$0xC220];
	[tilespmem:s15+$0x10390] =	vst v34  }
0x135: {  	v25 =	vld [tilespmem:s13+$0xC220];
	_ =	sdelay $0x1  }
0x136: {  	v23 =	vmul.f32 $1.131370830e+01, v33  }
0x137: {  	v27 =	vmul.f32 $1.131370830e+01, v35  }
0x138: {  	v21 =	vmul.f32 $1.131370830e+01, v21;
	v17 =	vadd.f32 v23, v17  }
0x139: {  	v19 =	vadd.f32 v27, v19;
	v36 =	vmul.f32 $1.131370830e+01, v25  }
0x13a: {  	v37 =	vadd.f32 v21, v24;
	[tilespmem:s31+$0x103A0] =	vst v17  }
0x13b: {  	[tilespmem:s0+$0x103A0] =	vst v19;
	v38 =	vld [tilespmem:s29+$0xC230];
	v39 =	vadd.f32 v36, v26  }
0x13c: {  	[tilespmem:s14+$0x103A0] =	vst v37;
	v40 =	vld [tilespmem:s30+$0xC230]  }
0x13d: {  	v17 =	vld [tilespmem:s2+$0xC230];
	[tilespmem:s15+$0x103A0] =	vst v39  }
0x13e: {  	v21 =	vld [tilespmem:s13+$0xC230];
	_ =	sdelay $0x1  }
0x13f: {  	v19 =	vmul.f32 $1.131370830e+01, v38  }
0x140: {  	v23 =	vmul.f32 $1.131370830e+01, v40  }
0x141: {  	v17 =	vmul.f32 $1.131370830e+01, v17;
	v13 =	vadd.f32 v19, v13  }
0x142: {  	v14 =	vadd.f32 v23, v14;
	v41 =	vmul.f32 $1.131370830e+01, v21  }
0x143: {  	v42 =	vadd.f32 v17, v20;
	[tilespmem:s31+$0x103B0] =	vst v13  }
0x144: {  	[tilespmem:s0+$0x103B0] =	vst v14;
	v43 =	vld [tilespmem:s29+$0xC240];
	v44 =	vadd.f32 v41, v22  }
0x145: {  	[tilespmem:s14+$0x103B0] =	vst v42;
	v45 =	vld [tilespmem:s30+$0xC240]  }
0x146: {  	v13 =	vld [tilespmem:s2+$0xC240];
	[tilespmem:s15+$0x103B0] =	vst v44  }
0x147: {  	v17 =	vld [tilespmem:s13+$0xC240];
	_ =	sdelay $0x1  }
0x148: {  	v14 =	vmul.f32 $1.131370830e+01, v43  }
0x149: {  	v19 =	vmul.f32 $1.131370830e+01, v45  }
0x14a: {  	v13 =	vmul.f32 $1.131370830e+01, v13;
	v8 =	vadd.f32 v14, v8  }
0x14b: {  	v10 =	vadd.f32 v19, v10;
	v46 =	vmul.f32 $1.131370830e+01, v17  }
0x14c: {  	v47 =	vadd.f32 v13, v16;
	[tilespmem:s31+$0x103C0] =	vst v8  }
0x14d: {  	[tilespmem:s0+$0x103C0] =	vst v10;
	v48 =	vld [tilespmem:s29+$0xC250];
	v49 =	vadd.f32 v46, v18  }
0x14e: {  	[tilespmem:s14+$0x103C0] =	vst v47;
	v50 =	vld [tilespmem:s30+$0xC250]  }
0x14f: {  	v8 =	vld [tilespmem:s2+$0xC250];
	[tilespmem:s15+$0x103C0] =	vst v49  }
0x150: {  	v13 =	vld [tilespmem:s13+$0xC250];
	_ =	sdelay $0x1  }
0x151: {  	v10 =	vmul.f32 $1.131370830e+01, v48  }
0x152: {  	v14 =	vmul.f32 $1.131370830e+01, v50  }
0x153: {  	v8 =	vmul.f32 $1.131370830e+01, v8;
	v4 =	vadd.f32 v10, v4  }
0x154: {  	v6 =	vadd.f32 v14, v6;
	v51 =	vmul.f32 $1.131370830e+01, v13  }
0x155: {  	v52 =	vadd.f32 v8, v12;
	[tilespmem:s31+$0x103D0] =	vst v4  }
0x156: {  	[tilespmem:s0+$0x103D0] =	vst v6;
	v53 =	vld [tilespmem:s29+$0xC260];
	v54 =	vadd.f32 v51, v15  }
0x157: {  	[tilespmem:s14+$0x103D0] =	vst v52;
	v55 =	vld [tilespmem:s30+$0xC260]  }
0x158: {  	v4 =	vld [tilespmem:s2+$0xC260];
	[tilespmem:s15+$0x103D0] =	vst v54  }
0x159: {  	v8 =	vld [tilespmem:s13+$0xC260];
	_ =	sdelay $0x1  }
0x15a: {  	v6 =	vmul.f32 $1.131370830e+01, v53  }
0x15b: {  	v10 =	vmul.f32 $1.131370830e+01, v55  }
0x15c: {  	v4 =	vmul.f32 $1.131370830e+01, v4;
	v1 =	vadd.f32 v6, v1  }
0x15d: {  	v5 =	vadd.f32 v10, v5;
	v56 =	vmul.f32 $1.131370830e+01, v8  }
0x15e: {  	v57 =	vadd.f32 v4, v7;
	[tilespmem:s31+$0x103E0] =	vst v1  }
0x15f: {  	v58 =	vld [tilespmem:s29+$0xC270];
	[tilespmem:s0+$0x103E0] =	vst v5;
	v59 =	vadd.f32 v56, v11  }
0x160: {  	[tilespmem:s14+$0x103E0] =	vst v57;
	v60 =	vld [tilespmem:s30+$0xC270]  }
0x161: {  	v1 =	vld [tilespmem:s2+$0xC270];
	[tilespmem:s15+$0x103E0] =	vst v59  }
0x162: {  	v5 =	vld [tilespmem:s13+$0xC270];
	_ =	sdelay $0x1  }
0x163: {  	v4 =	vmul.f32 $1.131370830e+01, v58  }
0x164: {  	v6 =	vmul.f32 $1.131370830e+01, v60  }
0x165: {  	p0 =	slt.u32 s28, $0x1C;
	v1 =	vmul.f32 $1.131370830e+01, v1;
	v0 =	vadd.f32 v4, v0  }
.Ltmp0:
0x166: {  	v2 =	vadd.f32 v6, v2;
	v61 =	vmul.f32 $1.131370830e+01, v5;
	(pc) =	sbr.rel @p0 .LBB2_2-.Ltmp0, $4  }
0x167: {  	v62 =	vadd.f32 v1, v3;
	[tilespmem:s31+$0x103F0] =	vst v0  }
0x168: {  	[tilespmem:s0+$0x103F0] =	vst v2;
	v63 =	vadd.f32 v61, v9  }
0x169: {  	s31 =	sadd.s32 $0x4, s28;
	[tilespmem:s14+$0x103F0] =	vst v62  }
0x16a: {  	s28 =	smov.u32 s31;
	[tilespmem:s15+$0x103F0] =	vst v63  }
0x16b: {  	s28 =	simm.s32 $0x0  }
0x16c: {  	[hbm4b:s5+s28] =	stream.linear.scatter [tilespmem:s22], [sflag:$0x3], $0x4000, $0x38;
	[tilespmem:$0x1C200] =	vst v63  }
.LBB2_4:
0x16d: {  	s29 =	sshll.u32 s28, $0x7  }
0x16e: {  	v25 =	vld [tilespmem:s29+$0x19200]  }
0x16f: {  	v21 =	vld [tilespmem:s29+$0x19210]  }
0x170: {  	v17 =	vld [tilespmem:s29+$0x19220]  }
0x171: {  	v13 =	vld [tilespmem:s29+$0x19230]  }
0x172: {  	v9 =	vld [tilespmem:s29+$0x19240]  }
0x173: {  	v5 =	vld [tilespmem:s29+$0x19250]  }
0x174: {  	v1 =	vld [tilespmem:s29+$0x19260]  }
0x175: {  	v0 =	vld [tilespmem:s29+$0x19270]  }
0x176: {  	v2 =	vld [tilespmem:s29+$0x1200]  }
0x177: {  	v3 =	vld [tilespmem:s29+$0x1280]  }
0x178: {  	v27 =	vld [tilespmem:s29+$0x19280]  }
0x179: {  	v23 =	vld [tilespmem:s29+$0x19290]  }
0x17a: {  	v19 =	vld [tilespmem:s29+$0x192A0]  }
0x17b: {  	v16 =	vld [tilespmem:s29+$0x192B0]  }
0x17c: {  	v12 =	vld [tilespmem:s29+$0x192C0]  }
0x17d: {  	v8 =	vld [tilespmem:s29+$0x192D0]  }
0x17e: {  	v4 =	vld [tilespmem:s29+$0x192E0]  }
0x17f: {  	v30 =	vld [tilespmem:s29+$0x19300]  }
0x180: {  	v28 =	vld [tilespmem:s29+$0x19310]  }
0x181: {  	v24 =	vld [tilespmem:s29+$0x19320]  }
0x182: {  	v20 =	vld [tilespmem:s29+$0x19330]  }
0x183: {  	v15 =	vld [tilespmem:s29+$0x19340]  }
0x184: {  	v11 =	vld [tilespmem:s29+$0x19350]  }
0x185: {  	v7 =	vld [tilespmem:s29+$0x19360]  }
0x186: {  	v6 =	vld [tilespmem:s29+$0x1300]  }
0x187: {  	v10 =	vld [tilespmem:s29+$0x1380]  }
0x188: {  	v31 =	vld [tilespmem:s29+$0x19380]  }
0x189: {  	v29 =	vld [tilespmem:s29+$0x19390]  }
0x18a: {  	v26 =	vld [tilespmem:s29+$0x193A0]  }
0x18b: {  	v22 =	vld [tilespmem:s29+$0x193B0];
	v2 =	vmul.f32 $1.131370830e+01, v2  }
0x18c: {  	v18 =	vld [tilespmem:s29+$0x193C0];
	v3 =	vmul.f32 $1.131370830e+01, v3  }
0x18d: {  	s0 =	sshll.u32 s28, $0x9;
	v14 =	vld [tilespmem:s29+$0x193D0];
	v6 =	vmul.f32 $1.131370830e+01, v6;
	v2 =	vadd.f32 v2, v25  }
0x18e: {  	s30 =	sand.u32 $0x3FFFFE00, s0;
	v34 =	vmul.f32 $1.131370830e+01, v10;
	v10 =	vld [tilespmem:s29+$0x193E0];
	v3 =	vadd.f32 v3, v27  }
0x18f: {  	v6 =	vadd.f32 v6, v30;
	[tilespmem:s30+$0x14200] =	vst v2;
	v2 =	vld [tilespmem:s29+$0x192F0]  }
0x190: {  	[tilespmem:s30+$0x14400] =	vst v3;
	v3 =	vld [tilespmem:s29+$0x19370]  }
0x191: {  	[tilespmem:s30+$0x14600] =	vst v6;
	v6 =	vld [tilespmem:s29+$0x193F0]  }
0x192: {  	v34 =	vadd.f32 v34, v31;
	v32 =	vld [tilespmem:s29+$0x1210]  }
0x193: {  	v33 =	vld [tilespmem:s29+$0x1290]  }
0x194: {  	[tilespmem:s30+$0x14800] =	vst v34;
	v35 =	vld [tilespmem:s29+$0x1310]  }
0x195: {  	v34 =	vld [tilespmem:s29+$0x1390];
	_ =	sdelay $0x1  }
0x196: {  	v32 =	vmul.f32 $1.131370830e+01, v32  }
0x197: {  	v33 =	vmul.f32 $1.131370830e+01, v33  }
0x198: {  	v35 =	vmul.f32 $1.131370830e+01, v35;
	v32 =	vadd.f32 v32, v21  }
0x199: {  	v34 =	vmul.f32 $1.131370830e+01, v34;
	v33 =	vadd.f32 v33, v23  }
0x19a: {  	v56 =	vadd.f32 v35, v28;
	[tilespmem:s30+$0x14210] =	vst v32  }
0x19b: {  	v58 =	vadd.f32 v34, v29;
	[tilespmem:s30+$0x14410] =	vst v33;
	v57 =	vld [tilespmem:s29+$0x1220]  }
0x19c: {  	[tilespmem:s30+$0x14610] =	vst v56;
	v59 =	vld [tilespmem:s29+$0x12A0]  }
0x19d: {  	[tilespmem:s30+$0x14810] =	vst v58;
	v32 =	vld [tilespmem:s29+$0x1320]  }
0x19e: {  	v33 =	vld [tilespmem:s29+$0x13A0];
	_ =	sdelay $0x1  }
0x19f: {  	v35 =	vmul.f32 $1.131370830e+01, v57  }
0x1a0: {  	v34 =	vmul.f32 $1.131370830e+01, v59  }
0x1a1: {  	v32 =	vmul.f32 $1.131370830e+01, v32;
	v35 =	vadd.f32 v35, v17  }
0x1a2: {  	v33 =	vmul.f32 $1.131370830e+01, v33;
	v34 =	vadd.f32 v34, v19  }
0x1a3: {  	v32 =	vadd.f32 v32, v24;
	[tilespmem:s30+$0x14220] =	vst v35  }
0x1a4: {  	v33 =	vadd.f32 v33, v26;
	[tilespmem:s30+$0x14420] =	vst v34;
	v35 =	vld [tilespmem:s29+$0x1230]  }
0x1a5: {  	[tilespmem:s30+$0x14620] =	vst v32;
	v34 =	vld [tilespmem:s29+$0x12B0]  }
0x1a6: {  	[tilespmem:s30+$0x14820] =	vst v33;
	v32 =	vld [tilespmem:s29+$0x1330]  }
0x1a7: {  	v33 =	vld [tilespmem:s29+$0x13B0];
	_ =	sdelay $0x1  }
0x1a8: {  	v35 =	vmul.f32 $1.131370830e+01, v35  }
0x1a9: {  	v34 =	vmul.f32 $1.131370830e+01, v34  }
0x1aa: {  	v32 =	vmul.f32 $1.131370830e+01, v32;
	v35 =	vadd.f32 v35, v13  }
0x1ab: {  	v33 =	vmul.f32 $1.131370830e+01, v33;
	v34 =	vadd.f32 v34, v16  }
0x1ac: {  	v32 =	vadd.f32 v32, v20;
	[tilespmem:s30+$0x14230] =	vst v35  }
0x1ad: {  	v33 =	vadd.f32 v33, v22;
	[tilespmem:s30+$0x14430] =	vst v34;
	v35 =	vld [tilespmem:s29+$0x1240]  }
0x1ae: {  	[tilespmem:s30+$0x14630] =	vst v32;
	v34 =	vld [tilespmem:s29+$0x12C0]  }
0x1af: {  	[tilespmem:s30+$0x14830] =	vst v33;
	v32 =	vld [tilespmem:s29+$0x1340]  }
0x1b0: {  	v33 =	vld [tilespmem:s29+$0x13C0];
	_ =	sdelay $0x1  }
0x1b1: {  	v35 =	vmul.f32 $1.131370830e+01, v35  }
0x1b2: {  	v34 =	vmul.f32 $1.131370830e+01, v34  }
0x1b3: {  	v32 =	vmul.f32 $1.131370830e+01, v32;
	v35 =	vadd.f32 v35, v9  }
0x1b4: {  	v33 =	vmul.f32 $1.131370830e+01, v33;
	v34 =	vadd.f32 v34, v12  }
0x1b5: {  	v32 =	vadd.f32 v32, v15;
	[tilespmem:s30+$0x14240] =	vst v35  }
0x1b6: {  	v33 =	vadd.f32 v33, v18;
	[tilespmem:s30+$0x14440] =	vst v34;
	v35 =	vld [tilespmem:s29+$0x1250]  }
0x1b7: {  	[tilespmem:s30+$0x14640] =	vst v32;
	v34 =	vld [tilespmem:s29+$0x12D0]  }
0x1b8: {  	[tilespmem:s30+$0x14840] =	vst v33;
	v32 =	vld [tilespmem:s29+$0x1350]  }
0x1b9: {  	v33 =	vld [tilespmem:s29+$0x13D0];
	_ =	sdelay $0x1  }
0x1ba: {  	v35 =	vmul.f32 $1.131370830e+01, v35  }
0x1bb: {  	v34 =	vmul.f32 $1.131370830e+01, v34  }
0x1bc: {  	v32 =	vmul.f32 $1.131370830e+01, v32;
	v35 =	vadd.f32 v35, v5  }
0x1bd: {  	v33 =	vmul.f32 $1.131370830e+01, v33;
	v34 =	vadd.f32 v34, v8  }
0x1be: {  	v32 =	vadd.f32 v32, v11;
	[tilespmem:s30+$0x14250] =	vst v35  }
0x1bf: {  	v33 =	vadd.f32 v33, v14;
	[tilespmem:s30+$0x14450] =	vst v34;
	v35 =	vld [tilespmem:s29+$0x1260]  }
0x1c0: {  	[tilespmem:s30+$0x14650] =	vst v32;
	v34 =	vld [tilespmem:s29+$0x12E0]  }
0x1c1: {  	[tilespmem:s30+$0x14850] =	vst v33;
	v32 =	vld [tilespmem:s29+$0x1360]  }
0x1c2: {  	v33 =	vld [tilespmem:s29+$0x13E0];
	_ =	sdelay $0x1  }
0x1c3: {  	v35 =	vmul.f32 $1.131370830e+01, v35  }
0x1c4: {  	v34 =	vmul.f32 $1.131370830e+01, v34  }
0x1c5: {  	v32 =	vmul.f32 $1.131370830e+01, v32;
	v35 =	vadd.f32 v35, v1  }
0x1c6: {  	v33 =	vmul.f32 $1.131370830e+01, v33;
	v34 =	vadd.f32 v34, v4  }
0x1c7: {  	v32 =	vadd.f32 v32, v7;
	[tilespmem:s30+$0x14260] =	vst v35  }
0x1c8: {  	v33 =	vadd.f32 v33, v10;
	[tilespmem:s30+$0x14460] =	vst v34;
	v35 =	vld [tilespmem:s29+$0x1270]  }
0x1c9: {  	[tilespmem:s30+$0x14660] =	vst v32;
	v34 =	vld [tilespmem:s29+$0x12F0]  }
0x1ca: {  	[tilespmem:s30+$0x14860] =	vst v33;
	v32 =	vld [tilespmem:s29+$0x1370]  }
0x1cb: {  	v33 =	vld [tilespmem:s29+$0x13F0];
	_ =	sdelay $0x1  }
0x1cc: {  	v35 =	vmul.f32 $1.131370830e+01, v35  }
0x1cd: {  	v34 =	vmul.f32 $1.131370830e+01, v34  }
0x1ce: {  	v32 =	vmul.f32 $1.131370830e+01, v32;
	v35 =	vadd.f32 v35, v0  }
0x1cf: {  	v33 =	vmul.f32 $1.131370830e+01, v33;
	v34 =	vadd.f32 v34, v2  }
0x1d0: {  	v32 =	vadd.f32 v32, v3;
	[tilespmem:s30+$0x14270] =	vst v35  }
0x1d1: {  	v33 =	vadd.f32 v33, v6;
	[tilespmem:s30+$0x14470] =	vst v34;
	v35 =	vld [tilespmem:s29+$0x5200]  }
0x1d2: {  	[tilespmem:s30+$0x14670] =	vst v32;
	v34 =	vld [tilespmem:s29+$0x5280]  }
0x1d3: {  	[tilespmem:s30+$0x14870] =	vst v33;
	v32 =	vld [tilespmem:s29+$0x5300]  }
0x1d4: {  	v33 =	vld [tilespmem:s29+$0x5380];
	_ =	sdelay $0x1  }
0x1d5: {  	v35 =	vmul.f32 $1.131370830e+01, v35  }
0x1d6: {  	v34 =	vmul.f32 $1.131370830e+01, v34  }
0x1d7: {  	v32 =	vmul.f32 $1.131370830e+01, v32;
	v35 =	vadd.f32 v35, v25  }
0x1d8: {  	v33 =	vmul.f32 $1.131370830e+01, v33;
	v34 =	vadd.f32 v34, v27  }
0x1d9: {  	v32 =	vadd.f32 v32, v30;
	[tilespmem:s30+$0x14280] =	vst v35  }
0x1da: {  	v33 =	vadd.f32 v33, v31;
	[tilespmem:s30+$0x14480] =	vst v34;
	v35 =	vld [tilespmem:s29+$0x5210]  }
0x1db: {  	[tilespmem:s30+$0x14680] =	vst v32;
	v34 =	vld [tilespmem:s29+$0x5290]  }
0x1dc: {  	[tilespmem:s30+$0x14880] =	vst v33;
	v32 =	vld [tilespmem:s29+$0x5310]  }
0x1dd: {  	v33 =	vld [tilespmem:s29+$0x5390];
	_ =	sdelay $0x1  }
0x1de: {  	v35 =	vmul.f32 $1.131370830e+01, v35  }
0x1df: {  	v34 =	vmul.f32 $1.131370830e+01, v34  }
0x1e0: {  	v32 =	vmul.f32 $1.131370830e+01, v32;
	v35 =	vadd.f32 v35, v21  }
0x1e1: {  	v33 =	vmul.f32 $1.131370830e+01, v33;
	v34 =	vadd.f32 v34, v23  }
0x1e2: {  	v32 =	vadd.f32 v32, v28;
	[tilespmem:s30+$0x14290] =	vst v35  }
0x1e3: {  	v33 =	vadd.f32 v33, v29;
	[tilespmem:s30+$0x14490] =	vst v34;
	v35 =	vld [tilespmem:s29+$0x5220]  }
0x1e4: {  	[tilespmem:s30+$0x14690] =	vst v32;
	v34 =	vld [tilespmem:s29+$0x52A0]  }
0x1e5: {  	[tilespmem:s30+$0x14890] =	vst v33;
	v32 =	vld [tilespmem:s29+$0x5320]  }
0x1e6: {  	v33 =	vld [tilespmem:s29+$0x53A0];
	_ =	sdelay $0x1  }
0x1e7: {  	v35 =	vmul.f32 $1.131370830e+01, v35  }
0x1e8: {  	v34 =	vmul.f32 $1.131370830e+01, v34  }
0x1e9: {  	v32 =	vmul.f32 $1.131370830e+01, v32;
	v35 =	vadd.f32 v35, v17  }
0x1ea: {  	v33 =	vmul.f32 $1.131370830e+01, v33;
	v34 =	vadd.f32 v34, v19  }
0x1eb: {  	v32 =	vadd.f32 v32, v24;
	[tilespmem:s30+$0x142A0] =	vst v35  }
0x1ec: {  	v33 =	vadd.f32 v33, v26;
	[tilespmem:s30+$0x144A0] =	vst v34;
	v35 =	vld [tilespmem:s29+$0x5230]  }
0x1ed: {  	[tilespmem:s30+$0x146A0] =	vst v32;
	v34 =	vld [tilespmem:s29+$0x52B0]  }
0x1ee: {  	[tilespmem:s30+$0x148A0] =	vst v33;
	v32 =	vld [tilespmem:s29+$0x5330]  }
0x1ef: {  	v33 =	vld [tilespmem:s29+$0x53B0];
	_ =	sdelay $0x1  }
0x1f0: {  	v35 =	vmul.f32 $1.131370830e+01, v35  }
0x1f1: {  	v34 =	vmul.f32 $1.131370830e+01, v34  }
0x1f2: {  	v32 =	vmul.f32 $1.131370830e+01, v32;
	v35 =	vadd.f32 v35, v13  }
0x1f3: {  	v33 =	vmul.f32 $1.131370830e+01, v33;
	v34 =	vadd.f32 v34, v16  }
0x1f4: {  	v32 =	vadd.f32 v32, v20;
	[tilespmem:s30+$0x142B0] =	vst v35  }
0x1f5: {  	v33 =	vadd.f32 v33, v22;
	[tilespmem:s30+$0x144B0] =	vst v34;
	v35 =	vld [tilespmem:s29+$0x5240]  }
0x1f6: {  	[tilespmem:s30+$0x146B0] =	vst v32;
	v34 =	vld [tilespmem:s29+$0x52C0]  }
0x1f7: {  	[tilespmem:s30+$0x148B0] =	vst v33;
	v32 =	vld [tilespmem:s29+$0x5340]  }
0x1f8: {  	v33 =	vld [tilespmem:s29+$0x53C0];
	_ =	sdelay $0x1  }
0x1f9: {  	v35 =	vmul.f32 $1.131370830e+01, v35  }
0x1fa: {  	v34 =	vmul.f32 $1.131370830e+01, v34  }
0x1fb: {  	v32 =	vmul.f32 $1.131370830e+01, v32;
	v35 =	vadd.f32 v35, v9  }
0x1fc: {  	v33 =	vmul.f32 $1.131370830e+01, v33;
	v34 =	vadd.f32 v34, v12  }
0x1fd: {  	v32 =	vadd.f32 v32, v15;
	[tilespmem:s30+$0x142C0] =	vst v35  }
0x1fe: {  	v33 =	vadd.f32 v33, v18;
	[tilespmem:s30+$0x144C0] =	vst v34;
	v35 =	vld [tilespmem:s29+$0x5250]  }
0x1ff: {  	[tilespmem:s30+$0x146C0] =	vst v32;
	v34 =	vld [tilespmem:s29+$0x52D0]  }
0x200: {  	[tilespmem:s30+$0x148C0] =	vst v33;
	v32 =	vld [tilespmem:s29+$0x5350]  }
0x201: {  	v33 =	vld [tilespmem:s29+$0x53D0];
	_ =	sdelay $0x1  }
0x202: {  	v35 =	vmul.f32 $1.131370830e+01, v35  }
0x203: {  	v34 =	vmul.f32 $1.131370830e+01, v34  }
0x204: {  	v32 =	vmul.f32 $1.131370830e+01, v32;
	v35 =	vadd.f32 v35, v5  }
0x205: {  	v33 =	vmul.f32 $1.131370830e+01, v33;
	v34 =	vadd.f32 v34, v8  }
0x206: {  	v32 =	vadd.f32 v32, v11;
	[tilespmem:s30+$0x142D0] =	vst v35  }
0x207: {  	v33 =	vadd.f32 v33, v14;
	[tilespmem:s30+$0x144D0] =	vst v34;
	v35 =	vld [tilespmem:s29+$0x5260]  }
0x208: {  	[tilespmem:s30+$0x146D0] =	vst v32;
	v34 =	vld [tilespmem:s29+$0x52E0]  }
0x209: {  	[tilespmem:s30+$0x148D0] =	vst v33;
	v32 =	vld [tilespmem:s29+$0x5360]  }
0x20a: {  	v33 =	vld [tilespmem:s29+$0x53E0];
	_ =	sdelay $0x1  }
0x20b: {  	v35 =	vmul.f32 $1.131370830e+01, v35  }
0x20c: {  	v34 =	vmul.f32 $1.131370830e+01, v34  }
0x20d: {  	v32 =	vmul.f32 $1.131370830e+01, v32;
	v35 =	vadd.f32 v35, v1  }
0x20e: {  	v33 =	vmul.f32 $1.131370830e+01, v33;
	v34 =	vadd.f32 v34, v4  }
0x20f: {  	v32 =	vadd.f32 v32, v7;
	[tilespmem:s30+$0x142E0] =	vst v35  }
0x210: {  	v33 =	vadd.f32 v33, v10;
	[tilespmem:s30+$0x144E0] =	vst v34;
	v35 =	vld [tilespmem:s29+$0x5270]  }
0x211: {  	[tilespmem:s30+$0x146E0] =	vst v32;
	v34 =	vld [tilespmem:s29+$0x52F0]  }
0x212: {  	[tilespmem:s30+$0x148E0] =	vst v33;
	v32 =	vld [tilespmem:s29+$0x5370]  }
0x213: {  	v33 =	vld [tilespmem:s29+$0x53F0];
	_ =	sdelay $0x1  }
0x214: {  	v35 =	vmul.f32 $1.131370830e+01, v35  }
0x215: {  	v34 =	vmul.f32 $1.131370830e+01, v34  }
0x216: {  	v32 =	vmul.f32 $1.131370830e+01, v32;
	v35 =	vadd.f32 v35, v0  }
0x217: {  	v33 =	vmul.f32 $1.131370830e+01, v33;
	v34 =	vadd.f32 v34, v2  }
0x218: {  	v32 =	vadd.f32 v32, v3;
	[tilespmem:s30+$0x142F0] =	vst v35  }
0x219: {  	v33 =	vadd.f32 v33, v6;
	[tilespmem:s30+$0x144F0] =	vst v34;
	v35 =	vld [tilespmem:s29+$0x9200]  }
0x21a: {  	[tilespmem:s30+$0x146F0] =	vst v32;
	v34 =	vld [tilespmem:s29+$0x9280]  }
0x21b: {  	[tilespmem:s30+$0x148F0] =	vst v33;
	v32 =	vld [tilespmem:s29+$0x9300]  }
0x21c: {  	v33 =	vld [tilespmem:s29+$0x9380];
	_ =	sdelay $0x1  }
0x21d: {  	v35 =	vmul.f32 $1.131370830e+01, v35  }
0x21e: {  	v34 =	vmul.f32 $1.131370830e+01, v34  }
0x21f: {  	v32 =	vmul.f32 $1.131370830e+01, v32;
	v35 =	vadd.f32 v35, v25  }
0x220: {  	v33 =	vmul.f32 $1.131370830e+01, v33;
	v34 =	vadd.f32 v34, v27  }
0x221: {  	v32 =	vadd.f32 v32, v30;
	[tilespmem:s30+$0x14300] =	vst v35  }
0x222: {  	v33 =	vadd.f32 v33, v31;
	[tilespmem:s30+$0x14500] =	vst v34;
	v35 =	vld [tilespmem:s29+$0x9210]  }
0x223: {  	[tilespmem:s30+$0x14700] =	vst v32;
	v34 =	vld [tilespmem:s29+$0x9290]  }
0x224: {  	[tilespmem:s30+$0x14900] =	vst v33;
	v32 =	vld [tilespmem:s29+$0x9310]  }
0x225: {  	v33 =	vld [tilespmem:s29+$0x9390];
	_ =	sdelay $0x1  }
0x226: {  	v35 =	vmul.f32 $1.131370830e+01, v35  }
0x227: {  	v34 =	vmul.f32 $1.131370830e+01, v34  }
0x228: {  	v32 =	vmul.f32 $1.131370830e+01, v32;
	v35 =	vadd.f32 v35, v21  }
0x229: {  	v33 =	vmul.f32 $1.131370830e+01, v33;
	v34 =	vadd.f32 v34, v23  }
0x22a: {  	v32 =	vadd.f32 v32, v28;
	[tilespmem:s30+$0x14310] =	vst v35  }
0x22b: {  	v33 =	vadd.f32 v33, v29;
	[tilespmem:s30+$0x14510] =	vst v34;
	v35 =	vld [tilespmem:s29+$0x9220]  }
0x22c: {  	[tilespmem:s30+$0x14710] =	vst v32;
	v34 =	vld [tilespmem:s29+$0x92A0]  }
0x22d: {  	[tilespmem:s30+$0x14910] =	vst v33;
	v32 =	vld [tilespmem:s29+$0x9320]  }
0x22e: {  	v33 =	vld [tilespmem:s29+$0x93A0];
	_ =	sdelay $0x1  }
0x22f: {  	v35 =	vmul.f32 $1.131370830e+01, v35  }
0x230: {  	v34 =	vmul.f32 $1.131370830e+01, v34  }
0x231: {  	v32 =	vmul.f32 $1.131370830e+01, v32;
	v35 =	vadd.f32 v35, v17  }
0x232: {  	v33 =	vmul.f32 $1.131370830e+01, v33;
	v34 =	vadd.f32 v34, v19  }
0x233: {  	v32 =	vadd.f32 v32, v24;
	[tilespmem:s30+$0x14320] =	vst v35  }
0x234: {  	v33 =	vadd.f32 v33, v26;
	[tilespmem:s30+$0x14520] =	vst v34;
	v35 =	vld [tilespmem:s29+$0x9230]  }
0x235: {  	[tilespmem:s30+$0x14720] =	vst v32;
	v34 =	vld [tilespmem:s29+$0x92B0]  }
0x236: {  	[tilespmem:s30+$0x14920] =	vst v33;
	v32 =	vld [tilespmem:s29+$0x9330]  }
0x237: {  	v33 =	vld [tilespmem:s29+$0x93B0];
	_ =	sdelay $0x1  }
0x238: {  	v35 =	vmul.f32 $1.131370830e+01, v35  }
0x239: {  	v34 =	vmul.f32 $1.131370830e+01, v34  }
0x23a: {  	v32 =	vmul.f32 $1.131370830e+01, v32;
	v35 =	vadd.f32 v35, v13  }
0x23b: {  	v33 =	vmul.f32 $1.131370830e+01, v33;
	v34 =	vadd.f32 v34, v16  }
0x23c: {  	v32 =	vadd.f32 v32, v20;
	[tilespmem:s30+$0x14330] =	vst v35  }
0x23d: {  	v33 =	vadd.f32 v33, v22;
	[tilespmem:s30+$0x14530] =	vst v34;
	v35 =	vld [tilespmem:s29+$0x9240]  }
0x23e: {  	[tilespmem:s30+$0x14730] =	vst v32;
	v34 =	vld [tilespmem:s29+$0x92C0]  }
0x23f: {  	[tilespmem:s30+$0x14930] =	vst v33;
	v32 =	vld [tilespmem:s29+$0x9340]  }
0x240: {  	v33 =	vld [tilespmem:s29+$0x93C0];
	_ =	sdelay $0x1  }
0x241: {  	v35 =	vmul.f32 $1.131370830e+01, v35  }
0x242: {  	v34 =	vmul.f32 $1.131370830e+01, v34  }
0x243: {  	v32 =	vmul.f32 $1.131370830e+01, v32;
	v35 =	vadd.f32 v35, v9  }
0x244: {  	v33 =	vmul.f32 $1.131370830e+01, v33;
	v34 =	vadd.f32 v34, v12  }
0x245: {  	v32 =	vadd.f32 v32, v15;
	[tilespmem:s30+$0x14340] =	vst v35  }
0x246: {  	v33 =	vadd.f32 v33, v18;
	[tilespmem:s30+$0x14540] =	vst v34;
	v35 =	vld [tilespmem:s29+$0x9250]  }
0x247: {  	[tilespmem:s30+$0x14740] =	vst v32;
	v34 =	vld [tilespmem:s29+$0x92D0]  }
0x248: {  	[tilespmem:s30+$0x14940] =	vst v33;
	v32 =	vld [tilespmem:s29+$0x9350]  }
0x249: {  	v33 =	vld [tilespmem:s29+$0x93D0];
	_ =	sdelay $0x1  }
0x24a: {  	v35 =	vmul.f32 $1.131370830e+01, v35  }
0x24b: {  	v34 =	vmul.f32 $1.131370830e+01, v34  }
0x24c: {  	v32 =	vmul.f32 $1.131370830e+01, v32;
	v35 =	vadd.f32 v35, v5  }
0x24d: {  	v33 =	vmul.f32 $1.131370830e+01, v33;
	v34 =	vadd.f32 v34, v8  }
0x24e: {  	v32 =	vadd.f32 v32, v11;
	[tilespmem:s30+$0x14350] =	vst v35  }
0x24f: {  	v33 =	vadd.f32 v33, v14;
	[tilespmem:s30+$0x14550] =	vst v34;
	v35 =	vld [tilespmem:s29+$0x9260]  }
0x250: {  	[tilespmem:s30+$0x14750] =	vst v32;
	v34 =	vld [tilespmem:s29+$0x92E0]  }
0x251: {  	[tilespmem:s30+$0x14950] =	vst v33;
	v32 =	vld [tilespmem:s29+$0x9360]  }
0x252: {  	v33 =	vld [tilespmem:s29+$0x93E0];
	_ =	sdelay $0x1  }
0x253: {  	v35 =	vmul.f32 $1.131370830e+01, v35  }
0x254: {  	v34 =	vmul.f32 $1.131370830e+01, v34  }
0x255: {  	v32 =	vmul.f32 $1.131370830e+01, v32;
	v35 =	vadd.f32 v35, v1  }
0x256: {  	v33 =	vmul.f32 $1.131370830e+01, v33;
	v34 =	vadd.f32 v34, v4  }
0x257: {  	v32 =	vadd.f32 v32, v7;
	[tilespmem:s30+$0x14360] =	vst v35  }
0x258: {  	v33 =	vadd.f32 v33, v10;
	[tilespmem:s30+$0x14560] =	vst v34;
	v35 =	vld [tilespmem:s29+$0x9270]  }
0x259: {  	[tilespmem:s30+$0x14760] =	vst v32;
	v34 =	vld [tilespmem:s29+$0x92F0]  }
0x25a: {  	[tilespmem:s30+$0x14960] =	vst v33;
	v32 =	vld [tilespmem:s29+$0x9370]  }
0x25b: {  	v33 =	vld [tilespmem:s29+$0x93F0];
	_ =	sdelay $0x1  }
0x25c: {  	v35 =	vmul.f32 $1.131370830e+01, v35  }
0x25d: {  	v34 =	vmul.f32 $1.131370830e+01, v34  }
0x25e: {  	v32 =	vmul.f32 $1.131370830e+01, v32;
	v35 =	vadd.f32 v35, v0  }
0x25f: {  	v33 =	vmul.f32 $1.131370830e+01, v33;
	v34 =	vadd.f32 v34, v2  }
0x260: {  	v32 =	vadd.f32 v32, v3;
	[tilespmem:s30+$0x14370] =	vst v35  }
0x261: {  	v33 =	vadd.f32 v33, v6;
	[tilespmem:s30+$0x14570] =	vst v34;
	v35 =	vld [tilespmem:s29+$0xD200]  }
0x262: {  	[tilespmem:s30+$0x14770] =	vst v32;
	v34 =	vld [tilespmem:s29+$0xD280]  }
0x263: {  	[tilespmem:s30+$0x14970] =	vst v33;
	v32 =	vld [tilespmem:s29+$0xD300]  }
0x264: {  	v33 =	vld [tilespmem:s29+$0xD380];
	_ =	sdelay $0x1  }
0x265: {  	v35 =	vmul.f32 $1.131370830e+01, v35  }
0x266: {  	v34 =	vmul.f32 $1.131370830e+01, v34  }
0x267: {  	v32 =	vmul.f32 $1.131370830e+01, v32;
	v25 =	vadd.f32 v35, v25  }
0x268: {  	v33 =	vmul.f32 $1.131370830e+01, v33;
	v27 =	vadd.f32 v34, v27  }
0x269: {  	v60 =	vadd.f32 v32, v30;
	[tilespmem:s30+$0x14380] =	vst v25  }
0x26a: {  	v62 =	vadd.f32 v33, v31;
	[tilespmem:s30+$0x14580] =	vst v27;
	v61 =	vld [tilespmem:s29+$0xD210]  }
0x26b: {  	[tilespmem:s30+$0x14780] =	vst v60;
	v63 =	vld [tilespmem:s29+$0xD290]  }
0x26c: {  	[tilespmem:s30+$0x14980] =	vst v62;
	v25 =	vld [tilespmem:s29+$0xD310]  }
0x26d: {  	v30 =	vld [tilespmem:s29+$0xD390];
	_ =	sdelay $0x1  }
0x26e: {  	v27 =	vmul.f32 $1.131370830e+01, v61  }
0x26f: {  	v31 =	vmul.f32 $1.131370830e+01, v63  }
0x270: {  	v25 =	vmul.f32 $1.131370830e+01, v25;
	v21 =	vadd.f32 v27, v21  }
0x271: {  	v32 =	vmul.f32 $1.131370830e+01, v30;
	v23 =	vadd.f32 v31, v23  }
0x272: {  	v33 =	vadd.f32 v25, v28;
	[tilespmem:s30+$0x14390] =	vst v21  }
0x273: {  	v35 =	vadd.f32 v32, v29;
	[tilespmem:s30+$0x14590] =	vst v23;
	v34 =	vld [tilespmem:s29+$0xD220]  }
0x274: {  	[tilespmem:s30+$0x14790] =	vst v33;
	v36 =	vld [tilespmem:s29+$0xD2A0]  }
0x275: {  	[tilespmem:s30+$0x14990] =	vst v35;
	v21 =	vld [tilespmem:s29+$0xD320]  }
0x276: {  	v25 =	vld [tilespmem:s29+$0xD3A0];
	_ =	sdelay $0x1  }
0x277: {  	v23 =	vmul.f32 $1.131370830e+01, v34  }
0x278: {  	v27 =	vmul.f32 $1.131370830e+01, v36  }
0x279: {  	v21 =	vmul.f32 $1.131370830e+01, v21;
	v17 =	vadd.f32 v23, v17  }
0x27a: {  	v37 =	vmul.f32 $1.131370830e+01, v25;
	v19 =	vadd.f32 v27, v19  }
0x27b: {  	v38 =	vadd.f32 v21, v24;
	[tilespmem:s30+$0x143A0] =	vst v17  }
0x27c: {  	v40 =	vadd.f32 v37, v26;
	[tilespmem:s30+$0x145A0] =	vst v19;
	v39 =	vld [tilespmem:s29+$0xD230]  }
0x27d: {  	[tilespmem:s30+$0x147A0] =	vst v38;
	v41 =	vld [tilespmem:s29+$0xD2B0]  }
0x27e: {  	[tilespmem:s30+$0x149A0] =	vst v40;
	v17 =	vld [tilespmem:s29+$0xD330]  }
0x27f: {  	v21 =	vld [tilespmem:s29+$0xD3B0];
	_ =	sdelay $0x1  }
0x280: {  	v19 =	vmul.f32 $1.131370830e+01, v39  }
0x281: {  	v23 =	vmul.f32 $1.131370830e+01, v41  }
0x282: {  	v17 =	vmul.f32 $1.131370830e+01, v17;
	v13 =	vadd.f32 v19, v13  }
0x283: {  	v42 =	vmul.f32 $1.131370830e+01, v21;
	v16 =	vadd.f32 v23, v16  }
0x284: {  	v43 =	vadd.f32 v17, v20;
	[tilespmem:s30+$0x143B0] =	vst v13  }
0x285: {  	v45 =	vadd.f32 v42, v22;
	[tilespmem:s30+$0x145B0] =	vst v16;
	v44 =	vld [tilespmem:s29+$0xD240]  }
0x286: {  	[tilespmem:s30+$0x147B0] =	vst v43;
	v46 =	vld [tilespmem:s29+$0xD2C0]  }
0x287: {  	[tilespmem:s30+$0x149B0] =	vst v45;
	v13 =	vld [tilespmem:s29+$0xD340]  }
0x288: {  	v17 =	vld [tilespmem:s29+$0xD3C0];
	_ =	sdelay $0x1  }
0x289: {  	v16 =	vmul.f32 $1.131370830e+01, v44  }
0x28a: {  	v19 =	vmul.f32 $1.131370830e+01, v46  }
0x28b: {  	v13 =	vmul.f32 $1.131370830e+01, v13;
	v9 =	vadd.f32 v16, v9  }
0x28c: {  	v47 =	vmul.f32 $1.131370830e+01, v17;
	v12 =	vadd.f32 v19, v12  }
0x28d: {  	v48 =	vadd.f32 v13, v15;
	[tilespmem:s30+$0x143C0] =	vst v9  }
0x28e: {  	v50 =	vadd.f32 v47, v18;
	[tilespmem:s30+$0x145C0] =	vst v12;
	v49 =	vld [tilespmem:s29+$0xD250]  }
0x28f: {  	[tilespmem:s30+$0x147C0] =	vst v48;
	v51 =	vld [tilespmem:s29+$0xD2D0]  }
0x290: {  	[tilespmem:s30+$0x149C0] =	vst v50;
	v9 =	vld [tilespmem:s29+$0xD350]  }
0x291: {  	v13 =	vld [tilespmem:s29+$0xD3D0];
	_ =	sdelay $0x1  }
0x292: {  	v12 =	vmul.f32 $1.131370830e+01, v49  }
0x293: {  	v15 =	vmul.f32 $1.131370830e+01, v51  }
0x294: {  	v9 =	vmul.f32 $1.131370830e+01, v9;
	v5 =	vadd.f32 v12, v5  }
0x295: {  	v52 =	vmul.f32 $1.131370830e+01, v13;
	v8 =	vadd.f32 v15, v8  }
0x296: {  	v53 =	vadd.f32 v9, v11;
	[tilespmem:s30+$0x143D0] =	vst v5  }
0x297: {  	v55 =	vadd.f32 v52, v14;
	[tilespmem:s30+$0x145D0] =	vst v8;
	v54 =	vld [tilespmem:s29+$0xD260]  }
0x298: {  	[tilespmem:s30+$0x147D0] =	vst v53;
	v56 =	vld [tilespmem:s29+$0xD2E0]  }
0x299: {  	[tilespmem:s30+$0x149D0] =	vst v55;
	v5 =	vld [tilespmem:s29+$0xD360]  }
0x29a: {  	v9 =	vld [tilespmem:s29+$0xD3E0];
	_ =	sdelay $0x1  }
0x29b: {  	v8 =	vmul.f32 $1.131370830e+01, v54  }
0x29c: {  	v11 =	vmul.f32 $1.131370830e+01, v56  }
0x29d: {  	v5 =	vmul.f32 $1.131370830e+01, v5;
	v1 =	vadd.f32 v8, v1  }
0x29e: {  	v57 =	vmul.f32 $1.131370830e+01, v9;
	v4 =	vadd.f32 v11, v4  }
0x29f: {  	v58 =	vadd.f32 v5, v7;
	[tilespmem:s30+$0x143E0] =	vst v1  }
0x2a0: {  	v60 =	vadd.f32 v57, v10;
	[tilespmem:s30+$0x145E0] =	vst v4;
	v59 =	vld [tilespmem:s29+$0xD270]  }
0x2a1: {  	[tilespmem:s30+$0x147E0] =	vst v58;
	v61 =	vld [tilespmem:s29+$0xD2F0]  }
0x2a2: {  	[tilespmem:s30+$0x149E0] =	vst v60;
	v1 =	vld [tilespmem:s29+$0xD370]  }
0x2a3: {  	v4 =	vld [tilespmem:s29+$0xD3F0];
	_ =	sdelay $0x1  }
0x2a4: {  	v5 =	vmul.f32 $1.131370830e+01, v59  }
0x2a5: {  	v7 =	vmul.f32 $1.131370830e+01, v61  }
0x2a6: {  	p0 =	slt.u32 s28, $0x1C;
	v1 =	vmul.f32 $1.131370830e+01, v1;
	v0 =	vadd.f32 v5, v0  }
.Ltmp1:
0x2a7: {  	v4 =	vmul.f32 $1.131370830e+01, v4;
	v2 =	vadd.f32 v7, v2;
	(pc) =	sbr.rel @p0 .LBB2_4-.Ltmp1, $4  }
0x2a8: {  	v62 =	vadd.f32 v1, v3;
	[tilespmem:s30+$0x143F0] =	vst v0  }
0x2a9: {  	v63 =	vadd.f32 v4, v6;
	[tilespmem:s30+$0x145F0] =	vst v2  }
0x2aa: {  	s31 =	sadd.s32 $0x4, s28;
	[tilespmem:s30+$0x147F0] =	vst v62  }
0x2ab: {  	s28 =	smov.u32 s31;
	[tilespmem:s30+$0x149F0] =	vst v63  }
0x2ac: {  	s28 =	simm.s32 $0x0  }
0x2ad: {  	[hbm4b:s7+s28] =	stream.linear.scatter [tilespmem:s23], [sflag:$0x4], $0x4000, $0x38;
	[tilespmem:$0x1C200] =	vst v63  }
0x2ae: {  	_ =	swait.ge [sflag:s24], $0x4000  }
0x2af: {  	[sflag:s24] =	ssyncset.done $0x0  }
0x2b0: {  	[sflag:s24] =	ssyncadd.s32 $0xFFFFC000  }
.LBB2_6:
0x2b1: {  	s29 =	sshll.u32 s28, $0x7  }
0x2b2: {  	v25 =	vld [tilespmem:s29+$0x1A200]  }
0x2b3: {  	v21 =	vld [tilespmem:s29+$0x1A210]  }
0x2b4: {  	v17 =	vld [tilespmem:s29+$0x1A220]  }
0x2b5: {  	v13 =	vld [tilespmem:s29+$0x1A230]  }
0x2b6: {  	v9 =	vld [tilespmem:s29+$0x1A240]  }
0x2b7: {  	v5 =	vld [tilespmem:s29+$0x1A250]  }
0x2b8: {  	v1 =	vld [tilespmem:s29+$0x1A260]  }
0x2b9: {  	v0 =	vld [tilespmem:s29+$0x1A270]  }
0x2ba: {  	v2 =	vld [tilespmem:s29+$0x2200]  }
0x2bb: {  	v3 =	vld [tilespmem:s29+$0x2280]  }
0x2bc: {  	v27 =	vld [tilespmem:s29+$0x1A280]  }
0x2bd: {  	v23 =	vld [tilespmem:s29+$0x1A290]  }
0x2be: {  	v19 =	vld [tilespmem:s29+$0x1A2A0]  }
0x2bf: {  	v16 =	vld [tilespmem:s29+$0x1A2B0]  }
0x2c0: {  	v12 =	vld [tilespmem:s29+$0x1A2C0]  }
0x2c1: {  	v8 =	vld [tilespmem:s29+$0x1A2D0]  }
0x2c2: {  	v4 =	vld [tilespmem:s29+$0x1A2E0]  }
0x2c3: {  	v30 =	vld [tilespmem:s29+$0x1A300]  }
0x2c4: {  	v28 =	vld [tilespmem:s29+$0x1A310]  }
0x2c5: {  	v24 =	vld [tilespmem:s29+$0x1A320]  }
0x2c6: {  	v20 =	vld [tilespmem:s29+$0x1A330]  }
0x2c7: {  	v15 =	vld [tilespmem:s29+$0x1A340]  }
0x2c8: {  	v11 =	vld [tilespmem:s29+$0x1A350]  }
0x2c9: {  	v7 =	vld [tilespmem:s29+$0x1A360]  }
0x2ca: {  	v6 =	vld [tilespmem:s29+$0x2300]  }
0x2cb: {  	v10 =	vld [tilespmem:s29+$0x2380]  }
0x2cc: {  	v31 =	vld [tilespmem:s29+$0x1A380]  }
0x2cd: {  	v29 =	vld [tilespmem:s29+$0x1A390]  }
0x2ce: {  	v26 =	vld [tilespmem:s29+$0x1A3A0]  }
0x2cf: {  	v22 =	vld [tilespmem:s29+$0x1A3B0];
	v2 =	vmul.f32 $1.131370830e+01, v2  }
0x2d0: {  	v18 =	vld [tilespmem:s29+$0x1A3C0];
	v3 =	vmul.f32 $1.131370830e+01, v3  }
0x2d1: {  	s0 =	sshll.u32 s28, $0x9;
	v14 =	vld [tilespmem:s29+$0x1A3D0];
	v6 =	vmul.f32 $1.131370830e+01, v6;
	v2 =	vadd.f32 v2, v25  }
0x2d2: {  	s30 =	sand.u32 $0x3FFFFE00, s0;
	v34 =	vmul.f32 $1.131370830e+01, v10;
	v10 =	vld [tilespmem:s29+$0x1A3E0];
	v3 =	vadd.f32 v3, v27  }
0x2d3: {  	v6 =	vadd.f32 v6, v30;
	[tilespmem:s30+$0x10200] =	vst v2;
	v2 =	vld [tilespmem:s29+$0x1A2F0]  }
0x2d4: {  	[tilespmem:s30+$0x10400] =	vst v3;
	v3 =	vld [tilespmem:s29+$0x1A370]  }
0x2d5: {  	[tilespmem:s30+$0x10600] =	vst v6;
	v6 =	vld [tilespmem:s29+$0x1A3F0]  }
0x2d6: {  	v34 =	vadd.f32 v34, v31;
	v32 =	vld [tilespmem:s29+$0x2210]  }
0x2d7: {  	v33 =	vld [tilespmem:s29+$0x2290]  }
0x2d8: {  	[tilespmem:s30+$0x10800] =	vst v34;
	v35 =	vld [tilespmem:s29+$0x2310]  }
0x2d9: {  	v34 =	vld [tilespmem:s29+$0x2390];
	_ =	sdelay $0x1  }
0x2da: {  	v32 =	vmul.f32 $1.131370830e+01, v32  }
0x2db: {  	v33 =	vmul.f32 $1.131370830e+01, v33  }
0x2dc: {  	v35 =	vmul.f32 $1.131370830e+01, v35;
	v32 =	vadd.f32 v32, v21  }
0x2dd: {  	v34 =	vmul.f32 $1.131370830e+01, v34;
	v33 =	vadd.f32 v33, v23  }
0x2de: {  	v56 =	vadd.f32 v35, v28;
	[tilespmem:s30+$0x10210] =	vst v32  }
0x2df: {  	v58 =	vadd.f32 v34, v29;
	[tilespmem:s30+$0x10410] =	vst v33;
	v57 =	vld [tilespmem:s29+$0x2220]  }
0x2e0: {  	[tilespmem:s30+$0x10610] =	vst v56;
	v59 =	vld [tilespmem:s29+$0x22A0]  }
0x2e1: {  	[tilespmem:s30+$0x10810] =	vst v58;
	v32 =	vld [tilespmem:s29+$0x2320]  }
0x2e2: {  	v33 =	vld [tilespmem:s29+$0x23A0];
	_ =	sdelay $0x1  }
0x2e3: {  	v35 =	vmul.f32 $1.131370830e+01, v57  }
0x2e4: {  	v34 =	vmul.f32 $1.131370830e+01, v59  }
0x2e5: {  	v32 =	vmul.f32 $1.131370830e+01, v32;
	v35 =	vadd.f32 v35, v17  }
0x2e6: {  	v33 =	vmul.f32 $1.131370830e+01, v33;
	v34 =	vadd.f32 v34, v19  }
0x2e7: {  	v32 =	vadd.f32 v32, v24;
	[tilespmem:s30+$0x10220] =	vst v35  }
0x2e8: {  	v33 =	vadd.f32 v33, v26;
	[tilespmem:s30+$0x10420] =	vst v34;
	v35 =	vld [tilespmem:s29+$0x2230]  }
0x2e9: {  	[tilespmem:s30+$0x10620] =	vst v32;
	v34 =	vld [tilespmem:s29+$0x22B0]  }
0x2ea: {  	[tilespmem:s30+$0x10820] =	vst v33;
	v32 =	vld [tilespmem:s29+$0x2330]  }
0x2eb: {  	v33 =	vld [tilespmem:s29+$0x23B0];
	_ =	sdelay $0x1  }
0x2ec: {  	v35 =	vmul.f32 $1.131370830e+01, v35  }
0x2ed: {  	v34 =	vmul.f32 $1.131370830e+01, v34  }
0x2ee: {  	v32 =	vmul.f32 $1.131370830e+01, v32;
	v35 =	vadd.f32 v35, v13  }
0x2ef: {  	v33 =	vmul.f32 $1.131370830e+01, v33;
	v34 =	vadd.f32 v34, v16  }
0x2f0: {  	v32 =	vadd.f32 v32, v20;
	[tilespmem:s30+$0x10230] =	vst v35  }
0x2f1: {  	v33 =	vadd.f32 v33, v22;
	[tilespmem:s30+$0x10430] =	vst v34;
	v35 =	vld [tilespmem:s29+$0x2240]  }
0x2f2: {  	[tilespmem:s30+$0x10630] =	vst v32;
	v34 =	vld [tilespmem:s29+$0x22C0]  }
0x2f3: {  	[tilespmem:s30+$0x10830] =	vst v33;
	v32 =	vld [tilespmem:s29+$0x2340]  }
0x2f4: {  	v33 =	vld [tilespmem:s29+$0x23C0];
	_ =	sdelay $0x1  }
0x2f5: {  	v35 =	vmul.f32 $1.131370830e+01, v35  }
0x2f6: {  	v34 =	vmul.f32 $1.131370830e+01, v34  }
0x2f7: {  	v32 =	vmul.f32 $1.131370830e+01, v32;
	v35 =	vadd.f32 v35, v9  }
0x2f8: {  	v33 =	vmul.f32 $1.131370830e+01, v33;
	v34 =	vadd.f32 v34, v12  }
0x2f9: {  	v32 =	vadd.f32 v32, v15;
	[tilespmem:s30+$0x10240] =	vst v35  }
0x2fa: {  	v33 =	vadd.f32 v33, v18;
	[tilespmem:s30+$0x10440] =	vst v34;
	v35 =	vld [tilespmem:s29+$0x2250]  }
0x2fb: {  	[tilespmem:s30+$0x10640] =	vst v32;
	v34 =	vld [tilespmem:s29+$0x22D0]  }
0x2fc: {  	[tilespmem:s30+$0x10840] =	vst v33;
	v32 =	vld [tilespmem:s29+$0x2350]  }
0x2fd: {  	v33 =	vld [tilespmem:s29+$0x23D0];
	_ =	sdelay $0x1  }
0x2fe: {  	v35 =	vmul.f32 $1.131370830e+01, v35  }
0x2ff: {  	v34 =	vmul.f32 $1.131370830e+01, v34  }
0x300: {  	v32 =	vmul.f32 $1.131370830e+01, v32;
	v35 =	vadd.f32 v35, v5  }
0x301: {  	v33 =	vmul.f32 $1.131370830e+01, v33;
	v34 =	vadd.f32 v34, v8  }
0x302: {  	v32 =	vadd.f32 v32, v11;
	[tilespmem:s30+$0x10250] =	vst v35  }
0x303: {  	v33 =	vadd.f32 v33, v14;
	[tilespmem:s30+$0x10450] =	vst v34;
	v35 =	vld [tilespmem:s29+$0x2260]  }
0x304: {  	[tilespmem:s30+$0x10650] =	vst v32;
	v34 =	vld [tilespmem:s29+$0x22E0]  }
0x305: {  	[tilespmem:s30+$0x10850] =	vst v33;
	v32 =	vld [tilespmem:s29+$0x2360]  }
0x306: {  	v33 =	vld [tilespmem:s29+$0x23E0];
	_ =	sdelay $0x1  }
0x307: {  	v35 =	vmul.f32 $1.131370830e+01, v35  }
0x308: {  	v34 =	vmul.f32 $1.131370830e+01, v34  }
0x309: {  	v32 =	vmul.f32 $1.131370830e+01, v32;
	v35 =	vadd.f32 v35, v1  }
0x30a: {  	v33 =	vmul.f32 $1.131370830e+01, v33;
	v34 =	vadd.f32 v34, v4  }
0x30b: {  	v32 =	vadd.f32 v32, v7;
	[tilespmem:s30+$0x10260] =	vst v35  }
0x30c: {  	v33 =	vadd.f32 v33, v10;
	[tilespmem:s30+$0x10460] =	vst v34;
	v35 =	vld [tilespmem:s29+$0x2270]  }
0x30d: {  	[tilespmem:s30+$0x10660] =	vst v32;
	v34 =	vld [tilespmem:s29+$0x22F0]  }
0x30e: {  	[tilespmem:s30+$0x10860] =	vst v33;
	v32 =	vld [tilespmem:s29+$0x2370]  }
0x30f: {  	v33 =	vld [tilespmem:s29+$0x23F0];
	_ =	sdelay $0x1  }
0x310: {  	v35 =	vmul.f32 $1.131370830e+01, v35  }
0x311: {  	v34 =	vmul.f32 $1.131370830e+01, v34  }
0x312: {  	v32 =	vmul.f32 $1.131370830e+01, v32;
	v35 =	vadd.f32 v35, v0  }
0x313: {  	v33 =	vmul.f32 $1.131370830e+01, v33;
	v34 =	vadd.f32 v34, v2  }
0x314: {  	v32 =	vadd.f32 v32, v3;
	[tilespmem:s30+$0x10270] =	vst v35  }
0x315: {  	v33 =	vadd.f32 v33, v6;
	[tilespmem:s30+$0x10470] =	vst v34;
	v35 =	vld [tilespmem:s29+$0x6200]  }
0x316: {  	[tilespmem:s30+$0x10670] =	vst v32;
	v34 =	vld [tilespmem:s29+$0x6280]  }
0x317: {  	[tilespmem:s30+$0x10870] =	vst v33;
	v32 =	vld [tilespmem:s29+$0x6300]  }
0x318: {  	v33 =	vld [tilespmem:s29+$0x6380];
	_ =	sdelay $0x1  }
0x319: {  	v35 =	vmul.f32 $1.131370830e+01, v35  }
0x31a: {  	v34 =	vmul.f32 $1.131370830e+01, v34  }
0x31b: {  	v32 =	vmul.f32 $1.131370830e+01, v32;
	v35 =	vadd.f32 v35, v25  }
0x31c: {  	v33 =	vmul.f32 $1.131370830e+01, v33;
	v34 =	vadd.f32 v34, v27  }
0x31d: {  	v32 =	vadd.f32 v32, v30;
	[tilespmem:s30+$0x10280] =	vst v35  }
0x31e: {  	v33 =	vadd.f32 v33, v31;
	[tilespmem:s30+$0x10480] =	vst v34;
	v35 =	vld [tilespmem:s29+$0x6210]  }
0x31f: {  	[tilespmem:s30+$0x10680] =	vst v32;
	v34 =	vld [tilespmem:s29+$0x6290]  }
0x320: {  	[tilespmem:s30+$0x10880] =	vst v33;
	v32 =	vld [tilespmem:s29+$0x6310]  }
0x321: {  	v33 =	vld [tilespmem:s29+$0x6390];
	_ =	sdelay $0x1  }
0x322: {  	v35 =	vmul.f32 $1.131370830e+01, v35  }
0x323: {  	v34 =	vmul.f32 $1.131370830e+01, v34  }
0x324: {  	v32 =	vmul.f32 $1.131370830e+01, v32;
	v35 =	vadd.f32 v35, v21  }
0x325: {  	v33 =	vmul.f32 $1.131370830e+01, v33;
	v34 =	vadd.f32 v34, v23  }
0x326: {  	v32 =	vadd.f32 v32, v28;
	[tilespmem:s30+$0x10290] =	vst v35  }
0x327: {  	v33 =	vadd.f32 v33, v29;
	[tilespmem:s30+$0x10490] =	vst v34;
	v35 =	vld [tilespmem:s29+$0x6220]  }
0x328: {  	[tilespmem:s30+$0x10690] =	vst v32;
	v34 =	vld [tilespmem:s29+$0x62A0]  }
0x329: {  	[tilespmem:s30+$0x10890] =	vst v33;
	v32 =	vld [tilespmem:s29+$0x6320]  }
0x32a: {  	v33 =	vld [tilespmem:s29+$0x63A0];
	_ =	sdelay $0x1  }
0x32b: {  	v35 =	vmul.f32 $1.131370830e+01, v35  }
0x32c: {  	v34 =	vmul.f32 $1.131370830e+01, v34  }
0x32d: {  	v32 =	vmul.f32 $1.131370830e+01, v32;
	v35 =	vadd.f32 v35, v17  }
0x32e: {  	v33 =	vmul.f32 $1.131370830e+01, v33;
	v34 =	vadd.f32 v34, v19  }
0x32f: {  	v32 =	vadd.f32 v32, v24;
	[tilespmem:s30+$0x102A0] =	vst v35  }
0x330: {  	v33 =	vadd.f32 v33, v26;
	[tilespmem:s30+$0x104A0] =	vst v34;
	v35 =	vld [tilespmem:s29+$0x6230]  }
0x331: {  	[tilespmem:s30+$0x106A0] =	vst v32;
	v34 =	vld [tilespmem:s29+$0x62B0]  }
0x332: {  	[tilespmem:s30+$0x108A0] =	vst v33;
	v32 =	vld [tilespmem:s29+$0x6330]  }
0x333: {  	v33 =	vld [tilespmem:s29+$0x63B0];
	_ =	sdelay $0x1  }
0x334: {  	v35 =	vmul.f32 $1.131370830e+01, v35  }
0x335: {  	v34 =	vmul.f32 $1.131370830e+01, v34  }
0x336: {  	v32 =	vmul.f32 $1.131370830e+01, v32;
	v35 =	vadd.f32 v35, v13  }
0x337: {  	v33 =	vmul.f32 $1.131370830e+01, v33;
	v34 =	vadd.f32 v34, v16  }
0x338: {  	v32 =	vadd.f32 v32, v20;
	[tilespmem:s30+$0x102B0] =	vst v35  }
0x339: {  	v33 =	vadd.f32 v33, v22;
	[tilespmem:s30+$0x104B0] =	vst v34;
	v35 =	vld [tilespmem:s29+$0x6240]  }
0x33a: {  	[tilespmem:s30+$0x106B0] =	vst v32;
	v34 =	vld [tilespmem:s29+$0x62C0]  }
0x33b: {  	[tilespmem:s30+$0x108B0] =	vst v33;
	v32 =	vld [tilespmem:s29+$0x6340]  }
0x33c: {  	v33 =	vld [tilespmem:s29+$0x63C0];
	_ =	sdelay $0x1  }
0x33d: {  	v35 =	vmul.f32 $1.131370830e+01, v35  }
0x33e: {  	v34 =	vmul.f32 $1.131370830e+01, v34  }
0x33f: {  	v32 =	vmul.f32 $1.131370830e+01, v32;
	v35 =	vadd.f32 v35, v9  }
0x340: {  	v33 =	vmul.f32 $1.131370830e+01, v33;
	v34 =	vadd.f32 v34, v12  }
0x341: {  	v32 =	vadd.f32 v32, v15;
	[tilespmem:s30+$0x102C0] =	vst v35  }
0x342: {  	v33 =	vadd.f32 v33, v18;
	[tilespmem:s30+$0x104C0] =	vst v34;
	v35 =	vld [tilespmem:s29+$0x6250]  }
0x343: {  	[tilespmem:s30+$0x106C0] =	vst v32;
	v34 =	vld [tilespmem:s29+$0x62D0]  }
0x344: {  	[tilespmem:s30+$0x108C0] =	vst v33;
	v32 =	vld [tilespmem:s29+$0x6350]  }
0x345: {  	v33 =	vld [tilespmem:s29+$0x63D0];
	_ =	sdelay $0x1  }
0x346: {  	v35 =	vmul.f32 $1.131370830e+01, v35  }
0x347: {  	v34 =	vmul.f32 $1.131370830e+01, v34  }
0x348: {  	v32 =	vmul.f32 $1.131370830e+01, v32;
	v35 =	vadd.f32 v35, v5  }
0x349: {  	v33 =	vmul.f32 $1.131370830e+01, v33;
	v34 =	vadd.f32 v34, v8  }
0x34a: {  	v32 =	vadd.f32 v32, v11;
	[tilespmem:s30+$0x102D0] =	vst v35  }
0x34b: {  	v33 =	vadd.f32 v33, v14;
	[tilespmem:s30+$0x104D0] =	vst v34;
	v35 =	vld [tilespmem:s29+$0x6260]  }
0x34c: {  	[tilespmem:s30+$0x106D0] =	vst v32;
	v34 =	vld [tilespmem:s29+$0x62E0]  }
0x34d: {  	[tilespmem:s30+$0x108D0] =	vst v33;
	v32 =	vld [tilespmem:s29+$0x6360]  }
0x34e: {  	v33 =	vld [tilespmem:s29+$0x63E0];
	_ =	sdelay $0x1  }
0x34f: {  	v35 =	vmul.f32 $1.131370830e+01, v35  }
0x350: {  	v34 =	vmul.f32 $1.131370830e+01, v34  }
0x351: {  	v32 =	vmul.f32 $1.131370830e+01, v32;
	v35 =	vadd.f32 v35, v1  }
0x352: {  	v33 =	vmul.f32 $1.131370830e+01, v33;
	v34 =	vadd.f32 v34, v4  }
0x353: {  	v32 =	vadd.f32 v32, v7;
	[tilespmem:s30+$0x102E0] =	vst v35  }
0x354: {  	v33 =	vadd.f32 v33, v10;
	[tilespmem:s30+$0x104E0] =	vst v34;
	v35 =	vld [tilespmem:s29+$0x6270]  }
0x355: {  	[tilespmem:s30+$0x106E0] =	vst v32;
	v34 =	vld [tilespmem:s29+$0x62F0]  }
0x356: {  	[tilespmem:s30+$0x108E0] =	vst v33;
	v32 =	vld [tilespmem:s29+$0x6370]  }
0x357: {  	v33 =	vld [tilespmem:s29+$0x63F0];
	_ =	sdelay $0x1  }
0x358: {  	v35 =	vmul.f32 $1.131370830e+01, v35  }
0x359: {  	v34 =	vmul.f32 $1.131370830e+01, v34  }
0x35a: {  	v32 =	vmul.f32 $1.131370830e+01, v32;
	v35 =	vadd.f32 v35, v0  }
0x35b: {  	v33 =	vmul.f32 $1.131370830e+01, v33;
	v34 =	vadd.f32 v34, v2  }
0x35c: {  	v32 =	vadd.f32 v32, v3;
	[tilespmem:s30+$0x102F0] =	vst v35  }
0x35d: {  	v33 =	vadd.f32 v33, v6;
	[tilespmem:s30+$0x104F0] =	vst v34;
	v35 =	vld [tilespmem:s29+$0xA200]  }
0x35e: {  	[tilespmem:s30+$0x106F0] =	vst v32;
	v34 =	vld [tilespmem:s29+$0xA280]  }
0x35f: {  	[tilespmem:s30+$0x108F0] =	vst v33;
	v32 =	vld [tilespmem:s29+$0xA300]  }
0x360: {  	v33 =	vld [tilespmem:s29+$0xA380];
	_ =	sdelay $0x1  }
0x361: {  	v35 =	vmul.f32 $1.131370830e+01, v35  }
0x362: {  	v34 =	vmul.f32 $1.131370830e+01, v34  }
0x363: {  	v32 =	vmul.f32 $1.131370830e+01, v32;
	v35 =	vadd.f32 v35, v25  }
0x364: {  	v33 =	vmul.f32 $1.131370830e+01, v33;
	v34 =	vadd.f32 v34, v27  }
0x365: {  	v32 =	vadd.f32 v32, v30;
	[tilespmem:s30+$0x10300] =	vst v35  }
0x366: {  	v33 =	vadd.f32 v33, v31;
	[tilespmem:s30+$0x10500] =	vst v34;
	v35 =	vld [tilespmem:s29+$0xA210]  }
0x367: {  	[tilespmem:s30+$0x10700] =	vst v32;
	v34 =	vld [tilespmem:s29+$0xA290]  }
0x368: {  	[tilespmem:s30+$0x10900] =	vst v33;
	v32 =	vld [tilespmem:s29+$0xA310]  }
0x369: {  	v33 =	vld [tilespmem:s29+$0xA390];
	_ =	sdelay $0x1  }
0x36a: {  	v35 =	vmul.f32 $1.131370830e+01, v35  }
0x36b: {  	v34 =	vmul.f32 $1.131370830e+01, v34  }
0x36c: {  	v32 =	vmul.f32 $1.131370830e+01, v32;
	v35 =	vadd.f32 v35, v21  }
0x36d: {  	v33 =	vmul.f32 $1.131370830e+01, v33;
	v34 =	vadd.f32 v34, v23  }
0x36e: {  	v32 =	vadd.f32 v32, v28;
	[tilespmem:s30+$0x10310] =	vst v35  }
0x36f: {  	v33 =	vadd.f32 v33, v29;
	[tilespmem:s30+$0x10510] =	vst v34;
	v35 =	vld [tilespmem:s29+$0xA220]  }
0x370: {  	[tilespmem:s30+$0x10710] =	vst v32;
	v34 =	vld [tilespmem:s29+$0xA2A0]  }
0x371: {  	[tilespmem:s30+$0x10910] =	vst v33;
	v32 =	vld [tilespmem:s29+$0xA320]  }
0x372: {  	v33 =	vld [tilespmem:s29+$0xA3A0];
	_ =	sdelay $0x1  }
0x373: {  	v35 =	vmul.f32 $1.131370830e+01, v35  }
0x374: {  	v34 =	vmul.f32 $1.131370830e+01, v34  }
0x375: {  	v32 =	vmul.f32 $1.131370830e+01, v32;
	v35 =	vadd.f32 v35, v17  }
0x376: {  	v33 =	vmul.f32 $1.131370830e+01, v33;
	v34 =	vadd.f32 v34, v19  }
0x377: {  	v32 =	vadd.f32 v32, v24;
	[tilespmem:s30+$0x10320] =	vst v35  }
0x378: {  	v33 =	vadd.f32 v33, v26;
	[tilespmem:s30+$0x10520] =	vst v34;
	v35 =	vld [tilespmem:s29+$0xA230]  }
0x379: {  	[tilespmem:s30+$0x10720] =	vst v32;
	v34 =	vld [tilespmem:s29+$0xA2B0]  }
0x37a: {  	[tilespmem:s30+$0x10920] =	vst v33;
	v32 =	vld [tilespmem:s29+$0xA330]  }
0x37b: {  	v33 =	vld [tilespmem:s29+$0xA3B0];
	_ =	sdelay $0x1  }
0x37c: {  	v35 =	vmul.f32 $1.131370830e+01, v35  }
0x37d: {  	v34 =	vmul.f32 $1.131370830e+01, v34  }
0x37e: {  	v32 =	vmul.f32 $1.131370830e+01, v32;
	v35 =	vadd.f32 v35, v13  }
0x37f: {  	v33 =	vmul.f32 $1.131370830e+01, v33;
	v34 =	vadd.f32 v34, v16  }
0x380: {  	v32 =	vadd.f32 v32, v20;
	[tilespmem:s30+$0x10330] =	vst v35  }
0x381: {  	v33 =	vadd.f32 v33, v22;
	[tilespmem:s30+$0x10530] =	vst v34;
	v35 =	vld [tilespmem:s29+$0xA240]  }
0x382: {  	[tilespmem:s30+$0x10730] =	vst v32;
	v34 =	vld [tilespmem:s29+$0xA2C0]  }
0x383: {  	[tilespmem:s30+$0x10930] =	vst v33;
	v32 =	vld [tilespmem:s29+$0xA340]  }
0x384: {  	v33 =	vld [tilespmem:s29+$0xA3C0];
	_ =	sdelay $0x1  }
0x385: {  	v35 =	vmul.f32 $1.131370830e+01, v35  }
0x386: {  	v34 =	vmul.f32 $1.131370830e+01, v34  }
0x387: {  	v32 =	vmul.f32 $1.131370830e+01, v32;
	v35 =	vadd.f32 v35, v9  }
0x388: {  	v33 =	vmul.f32 $1.131370830e+01, v33;
	v34 =	vadd.f32 v34, v12  }
0x389: {  	v32 =	vadd.f32 v32, v15;
	[tilespmem:s30+$0x10340] =	vst v35  }
0x38a: {  	v33 =	vadd.f32 v33, v18;
	[tilespmem:s30+$0x10540] =	vst v34;
	v35 =	vld [tilespmem:s29+$0xA250]  }
0x38b: {  	[tilespmem:s30+$0x10740] =	vst v32;
	v34 =	vld [tilespmem:s29+$0xA2D0]  }
0x38c: {  	[tilespmem:s30+$0x10940] =	vst v33;
	v32 =	vld [tilespmem:s29+$0xA350]  }
0x38d: {  	v33 =	vld [tilespmem:s29+$0xA3D0];
	_ =	sdelay $0x1  }
0x38e: {  	v35 =	vmul.f32 $1.131370830e+01, v35  }
0x38f: {  	v34 =	vmul.f32 $1.131370830e+01, v34  }
0x390: {  	v32 =	vmul.f32 $1.131370830e+01, v32;
	v35 =	vadd.f32 v35, v5  }
0x391: {  	v33 =	vmul.f32 $1.131370830e+01, v33;
	v34 =	vadd.f32 v34, v8  }
0x392: {  	v32 =	vadd.f32 v32, v11;
	[tilespmem:s30+$0x10350] =	vst v35  }
0x393: {  	v33 =	vadd.f32 v33, v14;
	[tilespmem:s30+$0x10550] =	vst v34;
	v35 =	vld [tilespmem:s29+$0xA260]  }
0x394: {  	[tilespmem:s30+$0x10750] =	vst v32;
	v34 =	vld [tilespmem:s29+$0xA2E0]  }
0x395: {  	[tilespmem:s30+$0x10950] =	vst v33;
	v32 =	vld [tilespmem:s29+$0xA360]  }
0x396: {  	v33 =	vld [tilespmem:s29+$0xA3E0];
	_ =	sdelay $0x1  }
0x397: {  	v35 =	vmul.f32 $1.131370830e+01, v35  }
0x398: {  	v34 =	vmul.f32 $1.131370830e+01, v34  }
0x399: {  	v32 =	vmul.f32 $1.131370830e+01, v32;
	v35 =	vadd.f32 v35, v1  }
0x39a: {  	v33 =	vmul.f32 $1.131370830e+01, v33;
	v34 =	vadd.f32 v34, v4  }
0x39b: {  	v32 =	vadd.f32 v32, v7;
	[tilespmem:s30+$0x10360] =	vst v35  }
0x39c: {  	v33 =	vadd.f32 v33, v10;
	[tilespmem:s30+$0x10560] =	vst v34;
	v35 =	vld [tilespmem:s29+$0xA270]  }
0x39d: {  	[tilespmem:s30+$0x10760] =	vst v32;
	v34 =	vld [tilespmem:s29+$0xA2F0]  }
0x39e: {  	[tilespmem:s30+$0x10960] =	vst v33;
	v32 =	vld [tilespmem:s29+$0xA370]  }
0x39f: {  	v33 =	vld [tilespmem:s29+$0xA3F0];
	_ =	sdelay $0x1  }
0x3a0: {  	v35 =	vmul.f32 $1.131370830e+01, v35  }
0x3a1: {  	v34 =	vmul.f32 $1.131370830e+01, v34  }
0x3a2: {  	v32 =	vmul.f32 $1.131370830e+01, v32;
	v35 =	vadd.f32 v35, v0  }
0x3a3: {  	v33 =	vmul.f32 $1.131370830e+01, v33;
	v34 =	vadd.f32 v34, v2  }
0x3a4: {  	v32 =	vadd.f32 v32, v3;
	[tilespmem:s30+$0x10370] =	vst v35  }
0x3a5: {  	v33 =	vadd.f32 v33, v6;
	[tilespmem:s30+$0x10570] =	vst v34;
	v35 =	vld [tilespmem:s29+$0xE200]  }
0x3a6: {  	[tilespmem:s30+$0x10770] =	vst v32;
	v34 =	vld [tilespmem:s29+$0xE280]  }
0x3a7: {  	[tilespmem:s30+$0x10970] =	vst v33;
	v32 =	vld [tilespmem:s29+$0xE300]  }
0x3a8: {  	v33 =	vld [tilespmem:s29+$0xE380];
	_ =	sdelay $0x1  }
0x3a9: {  	v35 =	vmul.f32 $1.131370830e+01, v35  }
0x3aa: {  	v34 =	vmul.f32 $1.131370830e+01, v34  }
0x3ab: {  	v32 =	vmul.f32 $1.131370830e+01, v32;
	v25 =	vadd.f32 v35, v25  }
0x3ac: {  	v33 =	vmul.f32 $1.131370830e+01, v33;
	v27 =	vadd.f32 v34, v27  }
0x3ad: {  	v60 =	vadd.f32 v32, v30;
	[tilespmem:s30+$0x10380] =	vst v25  }
0x3ae: {  	v62 =	vadd.f32 v33, v31;
	[tilespmem:s30+$0x10580] =	vst v27;
	v61 =	vld [tilespmem:s29+$0xE210]  }
0x3af: {  	[tilespmem:s30+$0x10780] =	vst v60;
	v63 =	vld [tilespmem:s29+$0xE290]  }
0x3b0: {  	[tilespmem:s30+$0x10980] =	vst v62;
	v25 =	vld [tilespmem:s29+$0xE310]  }
0x3b1: {  	v30 =	vld [tilespmem:s29+$0xE390];
	_ =	sdelay $0x1  }
0x3b2: {  	v27 =	vmul.f32 $1.131370830e+01, v61  }
0x3b3: {  	v31 =	vmul.f32 $1.131370830e+01, v63  }
0x3b4: {  	v25 =	vmul.f32 $1.131370830e+01, v25;
	v21 =	vadd.f32 v27, v21  }
0x3b5: {  	v32 =	vmul.f32 $1.131370830e+01, v30;
	v23 =	vadd.f32 v31, v23  }
0x3b6: {  	v33 =	vadd.f32 v25, v28;
	[tilespmem:s30+$0x10390] =	vst v21  }
0x3b7: {  	v35 =	vadd.f32 v32, v29;
	[tilespmem:s30+$0x10590] =	vst v23;
	v34 =	vld [tilespmem:s29+$0xE220]  }
0x3b8: {  	[tilespmem:s30+$0x10790] =	vst v33;
	v36 =	vld [tilespmem:s29+$0xE2A0]  }
0x3b9: {  	[tilespmem:s30+$0x10990] =	vst v35;
	v21 =	vld [tilespmem:s29+$0xE320]  }
0x3ba: {  	v25 =	vld [tilespmem:s29+$0xE3A0];
	_ =	sdelay $0x1  }
0x3bb: {  	v23 =	vmul.f32 $1.131370830e+01, v34  }
0x3bc: {  	v27 =	vmul.f32 $1.131370830e+01, v36  }
0x3bd: {  	v21 =	vmul.f32 $1.131370830e+01, v21;
	v17 =	vadd.f32 v23, v17  }
0x3be: {  	v37 =	vmul.f32 $1.131370830e+01, v25;
	v19 =	vadd.f32 v27, v19  }
0x3bf: {  	v38 =	vadd.f32 v21, v24;
	[tilespmem:s30+$0x103A0] =	vst v17  }
0x3c0: {  	v40 =	vadd.f32 v37, v26;
	[tilespmem:s30+$0x105A0] =	vst v19;
	v39 =	vld [tilespmem:s29+$0xE230]  }
0x3c1: {  	[tilespmem:s30+$0x107A0] =	vst v38;
	v41 =	vld [tilespmem:s29+$0xE2B0]  }
0x3c2: {  	[tilespmem:s30+$0x109A0] =	vst v40;
	v17 =	vld [tilespmem:s29+$0xE330]  }
0x3c3: {  	v21 =	vld [tilespmem:s29+$0xE3B0];
	_ =	sdelay $0x1  }
0x3c4: {  	v19 =	vmul.f32 $1.131370830e+01, v39  }
0x3c5: {  	v23 =	vmul.f32 $1.131370830e+01, v41  }
0x3c6: {  	v17 =	vmul.f32 $1.131370830e+01, v17;
	v13 =	vadd.f32 v19, v13  }
0x3c7: {  	v42 =	vmul.f32 $1.131370830e+01, v21;
	v16 =	vadd.f32 v23, v16  }
0x3c8: {  	v43 =	vadd.f32 v17, v20;
	[tilespmem:s30+$0x103B0] =	vst v13  }
0x3c9: {  	v45 =	vadd.f32 v42, v22;
	[tilespmem:s30+$0x105B0] =	vst v16;
	v44 =	vld [tilespmem:s29+$0xE240]  }
0x3ca: {  	[tilespmem:s30+$0x107B0] =	vst v43;
	v46 =	vld [tilespmem:s29+$0xE2C0]  }
0x3cb: {  	[tilespmem:s30+$0x109B0] =	vst v45;
	v13 =	vld [tilespmem:s29+$0xE340]  }
0x3cc: {  	v17 =	vld [tilespmem:s29+$0xE3C0];
	_ =	sdelay $0x1  }
0x3cd: {  	v16 =	vmul.f32 $1.131370830e+01, v44  }
0x3ce: {  	v19 =	vmul.f32 $1.131370830e+01, v46  }
0x3cf: {  	v13 =	vmul.f32 $1.131370830e+01, v13;
	v9 =	vadd.f32 v16, v9  }
0x3d0: {  	v47 =	vmul.f32 $1.131370830e+01, v17;
	v12 =	vadd.f32 v19, v12  }
0x3d1: {  	v48 =	vadd.f32 v13, v15;
	[tilespmem:s30+$0x103C0] =	vst v9  }
0x3d2: {  	v50 =	vadd.f32 v47, v18;
	[tilespmem:s30+$0x105C0] =	vst v12;
	v49 =	vld [tilespmem:s29+$0xE250]  }
0x3d3: {  	[tilespmem:s30+$0x107C0] =	vst v48;
	v51 =	vld [tilespmem:s29+$0xE2D0]  }
0x3d4: {  	[tilespmem:s30+$0x109C0] =	vst v50;
	v9 =	vld [tilespmem:s29+$0xE350]  }
0x3d5: {  	v13 =	vld [tilespmem:s29+$0xE3D0];
	_ =	sdelay $0x1  }
0x3d6: {  	v12 =	vmul.f32 $1.131370830e+01, v49  }
0x3d7: {  	v15 =	vmul.f32 $1.131370830e+01, v51  }
0x3d8: {  	v9 =	vmul.f32 $1.131370830e+01, v9;
	v5 =	vadd.f32 v12, v5  }
0x3d9: {  	v52 =	vmul.f32 $1.131370830e+01, v13;
	v8 =	vadd.f32 v15, v8  }
0x3da: {  	v53 =	vadd.f32 v9, v11;
	[tilespmem:s30+$0x103D0] =	vst v5  }
0x3db: {  	v55 =	vadd.f32 v52, v14;
	[tilespmem:s30+$0x105D0] =	vst v8;
	v54 =	vld [tilespmem:s29+$0xE260]  }
0x3dc: {  	[tilespmem:s30+$0x107D0] =	vst v53;
	v56 =	vld [tilespmem:s29+$0xE2E0]  }
0x3dd: {  	[tilespmem:s30+$0x109D0] =	vst v55;
	v5 =	vld [tilespmem:s29+$0xE360]  }
0x3de: {  	v9 =	vld [tilespmem:s29+$0xE3E0];
	_ =	sdelay $0x1  }
0x3df: {  	v8 =	vmul.f32 $1.131370830e+01, v54  }
0x3e0: {  	v11 =	vmul.f32 $1.131370830e+01, v56  }
0x3e1: {  	v5 =	vmul.f32 $1.131370830e+01, v5;
	v1 =	vadd.f32 v8, v1  }
0x3e2: {  	v57 =	vmul.f32 $1.131370830e+01, v9;
	v4 =	vadd.f32 v11, v4  }
0x3e3: {  	v58 =	vadd.f32 v5, v7;
	[tilespmem:s30+$0x103E0] =	vst v1  }
0x3e4: {  	v60 =	vadd.f32 v57, v10;
	[tilespmem:s30+$0x105E0] =	vst v4;
	v59 =	vld [tilespmem:s29+$0xE270]  }
0x3e5: {  	[tilespmem:s30+$0x107E0] =	vst v58;
	v61 =	vld [tilespmem:s29+$0xE2F0]  }
0x3e6: {  	[tilespmem:s30+$0x109E0] =	vst v60;
	v1 =	vld [tilespmem:s29+$0xE370]  }
0x3e7: {  	v4 =	vld [tilespmem:s29+$0xE3F0];
	_ =	sdelay $0x1  }
0x3e8: {  	v5 =	vmul.f32 $1.131370830e+01, v59  }
0x3e9: {  	v7 =	vmul.f32 $1.131370830e+01, v61  }
0x3ea: {  	p0 =	slt.u32 s28, $0x1C;
	v1 =	vmul.f32 $1.131370830e+01, v1;
	v0 =	vadd.f32 v5, v0  }
.Ltmp2:
0x3eb: {  	v4 =	vmul.f32 $1.131370830e+01, v4;
	v2 =	vadd.f32 v7, v2;
	(pc) =	sbr.rel @p0 .LBB2_6-.Ltmp2, $4  }
0x3ec: {  	v62 =	vadd.f32 v1, v3;
	[tilespmem:s30+$0x103F0] =	vst v0  }
0x3ed: {  	v63 =	vadd.f32 v4, v6;
	[tilespmem:s30+$0x105F0] =	vst v2  }
0x3ee: {  	s31 =	sadd.s32 $0x4, s28;
	[tilespmem:s30+$0x107F0] =	vst v62  }
0x3ef: {  	s28 =	smov.u32 s31;
	[tilespmem:s30+$0x109F0] =	vst v63  }
0x3f0: {  	s28 =	simm.s32 $0x0  }
0x3f1: {  	[hbm4b:s8+s28] =	stream.linear.scatter [tilespmem:s22], [sflag:$0x3], $0x4000, $0x38;
	[tilespmem:$0x1C200] =	vst v63  }
0x3f2: {  	_ =	swait.ge [sflag:s25], $0x4000  }
0x3f3: {  	[sflag:s25] =	ssyncset.done $0x0  }
0x3f4: {  	[sflag:s25] =	ssyncadd.s32 $0xFFFFC000  }
.LBB2_8:
0x3f5: {  	s29 =	sshll.u32 s28, $0x7  }
0x3f6: {  	v25 =	vld [tilespmem:s29+$0x1B200]  }
0x3f7: {  	v21 =	vld [tilespmem:s29+$0x1B210]  }
0x3f8: {  	v17 =	vld [tilespmem:s29+$0x1B220]  }
0x3f9: {  	v13 =	vld [tilespmem:s29+$0x1B230]  }
0x3fa: {  	v9 =	vld [tilespmem:s29+$0x1B240]  }
0x3fb: {  	v5 =	vld [tilespmem:s29+$0x1B250]  }
0x3fc: {  	v1 =	vld [tilespmem:s29+$0x1B260]  }
0x3fd: {  	v0 =	vld [tilespmem:s29+$0x1B270]  }
0x3fe: {  	v2 =	vld [tilespmem:s29+$0x3200]  }
0x3ff: {  	v3 =	vld [tilespmem:s29+$0x3280]  }
0x400: {  	v27 =	vld [tilespmem:s29+$0x1B280]  }
0x401: {  	v23 =	vld [tilespmem:s29+$0x1B290]  }
0x402: {  	v19 =	vld [tilespmem:s29+$0x1B2A0]  }
0x403: {  	v16 =	vld [tilespmem:s29+$0x1B2B0]  }
0x404: {  	v12 =	vld [tilespmem:s29+$0x1B2C0]  }
0x405: {  	v8 =	vld [tilespmem:s29+$0x1B2D0]  }
0x406: {  	v4 =	vld [tilespmem:s29+$0x1B2E0]  }
0x407: {  	v30 =	vld [tilespmem:s29+$0x1B300]  }
0x408: {  	v28 =	vld [tilespmem:s29+$0x1B310]  }
0x409: {  	v24 =	vld [tilespmem:s29+$0x1B320]  }
0x40a: {  	v20 =	vld [tilespmem:s29+$0x1B330]  }
0x40b: {  	v15 =	vld [tilespmem:s29+$0x1B340]  }
0x40c: {  	v11 =	vld [tilespmem:s29+$0x1B350]  }
0x40d: {  	v7 =	vld [tilespmem:s29+$0x1B360]  }
0x40e: {  	v6 =	vld [tilespmem:s29+$0x3300]  }
0x40f: {  	v10 =	vld [tilespmem:s29+$0x3380]  }
0x410: {  	v31 =	vld [tilespmem:s29+$0x1B380]  }
0x411: {  	v29 =	vld [tilespmem:s29+$0x1B390]  }
0x412: {  	v26 =	vld [tilespmem:s29+$0x1B3A0]  }
0x413: {  	v22 =	vld [tilespmem:s29+$0x1B3B0];
	v2 =	vmul.f32 $1.131370830e+01, v2  }
0x414: {  	v18 =	vld [tilespmem:s29+$0x1B3C0];
	v3 =	vmul.f32 $1.131370830e+01, v3  }
0x415: {  	s0 =	sshll.u32 s28, $0x9;
	v14 =	vld [tilespmem:s29+$0x1B3D0];
	v6 =	vmul.f32 $1.131370830e+01, v6;
	v2 =	vadd.f32 v2, v25  }
0x416: {  	s30 =	sand.u32 $0x3FFFFE00, s0;
	v34 =	vmul.f32 $1.131370830e+01, v10;
	v10 =	vld [tilespmem:s29+$0x1B3E0];
	v3 =	vadd.f32 v3, v27  }
0x417: {  	v6 =	vadd.f32 v6, v30;
	[tilespmem:s30+$0x14200] =	vst v2;
	v2 =	vld [tilespmem:s29+$0x1B2F0]  }
0x418: {  	[tilespmem:s30+$0x14400] =	vst v3;
	v3 =	vld [tilespmem:s29+$0x1B370]  }
0x419: {  	[tilespmem:s30+$0x14600] =	vst v6;
	v6 =	vld [tilespmem:s29+$0x1B3F0]  }
0x41a: {  	v34 =	vadd.f32 v34, v31;
	v32 =	vld [tilespmem:s29+$0x3210]  }
0x41b: {  	v33 =	vld [tilespmem:s29+$0x3290]  }
0x41c: {  	[tilespmem:s30+$0x14800] =	vst v34;
	v35 =	vld [tilespmem:s29+$0x3310]  }
0x41d: {  	v34 =	vld [tilespmem:s29+$0x3390];
	_ =	sdelay $0x1  }
0x41e: {  	v32 =	vmul.f32 $1.131370830e+01, v32  }
0x41f: {  	v33 =	vmul.f32 $1.131370830e+01, v33  }
0x420: {  	v35 =	vmul.f32 $1.131370830e+01, v35;
	v32 =	vadd.f32 v32, v21  }
0x421: {  	v34 =	vmul.f32 $1.131370830e+01, v34;
	v33 =	vadd.f32 v33, v23  }
0x422: {  	v56 =	vadd.f32 v35, v28;
	[tilespmem:s30+$0x14210] =	vst v32  }
0x423: {  	v58 =	vadd.f32 v34, v29;
	[tilespmem:s30+$0x14410] =	vst v33;
	v57 =	vld [tilespmem:s29+$0x3220]  }
0x424: {  	[tilespmem:s30+$0x14610] =	vst v56;
	v59 =	vld [tilespmem:s29+$0x32A0]  }
0x425: {  	[tilespmem:s30+$0x14810] =	vst v58;
	v32 =	vld [tilespmem:s29+$0x3320]  }
0x426: {  	v33 =	vld [tilespmem:s29+$0x33A0];
	_ =	sdelay $0x1  }
0x427: {  	v35 =	vmul.f32 $1.131370830e+01, v57  }
0x428: {  	v34 =	vmul.f32 $1.131370830e+01, v59  }
0x429: {  	v32 =	vmul.f32 $1.131370830e+01, v32;
	v35 =	vadd.f32 v35, v17  }
0x42a: {  	v33 =	vmul.f32 $1.131370830e+01, v33;
	v34 =	vadd.f32 v34, v19  }
0x42b: {  	v32 =	vadd.f32 v32, v24;
	[tilespmem:s30+$0x14220] =	vst v35  }
0x42c: {  	v33 =	vadd.f32 v33, v26;
	[tilespmem:s30+$0x14420] =	vst v34;
	v35 =	vld [tilespmem:s29+$0x3230]  }
0x42d: {  	[tilespmem:s30+$0x14620] =	vst v32;
	v34 =	vld [tilespmem:s29+$0x32B0]  }
0x42e: {  	[tilespmem:s30+$0x14820] =	vst v33;
	v32 =	vld [tilespmem:s29+$0x3330]  }
0x42f: {  	v33 =	vld [tilespmem:s29+$0x33B0];
	_ =	sdelay $0x1  }
0x430: {  	v35 =	vmul.f32 $1.131370830e+01, v35  }
0x431: {  	v34 =	vmul.f32 $1.131370830e+01, v34  }
0x432: {  	v32 =	vmul.f32 $1.131370830e+01, v32;
	v35 =	vadd.f32 v35, v13  }
0x433: {  	v33 =	vmul.f32 $1.131370830e+01, v33;
	v34 =	vadd.f32 v34, v16  }
0x434: {  	v32 =	vadd.f32 v32, v20;
	[tilespmem:s30+$0x14230] =	vst v35  }
0x435: {  	v33 =	vadd.f32 v33, v22;
	[tilespmem:s30+$0x14430] =	vst v34;
	v35 =	vld [tilespmem:s29+$0x3240]  }
0x436: {  	[tilespmem:s30+$0x14630] =	vst v32;
	v34 =	vld [tilespmem:s29+$0x32C0]  }
0x437: {  	[tilespmem:s30+$0x14830] =	vst v33;
	v32 =	vld [tilespmem:s29+$0x3340]  }
0x438: {  	v33 =	vld [tilespmem:s29+$0x33C0];
	_ =	sdelay $0x1  }
0x439: {  	v35 =	vmul.f32 $1.131370830e+01, v35  }
0x43a: {  	v34 =	vmul.f32 $1.131370830e+01, v34  }
0x43b: {  	v32 =	vmul.f32 $1.131370830e+01, v32;
	v35 =	vadd.f32 v35, v9  }
0x43c: {  	v33 =	vmul.f32 $1.131370830e+01, v33;
	v34 =	vadd.f32 v34, v12  }
0x43d: {  	v32 =	vadd.f32 v32, v15;
	[tilespmem:s30+$0x14240] =	vst v35  }
0x43e: {  	v33 =	vadd.f32 v33, v18;
	[tilespmem:s30+$0x14440] =	vst v34;
	v35 =	vld [tilespmem:s29+$0x3250]  }
0x43f: {  	[tilespmem:s30+$0x14640] =	vst v32;
	v34 =	vld [tilespmem:s29+$0x32D0]  }
0x440: {  	[tilespmem:s30+$0x14840] =	vst v33;
	v32 =	vld [tilespmem:s29+$0x3350]  }
0x441: {  	v33 =	vld [tilespmem:s29+$0x33D0];
	_ =	sdelay $0x1  }
0x442: {  	v35 =	vmul.f32 $1.131370830e+01, v35  }
0x443: {  	v34 =	vmul.f32 $1.131370830e+01, v34  }
0x444: {  	v32 =	vmul.f32 $1.131370830e+01, v32;
	v35 =	vadd.f32 v35, v5  }
0x445: {  	v33 =	vmul.f32 $1.131370830e+01, v33;
	v34 =	vadd.f32 v34, v8  }
0x446: {  	v32 =	vadd.f32 v32, v11;
	[tilespmem:s30+$0x14250] =	vst v35  }
0x447: {  	v33 =	vadd.f32 v33, v14;
	[tilespmem:s30+$0x14450] =	vst v34;
	v35 =	vld [tilespmem:s29+$0x3260]  }
0x448: {  	[tilespmem:s30+$0x14650] =	vst v32;
	v34 =	vld [tilespmem:s29+$0x32E0]  }
0x449: {  	[tilespmem:s30+$0x14850] =	vst v33;
	v32 =	vld [tilespmem:s29+$0x3360]  }
0x44a: {  	v33 =	vld [tilespmem:s29+$0x33E0];
	_ =	sdelay $0x1  }
0x44b: {  	v35 =	vmul.f32 $1.131370830e+01, v35  }
0x44c: {  	v34 =	vmul.f32 $1.131370830e+01, v34  }
0x44d: {  	v32 =	vmul.f32 $1.131370830e+01, v32;
	v35 =	vadd.f32 v35, v1  }
0x44e: {  	v33 =	vmul.f32 $1.131370830e+01, v33;
	v34 =	vadd.f32 v34, v4  }
0x44f: {  	v32 =	vadd.f32 v32, v7;
	[tilespmem:s30+$0x14260] =	vst v35  }
0x450: {  	v33 =	vadd.f32 v33, v10;
	[tilespmem:s30+$0x14460] =	vst v34;
	v35 =	vld [tilespmem:s29+$0x3270]  }
0x451: {  	[tilespmem:s30+$0x14660] =	vst v32;
	v34 =	vld [tilespmem:s29+$0x32F0]  }
0x452: {  	[tilespmem:s30+$0x14860] =	vst v33;
	v32 =	vld [tilespmem:s29+$0x3370]  }
0x453: {  	v33 =	vld [tilespmem:s29+$0x33F0];
	_ =	sdelay $0x1  }
0x454: {  	v35 =	vmul.f32 $1.131370830e+01, v35  }
0x455: {  	v34 =	vmul.f32 $1.131370830e+01, v34  }
0x456: {  	v32 =	vmul.f32 $1.131370830e+01, v32;
	v35 =	vadd.f32 v35, v0  }
0x457: {  	v33 =	vmul.f32 $1.131370830e+01, v33;
	v34 =	vadd.f32 v34, v2  }
0x458: {  	v32 =	vadd.f32 v32, v3;
	[tilespmem:s30+$0x14270] =	vst v35  }
0x459: {  	v33 =	vadd.f32 v33, v6;
	[tilespmem:s30+$0x14470] =	vst v34;
	v35 =	vld [tilespmem:s29+$0x7200]  }
0x45a: {  	[tilespmem:s30+$0x14670] =	vst v32;
	v34 =	vld [tilespmem:s29+$0x7280]  }
0x45b: {  	[tilespmem:s30+$0x14870] =	vst v33;
	v32 =	vld [tilespmem:s29+$0x7300]  }
0x45c: {  	v33 =	vld [tilespmem:s29+$0x7380];
	_ =	sdelay $0x1  }
0x45d: {  	v35 =	vmul.f32 $1.131370830e+01, v35  }
0x45e: {  	v34 =	vmul.f32 $1.131370830e+01, v34  }
0x45f: {  	v32 =	vmul.f32 $1.131370830e+01, v32;
	v35 =	vadd.f32 v35, v25  }
0x460: {  	v33 =	vmul.f32 $1.131370830e+01, v33;
	v34 =	vadd.f32 v34, v27  }
0x461: {  	v32 =	vadd.f32 v32, v30;
	[tilespmem:s30+$0x14280] =	vst v35  }
0x462: {  	v33 =	vadd.f32 v33, v31;
	[tilespmem:s30+$0x14480] =	vst v34;
	v35 =	vld [tilespmem:s29+$0x7210]  }
0x463: {  	[tilespmem:s30+$0x14680] =	vst v32;
	v34 =	vld [tilespmem:s29+$0x7290]  }
0x464: {  	[tilespmem:s30+$0x14880] =	vst v33;
	v32 =	vld [tilespmem:s29+$0x7310]  }
0x465: {  	v33 =	vld [tilespmem:s29+$0x7390];
	_ =	sdelay $0x1  }
0x466: {  	v35 =	vmul.f32 $1.131370830e+01, v35  }
0x467: {  	v34 =	vmul.f32 $1.131370830e+01, v34  }
0x468: {  	v32 =	vmul.f32 $1.131370830e+01, v32;
	v35 =	vadd.f32 v35, v21  }
0x469: {  	v33 =	vmul.f32 $1.131370830e+01, v33;
	v34 =	vadd.f32 v34, v23  }
0x46a: {  	v32 =	vadd.f32 v32, v28;
	[tilespmem:s30+$0x14290] =	vst v35  }
0x46b: {  	v33 =	vadd.f32 v33, v29;
	[tilespmem:s30+$0x14490] =	vst v34;
	v35 =	vld [tilespmem:s29+$0x7220]  }
0x46c: {  	[tilespmem:s30+$0x14690] =	vst v32;
	v34 =	vld [tilespmem:s29+$0x72A0]  }
0x46d: {  	[tilespmem:s30+$0x14890] =	vst v33;
	v32 =	vld [tilespmem:s29+$0x7320]  }
0x46e: {  	v33 =	vld [tilespmem:s29+$0x73A0];
	_ =	sdelay $0x1  }
0x46f: {  	v35 =	vmul.f32 $1.131370830e+01, v35  }
0x470: {  	v34 =	vmul.f32 $1.131370830e+01, v34  }
0x471: {  	v32 =	vmul.f32 $1.131370830e+01, v32;
	v35 =	vadd.f32 v35, v17  }
0x472: {  	v33 =	vmul.f32 $1.131370830e+01, v33;
	v34 =	vadd.f32 v34, v19  }
0x473: {  	v32 =	vadd.f32 v32, v24;
	[tilespmem:s30+$0x142A0] =	vst v35  }
0x474: {  	v33 =	vadd.f32 v33, v26;
	[tilespmem:s30+$0x144A0] =	vst v34;
	v35 =	vld [tilespmem:s29+$0x7230]  }
0x475: {  	[tilespmem:s30+$0x146A0] =	vst v32;
	v34 =	vld [tilespmem:s29+$0x72B0]  }
0x476: {  	[tilespmem:s30+$0x148A0] =	vst v33;
	v32 =	vld [tilespmem:s29+$0x7330]  }
0x477: {  	v33 =	vld [tilespmem:s29+$0x73B0];
	_ =	sdelay $0x1  }
0x478: {  	v35 =	vmul.f32 $1.131370830e+01, v35  }
0x479: {  	v34 =	vmul.f32 $1.131370830e+01, v34  }
0x47a: {  	v32 =	vmul.f32 $1.131370830e+01, v32;
	v35 =	vadd.f32 v35, v13  }
0x47b: {  	v33 =	vmul.f32 $1.131370830e+01, v33;
	v34 =	vadd.f32 v34, v16  }
0x47c: {  	v32 =	vadd.f32 v32, v20;
	[tilespmem:s30+$0x142B0] =	vst v35  }
0x47d: {  	v33 =	vadd.f32 v33, v22;
	[tilespmem:s30+$0x144B0] =	vst v34;
	v35 =	vld [tilespmem:s29+$0x7240]  }
0x47e: {  	[tilespmem:s30+$0x146B0] =	vst v32;
	v34 =	vld [tilespmem:s29+$0x72C0]  }
0x47f: {  	[tilespmem:s30+$0x148B0] =	vst v33;
	v32 =	vld [tilespmem:s29+$0x7340]  }
0x480: {  	v33 =	vld [tilespmem:s29+$0x73C0];
	_ =	sdelay $0x1  }
0x481: {  	v35 =	vmul.f32 $1.131370830e+01, v35  }
0x482: {  	v34 =	vmul.f32 $1.131370830e+01, v34  }
0x483: {  	v32 =	vmul.f32 $1.131370830e+01, v32;
	v35 =	vadd.f32 v35, v9  }
0x484: {  	v33 =	vmul.f32 $1.131370830e+01, v33;
	v34 =	vadd.f32 v34, v12  }
0x485: {  	v32 =	vadd.f32 v32, v15;
	[tilespmem:s30+$0x142C0] =	vst v35  }
0x486: {  	v33 =	vadd.f32 v33, v18;
	[tilespmem:s30+$0x144C0] =	vst v34;
	v35 =	vld [tilespmem:s29+$0x7250]  }
0x487: {  	[tilespmem:s30+$0x146C0] =	vst v32;
	v34 =	vld [tilespmem:s29+$0x72D0]  }
0x488: {  	[tilespmem:s30+$0x148C0] =	vst v33;
	v32 =	vld [tilespmem:s29+$0x7350]  }
0x489: {  	v33 =	vld [tilespmem:s29+$0x73D0];
	_ =	sdelay $0x1  }
0x48a: {  	v35 =	vmul.f32 $1.131370830e+01, v35  }
0x48b: {  	v34 =	vmul.f32 $1.131370830e+01, v34  }
0x48c: {  	v32 =	vmul.f32 $1.131370830e+01, v32;
	v35 =	vadd.f32 v35, v5  }
0x48d: {  	v33 =	vmul.f32 $1.131370830e+01, v33;
	v34 =	vadd.f32 v34, v8  }
0x48e: {  	v32 =	vadd.f32 v32, v11;
	[tilespmem:s30+$0x142D0] =	vst v35  }
0x48f: {  	v33 =	vadd.f32 v33, v14;
	[tilespmem:s30+$0x144D0] =	vst v34;
	v35 =	vld [tilespmem:s29+$0x7260]  }
0x490: {  	[tilespmem:s30+$0x146D0] =	vst v32;
	v34 =	vld [tilespmem:s29+$0x72E0]  }
0x491: {  	[tilespmem:s30+$0x148D0] =	vst v33;
	v32 =	vld [tilespmem:s29+$0x7360]  }
0x492: {  	v33 =	vld [tilespmem:s29+$0x73E0];
	_ =	sdelay $0x1  }
0x493: {  	v35 =	vmul.f32 $1.131370830e+01, v35  }
0x494: {  	v34 =	vmul.f32 $1.131370830e+01, v34  }
0x495: {  	v32 =	vmul.f32 $1.131370830e+01, v32;
	v35 =	vadd.f32 v35, v1  }
0x496: {  	v33 =	vmul.f32 $1.131370830e+01, v33;
	v34 =	vadd.f32 v34, v4  }
0x497: {  	v32 =	vadd.f32 v32, v7;
	[tilespmem:s30+$0x142E0] =	vst v35  }
0x498: {  	v33 =	vadd.f32 v33, v10;
	[tilespmem:s30+$0x144E0] =	vst v34;
	v35 =	vld [tilespmem:s29+$0x7270]  }
0x499: {  	[tilespmem:s30+$0x146E0] =	vst v32;
	v34 =	vld [tilespmem:s29+$0x72F0]  }
0x49a: {  	[tilespmem:s30+$0x148E0] =	vst v33;
	v32 =	vld [tilespmem:s29+$0x7370]  }
0x49b: {  	v33 =	vld [tilespmem:s29+$0x73F0];
	_ =	sdelay $0x1  }
0x49c: {  	v35 =	vmul.f32 $1.131370830e+01, v35  }
0x49d: {  	v34 =	vmul.f32 $1.131370830e+01, v34  }
0x49e: {  	v32 =	vmul.f32 $1.131370830e+01, v32;
	v35 =	vadd.f32 v35, v0  }
0x49f: {  	v33 =	vmul.f32 $1.131370830e+01, v33;
	v34 =	vadd.f32 v34, v2  }
0x4a0: {  	v32 =	vadd.f32 v32, v3;
	[tilespmem:s30+$0x142F0] =	vst v35  }
0x4a1: {  	v33 =	vadd.f32 v33, v6;
	[tilespmem:s30+$0x144F0] =	vst v34;
	v35 =	vld [tilespmem:s29+$0xB200]  }
0x4a2: {  	[tilespmem:s30+$0x146F0] =	vst v32;
	v34 =	vld [tilespmem:s29+$0xB280]  }
0x4a3: {  	[tilespmem:s30+$0x148F0] =	vst v33;
	v32 =	vld [tilespmem:s29+$0xB300]  }
0x4a4: {  	v33 =	vld [tilespmem:s29+$0xB380];
	_ =	sdelay $0x1  }
0x4a5: {  	v35 =	vmul.f32 $1.131370830e+01, v35  }
0x4a6: {  	v34 =	vmul.f32 $1.131370830e+01, v34  }
0x4a7: {  	v32 =	vmul.f32 $1.131370830e+01, v32;
	v35 =	vadd.f32 v35, v25  }
0x4a8: {  	v33 =	vmul.f32 $1.131370830e+01, v33;
	v34 =	vadd.f32 v34, v27  }
0x4a9: {  	v32 =	vadd.f32 v32, v30;
	[tilespmem:s30+$0x14300] =	vst v35  }
0x4aa: {  	v33 =	vadd.f32 v33, v31;
	[tilespmem:s30+$0x14500] =	vst v34;
	v35 =	vld [tilespmem:s29+$0xB210]  }
0x4ab: {  	[tilespmem:s30+$0x14700] =	vst v32;
	v34 =	vld [tilespmem:s29+$0xB290]  }
0x4ac: {  	[tilespmem:s30+$0x14900] =	vst v33;
	v32 =	vld [tilespmem:s29+$0xB310]  }
0x4ad: {  	v33 =	vld [tilespmem:s29+$0xB390];
	_ =	sdelay $0x1  }
0x4ae: {  	v35 =	vmul.f32 $1.131370830e+01, v35  }
0x4af: {  	v34 =	vmul.f32 $1.131370830e+01, v34  }
0x4b0: {  	v32 =	vmul.f32 $1.131370830e+01, v32;
	v35 =	vadd.f32 v35, v21  }
0x4b1: {  	v33 =	vmul.f32 $1.131370830e+01, v33;
	v34 =	vadd.f32 v34, v23  }
0x4b2: {  	v32 =	vadd.f32 v32, v28;
	[tilespmem:s30+$0x14310] =	vst v35  }
0x4b3: {  	v33 =	vadd.f32 v33, v29;
	[tilespmem:s30+$0x14510] =	vst v34;
	v35 =	vld [tilespmem:s29+$0xB220]  }
0x4b4: {  	[tilespmem:s30+$0x14710] =	vst v32;
	v34 =	vld [tilespmem:s29+$0xB2A0]  }
0x4b5: {  	[tilespmem:s30+$0x14910] =	vst v33;
	v32 =	vld [tilespmem:s29+$0xB320]  }
0x4b6: {  	v33 =	vld [tilespmem:s29+$0xB3A0];
	_ =	sdelay $0x1  }
0x4b7: {  	v35 =	vmul.f32 $1.131370830e+01, v35  }
0x4b8: {  	v34 =	vmul.f32 $1.131370830e+01, v34  }
0x4b9: {  	v32 =	vmul.f32 $1.131370830e+01, v32;
	v35 =	vadd.f32 v35, v17  }
0x4ba: {  	v33 =	vmul.f32 $1.131370830e+01, v33;
	v34 =	vadd.f32 v34, v19  }
0x4bb: {  	v32 =	vadd.f32 v32, v24;
	[tilespmem:s30+$0x14320] =	vst v35  }
0x4bc: {  	v33 =	vadd.f32 v33, v26;
	[tilespmem:s30+$0x14520] =	vst v34;
	v35 =	vld [tilespmem:s29+$0xB230]  }
0x4bd: {  	[tilespmem:s30+$0x14720] =	vst v32;
	v34 =	vld [tilespmem:s29+$0xB2B0]  }
0x4be: {  	[tilespmem:s30+$0x14920] =	vst v33;
	v32 =	vld [tilespmem:s29+$0xB330]  }
0x4bf: {  	v33 =	vld [tilespmem:s29+$0xB3B0];
	_ =	sdelay $0x1  }
0x4c0: {  	v35 =	vmul.f32 $1.131370830e+01, v35  }
0x4c1: {  	v34 =	vmul.f32 $1.131370830e+01, v34  }
0x4c2: {  	v32 =	vmul.f32 $1.131370830e+01, v32;
	v35 =	vadd.f32 v35, v13  }
0x4c3: {  	v33 =	vmul.f32 $1.131370830e+01, v33;
	v34 =	vadd.f32 v34, v16  }
0x4c4: {  	v32 =	vadd.f32 v32, v20;
	[tilespmem:s30+$0x14330] =	vst v35  }
0x4c5: {  	v33 =	vadd.f32 v33, v22;
	[tilespmem:s30+$0x14530] =	vst v34;
	v35 =	vld [tilespmem:s29+$0xB240]  }
0x4c6: {  	[tilespmem:s30+$0x14730] =	vst v32;
	v34 =	vld [tilespmem:s29+$0xB2C0]  }
0x4c7: {  	[tilespmem:s30+$0x14930] =	vst v33;
	v32 =	vld [tilespmem:s29+$0xB340]  }
0x4c8: {  	v33 =	vld [tilespmem:s29+$0xB3C0];
	_ =	sdelay $0x1  }
0x4c9: {  	v35 =	vmul.f32 $1.131370830e+01, v35  }
0x4ca: {  	v34 =	vmul.f32 $1.131370830e+01, v34  }
0x4cb: {  	v32 =	vmul.f32 $1.131370830e+01, v32;
	v35 =	vadd.f32 v35, v9  }
0x4cc: {  	v33 =	vmul.f32 $1.131370830e+01, v33;
	v34 =	vadd.f32 v34, v12  }
0x4cd: {  	v32 =	vadd.f32 v32, v15;
	[tilespmem:s30+$0x14340] =	vst v35  }
0x4ce: {  	v33 =	vadd.f32 v33, v18;
	[tilespmem:s30+$0x14540] =	vst v34;
	v35 =	vld [tilespmem:s29+$0xB250]  }
0x4cf: {  	[tilespmem:s30+$0x14740] =	vst v32;
	v34 =	vld [tilespmem:s29+$0xB2D0]  }
0x4d0: {  	[tilespmem:s30+$0x14940] =	vst v33;
	v32 =	vld [tilespmem:s29+$0xB350]  }
0x4d1: {  	v33 =	vld [tilespmem:s29+$0xB3D0];
	_ =	sdelay $0x1  }
0x4d2: {  	v35 =	vmul.f32 $1.131370830e+01, v35  }
0x4d3: {  	v34 =	vmul.f32 $1.131370830e+01, v34  }
0x4d4: {  	v32 =	vmul.f32 $1.131370830e+01, v32;
	v35 =	vadd.f32 v35, v5  }
0x4d5: {  	v33 =	vmul.f32 $1.131370830e+01, v33;
	v34 =	vadd.f32 v34, v8  }
0x4d6: {  	v32 =	vadd.f32 v32, v11;
	[tilespmem:s30+$0x14350] =	vst v35  }
0x4d7: {  	v33 =	vadd.f32 v33, v14;
	[tilespmem:s30+$0x14550] =	vst v34;
	v35 =	vld [tilespmem:s29+$0xB260]  }
0x4d8: {  	[tilespmem:s30+$0x14750] =	vst v32;
	v34 =	vld [tilespmem:s29+$0xB2E0]  }
0x4d9: {  	[tilespmem:s30+$0x14950] =	vst v33;
	v32 =	vld [tilespmem:s29+$0xB360]  }
0x4da: {  	v33 =	vld [tilespmem:s29+$0xB3E0];
	_ =	sdelay $0x1  }
0x4db: {  	v35 =	vmul.f32 $1.131370830e+01, v35  }
0x4dc: {  	v34 =	vmul.f32 $1.131370830e+01, v34  }
0x4dd: {  	v32 =	vmul.f32 $1.131370830e+01, v32;
	v35 =	vadd.f32 v35, v1  }
0x4de: {  	v33 =	vmul.f32 $1.131370830e+01, v33;
	v34 =	vadd.f32 v34, v4  }
0x4df: {  	v32 =	vadd.f32 v32, v7;
	[tilespmem:s30+$0x14360] =	vst v35  }
0x4e0: {  	v33 =	vadd.f32 v33, v10;
	[tilespmem:s30+$0x14560] =	vst v34;
	v35 =	vld [tilespmem:s29+$0xB270]  }
0x4e1: {  	[tilespmem:s30+$0x14760] =	vst v32;
	v34 =	vld [tilespmem:s29+$0xB2F0]  }
0x4e2: {  	[tilespmem:s30+$0x14960] =	vst v33;
	v32 =	vld [tilespmem:s29+$0xB370]  }
0x4e3: {  	v33 =	vld [tilespmem:s29+$0xB3F0];
	_ =	sdelay $0x1  }
0x4e4: {  	v35 =	vmul.f32 $1.131370830e+01, v35  }
0x4e5: {  	v34 =	vmul.f32 $1.131370830e+01, v34  }
0x4e6: {  	v32 =	vmul.f32 $1.131370830e+01, v32;
	v35 =	vadd.f32 v35, v0  }
0x4e7: {  	v33 =	vmul.f32 $1.131370830e+01, v33;
	v34 =	vadd.f32 v34, v2  }
0x4e8: {  	v32 =	vadd.f32 v32, v3;
	[tilespmem:s30+$0x14370] =	vst v35  }
0x4e9: {  	v33 =	vadd.f32 v33, v6;
	[tilespmem:s30+$0x14570] =	vst v34;
	v35 =	vld [tilespmem:s29+$0xF200]  }
0x4ea: {  	[tilespmem:s30+$0x14770] =	vst v32;
	v34 =	vld [tilespmem:s29+$0xF280]  }
0x4eb: {  	[tilespmem:s30+$0x14970] =	vst v33;
	v32 =	vld [tilespmem:s29+$0xF300]  }
0x4ec: {  	v33 =	vld [tilespmem:s29+$0xF380];
	_ =	sdelay $0x1  }
0x4ed: {  	v35 =	vmul.f32 $1.131370830e+01, v35  }
0x4ee: {  	v34 =	vmul.f32 $1.131370830e+01, v34  }
0x4ef: {  	v32 =	vmul.f32 $1.131370830e+01, v32;
	v25 =	vadd.f32 v35, v25  }
0x4f0: {  	v33 =	vmul.f32 $1.131370830e+01, v33;
	v27 =	vadd.f32 v34, v27  }
0x4f1: {  	v60 =	vadd.f32 v32, v30;
	[tilespmem:s30+$0x14380] =	vst v25  }
0x4f2: {  	v62 =	vadd.f32 v33, v31;
	[tilespmem:s30+$0x14580] =	vst v27;
	v61 =	vld [tilespmem:s29+$0xF210]  }
0x4f3: {  	[tilespmem:s30+$0x14780] =	vst v60;
	v63 =	vld [tilespmem:s29+$0xF290]  }
0x4f4: {  	[tilespmem:s30+$0x14980] =	vst v62;
	v25 =	vld [tilespmem:s29+$0xF310]  }
0x4f5: {  	v30 =	vld [tilespmem:s29+$0xF390];
	_ =	sdelay $0x1  }
0x4f6: {  	v27 =	vmul.f32 $1.131370830e+01, v61  }
0x4f7: {  	v31 =	vmul.f32 $1.131370830e+01, v63  }
0x4f8: {  	v25 =	vmul.f32 $1.131370830e+01, v25;
	v21 =	vadd.f32 v27, v21  }
0x4f9: {  	v32 =	vmul.f32 $1.131370830e+01, v30;
	v23 =	vadd.f32 v31, v23  }
0x4fa: {  	v33 =	vadd.f32 v25, v28;
	[tilespmem:s30+$0x14390] =	vst v21  }
0x4fb: {  	v35 =	vadd.f32 v32, v29;
	[tilespmem:s30+$0x14590] =	vst v23;
	v34 =	vld [tilespmem:s29+$0xF220]  }
0x4fc: {  	[tilespmem:s30+$0x14790] =	vst v33;
	v36 =	vld [tilespmem:s29+$0xF2A0]  }
0x4fd: {  	[tilespmem:s30+$0x14990] =	vst v35;
	v21 =	vld [tilespmem:s29+$0xF320]  }
0x4fe: {  	v25 =	vld [tilespmem:s29+$0xF3A0];
	_ =	sdelay $0x1  }
0x4ff: {  	v23 =	vmul.f32 $1.131370830e+01, v34  }
0x500: {  	v27 =	vmul.f32 $1.131370830e+01, v36  }
0x501: {  	v21 =	vmul.f32 $1.131370830e+01, v21;
	v17 =	vadd.f32 v23, v17  }
0x502: {  	v37 =	vmul.f32 $1.131370830e+01, v25;
	v19 =	vadd.f32 v27, v19  }
0x503: {  	v38 =	vadd.f32 v21, v24;
	[tilespmem:s30+$0x143A0] =	vst v17  }
0x504: {  	v40 =	vadd.f32 v37, v26;
	[tilespmem:s30+$0x145A0] =	vst v19;
	v39 =	vld [tilespmem:s29+$0xF230]  }
0x505: {  	[tilespmem:s30+$0x147A0] =	vst v38;
	v41 =	vld [tilespmem:s29+$0xF2B0]  }
0x506: {  	[tilespmem:s30+$0x149A0] =	vst v40;
	v17 =	vld [tilespmem:s29+$0xF330]  }
0x507: {  	v21 =	vld [tilespmem:s29+$0xF3B0];
	_ =	sdelay $0x1  }
0x508: {  	v19 =	vmul.f32 $1.131370830e+01, v39  }
0x509: {  	v23 =	vmul.f32 $1.131370830e+01, v41  }
0x50a: {  	v17 =	vmul.f32 $1.131370830e+01, v17;
	v13 =	vadd.f32 v19, v13  }
0x50b: {  	v42 =	vmul.f32 $1.131370830e+01, v21;
	v16 =	vadd.f32 v23, v16  }
0x50c: {  	v43 =	vadd.f32 v17, v20;
	[tilespmem:s30+$0x143B0] =	vst v13  }
0x50d: {  	v45 =	vadd.f32 v42, v22;
	[tilespmem:s30+$0x145B0] =	vst v16;
	v44 =	vld [tilespmem:s29+$0xF240]  }
0x50e: {  	[tilespmem:s30+$0x147B0] =	vst v43;
	v46 =	vld [tilespmem:s29+$0xF2C0]  }
0x50f: {  	[tilespmem:s30+$0x149B0] =	vst v45;
	v13 =	vld [tilespmem:s29+$0xF340]  }
0x510: {  	v17 =	vld [tilespmem:s29+$0xF3C0];
	_ =	sdelay $0x1  }
0x511: {  	v16 =	vmul.f32 $1.131370830e+01, v44  }
0x512: {  	v19 =	vmul.f32 $1.131370830e+01, v46  }
0x513: {  	v13 =	vmul.f32 $1.131370830e+01, v13;
	v9 =	vadd.f32 v16, v9  }
0x514: {  	v47 =	vmul.f32 $1.131370830e+01, v17;
	v12 =	vadd.f32 v19, v12  }
0x515: {  	v48 =	vadd.f32 v13, v15;
	[tilespmem:s30+$0x143C0] =	vst v9  }
0x516: {  	v50 =	vadd.f32 v47, v18;
	[tilespmem:s30+$0x145C0] =	vst v12;
	v49 =	vld [tilespmem:s29+$0xF250]  }
0x517: {  	[tilespmem:s30+$0x147C0] =	vst v48;
	v51 =	vld [tilespmem:s29+$0xF2D0]  }
0x518: {  	[tilespmem:s30+$0x149C0] =	vst v50;
	v9 =	vld [tilespmem:s29+$0xF350]  }
0x519: {  	v13 =	vld [tilespmem:s29+$0xF3D0];
	_ =	sdelay $0x1  }
0x51a: {  	v12 =	vmul.f32 $1.131370830e+01, v49  }
0x51b: {  	v15 =	vmul.f32 $1.131370830e+01, v51  }
0x51c: {  	v9 =	vmul.f32 $1.131370830e+01, v9;
	v5 =	vadd.f32 v12, v5  }
0x51d: {  	v52 =	vmul.f32 $1.131370830e+01, v13;
	v8 =	vadd.f32 v15, v8  }
0x51e: {  	v53 =	vadd.f32 v9, v11;
	[tilespmem:s30+$0x143D0] =	vst v5  }
0x51f: {  	v55 =	vadd.f32 v52, v14;
	[tilespmem:s30+$0x145D0] =	vst v8;
	v54 =	vld [tilespmem:s29+$0xF260]  }
0x520: {  	[tilespmem:s30+$0x147D0] =	vst v53;
	v56 =	vld [tilespmem:s29+$0xF2E0]  }
0x521: {  	[tilespmem:s30+$0x149D0] =	vst v55;
	v5 =	vld [tilespmem:s29+$0xF360]  }
0x522: {  	v9 =	vld [tilespmem:s29+$0xF3E0];
	_ =	sdelay $0x1  }
0x523: {  	v8 =	vmul.f32 $1.131370830e+01, v54  }
0x524: {  	v11 =	vmul.f32 $1.131370830e+01, v56  }
0x525: {  	v5 =	vmul.f32 $1.131370830e+01, v5;
	v1 =	vadd.f32 v8, v1  }
0x526: {  	v57 =	vmul.f32 $1.131370830e+01, v9;
	v4 =	vadd.f32 v11, v4  }
0x527: {  	v58 =	vadd.f32 v5, v7;
	[tilespmem:s30+$0x143E0] =	vst v1  }
0x528: {  	v60 =	vadd.f32 v57, v10;
	[tilespmem:s30+$0x145E0] =	vst v4;
	v59 =	vld [tilespmem:s29+$0xF270]  }
0x529: {  	[tilespmem:s30+$0x147E0] =	vst v58;
	v61 =	vld [tilespmem:s29+$0xF2F0]  }
0x52a: {  	[tilespmem:s30+$0x149E0] =	vst v60;
	v1 =	vld [tilespmem:s29+$0xF370]  }
0x52b: {  	v4 =	vld [tilespmem:s29+$0xF3F0];
	_ =	sdelay $0x1  }
0x52c: {  	v5 =	vmul.f32 $1.131370830e+01, v59  }
0x52d: {  	v7 =	vmul.f32 $1.131370830e+01, v61  }
0x52e: {  	p0 =	slt.u32 s28, $0x1C;
	v1 =	vmul.f32 $1.131370830e+01, v1;
	v0 =	vadd.f32 v5, v0  }
.Ltmp3:
0x52f: {  	v4 =	vmul.f32 $1.131370830e+01, v4;
	v2 =	vadd.f32 v7, v2;
	(pc) =	sbr.rel @p0 .LBB2_8-.Ltmp3, $4  }
0x530: {  	v62 =	vadd.f32 v1, v3;
	[tilespmem:s30+$0x143F0] =	vst v0  }
0x531: {  	v63 =	vadd.f32 v4, v6;
	[tilespmem:s30+$0x145F0] =	vst v2  }
0x532: {  	s31 =	sadd.s32 $0x4, s28;
	[tilespmem:s30+$0x147F0] =	vst v62  }
0x533: {  	s28 =	smov.u32 s31;
	[tilespmem:s30+$0x149F0] =	vst v63  }
0x534: {  	[hbm4b:s9+s3] =	stream.linear.scatter [tilespmem:s23], [sflag:$0x4], $0x4000, $0x38;
	[tilespmem:$0x1C200] =	vst v63  }
0x535: {  	s26 =	sadd.s32 $0x1, s26  }
0x536: {  	_ =	swait.ge [sflag:s24], $0x4000;
	p0 =	sne.s32 s26, s10  }
.Ltmp4:
0x537: {  	[sflag:s24] =	ssyncset.done $0x0;
	(pc) =	sbr.rel @p0 .LBB2_1-.Ltmp4, $4  }
0x538: {  	[sflag:s24] =	ssyncadd.s32 $0xFFFFC000  }
0x539: {  	_ =	swait.ge [sflag:s25], $0x4000  }
0x53a: {  	[sflag:s25] =	ssyncset.done $0x0  }
0x53b: {  	[sflag:s25] =	ssyncadd.s32 $0xFFFFC000  }
0x53c: {  	_ =	sfence.sel $0x180000  }
0x53d: {  	[bflag:$0x0] =	sbarrier.arrive $0xFFFF  }
0x53e: {  	_ =	strace $0x90000047  }
0x53f: {  	s0 =	stileid.u32;
	[bflag:$0x2] =	sbarrier.arrive $0xFFFF  }
0x540: {  	p0 =	sne.s32 s0, $0x0;
	s0 =	rddreg [dreg:$0x4]  }
0x541: {  	s0 =	sadd.s32 @!p0 $0x100000, s0  }
0x542: {  	[sflag:s0] =	ssyncadd.tile.s32 @!p0 $0x1;
	_ =	shalt  }
.Lfunc_end2:
_tile_overlayer_lowered:
.L_overlay_start_2:
0x543: {  	(tag) =	ssettag $0x2  }
0x544: {  	s0 =	rddreg [dreg:$0x0];
	s2 =	stileid.u32  }
0x545: {  	s1 =	rddreg [dreg:$0x1];
	p0 =	sne.s32 s2, $0x0  }
0x546: {  	s3 =	rddreg [dreg:$0x2];
	[bflag:$0x3] =	sbarrier.arrive $0xFFFF;
	s2 =	simm.s32 @!p0 $0x1C05  }
0x547: {  	[timem:s3], [sflag:s2] =	dma.local @!p0 [hbm:s0], s1  }
0x548: {  	s0 =	simm.s32 @!p0 $0x5  }
0x549: {  	_ =	swait.ge @!p0 [sflag:s0], s1  }
0x54a: {  	s1 =	ssub.s32 @!p0 $0x0, s1;
	[sflag:s0] =	ssyncset.done @!p0 $0x0  }
0x54b: {  	[sflag:s0] =	ssyncadd.s32 @!p0 s1  }
0x54c: {  	[bflag:$0x3] =	sbarrier.arrive $0xFFFF  }
0x54d: {  	_ =	shalt  }

</sc_bundles>
